<compile_context>
chip_gen: v7x
topology: tpu7x:2x2x1
jax: 0.10.2.dev20260603
libtpu: 0.0.44.dev20260713+nightly
codegen_flags: <defaults>
</compile_context>

<pallas_src>
import jax
import jax.numpy as jnp
from jax import lax
from jax.experimental import pallas as pl
from jax.experimental.pallas import tpu as pltpu
from jax.experimental.pallas import tpu_sc as plsc

D = 64
S = 200
NW = 32
BBLK = 128
LANES = 16
NBUF = 5


def _sc_body(ids_hbm, tok_hbm, pos_hbm, out_hbm, idx_v, pos_v, *bufs_sems):
    gbufs = bufs_sems[0:NBUF]
    tbufs = bufs_sems[NBUF:2 * NBUF]
    gsems = bufs_sems[2 * NBUF:3 * NBUF]
    ssems = bufs_sems[3 * NBUF:4 * NBUF]

    wid = lax.axis_index("s") * 2 + lax.axis_index("c")

    pltpu.sync_copy(ids_hbm.at[pl.ds(0, S // 8), wid], idx_v)
    pltpu.sync_copy(pos_hbm.at[pl.ds(0, S)], pos_v)

    iota = lax.iota(jnp.int32, LANES)
    rows = [jnp.full((LANES,), j * LANES, jnp.int32) + iota for j in range(8)]

    def start_gather(s, b):
        pltpu.async_copy(tok_hbm.at[idx_v.at[s // 8, s % 8]], gbufs[b],
                         gsems[b])

    def wait_gather(b):
        pltpu.make_async_copy(tok_hbm.at[pl.ds(0, BBLK)], gbufs[b],
                              gsems[b]).wait()

    def start_scatter(s, b):
        pltpu.async_copy(tbufs[b], out_hbm.at[s, pl.ds(0, D // 8), wid],
                         ssems[b])

    def wait_scatter(b):
        pltpu.make_async_copy(tbufs[b], out_hbm.at[0, pl.ds(0, D // 8), 0],
                              ssems[b]).wait()

    def build(s, b):
        s16 = jnp.full((LANES,), s, jnp.int32)

        @plsc.parallel_loop(0, D, 1, unroll=8)
        def d_body(dbase):
            dcol = (iota + dbase) & (D - 1)
            p = plsc.load_gather(pos_v, [s16, dcol])
            dh = lax.shift_right_logical(dcol, 3)
            dl = dcol & 7
            for j in range(8):
                x = plsc.load_gather(gbufs[b], [rows[j], dcol])
                plsc.store_scatter(tbufs[b], [dh, dl, rows[j]], x + p)

    for s0 in range(NBUF - 1):
        start_gather(s0, s0)

    def outer(i, carry):
        for b in range(NBUF):
            s = i * NBUF + b

            @pl.when(s + NBUF - 1 < S)
            def _():
                start_gather(s + NBUF - 1, (b + NBUF - 1) % NBUF)

            wait_gather(b)

            @pl.when(s >= NBUF)
            def _():
                wait_scatter(b)

            build(s, b)
            start_scatter(s, b)
        return carry

    lax.fori_loop(0, S // NBUF, outer, 0)
    for b in range(NBUF):
        wait_scatter(b)


def kernel(input_ids, tok_table, pos_table):
    bsz, seq_len = input_ids.shape
    ids4 = input_ids.reshape(bsz // BBLK, BBLK, seq_len // 8, 8)
    ids4 = ids4.transpose(2, 0, 3, 1)

    mesh = plsc.VectorSubcoreMesh(core_axis_name="c", subcore_axis_name="s")
    run = pl.kernel(
        _sc_body, mesh=mesh,
        out_type=jax.ShapeDtypeStruct((S, D // 8, NW, 8, BBLK), jnp.float32),
        scratch_types=(
            [pltpu.VMEM((S // 8, 8, BBLK), jnp.int32)]
            + [pltpu.VMEM((S, D), jnp.float32)]
            + [pltpu.VMEM((BBLK, D), jnp.float32) for _ in range(NBUF)]
            + [pltpu.VMEM((D // 8, 8, BBLK), jnp.float32) for _ in range(NBUF)]
            + [pltpu.SemaphoreType.DMA for _ in range(2 * NBUF)]
        ),
        compiler_params=pltpu.CompilerParams(use_tc_tiling_on_sc=False,
                                             needs_layout_passes=False),
    )
    out5 = run(ids4, tok_table, pos_table)
    out = out5.transpose(2, 4, 0, 1, 3).reshape(bsz, seq_len, D)
    return out

# --- scband reference (transcript-rebuilt; emitter-appended) ---
"""Pipeline reference for scband-bart-embeds-10565619548790 (READ-ONLY COPY).

The authoritative reference and input builder live on the scoring server;
editing this copy changes nothing except your own understanding.
"""

import jax, jax.numpy as jnp
import numpy as np

VOCAB = 1000000
EMBED_DIM = 64
MAX_POS = 1024
EMBED_SCALE = 1.0
BATCH = 4096
SEQ_LEN = 200


def setup_inputs(seed: int = 0) -> dict:
    key = jax.random.key(seed)
    k1, k2, k3 = jax.random.split(key, 3)
    input_ids = jax.random.randint(k1, (BATCH, SEQ_LEN), 0, VOCAB, dtype=jnp.int64 if jax.config.jax_enable_x64 else jnp.int32).astype(jnp.int32)
    tok_table = jax.random.normal(k2, (VOCAB, EMBED_DIM), dtype=jnp.float32) * 0.02
    pos_table = jax.random.normal(k3, (MAX_POS, EMBED_DIM), dtype=jnp.float32) * 0.02
    # padding_idx=0: nn.Embedding zeros that row at init
    tok_table = tok_table.at[0].set(0.0)
    pos_table = pos_table.at[0].set(0.0)
    return {"input_ids": input_ids, "tok_table": tok_table, "pos_table": pos_table}


def reference(input_ids, tok_table, pos_table):
    bsz, seq_len = input_ids.shape
    pos_ids = jnp.arange(seq_len)
    tok_embeds = jnp.take(tok_table, input_ids, axis=0)  # [B, S, D]
    pos_embeds = jnp.take(pos_table, pos_ids, axis=0)    # [S, D]
    embeds = tok_embeds * EMBED_SCALE + pos_embeds[None, :, :]
    return embeds

if __name__ == "__main__":
    import jax
    _d = setup_inputs()
    print(jax.jit(kernel)(*tuple(_d.values())))

</pallas_src>

<mosaic_0001>
#map = affine_map<(d0, d1) -> (0, 0, 0, 0)>
#map1 = affine_map<(d0, d1) -> (0, 0)>
#map2 = affine_map<(d0, d1) -> (0, 0, 0, 0, 0)>
module attributes {stable_mosaic.version = 14 : i64} {
  func.func @_sc_body(%arg0: i32, %arg1: i32, %arg2: memref<25x32x8x128xi32, #tpu.memory_space<hbm>>, %arg3: memref<1000000x64xf32, #tpu.memory_space<hbm>>, %arg4: memref<1024x64xf32, #tpu.memory_space<hbm>>, %arg5: memref<200x8x32x8x128xf32, #tpu.memory_space<hbm>>, %arg6: memref<25x8x128xi32, #tpu.memory_space<vmem>>, %arg7: memref<200x64xf32, #tpu.memory_space<vmem>>, %arg8: memref<128x64xf32, #tpu.memory_space<vmem>>, %arg9: memref<128x64xf32, #tpu.memory_space<vmem>>, %arg10: memref<128x64xf32, #tpu.memory_space<vmem>>, %arg11: memref<128x64xf32, #tpu.memory_space<vmem>>, %arg12: memref<128x64xf32, #tpu.memory_space<vmem>>, %arg13: memref<8x8x128xf32, #tpu.memory_space<vmem>>, %arg14: memref<8x8x128xf32, #tpu.memory_space<vmem>>, %arg15: memref<8x8x128xf32, #tpu.memory_space<vmem>>, %arg16: memref<8x8x128xf32, #tpu.memory_space<vmem>>, %arg17: memref<8x8x128xf32, #tpu.memory_space<vmem>>, %arg18: memref<!tpu.dma_semaphore, #tpu.memory_space<semaphore_mem>>, %arg19: memref<!tpu.dma_semaphore, #tpu.memory_space<semaphore_mem>>, %arg20: memref<!tpu.dma_semaphore, #tpu.memory_space<semaphore_mem>>, %arg21: memref<!tpu.dma_semaphore, #tpu.memory_space<semaphore_mem>>, %arg22: memref<!tpu.dma_semaphore, #tpu.memory_space<semaphore_mem>>, %arg23: memref<!tpu.dma_semaphore, #tpu.memory_space<semaphore_mem>>, %arg24: memref<!tpu.dma_semaphore, #tpu.memory_space<semaphore_mem>>, %arg25: memref<!tpu.dma_semaphore, #tpu.memory_space<semaphore_mem>>, %arg26: memref<!tpu.dma_semaphore, #tpu.memory_space<semaphore_mem>>, %arg27: memref<!tpu.dma_semaphore, #tpu.memory_space<semaphore_mem>>) attributes {dimension_semantics = [#tpu.dimension_semantics<core_parallel>, #tpu.dimension_semantics<subcore_parallel>], iteration_bounds = array<i64: 2, 16>, scalar_prefetch = 0 : i64, scratch_operands = 22 : i64, tpu.core_type = #tpu.core_type<sc_vector_subcore>, window_params = [{transform_indices = #map}, {transform_indices = #map1}, {transform_indices = #map1}, {transform_indices = #map2}]} {
    %mul3A = arith.constant 2 : i32
    %mul3A_0 = arith.muli %arg1, %mul3A : i32
    %add3A = arith.addi %mul3A_0, %arg0 : i32
    "tpu.region"() ({
      %run_scoped3A = tpu.sem_alloc : memref<!tpu.dma_semaphore, #tpu.memory_space<semaphore_mem>>
      %dma_start3A_119 = arith.constant 0 : i32
      %dma_start3A_120 = arith.constant 0 : i32
      %dma_start3A_121 = arith.constant 0 : i32
      %dma_start3A_122 = tpu.memref_slice %arg2[%dma_start3A_119, %add3A, %dma_start3A_120, %dma_start3A_121] : memref<25x32x8x128xi32, #tpu.memory_space<hbm>> -> memref<25x1x8x128xi32, #tpu.memory_space<hbm>>
      %dma_start3A_123 = tpu.memref_squeeze %dma_start3A_122 : memref<25x1x8x128xi32, #tpu.memory_space<hbm>> -> memref<25x8x128xi32, #tpu.memory_space<hbm>>
      %dma_start3A_124 = arith.constant 0 : i32
      %dma_start3A_125 = arith.constant 0 : i32
      %dma_start3A_126 = arith.constant 0 : i32
      %dma_start3A_127 = tpu.memref_slice %arg2[%dma_start3A_124, %add3A, %dma_start3A_125, %dma_start3A_126] : memref<25x32x8x128xi32, #tpu.memory_space<hbm>> -> memref<25x1x8x128xi32, #tpu.memory_space<hbm>>
      %dma_start3A_128 = tpu.memref_squeeze %dma_start3A_127 : memref<25x1x8x128xi32, #tpu.memory_space<hbm>> -> memref<25x8x128xi32, #tpu.memory_space<hbm>>
      tpu.enqueue_dma source(%dma_start3A_128 : memref<25x8x128xi32, #tpu.memory_space<hbm>>) target(%arg6 : memref<25x8x128xi32, #tpu.memory_space<vmem>>) target_semaphore(%run_scoped3A : memref<!tpu.dma_semaphore, #tpu.memory_space<semaphore_mem>>)
      %dma_wait3A_129 = arith.constant 0 : i32
      %dma_wait3A_130 = arith.constant 0 : i32
      %dma_wait3A_131 = arith.constant 0 : i32
      %dma_wait3A_132 = tpu.memref_slice %arg2[%dma_wait3A_129, %add3A, %dma_wait3A_130, %dma_wait3A_131] : memref<25x32x8x128xi32, #tpu.memory_space<hbm>> -> memref<25x1x8x128xi32, #tpu.memory_space<hbm>>
      %dma_wait3A_133 = tpu.memref_squeeze %dma_wait3A_132 : memref<25x1x8x128xi32, #tpu.memory_space<hbm>> -> memref<25x8x128xi32, #tpu.memory_space<hbm>>
      %dma_wait3A_134 = arith.constant 0 : i32
      %dma_wait3A_135 = arith.constant 0 : i32
      %dma_wait3A_136 = arith.constant 0 : i32
      %dma_wait3A_137 = tpu.memref_slice %arg2[%dma_wait3A_134, %add3A, %dma_wait3A_135, %dma_wait3A_136] : memref<25x32x8x128xi32, #tpu.memory_space<hbm>> -> memref<25x1x8x128xi32, #tpu.memory_space<hbm>>
      %dma_wait3A_138 = tpu.memref_squeeze %dma_wait3A_137 : memref<25x1x8x128xi32, #tpu.memory_space<hbm>> -> memref<25x8x128xi32, #tpu.memory_space<hbm>>
      tpu.wait_dma2 semaphore(%run_scoped3A : memref<!tpu.dma_semaphore, #tpu.memory_space<semaphore_mem>>) src(%dma_wait3A_138 : memref<25x8x128xi32, #tpu.memory_space<hbm>>) dst(%arg6 : memref<25x8x128xi32, #tpu.memory_space<vmem>>)
      tpu.yield
    }) : () -> ()
    "tpu.region"() ({
      %run_scoped3A = tpu.sem_alloc : memref<!tpu.dma_semaphore, #tpu.memory_space<semaphore_mem>>
      %dma_start3A_119 = arith.constant 0 : i32
      %dma_start3A_120 = arith.constant 0 : i32
      %dma_start3A_121 = tpu.memref_slice %arg4[%dma_start3A_119, %dma_start3A_120] : memref<1024x64xf32, #tpu.memory_space<hbm>> -> memref<200x64xf32, #tpu.memory_space<hbm>>
      %dma_start3A_122 = arith.constant 0 : i32
      %dma_start3A_123 = arith.constant 0 : i32
      %dma_start3A_124 = tpu.memref_slice %arg4[%dma_start3A_122, %dma_start3A_123] : memref<1024x64xf32, #tpu.memory_space<hbm>> -> memref<200x64xf32, #tpu.memory_space<hbm>>
      tpu.enqueue_dma source(%dma_start3A_124 : memref<200x64xf32, #tpu.memory_space<hbm>>) target(%arg7 : memref<200x64xf32, #tpu.memory_space<vmem>>) target_semaphore(%run_scoped3A : memref<!tpu.dma_semaphore, #tpu.memory_space<semaphore_mem>>)
      %dma_wait3A_125 = arith.constant 0 : i32
      %dma_wait3A_126 = arith.constant 0 : i32
      %dma_wait3A_127 = tpu.memref_slice %arg4[%dma_wait3A_125, %dma_wait3A_126] : memref<1024x64xf32, #tpu.memory_space<hbm>> -> memref<200x64xf32, #tpu.memory_space<hbm>>
      %dma_wait3A_128 = arith.constant 0 : i32
      %dma_wait3A_129 = arith.constant 0 : i32
      %dma_wait3A_130 = tpu.memref_slice %arg4[%dma_wait3A_128, %dma_wait3A_129] : memref<1024x64xf32, #tpu.memory_space<hbm>> -> memref<200x64xf32, #tpu.memory_space<hbm>>
      tpu.wait_dma2 semaphore(%run_scoped3A : memref<!tpu.dma_semaphore, #tpu.memory_space<semaphore_mem>>) src(%dma_wait3A_130 : memref<200x64xf32, #tpu.memory_space<hbm>>) dst(%arg7 : memref<200x64xf32, #tpu.memory_space<vmem>>)
      tpu.yield
    }) : () -> ()
    %iota3A = tpu.iota {dimensions = array<i32: 0>} : vector<16xi32>
    %broadcast_in_dim3A = arith.constant 0 : i32
    %broadcast_in_dim3A_1 = vector.broadcast %broadcast_in_dim3A : i32 to vector<16xi32>
    %add3A_2 = arith.addi %broadcast_in_dim3A_1, %iota3A : vector<16xi32>
    %broadcast_in_dim3A_3 = arith.constant 16 : i32
    %broadcast_in_dim3A_4 = vector.broadcast %broadcast_in_dim3A_3 : i32 to vector<16xi32>
    %add3A_5 = arith.addi %broadcast_in_dim3A_4, %iota3A : vector<16xi32>
    %broadcast_in_dim3A_6 = arith.constant 32 : i32
    %broadcast_in_dim3A_7 = vector.broadcast %broadcast_in_dim3A_6 : i32 to vector<16xi32>
    %add3A_8 = arith.addi %broadcast_in_dim3A_7, %iota3A : vector<16xi32>
    %broadcast_in_dim3A_9 = arith.constant 48 : i32
    %broadcast_in_dim3A_10 = vector.broadcast %broadcast_in_dim3A_9 : i32 to vector<16xi32>
    %add3A_11 = arith.addi %broadcast_in_dim3A_10, %iota3A : vector<16xi32>
    %broadcast_in_dim3A_12 = arith.constant 64 : i32
    %broadcast_in_dim3A_13 = vector.broadcast %broadcast_in_dim3A_12 : i32 to vector<16xi32>
    %add3A_14 = arith.addi %broadcast_in_dim3A_13, %iota3A : vector<16xi32>
    %broadcast_in_dim3A_15 = arith.constant 80 : i32
    %broadcast_in_dim3A_16 = vector.broadcast %broadcast_in_dim3A_15 : i32 to vector<16xi32>
    %add3A_17 = arith.addi %broadcast_in_dim3A_16, %iota3A : vector<16xi32>
    %broadcast_in_dim3A_18 = arith.constant 96 : i32
    %broadcast_in_dim3A_19 = vector.broadcast %broadcast_in_dim3A_18 : i32 to vector<16xi32>
    %add3A_20 = arith.addi %broadcast_in_dim3A_19, %iota3A : vector<16xi32>
    %broadcast_in_dim3A_21 = arith.constant 112 : i32
    %broadcast_in_dim3A_22 = vector.broadcast %broadcast_in_dim3A_21 : i32 to vector<16xi32>
    %add3A_23 = arith.addi %broadcast_in_dim3A_22, %iota3A : vector<16xi32>
    %dma_start3A = arith.constant 0 : i32
    %dma_start3A_24 = arith.constant 0 : i32
    %dma_start3A_25 = arith.constant 0 : i32
    %dma_start3A_26 = tpu.memref_slice %arg6[%dma_start3A, %dma_start3A_24, %dma_start3A_25] : memref<25x8x128xi32, #tpu.memory_space<vmem>> -> memref<1x1x128xi32, #tpu.memory_space<vmem>>
    %dma_start3A_27 = tpu.memref_squeeze %dma_start3A_26 : memref<1x1x128xi32, #tpu.memory_space<vmem>> -> memref<128xi32, #tpu.memory_space<vmem>>
    %dma_start3A_28 = arith.constant 0 : i32
    %dma_start3A_29 = arith.constant 0 : i32
    %dma_start3A_30 = tpu.memref_slice %arg3[%dma_start3A_28, %dma_start3A_29] : memref<1000000x64xf32, #tpu.memory_space<hbm>> -> memref<1000000x64xf32, #tpu.memory_space<hbm>>
    tpu.enqueue_indirect_dma source(%dma_start3A_30 : memref<1000000x64xf32, #tpu.memory_space<hbm>>) target(%arg8 : memref<128x64xf32, #tpu.memory_space<vmem>>) offsets(%dma_start3A_27 : memref<128xi32, #tpu.memory_space<vmem>>) semaphore(%arg18 : memref<!tpu.dma_semaphore, #tpu.memory_space<semaphore_mem>>)
    %dma_start3A_31 = arith.constant 0 : i32
    %dma_start3A_32 = arith.constant 1 : i32
    %dma_start3A_33 = arith.constant 0 : i32
    %dma_start3A_34 = tpu.memref_slice %arg6[%dma_start3A_31, %dma_start3A_32, %dma_start3A_33] : memref<25x8x128xi32, #tpu.memory_space<vmem>> -> memref<1x1x128xi32, #tpu.memory_space<vmem>>
    %dma_start3A_35 = tpu.memref_squeeze %dma_start3A_34 : memref<1x1x128xi32, #tpu.memory_space<vmem>> -> memref<128xi32, #tpu.memory_space<vmem>>
    %dma_start3A_36 = arith.constant 0 : i32
    %dma_start3A_37 = arith.constant 0 : i32
    %dma_start3A_38 = tpu.memref_slice %arg3[%dma_start3A_36, %dma_start3A_37] : memref<1000000x64xf32, #tpu.memory_space<hbm>> -> memref<1000000x64xf32, #tpu.memory_space<hbm>>
    tpu.enqueue_indirect_dma source(%dma_start3A_38 : memref<1000000x64xf32, #tpu.memory_space<hbm>>) target(%arg9 : memref<128x64xf32, #tpu.memory_space<vmem>>) offsets(%dma_start3A_35 : memref<128xi32, #tpu.memory_space<vmem>>) semaphore(%arg19 : memref<!tpu.dma_semaphore, #tpu.memory_space<semaphore_mem>>)
    %dma_start3A_39 = arith.constant 0 : i32
    %dma_start3A_40 = arith.constant 2 : i32
    %dma_start3A_41 = arith.constant 0 : i32
    %dma_start3A_42 = tpu.memref_slice %arg6[%dma_start3A_39, %dma_start3A_40, %dma_start3A_41] : memref<25x8x128xi32, #tpu.memory_space<vmem>> -> memref<1x1x128xi32, #tpu.memory_space<vmem>>
    %dma_start3A_43 = tpu.memref_squeeze %dma_start3A_42 : memref<1x1x128xi32, #tpu.memory_space<vmem>> -> memref<128xi32, #tpu.memory_space<vmem>>
    %dma_start3A_44 = arith.constant 0 : i32
    %dma_start3A_45 = arith.constant 0 : i32
    %dma_start3A_46 = tpu.memref_slice %arg3[%dma_start3A_44, %dma_start3A_45] : memref<1000000x64xf32, #tpu.memory_space<hbm>> -> memref<1000000x64xf32, #tpu.memory_space<hbm>>
    tpu.enqueue_indirect_dma source(%dma_start3A_46 : memref<1000000x64xf32, #tpu.memory_space<hbm>>) target(%arg10 : memref<128x64xf32, #tpu.memory_space<vmem>>) offsets(%dma_start3A_43 : memref<128xi32, #tpu.memory_space<vmem>>) semaphore(%arg20 : memref<!tpu.dma_semaphore, #tpu.memory_space<semaphore_mem>>)
    %dma_start3A_47 = arith.constant 0 : i32
    %dma_start3A_48 = arith.constant 3 : i32
    %dma_start3A_49 = arith.constant 0 : i32
    %dma_start3A_50 = tpu.memref_slice %arg6[%dma_start3A_47, %dma_start3A_48, %dma_start3A_49] : memref<25x8x128xi32, #tpu.memory_space<vmem>> -> memref<1x1x128xi32, #tpu.memory_space<vmem>>
    %dma_start3A_51 = tpu.memref_squeeze %dma_start3A_50 : memref<1x1x128xi32, #tpu.memory_space<vmem>> -> memref<128xi32, #tpu.memory_space<vmem>>
    %dma_start3A_52 = arith.constant 0 : i32
    %dma_start3A_53 = arith.constant 0 : i32
    %dma_start3A_54 = tpu.memref_slice %arg3[%dma_start3A_52, %dma_start3A_53] : memref<1000000x64xf32, #tpu.memory_space<hbm>> -> memref<1000000x64xf32, #tpu.memory_space<hbm>>
    tpu.enqueue_indirect_dma source(%dma_start3A_54 : memref<1000000x64xf32, #tpu.memory_space<hbm>>) target(%arg11 : memref<128x64xf32, #tpu.memory_space<vmem>>) offsets(%dma_start3A_51 : memref<128xi32, #tpu.memory_space<vmem>>) semaphore(%arg21 : memref<!tpu.dma_semaphore, #tpu.memory_space<semaphore_mem>>)
    %scan3A = arith.constant 0 : i32
    %scan3A_55 = arith.constant 0 : i32
    %scan3A_56 = arith.constant 40 : i32
    %scan3A_57 = arith.addi %scan3A_55, %scan3A_56 : i32
    %scan3A_58 = arith.constant 1 : i32
    scf.for %scan3A_119 = %scan3A_55 to %scan3A_57 step %scan3A_58  : i32 {
      %mul3A_120 = arith.constant 5 : i32
      %mul3A_121 = arith.muli %scan3A_119, %mul3A_120 : i32
      %add3A_122 = arith.constant 0 : i32
      %add3A_123 = arith.addi %mul3A_121, %add3A_122 : i32
      %add3A_124 = arith.constant 5 : i32
      %add3A_125 = arith.addi %add3A_123, %add3A_124 : i32
      %sub3A = arith.constant 1 : i32
      %sub3A_126 = arith.subi %add3A_125, %sub3A : i32
      %lt3A = arith.constant 200 : i32
      %lt3A_127 = arith.cmpi slt, %sub3A_126, %lt3A : i32
      %convert_element_type3A = arith.extui %lt3A_127 : i1 to i32
      %cond3A = arith.constant 0 : i32
      %cond3A_128 = arith.cmpi ne, %convert_element_type3A, %cond3A : i32
      scf.if %cond3A_128 {
        %add3A_304 = arith.constant 5 : i32
        %add3A_305 = arith.addi %add3A_123, %add3A_304 : i32
        %sub3A_306 = arith.constant 1 : i32
        %sub3A_307 = arith.subi %add3A_305, %sub3A_306 : i32
        %jit3A = arith.constant 8 : i32
        %div3A = arith.divsi %sub3A_307, %jit3A : i32
        %sign3A = arith.constant 0 : i32
        %sign3A_308 = arith.cmpi sgt, %sub3A_307, %sign3A : i32
        %sign3A_309 = arith.extui %sign3A_308 : i1 to i32
        %sign3A_310 = arith.constant 0 : i32
        %sign3A_311 = arith.cmpi slt, %sub3A_307, %sign3A_310 : i32
        %sign3A_312 = arith.extui %sign3A_311 : i1 to i32
        %sign3A_313 = arith.subi %sign3A_309, %sign3A_312 : i32
        %sign3A_314 = arith.constant 0 : i32
        %sign3A_315 = arith.cmpi sgt, %jit3A, %sign3A_314 : i32
        %sign3A_316 = arith.extui %sign3A_315 : i1 to i32
        %sign3A_317 = arith.constant 0 : i32
        %sign3A_318 = arith.cmpi slt, %jit3A, %sign3A_317 : i32
        %sign3A_319 = arith.extui %sign3A_318 : i1 to i32
        %sign3A_320 = arith.subi %sign3A_316, %sign3A_319 : i32
        %ne3A = arith.cmpi ne, %sign3A_313, %sign3A_320 : i32
        %rem3A = arith.remsi %sub3A_307, %jit3A : i32
        %ne3A_321 = arith.constant 0 : i32
        %ne3A_322 = arith.cmpi ne, %rem3A, %ne3A_321 : i32
        %and3A = arith.andi %ne3A, %ne3A_322 : i1
        %sub3A_323 = arith.constant 1 : i32
        %sub3A_324 = arith.subi %div3A, %sub3A_323 : i32
        %select_n3A = arith.select %and3A, %sub3A_324, %div3A : i32
        %jit3A_325 = arith.constant 8 : i32
        %eq3A = arith.constant 0 : i32
        %eq3A_326 = arith.cmpi eq, %jit3A_325, %eq3A : i32
        %jit3A_327 = arith.constant 1 : i32
        %select_n3A_328 = arith.select %eq3A_326, %jit3A_327, %jit3A_325 : i32
        %rem3A_329 = arith.remsi %sub3A_307, %select_n3A_328 : i32
        %ne3A_330 = arith.constant 0 : i32
        %ne3A_331 = arith.cmpi ne, %rem3A_329, %ne3A_330 : i32
        %lt3A_332 = arith.constant 0 : i32
        %lt3A_333 = arith.cmpi slt, %rem3A_329, %lt3A_332 : i32
        %lt3A_334 = arith.constant 0 : i32
        %lt3A_335 = arith.cmpi slt, %select_n3A_328, %lt3A_334 : i32
        %ne3A_336 = arith.xori %lt3A_333, %lt3A_335 : i1
        %and3A_337 = arith.andi %ne3A_336, %ne3A_331 : i1
        %add3A_338 = arith.addi %rem3A_329, %select_n3A_328 : i32
        %select_n3A_339 = arith.select %and3A_337, %add3A_338, %rem3A_329 : i32
        %dma_start3A_340 = arith.constant 0 : i32
        %dma_start3A_341 = tpu.memref_slice %arg6[%select_n3A, %select_n3A_339, %dma_start3A_340] : memref<25x8x128xi32, #tpu.memory_space<vmem>> -> memref<1x1x128xi32, #tpu.memory_space<vmem>>
        %dma_start3A_342 = tpu.memref_squeeze %dma_start3A_341 : memref<1x1x128xi32, #tpu.memory_space<vmem>> -> memref<128xi32, #tpu.memory_space<vmem>>
        %dma_start3A_343 = arith.constant 0 : i32
        %dma_start3A_344 = arith.constant 0 : i32
        %dma_start3A_345 = tpu.memref_slice %arg3[%dma_start3A_343, %dma_start3A_344] : memref<1000000x64xf32, #tpu.memory_space<hbm>> -> memref<1000000x64xf32, #tpu.memory_space<hbm>>
        tpu.enqueue_indirect_dma source(%dma_start3A_345 : memref<1000000x64xf32, #tpu.memory_space<hbm>>) target(%arg12 : memref<128x64xf32, #tpu.memory_space<vmem>>) offsets(%dma_start3A_342 : memref<128xi32, #tpu.memory_space<vmem>>) semaphore(%arg22 : memref<!tpu.dma_semaphore, #tpu.memory_space<semaphore_mem>>)
      } else {
      }
      %dma_wait3A_129 = arith.constant 0 : i32
      %dma_wait3A_130 = arith.constant 0 : i32
      %dma_wait3A_131 = tpu.memref_slice %arg3[%dma_wait3A_129, %dma_wait3A_130] : memref<1000000x64xf32, #tpu.memory_space<hbm>> -> memref<128x64xf32, #tpu.memory_space<hbm>>
      %dma_wait3A_132 = arith.constant 0 : i32
      %dma_wait3A_133 = arith.constant 0 : i32
      %dma_wait3A_134 = tpu.memref_slice %arg3[%dma_wait3A_132, %dma_wait3A_133] : memref<1000000x64xf32, #tpu.memory_space<hbm>> -> memref<128x64xf32, #tpu.memory_space<hbm>>
      tpu.wait_dma2 semaphore(%arg18 : memref<!tpu.dma_semaphore, #tpu.memory_space<semaphore_mem>>) src(%dma_wait3A_134 : memref<128x64xf32, #tpu.memory_space<hbm>>) dst(%arg8 : memref<128x64xf32, #tpu.memory_space<vmem>>)
      %ge3A = arith.constant 5 : i32
      %ge3A_135 = arith.cmpi sge, %add3A_123, %ge3A : i32
      %convert_element_type3A_136 = arith.extui %ge3A_135 : i1 to i32
      %cond3A_137 = arith.constant 0 : i32
      %cond3A_138 = arith.cmpi ne, %convert_element_type3A_136, %cond3A_137 : i32
      scf.if %cond3A_138 {
        %dma_wait3A_304 = arith.constant 0 : i32
        %dma_wait3A_305 = arith.constant 0 : i32
        %dma_wait3A_306 = arith.constant 0 : i32
        %dma_wait3A_307 = arith.constant 0 : i32
        %dma_wait3A_308 = arith.constant 0 : i32
        %dma_wait3A_309 = tpu.memref_slice %arg5[%dma_wait3A_304, %dma_wait3A_306, %dma_wait3A_305, %dma_wait3A_307, %dma_wait3A_308] : memref<200x8x32x8x128xf32, #tpu.memory_space<hbm>> -> memref<1x8x1x8x128xf32, #tpu.memory_space<hbm>>
        %dma_wait3A_310 = tpu.memref_squeeze %dma_wait3A_309 : memref<1x8x1x8x128xf32, #tpu.memory_space<hbm>> -> memref<8x8x128xf32, #tpu.memory_space<hbm>>
        %dma_wait3A_311 = arith.constant 0 : i32
        %dma_wait3A_312 = arith.constant 0 : i32
        %dma_wait3A_313 = arith.constant 0 : i32
        %dma_wait3A_314 = tpu.memref_slice %arg5[%dma_wait3A_304, %dma_wait3A_311, %dma_wait3A_305, %dma_wait3A_312, %dma_wait3A_313] : memref<200x8x32x8x128xf32, #tpu.memory_space<hbm>> -> memref<1x8x1x8x128xf32, #tpu.memory_space<hbm>>
        %dma_wait3A_315 = tpu.memref_squeeze %dma_wait3A_314 : memref<1x8x1x8x128xf32, #tpu.memory_space<hbm>> -> memref<8x8x128xf32, #tpu.memory_space<hbm>>
        tpu.wait_dma2 semaphore(%arg23 : memref<!tpu.dma_semaphore, #tpu.memory_space<semaphore_mem>>) src(%arg13 : memref<8x8x128xf32, #tpu.memory_space<vmem>>) dst(%dma_wait3A_315 : memref<8x8x128xf32, #tpu.memory_space<hbm>>)
      } else {
      }
      %broadcast_in_dim3A_139 = vector.broadcast %add3A_123 : i32 to vector<16xi32>
      %parallel_loop3A = arith.constant 0 : i32
      %parallel_loop3A_140 = arith.constant 64 : i32
      %parallel_loop3A_141 = arith.constant 1 : i32
      scf.for %parallel_loop3A_304 = %parallel_loop3A to %parallel_loop3A_140 step %parallel_loop3A_141  : i32 {
        %parallel_loop3A_305 = vector.broadcast %parallel_loop3A_304 : i32 to vector<16xi32>
        %parallel_loop3A_306 = arith.addi %iota3A, %parallel_loop3A_305 : vector<16xi32>
        %parallel_loop3A_307 = arith.constant 63 : i32
        %parallel_loop3A_308 = vector.broadcast %parallel_loop3A_307 : i32 to vector<16xi32>
        %parallel_loop3A_309 = arith.andi %parallel_loop3A_306, %parallel_loop3A_308 : vector<16xi32>
        %parallel_loop3A_310 = tpu.vector_load_idx %arg7[%broadcast_in_dim3A_139, %parallel_loop3A_309] : memref<200x64xf32, #tpu.memory_space<vmem>>[vector<16xi32>, vector<16xi32>], vector<16xf32>,
        %parallel_loop3A_311 = arith.constant 3 : i32
        %parallel_loop3A_312 = vector.broadcast %parallel_loop3A_311 : i32 to vector<16xi32>
        %parallel_loop3A_313 = arith.shrui %parallel_loop3A_309, %parallel_loop3A_312 : vector<16xi32>
        %parallel_loop3A_314 = arith.constant 7 : i32
        %parallel_loop3A_315 = vector.broadcast %parallel_loop3A_314 : i32 to vector<16xi32>
        %parallel_loop3A_316 = arith.andi %parallel_loop3A_309, %parallel_loop3A_315 : vector<16xi32>
        %parallel_loop3A_317 = tpu.vector_load_idx %arg8[%add3A_2, %parallel_loop3A_309] : memref<128x64xf32, #tpu.memory_space<vmem>>[vector<16xi32>, vector<16xi32>], vector<16xf32>,
        %parallel_loop3A_318 = arith.addf %parallel_loop3A_317, %parallel_loop3A_310 : vector<16xf32>
        tpu.vector_store_idx %arg13[%parallel_loop3A_313, %parallel_loop3A_316, %add3A_2], %parallel_loop3A_318 : memref<8x8x128xf32, #tpu.memory_space<vmem>>[vector<16xi32>, vector<16xi32>, vector<16xi32>], vector<16xf32>,
        %parallel_loop3A_319 = tpu.vector_load_idx %arg8[%add3A_5, %parallel_loop3A_309] : memref<128x64xf32, #tpu.memory_space<vmem>>[vector<16xi32>, vector<16xi32>], vector<16xf32>,
        %parallel_loop3A_320 = arith.addf %parallel_loop3A_319, %parallel_loop3A_310 : vector<16xf32>
        tpu.vector_store_idx %arg13[%parallel_loop3A_313, %parallel_loop3A_316, %add3A_5], %parallel_loop3A_320 : memref<8x8x128xf32, #tpu.memory_space<vmem>>[vector<16xi32>, vector<16xi32>, vector<16xi32>], vector<16xf32>,
        %parallel_loop3A_321 = tpu.vector_load_idx %arg8[%add3A_8, %parallel_loop3A_309] : memref<128x64xf32, #tpu.memory_space<vmem>>[vector<16xi32>, vector<16xi32>], vector<16xf32>,
        %parallel_loop3A_322 = arith.addf %parallel_loop3A_321, %parallel_loop3A_310 : vector<16xf32>
        tpu.vector_store_idx %arg13[%parallel_loop3A_313, %parallel_loop3A_316, %add3A_8], %parallel_loop3A_322 : memref<8x8x128xf32, #tpu.memory_space<vmem>>[vector<16xi32>, vector<16xi32>, vector<16xi32>], vector<16xf32>,
        %parallel_loop3A_323 = tpu.vector_load_idx %arg8[%add3A_11, %parallel_loop3A_309] : memref<128x64xf32, #tpu.memory_space<vmem>>[vector<16xi32>, vector<16xi32>], vector<16xf32>,
        %parallel_loop3A_324 = arith.addf %parallel_loop3A_323, %parallel_loop3A_310 : vector<16xf32>
        tpu.vector_store_idx %arg13[%parallel_loop3A_313, %parallel_loop3A_316, %add3A_11], %parallel_loop3A_324 : memref<8x8x128xf32, #tpu.memory_space<vmem>>[vector<16xi32>, vector<16xi32>, vector<16xi32>], vector<16xf32>,
        %parallel_loop3A_325 = tpu.vector_load_idx %arg8[%add3A_14, %parallel_loop3A_309] : memref<128x64xf32, #tpu.memory_space<vmem>>[vector<16xi32>, vector<16xi32>], vector<16xf32>,
        %parallel_loop3A_326 = arith.addf %parallel_loop3A_325, %parallel_loop3A_310 : vector<16xf32>
        tpu.vector_store_idx %arg13[%parallel_loop3A_313, %parallel_loop3A_316, %add3A_14], %parallel_loop3A_326 : memref<8x8x128xf32, #tpu.memory_space<vmem>>[vector<16xi32>, vector<16xi32>, vector<16xi32>], vector<16xf32>,
        %parallel_loop3A_327 = tpu.vector_load_idx %arg8[%add3A_17, %parallel_loop3A_309] : memref<128x64xf32, #tpu.memory_space<vmem>>[vector<16xi32>, vector<16xi32>], vector<16xf32>,
        %parallel_loop3A_328 = arith.addf %parallel_loop3A_327, %parallel_loop3A_310 : vector<16xf32>
        tpu.vector_store_idx %arg13[%parallel_loop3A_313, %parallel_loop3A_316, %add3A_17], %parallel_loop3A_328 : memref<8x8x128xf32, #tpu.memory_space<vmem>>[vector<16xi32>, vector<16xi32>, vector<16xi32>], vector<16xf32>,
        %parallel_loop3A_329 = tpu.vector_load_idx %arg8[%add3A_20, %parallel_loop3A_309] : memref<128x64xf32, #tpu.memory_space<vmem>>[vector<16xi32>, vector<16xi32>], vector<16xf32>,
        %parallel_loop3A_330 = arith.addf %parallel_loop3A_329, %parallel_loop3A_310 : vector<16xf32>
        tpu.vector_store_idx %arg13[%parallel_loop3A_313, %parallel_loop3A_316, %add3A_20], %parallel_loop3A_330 : memref<8x8x128xf32, #tpu.memory_space<vmem>>[vector<16xi32>, vector<16xi32>, vector<16xi32>], vector<16xf32>,
        %parallel_loop3A_331 = tpu.vector_load_idx %arg8[%add3A_23, %parallel_loop3A_309] : memref<128x64xf32, #tpu.memory_space<vmem>>[vector<16xi32>, vector<16xi32>], vector<16xf32>,
        %parallel_loop3A_332 = arith.addf %parallel_loop3A_331, %parallel_loop3A_310 : vector<16xf32>
        tpu.vector_store_idx %arg13[%parallel_loop3A_313, %parallel_loop3A_316, %add3A_23], %parallel_loop3A_332 : memref<8x8x128xf32, #tpu.memory_space<vmem>>[vector<16xi32>, vector<16xi32>, vector<16xi32>], vector<16xf32>,
      } {sc.loop_unroll_factor = 8 : i64, sc.parallel_access}
      %dma_start3A_142 = arith.constant 0 : i32
      %dma_start3A_143 = arith.constant 0 : i32
      %dma_start3A_144 = arith.constant 0 : i32
      %dma_start3A_145 = tpu.memref_slice %arg5[%add3A_123, %dma_start3A_142, %add3A, %dma_start3A_143, %dma_start3A_144] : memref<200x8x32x8x128xf32, #tpu.memory_space<hbm>> -> memref<1x8x1x8x128xf32, #tpu.memory_space<hbm>>
      %dma_start3A_146 = tpu.memref_squeeze %dma_start3A_145 : memref<1x8x1x8x128xf32, #tpu.memory_space<hbm>> -> memref<8x8x128xf32, #tpu.memory_space<hbm>>
      %dma_start3A_147 = arith.constant 0 : i32
      %dma_start3A_148 = arith.constant 0 : i32
      %dma_start3A_149 = arith.constant 0 : i32
      %dma_start3A_150 = tpu.memref_slice %arg5[%add3A_123, %dma_start3A_147, %add3A, %dma_start3A_148, %dma_start3A_149] : memref<200x8x32x8x128xf32, #tpu.memory_space<hbm>> -> memref<1x8x1x8x128xf32, #tpu.memory_space<hbm>>
      %dma_start3A_151 = tpu.memref_squeeze %dma_start3A_150 : memref<1x8x1x8x128xf32, #tpu.memory_space<hbm>> -> memref<8x8x128xf32, #tpu.memory_space<hbm>>
      tpu.enqueue_dma source(%arg13 : memref<8x8x128xf32, #tpu.memory_space<vmem>>) target(%dma_start3A_151 : memref<8x8x128xf32, #tpu.memory_space<hbm>>) target_semaphore(%arg23 : memref<!tpu.dma_semaphore, #tpu.memory_space<semaphore_mem>>)
      %mul3A_152 = arith.constant 5 : i32
      %mul3A_153 = arith.muli %scan3A_119, %mul3A_152 : i32
      %add3A_154 = arith.constant 1 : i32
      %add3A_155 = arith.addi %mul3A_153, %add3A_154 : i32
      %add3A_156 = arith.constant 5 : i32
      %add3A_157 = arith.addi %add3A_155, %add3A_156 : i32
      %sub3A_158 = arith.constant 1 : i32
      %sub3A_159 = arith.subi %add3A_157, %sub3A_158 : i32
      %lt3A_160 = arith.constant 200 : i32
      %lt3A_161 = arith.cmpi slt, %sub3A_159, %lt3A_160 : i32
      %convert_element_type3A_162 = arith.extui %lt3A_161 : i1 to i32
      %cond3A_163 = arith.constant 0 : i32
      %cond3A_164 = arith.cmpi ne, %convert_element_type3A_162, %cond3A_163 : i32
      scf.if %cond3A_164 {
        %add3A_304 = arith.constant 5 : i32
        %add3A_305 = arith.addi %add3A_155, %add3A_304 : i32
        %sub3A_306 = arith.constant 1 : i32
        %sub3A_307 = arith.subi %add3A_305, %sub3A_306 : i32
        %jit3A = arith.constant 8 : i32
        %div3A = arith.divsi %sub3A_307, %jit3A : i32
        %sign3A = arith.constant 0 : i32
        %sign3A_308 = arith.cmpi sgt, %sub3A_307, %sign3A : i32
        %sign3A_309 = arith.extui %sign3A_308 : i1 to i32
        %sign3A_310 = arith.constant 0 : i32
        %sign3A_311 = arith.cmpi slt, %sub3A_307, %sign3A_310 : i32
        %sign3A_312 = arith.extui %sign3A_311 : i1 to i32
        %sign3A_313 = arith.subi %sign3A_309, %sign3A_312 : i32
        %sign3A_314 = arith.constant 0 : i32
        %sign3A_315 = arith.cmpi sgt, %jit3A, %sign3A_314 : i32
        %sign3A_316 = arith.extui %sign3A_315 : i1 to i32
        %sign3A_317 = arith.constant 0 : i32
        %sign3A_318 = arith.cmpi slt, %jit3A, %sign3A_317 : i32
        %sign3A_319 = arith.extui %sign3A_318 : i1 to i32
        %sign3A_320 = arith.subi %sign3A_316, %sign3A_319 : i32
        %ne3A = arith.cmpi ne, %sign3A_313, %sign3A_320 : i32
        %rem3A = arith.remsi %sub3A_307, %jit3A : i32
        %ne3A_321 = arith.constant 0 : i32
        %ne3A_322 = arith.cmpi ne, %rem3A, %ne3A_321 : i32
        %and3A = arith.andi %ne3A, %ne3A_322 : i1
        %sub3A_323 = arith.constant 1 : i32
        %sub3A_324 = arith.subi %div3A, %sub3A_323 : i32
        %select_n3A = arith.select %and3A, %sub3A_324, %div3A : i32
        %jit3A_325 = arith.constant 8 : i32
        %eq3A = arith.constant 0 : i32
        %eq3A_326 = arith.cmpi eq, %jit3A_325, %eq3A : i32
        %jit3A_327 = arith.constant 1 : i32
        %select_n3A_328 = arith.select %eq3A_326, %jit3A_327, %jit3A_325 : i32
        %rem3A_329 = arith.remsi %sub3A_307, %select_n3A_328 : i32
        %ne3A_330 = arith.constant 0 : i32
        %ne3A_331 = arith.cmpi ne, %rem3A_329, %ne3A_330 : i32
        %lt3A_332 = arith.constant 0 : i32
        %lt3A_333 = arith.cmpi slt, %rem3A_329, %lt3A_332 : i32
        %lt3A_334 = arith.constant 0 : i32
        %lt3A_335 = arith.cmpi slt, %select_n3A_328, %lt3A_334 : i32
        %ne3A_336 = arith.xori %lt3A_333, %lt3A_335 : i1
        %and3A_337 = arith.andi %ne3A_336, %ne3A_331 : i1
        %add3A_338 = arith.addi %rem3A_329, %select_n3A_328 : i32
        %select_n3A_339 = arith.select %and3A_337, %add3A_338, %rem3A_329 : i32
        %dma_start3A_340 = arith.constant 0 : i32
        %dma_start3A_341 = tpu.memref_slice %arg6[%select_n3A, %select_n3A_339, %dma_start3A_340] : memref<25x8x128xi32, #tpu.memory_space<vmem>> -> memref<1x1x128xi32, #tpu.memory_space<vmem>>
        %dma_start3A_342 = tpu.memref_squeeze %dma_start3A_341 : memref<1x1x128xi32, #tpu.memory_space<vmem>> -> memref<128xi32, #tpu.memory_space<vmem>>
        %dma_start3A_343 = arith.constant 0 : i32
        %dma_start3A_344 = arith.constant 0 : i32
        %dma_start3A_345 = tpu.memref_slice %arg3[%dma_start3A_343, %dma_start3A_344] : memref<1000000x64xf32, #tpu.memory_space<hbm>> -> memref<1000000x64xf32, #tpu.memory_space<hbm>>
        tpu.enqueue_indirect_dma source(%dma_start3A_345 : memref<1000000x64xf32, #tpu.memory_space<hbm>>) target(%arg8 : memref<128x64xf32, #tpu.memory_space<vmem>>) offsets(%dma_start3A_342 : memref<128xi32, #tpu.memory_space<vmem>>) semaphore(%arg18 : memref<!tpu.dma_semaphore, #tpu.memory_space<semaphore_mem>>)
      } else {
      }
      %dma_wait3A_165 = arith.constant 0 : i32
      %dma_wait3A_166 = arith.constant 0 : i32
      %dma_wait3A_167 = tpu.memref_slice %arg3[%dma_wait3A_165, %dma_wait3A_166] : memref<1000000x64xf32, #tpu.memory_space<hbm>> -> memref<128x64xf32, #tpu.memory_space<hbm>>
      %dma_wait3A_168 = arith.constant 0 : i32
      %dma_wait3A_169 = arith.constant 0 : i32
      %dma_wait3A_170 = tpu.memref_slice %arg3[%dma_wait3A_168, %dma_wait3A_169] : memref<1000000x64xf32, #tpu.memory_space<hbm>> -> memref<128x64xf32, #tpu.memory_space<hbm>>
      tpu.wait_dma2 semaphore(%arg19 : memref<!tpu.dma_semaphore, #tpu.memory_space<semaphore_mem>>) src(%dma_wait3A_170 : memref<128x64xf32, #tpu.memory_space<hbm>>) dst(%arg9 : memref<128x64xf32, #tpu.memory_space<vmem>>)
      %ge3A_171 = arith.constant 5 : i32
      %ge3A_172 = arith.cmpi sge, %add3A_155, %ge3A_171 : i32
      %convert_element_type3A_173 = arith.extui %ge3A_172 : i1 to i32
      %cond3A_174 = arith.constant 0 : i32
      %cond3A_175 = arith.cmpi ne, %convert_element_type3A_173, %cond3A_174 : i32
      scf.if %cond3A_175 {
        %dma_wait3A_304 = arith.constant 0 : i32
        %dma_wait3A_305 = arith.constant 0 : i32
        %dma_wait3A_306 = arith.constant 0 : i32
        %dma_wait3A_307 = arith.constant 0 : i32
        %dma_wait3A_308 = arith.constant 0 : i32
        %dma_wait3A_309 = tpu.memref_slice %arg5[%dma_wait3A_304, %dma_wait3A_306, %dma_wait3A_305, %dma_wait3A_307, %dma_wait3A_308] : memref<200x8x32x8x128xf32, #tpu.memory_space<hbm>> -> memref<1x8x1x8x128xf32, #tpu.memory_space<hbm>>
        %dma_wait3A_310 = tpu.memref_squeeze %dma_wait3A_309 : memref<1x8x1x8x128xf32, #tpu.memory_space<hbm>> -> memref<8x8x128xf32, #tpu.memory_space<hbm>>
        %dma_wait3A_311 = arith.constant 0 : i32
        %dma_wait3A_312 = arith.constant 0 : i32
        %dma_wait3A_313 = arith.constant 0 : i32
        %dma_wait3A_314 = tpu.memref_slice %arg5[%dma_wait3A_304, %dma_wait3A_311, %dma_wait3A_305, %dma_wait3A_312, %dma_wait3A_313] : memref<200x8x32x8x128xf32, #tpu.memory_space<hbm>> -> memref<1x8x1x8x128xf32, #tpu.memory_space<hbm>>
        %dma_wait3A_315 = tpu.memref_squeeze %dma_wait3A_314 : memref<1x8x1x8x128xf32, #tpu.memory_space<hbm>> -> memref<8x8x128xf32, #tpu.memory_space<hbm>>
        tpu.wait_dma2 semaphore(%arg24 : memref<!tpu.dma_semaphore, #tpu.memory_space<semaphore_mem>>) src(%arg14 : memref<8x8x128xf32, #tpu.memory_space<vmem>>) dst(%dma_wait3A_315 : memref<8x8x128xf32, #tpu.memory_space<hbm>>)
      } else {
      }
      %broadcast_in_dim3A_176 = vector.broadcast %add3A_155 : i32 to vector<16xi32>
      %parallel_loop3A_177 = arith.constant 0 : i32
      %parallel_loop3A_178 = arith.constant 64 : i32
      %parallel_loop3A_179 = arith.constant 1 : i32
      scf.for %parallel_loop3A_304 = %parallel_loop3A_177 to %parallel_loop3A_178 step %parallel_loop3A_179  : i32 {
        %parallel_loop3A_305 = vector.broadcast %parallel_loop3A_304 : i32 to vector<16xi32>
        %parallel_loop3A_306 = arith.addi %iota3A, %parallel_loop3A_305 : vector<16xi32>
        %parallel_loop3A_307 = arith.constant 63 : i32
        %parallel_loop3A_308 = vector.broadcast %parallel_loop3A_307 : i32 to vector<16xi32>
        %parallel_loop3A_309 = arith.andi %parallel_loop3A_306, %parallel_loop3A_308 : vector<16xi32>
        %parallel_loop3A_310 = tpu.vector_load_idx %arg7[%broadcast_in_dim3A_176, %parallel_loop3A_309] : memref<200x64xf32, #tpu.memory_space<vmem>>[vector<16xi32>, vector<16xi32>], vector<16xf32>,
        %parallel_loop3A_311 = arith.constant 3 : i32
        %parallel_loop3A_312 = vector.broadcast %parallel_loop3A_311 : i32 to vector<16xi32>
        %parallel_loop3A_313 = arith.shrui %parallel_loop3A_309, %parallel_loop3A_312 : vector<16xi32>
        %parallel_loop3A_314 = arith.constant 7 : i32
        %parallel_loop3A_315 = vector.broadcast %parallel_loop3A_314 : i32 to vector<16xi32>
        %parallel_loop3A_316 = arith.andi %parallel_loop3A_309, %parallel_loop3A_315 : vector<16xi32>
        %parallel_loop3A_317 = tpu.vector_load_idx %arg9[%add3A_2, %parallel_loop3A_309] : memref<128x64xf32, #tpu.memory_space<vmem>>[vector<16xi32>, vector<16xi32>], vector<16xf32>,
        %parallel_loop3A_318 = arith.addf %parallel_loop3A_317, %parallel_loop3A_310 : vector<16xf32>
        tpu.vector_store_idx %arg14[%parallel_loop3A_313, %parallel_loop3A_316, %add3A_2], %parallel_loop3A_318 : memref<8x8x128xf32, #tpu.memory_space<vmem>>[vector<16xi32>, vector<16xi32>, vector<16xi32>], vector<16xf32>,
        %parallel_loop3A_319 = tpu.vector_load_idx %arg9[%add3A_5, %parallel_loop3A_309] : memref<128x64xf32, #tpu.memory_space<vmem>>[vector<16xi32>, vector<16xi32>], vector<16xf32>,
        %parallel_loop3A_320 = arith.addf %parallel_loop3A_319, %parallel_loop3A_310 : vector<16xf32>
        tpu.vector_store_idx %arg14[%parallel_loop3A_313, %parallel_loop3A_316, %add3A_5], %parallel_loop3A_320 : memref<8x8x128xf32, #tpu.memory_space<vmem>>[vector<16xi32>, vector<16xi32>, vector<16xi32>], vector<16xf32>,
        %parallel_loop3A_321 = tpu.vector_load_idx %arg9[%add3A_8, %parallel_loop3A_309] : memref<128x64xf32, #tpu.memory_space<vmem>>[vector<16xi32>, vector<16xi32>], vector<16xf32>,
        %parallel_loop3A_322 = arith.addf %parallel_loop3A_321, %parallel_loop3A_310 : vector<16xf32>
        tpu.vector_store_idx %arg14[%parallel_loop3A_313, %parallel_loop3A_316, %add3A_8], %parallel_loop3A_322 : memref<8x8x128xf32, #tpu.memory_space<vmem>>[vector<16xi32>, vector<16xi32>, vector<16xi32>], vector<16xf32>,
        %parallel_loop3A_323 = tpu.vector_load_idx %arg9[%add3A_11, %parallel_loop3A_309] : memref<128x64xf32, #tpu.memory_space<vmem>>[vector<16xi32>, vector<16xi32>], vector<16xf32>,
        %parallel_loop3A_324 = arith.addf %parallel_loop3A_323, %parallel_loop3A_310 : vector<16xf32>
        tpu.vector_store_idx %arg14[%parallel_loop3A_313, %parallel_loop3A_316, %add3A_11], %parallel_loop3A_324 : memref<8x8x128xf32, #tpu.memory_space<vmem>>[vector<16xi32>, vector<16xi32>, vector<16xi32>], vector<16xf32>,
        %parallel_loop3A_325 = tpu.vector_load_idx %arg9[%add3A_14, %parallel_loop3A_309] : memref<128x64xf32, #tpu.memory_space<vmem>>[vector<16xi32>, vector<16xi32>], vector<16xf32>,
        %parallel_loop3A_326 = arith.addf %parallel_loop3A_325, %parallel_loop3A_310 : vector<16xf32>
        tpu.vector_store_idx %arg14[%parallel_loop3A_313, %parallel_loop3A_316, %add3A_14], %parallel_loop3A_326 : memref<8x8x128xf32, #tpu.memory_space<vmem>>[vector<16xi32>, vector<16xi32>, vector<16xi32>], vector<16xf32>,
        %parallel_loop3A_327 = tpu.vector_load_idx %arg9[%add3A_17, %parallel_loop3A_309] : memref<128x64xf32, #tpu.memory_space<vmem>>[vector<16xi32>, vector<16xi32>], vector<16xf32>,
        %parallel_loop3A_328 = arith.addf %parallel_loop3A_327, %parallel_loop3A_310 : vector<16xf32>
        tpu.vector_store_idx %arg14[%parallel_loop3A_313, %parallel_loop3A_316, %add3A_17], %parallel_loop3A_328 : memref<8x8x128xf32, #tpu.memory_space<vmem>>[vector<16xi32>, vector<16xi32>, vector<16xi32>], vector<16xf32>,
        %parallel_loop3A_329 = tpu.vector_load_idx %arg9[%add3A_20, %parallel_loop3A_309] : memref<128x64xf32, #tpu.memory_space<vmem>>[vector<16xi32>, vector<16xi32>], vector<16xf32>,
        %parallel_loop3A_330 = arith.addf %parallel_loop3A_329, %parallel_loop3A_310 : vector<16xf32>
        tpu.vector_store_idx %arg14[%parallel_loop3A_313, %parallel_loop3A_316, %add3A_20], %parallel_loop3A_330 : memref<8x8x128xf32, #tpu.memory_space<vmem>>[vector<16xi32>, vector<16xi32>, vector<16xi32>], vector<16xf32>,
        %parallel_loop3A_331 = tpu.vector_load_idx %arg9[%add3A_23, %parallel_loop3A_309] : memref<128x64xf32, #tpu.memory_space<vmem>>[vector<16xi32>, vector<16xi32>], vector<16xf32>,
        %parallel_loop3A_332 = arith.addf %parallel_loop3A_331, %parallel_loop3A_310 : vector<16xf32>
        tpu.vector_store_idx %arg14[%parallel_loop3A_313, %parallel_loop3A_316, %add3A_23], %parallel_loop3A_332 : memref<8x8x128xf32, #tpu.memory_space<vmem>>[vector<16xi32>, vector<16xi32>, vector<16xi32>], vector<16xf32>,
      } {sc.loop_unroll_factor = 8 : i64, sc.parallel_access}
      %dma_start3A_180 = arith.constant 0 : i32
      %dma_start3A_181 = arith.constant 0 : i32
      %dma_start3A_182 = arith.constant 0 : i32
      %dma_start3A_183 = tpu.memref_slice %arg5[%add3A_155, %dma_start3A_180, %add3A, %dma_start3A_181, %dma_start3A_182] : memref<200x8x32x8x128xf32, #tpu.memory_space<hbm>> -> memref<1x8x1x8x128xf32, #tpu.memory_space<hbm>>
      %dma_start3A_184 = tpu.memref_squeeze %dma_start3A_183 : memref<1x8x1x8x128xf32, #tpu.memory_space<hbm>> -> memref<8x8x128xf32, #tpu.memory_space<hbm>>
      %dma_start3A_185 = arith.constant 0 : i32
      %dma_start3A_186 = arith.constant 0 : i32
      %dma_start3A_187 = arith.constant 0 : i32
      %dma_start3A_188 = tpu.memref_slice %arg5[%add3A_155, %dma_start3A_185, %add3A, %dma_start3A_186, %dma_start3A_187] : memref<200x8x32x8x128xf32, #tpu.memory_space<hbm>> -> memref<1x8x1x8x128xf32, #tpu.memory_space<hbm>>
      %dma_start3A_189 = tpu.memref_squeeze %dma_start3A_188 : memref<1x8x1x8x128xf32, #tpu.memory_space<hbm>> -> memref<8x8x128xf32, #tpu.memory_space<hbm>>
      tpu.enqueue_dma source(%arg14 : memref<8x8x128xf32, #tpu.memory_space<vmem>>) target(%dma_start3A_189 : memref<8x8x128xf32, #tpu.memory_space<hbm>>) target_semaphore(%arg24 : memref<!tpu.dma_semaphore, #tpu.memory_space<semaphore_mem>>)
      %mul3A_190 = arith.constant 5 : i32
      %mul3A_191 = arith.muli %scan3A_119, %mul3A_190 : i32
      %add3A_192 = arith.constant 2 : i32
      %add3A_193 = arith.addi %mul3A_191, %add3A_192 : i32
      %add3A_194 = arith.constant 5 : i32
      %add3A_195 = arith.addi %add3A_193, %add3A_194 : i32
      %sub3A_196 = arith.constant 1 : i32
      %sub3A_197 = arith.subi %add3A_195, %sub3A_196 : i32
      %lt3A_198 = arith.constant 200 : i32
      %lt3A_199 = arith.cmpi slt, %sub3A_197, %lt3A_198 : i32
      %convert_element_type3A_200 = arith.extui %lt3A_199 : i1 to i32
      %cond3A_201 = arith.constant 0 : i32
      %cond3A_202 = arith.cmpi ne, %convert_element_type3A_200, %cond3A_201 : i32
      scf.if %cond3A_202 {
        %add3A_304 = arith.constant 5 : i32
        %add3A_305 = arith.addi %add3A_193, %add3A_304 : i32
        %sub3A_306 = arith.constant 1 : i32
        %sub3A_307 = arith.subi %add3A_305, %sub3A_306 : i32
        %jit3A = arith.constant 8 : i32
        %div3A = arith.divsi %sub3A_307, %jit3A : i32
        %sign3A = arith.constant 0 : i32
        %sign3A_308 = arith.cmpi sgt, %sub3A_307, %sign3A : i32
        %sign3A_309 = arith.extui %sign3A_308 : i1 to i32
        %sign3A_310 = arith.constant 0 : i32
        %sign3A_311 = arith.cmpi slt, %sub3A_307, %sign3A_310 : i32
        %sign3A_312 = arith.extui %sign3A_311 : i1 to i32
        %sign3A_313 = arith.subi %sign3A_309, %sign3A_312 : i32
        %sign3A_314 = arith.constant 0 : i32
        %sign3A_315 = arith.cmpi sgt, %jit3A, %sign3A_314 : i32
        %sign3A_316 = arith.extui %sign3A_315 : i1 to i32
        %sign3A_317 = arith.constant 0 : i32
        %sign3A_318 = arith.cmpi slt, %jit3A, %sign3A_317 : i32
        %sign3A_319 = arith.extui %sign3A_318 : i1 to i32
        %sign3A_320 = arith.subi %sign3A_316, %sign3A_319 : i32
        %ne3A = arith.cmpi ne, %sign3A_313, %sign3A_320 : i32
        %rem3A = arith.remsi %sub3A_307, %jit3A : i32
        %ne3A_321 = arith.constant 0 : i32
        %ne3A_322 = arith.cmpi ne, %rem3A, %ne3A_321 : i32
        %and3A = arith.andi %ne3A, %ne3A_322 : i1
        %sub3A_323 = arith.constant 1 : i32
        %sub3A_324 = arith.subi %div3A, %sub3A_323 : i32
        %select_n3A = arith.select %and3A, %sub3A_324, %div3A : i32
        %jit3A_325 = arith.constant 8 : i32
        %eq3A = arith.constant 0 : i32
        %eq3A_326 = arith.cmpi eq, %jit3A_325, %eq3A : i32
        %jit3A_327 = arith.constant 1 : i32
        %select_n3A_328 = arith.select %eq3A_326, %jit3A_327, %jit3A_325 : i32
        %rem3A_329 = arith.remsi %sub3A_307, %select_n3A_328 : i32
        %ne3A_330 = arith.constant 0 : i32
        %ne3A_331 = arith.cmpi ne, %rem3A_329, %ne3A_330 : i32
        %lt3A_332 = arith.constant 0 : i32
        %lt3A_333 = arith.cmpi slt, %rem3A_329, %lt3A_332 : i32
        %lt3A_334 = arith.constant 0 : i32
        %lt3A_335 = arith.cmpi slt, %select_n3A_328, %lt3A_334 : i32
        %ne3A_336 = arith.xori %lt3A_333, %lt3A_335 : i1
        %and3A_337 = arith.andi %ne3A_336, %ne3A_331 : i1
        %add3A_338 = arith.addi %rem3A_329, %select_n3A_328 : i32
        %select_n3A_339 = arith.select %and3A_337, %add3A_338, %rem3A_329 : i32
        %dma_start3A_340 = arith.constant 0 : i32
        %dma_start3A_341 = tpu.memref_slice %arg6[%select_n3A, %select_n3A_339, %dma_start3A_340] : memref<25x8x128xi32, #tpu.memory_space<vmem>> -> memref<1x1x128xi32, #tpu.memory_space<vmem>>
        %dma_start3A_342 = tpu.memref_squeeze %dma_start3A_341 : memref<1x1x128xi32, #tpu.memory_space<vmem>> -> memref<128xi32, #tpu.memory_space<vmem>>
        %dma_start3A_343 = arith.constant 0 : i32
        %dma_start3A_344 = arith.constant 0 : i32
        %dma_start3A_345 = tpu.memref_slice %arg3[%dma_start3A_343, %dma_start3A_344] : memref<1000000x64xf32, #tpu.memory_space<hbm>> -> memref<1000000x64xf32, #tpu.memory_space<hbm>>
        tpu.enqueue_indirect_dma source(%dma_start3A_345 : memref<1000000x64xf32, #tpu.memory_space<hbm>>) target(%arg9 : memref<128x64xf32, #tpu.memory_space<vmem>>) offsets(%dma_start3A_342 : memref<128xi32, #tpu.memory_space<vmem>>) semaphore(%arg19 : memref<!tpu.dma_semaphore, #tpu.memory_space<semaphore_mem>>)
      } else {
      }
      %dma_wait3A_203 = arith.constant 0 : i32
      %dma_wait3A_204 = arith.constant 0 : i32
      %dma_wait3A_205 = tpu.memref_slice %arg3[%dma_wait3A_203, %dma_wait3A_204] : memref<1000000x64xf32, #tpu.memory_space<hbm>> -> memref<128x64xf32, #tpu.memory_space<hbm>>
      %dma_wait3A_206 = arith.constant 0 : i32
      %dma_wait3A_207 = arith.constant 0 : i32
      %dma_wait3A_208 = tpu.memref_slice %arg3[%dma_wait3A_206, %dma_wait3A_207] : memref<1000000x64xf32, #tpu.memory_space<hbm>> -> memref<128x64xf32, #tpu.memory_space<hbm>>
      tpu.wait_dma2 semaphore(%arg20 : memref<!tpu.dma_semaphore, #tpu.memory_space<semaphore_mem>>) src(%dma_wait3A_208 : memref<128x64xf32, #tpu.memory_space<hbm>>) dst(%arg10 : memref<128x64xf32, #tpu.memory_space<vmem>>)
      %ge3A_209 = arith.constant 5 : i32
      %ge3A_210 = arith.cmpi sge, %add3A_193, %ge3A_209 : i32
      %convert_element_type3A_211 = arith.extui %ge3A_210 : i1 to i32
      %cond3A_212 = arith.constant 0 : i32
      %cond3A_213 = arith.cmpi ne, %convert_element_type3A_211, %cond3A_212 : i32
      scf.if %cond3A_213 {
        %dma_wait3A_304 = arith.constant 0 : i32
        %dma_wait3A_305 = arith.constant 0 : i32
        %dma_wait3A_306 = arith.constant 0 : i32
        %dma_wait3A_307 = arith.constant 0 : i32
        %dma_wait3A_308 = arith.constant 0 : i32
        %dma_wait3A_309 = tpu.memref_slice %arg5[%dma_wait3A_304, %dma_wait3A_306, %dma_wait3A_305, %dma_wait3A_307, %dma_wait3A_308] : memref<200x8x32x8x128xf32, #tpu.memory_space<hbm>> -> memref<1x8x1x8x128xf32, #tpu.memory_space<hbm>>
        %dma_wait3A_310 = tpu.memref_squeeze %dma_wait3A_309 : memref<1x8x1x8x128xf32, #tpu.memory_space<hbm>> -> memref<8x8x128xf32, #tpu.memory_space<hbm>>
        %dma_wait3A_311 = arith.constant 0 : i32
        %dma_wait3A_312 = arith.constant 0 : i32
        %dma_wait3A_313 = arith.constant 0 : i32
        %dma_wait3A_314 = tpu.memref_slice %arg5[%dma_wait3A_304, %dma_wait3A_311, %dma_wait3A_305, %dma_wait3A_312, %dma_wait3A_313] : memref<200x8x32x8x128xf32, #tpu.memory_space<hbm>> -> memref<1x8x1x8x128xf32, #tpu.memory_space<hbm>>
        %dma_wait3A_315 = tpu.memref_squeeze %dma_wait3A_314 : memref<1x8x1x8x128xf32, #tpu.memory_space<hbm>> -> memref<8x8x128xf32, #tpu.memory_space<hbm>>
        tpu.wait_dma2 semaphore(%arg25 : memref<!tpu.dma_semaphore, #tpu.memory_space<semaphore_mem>>) src(%arg15 : memref<8x8x128xf32, #tpu.memory_space<vmem>>) dst(%dma_wait3A_315 : memref<8x8x128xf32, #tpu.memory_space<hbm>>)
      } else {
      }
      %broadcast_in_dim3A_214 = vector.broadcast %add3A_193 : i32 to vector<16xi32>
      %parallel_loop3A_215 = arith.constant 0 : i32
      %parallel_loop3A_216 = arith.constant 64 : i32
      %parallel_loop3A_217 = arith.constant 1 : i32
      scf.for %parallel_loop3A_304 = %parallel_loop3A_215 to %parallel_loop3A_216 step %parallel_loop3A_217  : i32 {
        %parallel_loop3A_305 = vector.broadcast %parallel_loop3A_304 : i32 to vector<16xi32>
        %parallel_loop3A_306 = arith.addi %iota3A, %parallel_loop3A_305 : vector<16xi32>
        %parallel_loop3A_307 = arith.constant 63 : i32
        %parallel_loop3A_308 = vector.broadcast %parallel_loop3A_307 : i32 to vector<16xi32>
        %parallel_loop3A_309 = arith.andi %parallel_loop3A_306, %parallel_loop3A_308 : vector<16xi32>
        %parallel_loop3A_310 = tpu.vector_load_idx %arg7[%broadcast_in_dim3A_214, %parallel_loop3A_309] : memref<200x64xf32, #tpu.memory_space<vmem>>[vector<16xi32>, vector<16xi32>], vector<16xf32>,
        %parallel_loop3A_311 = arith.constant 3 : i32
        %parallel_loop3A_312 = vector.broadcast %parallel_loop3A_311 : i32 to vector<16xi32>
        %parallel_loop3A_313 = arith.shrui %parallel_loop3A_309, %parallel_loop3A_312 : vector<16xi32>
        %parallel_loop3A_314 = arith.constant 7 : i32
        %parallel_loop3A_315 = vector.broadcast %parallel_loop3A_314 : i32 to vector<16xi32>
        %parallel_loop3A_316 = arith.andi %parallel_loop3A_309, %parallel_loop3A_315 : vector<16xi32>
        %parallel_loop3A_317 = tpu.vector_load_idx %arg10[%add3A_2, %parallel_loop3A_309] : memref<128x64xf32, #tpu.memory_space<vmem>>[vector<16xi32>, vector<16xi32>], vector<16xf32>,
        %parallel_loop3A_318 = arith.addf %parallel_loop3A_317, %parallel_loop3A_310 : vector<16xf32>
        tpu.vector_store_idx %arg15[%parallel_loop3A_313, %parallel_loop3A_316, %add3A_2], %parallel_loop3A_318 : memref<8x8x128xf32, #tpu.memory_space<vmem>>[vector<16xi32>, vector<16xi32>, vector<16xi32>], vector<16xf32>,
        %parallel_loop3A_319 = tpu.vector_load_idx %arg10[%add3A_5, %parallel_loop3A_309] : memref<128x64xf32, #tpu.memory_space<vmem>>[vector<16xi32>, vector<16xi32>], vector<16xf32>,
        %parallel_loop3A_320 = arith.addf %parallel_loop3A_319, %parallel_loop3A_310 : vector<16xf32>
        tpu.vector_store_idx %arg15[%parallel_loop3A_313, %parallel_loop3A_316, %add3A_5], %parallel_loop3A_320 : memref<8x8x128xf32, #tpu.memory_space<vmem>>[vector<16xi32>, vector<16xi32>, vector<16xi32>], vector<16xf32>,
        %parallel_loop3A_321 = tpu.vector_load_idx %arg10[%add3A_8, %parallel_loop3A_309] : memref<128x64xf32, #tpu.memory_space<vmem>>[vector<16xi32>, vector<16xi32>], vector<16xf32>,
        %parallel_loop3A_322 = arith.addf %parallel_loop3A_321, %parallel_loop3A_310 : vector<16xf32>
        tpu.vector_store_idx %arg15[%parallel_loop3A_313, %parallel_loop3A_316, %add3A_8], %parallel_loop3A_322 : memref<8x8x128xf32, #tpu.memory_space<vmem>>[vector<16xi32>, vector<16xi32>, vector<16xi32>], vector<16xf32>,
        %parallel_loop3A_323 = tpu.vector_load_idx %arg10[%add3A_11, %parallel_loop3A_309] : memref<128x64xf32, #tpu.memory_space<vmem>>[vector<16xi32>, vector<16xi32>], vector<16xf32>,
        %parallel_loop3A_324 = arith.addf %parallel_loop3A_323, %parallel_loop3A_310 : vector<16xf32>
        tpu.vector_store_idx %arg15[%parallel_loop3A_313, %parallel_loop3A_316, %add3A_11], %parallel_loop3A_324 : memref<8x8x128xf32, #tpu.memory_space<vmem>>[vector<16xi32>, vector<16xi32>, vector<16xi32>], vector<16xf32>,
        %parallel_loop3A_325 = tpu.vector_load_idx %arg10[%add3A_14, %parallel_loop3A_309] : memref<128x64xf32, #tpu.memory_space<vmem>>[vector<16xi32>, vector<16xi32>], vector<16xf32>,
        %parallel_loop3A_326 = arith.addf %parallel_loop3A_325, %parallel_loop3A_310 : vector<16xf32>
        tpu.vector_store_idx %arg15[%parallel_loop3A_313, %parallel_loop3A_316, %add3A_14], %parallel_loop3A_326 : memref<8x8x128xf32, #tpu.memory_space<vmem>>[vector<16xi32>, vector<16xi32>, vector<16xi32>], vector<16xf32>,
        %parallel_loop3A_327 = tpu.vector_load_idx %arg10[%add3A_17, %parallel_loop3A_309] : memref<128x64xf32, #tpu.memory_space<vmem>>[vector<16xi32>, vector<16xi32>], vector<16xf32>,
        %parallel_loop3A_328 = arith.addf %parallel_loop3A_327, %parallel_loop3A_310 : vector<16xf32>
        tpu.vector_store_idx %arg15[%parallel_loop3A_313, %parallel_loop3A_316, %add3A_17], %parallel_loop3A_328 : memref<8x8x128xf32, #tpu.memory_space<vmem>>[vector<16xi32>, vector<16xi32>, vector<16xi32>], vector<16xf32>,
        %parallel_loop3A_329 = tpu.vector_load_idx %arg10[%add3A_20, %parallel_loop3A_309] : memref<128x64xf32, #tpu.memory_space<vmem>>[vector<16xi32>, vector<16xi32>], vector<16xf32>,
        %parallel_loop3A_330 = arith.addf %parallel_loop3A_329, %parallel_loop3A_310 : vector<16xf32>
        tpu.vector_store_idx %arg15[%parallel_loop3A_313, %parallel_loop3A_316, %add3A_20], %parallel_loop3A_330 : memref<8x8x128xf32, #tpu.memory_space<vmem>>[vector<16xi32>, vector<16xi32>, vector<16xi32>], vector<16xf32>,
        %parallel_loop3A_331 = tpu.vector_load_idx %arg10[%add3A_23, %parallel_loop3A_309] : memref<128x64xf32, #tpu.memory_space<vmem>>[vector<16xi32>, vector<16xi32>], vector<16xf32>,
        %parallel_loop3A_332 = arith.addf %parallel_loop3A_331, %parallel_loop3A_310 : vector<16xf32>
        tpu.vector_store_idx %arg15[%parallel_loop3A_313, %parallel_loop3A_316, %add3A_23], %parallel_loop3A_332 : memref<8x8x128xf32, #tpu.memory_space<vmem>>[vector<16xi32>, vector<16xi32>, vector<16xi32>], vector<16xf32>,
      } {sc.loop_unroll_factor = 8 : i64, sc.parallel_access}
      %dma_start3A_218 = arith.constant 0 : i32
      %dma_start3A_219 = arith.constant 0 : i32
      %dma_start3A_220 = arith.constant 0 : i32
      %dma_start3A_221 = tpu.memref_slice %arg5[%add3A_193, %dma_start3A_218, %add3A, %dma_start3A_219, %dma_start3A_220] : memref<200x8x32x8x128xf32, #tpu.memory_space<hbm>> -> memref<1x8x1x8x128xf32, #tpu.memory_space<hbm>>
      %dma_start3A_222 = tpu.memref_squeeze %dma_start3A_221 : memref<1x8x1x8x128xf32, #tpu.memory_space<hbm>> -> memref<8x8x128xf32, #tpu.memory_space<hbm>>
      %dma_start3A_223 = arith.constant 0 : i32
      %dma_start3A_224 = arith.constant 0 : i32
      %dma_start3A_225 = arith.constant 0 : i32
      %dma_start3A_226 = tpu.memref_slice %arg5[%add3A_193, %dma_start3A_223, %add3A, %dma_start3A_224, %dma_start3A_225] : memref<200x8x32x8x128xf32, #tpu.memory_space<hbm>> -> memref<1x8x1x8x128xf32, #tpu.memory_space<hbm>>
      %dma_start3A_227 = tpu.memref_squeeze %dma_start3A_226 : memref<1x8x1x8x128xf32, #tpu.memory_space<hbm>> -> memref<8x8x128xf32, #tpu.memory_space<hbm>>
      tpu.enqueue_dma source(%arg15 : memref<8x8x128xf32, #tpu.memory_space<vmem>>) target(%dma_start3A_227 : memref<8x8x128xf32, #tpu.memory_space<hbm>>) target_semaphore(%arg25 : memref<!tpu.dma_semaphore, #tpu.memory_space<semaphore_mem>>)
      %mul3A_228 = arith.constant 5 : i32
      %mul3A_229 = arith.muli %scan3A_119, %mul3A_228 : i32
      %add3A_230 = arith.constant 3 : i32
      %add3A_231 = arith.addi %mul3A_229, %add3A_230 : i32
      %add3A_232 = arith.constant 5 : i32
      %add3A_233 = arith.addi %add3A_231, %add3A_232 : i32
      %sub3A_234 = arith.constant 1 : i32
      %sub3A_235 = arith.subi %add3A_233, %sub3A_234 : i32
      %lt3A_236 = arith.constant 200 : i32
      %lt3A_237 = arith.cmpi slt, %sub3A_235, %lt3A_236 : i32
      %convert_element_type3A_238 = arith.extui %lt3A_237 : i1 to i32
      %cond3A_239 = arith.constant 0 : i32
      %cond3A_240 = arith.cmpi ne, %convert_element_type3A_238, %cond3A_239 : i32
      scf.if %cond3A_240 {
        %add3A_304 = arith.constant 5 : i32
        %add3A_305 = arith.addi %add3A_231, %add3A_304 : i32
        %sub3A_306 = arith.constant 1 : i32
        %sub3A_307 = arith.subi %add3A_305, %sub3A_306 : i32
        %jit3A = arith.constant 8 : i32
        %div3A = arith.divsi %sub3A_307, %jit3A : i32
        %sign3A = arith.constant 0 : i32
        %sign3A_308 = arith.cmpi sgt, %sub3A_307, %sign3A : i32
        %sign3A_309 = arith.extui %sign3A_308 : i1 to i32
        %sign3A_310 = arith.constant 0 : i32
        %sign3A_311 = arith.cmpi slt, %sub3A_307, %sign3A_310 : i32
        %sign3A_312 = arith.extui %sign3A_311 : i1 to i32
        %sign3A_313 = arith.subi %sign3A_309, %sign3A_312 : i32
        %sign3A_314 = arith.constant 0 : i32
        %sign3A_315 = arith.cmpi sgt, %jit3A, %sign3A_314 : i32
        %sign3A_316 = arith.extui %sign3A_315 : i1 to i32
        %sign3A_317 = arith.constant 0 : i32
        %sign3A_318 = arith.cmpi slt, %jit3A, %sign3A_317 : i32
        %sign3A_319 = arith.extui %sign3A_318 : i1 to i32
        %sign3A_320 = arith.subi %sign3A_316, %sign3A_319 : i32
        %ne3A = arith.cmpi ne, %sign3A_313, %sign3A_320 : i32
        %rem3A = arith.remsi %sub3A_307, %jit3A : i32
        %ne3A_321 = arith.constant 0 : i32
        %ne3A_322 = arith.cmpi ne, %rem3A, %ne3A_321 : i32
        %and3A = arith.andi %ne3A, %ne3A_322 : i1
        %sub3A_323 = arith.constant 1 : i32
        %sub3A_324 = arith.subi %div3A, %sub3A_323 : i32
        %select_n3A = arith.select %and3A, %sub3A_324, %div3A : i32
        %jit3A_325 = arith.constant 8 : i32
        %eq3A = arith.constant 0 : i32
        %eq3A_326 = arith.cmpi eq, %jit3A_325, %eq3A : i32
        %jit3A_327 = arith.constant 1 : i32
        %select_n3A_328 = arith.select %eq3A_326, %jit3A_327, %jit3A_325 : i32
        %rem3A_329 = arith.remsi %sub3A_307, %select_n3A_328 : i32
        %ne3A_330 = arith.constant 0 : i32
        %ne3A_331 = arith.cmpi ne, %rem3A_329, %ne3A_330 : i32
        %lt3A_332 = arith.constant 0 : i32
        %lt3A_333 = arith.cmpi slt, %rem3A_329, %lt3A_332 : i32
        %lt3A_334 = arith.constant 0 : i32
        %lt3A_335 = arith.cmpi slt, %select_n3A_328, %lt3A_334 : i32
        %ne3A_336 = arith.xori %lt3A_333, %lt3A_335 : i1
        %and3A_337 = arith.andi %ne3A_336, %ne3A_331 : i1
        %add3A_338 = arith.addi %rem3A_329, %select_n3A_328 : i32
        %select_n3A_339 = arith.select %and3A_337, %add3A_338, %rem3A_329 : i32
        %dma_start3A_340 = arith.constant 0 : i32
        %dma_start3A_341 = tpu.memref_slice %arg6[%select_n3A, %select_n3A_339, %dma_start3A_340] : memref<25x8x128xi32, #tpu.memory_space<vmem>> -> memref<1x1x128xi32, #tpu.memory_space<vmem>>
        %dma_start3A_342 = tpu.memref_squeeze %dma_start3A_341 : memref<1x1x128xi32, #tpu.memory_space<vmem>> -> memref<128xi32, #tpu.memory_space<vmem>>
        %dma_start3A_343 = arith.constant 0 : i32
        %dma_start3A_344 = arith.constant 0 : i32
        %dma_start3A_345 = tpu.memref_slice %arg3[%dma_start3A_343, %dma_start3A_344] : memref<1000000x64xf32, #tpu.memory_space<hbm>> -> memref<1000000x64xf32, #tpu.memory_space<hbm>>
        tpu.enqueue_indirect_dma source(%dma_start3A_345 : memref<1000000x64xf32, #tpu.memory_space<hbm>>) target(%arg10 : memref<128x64xf32, #tpu.memory_space<vmem>>) offsets(%dma_start3A_342 : memref<128xi32, #tpu.memory_space<vmem>>) semaphore(%arg20 : memref<!tpu.dma_semaphore, #tpu.memory_space<semaphore_mem>>)
      } else {
      }
      %dma_wait3A_241 = arith.constant 0 : i32
      %dma_wait3A_242 = arith.constant 0 : i32
      %dma_wait3A_243 = tpu.memref_slice %arg3[%dma_wait3A_241, %dma_wait3A_242] : memref<1000000x64xf32, #tpu.memory_space<hbm>> -> memref<128x64xf32, #tpu.memory_space<hbm>>
      %dma_wait3A_244 = arith.constant 0 : i32
      %dma_wait3A_245 = arith.constant 0 : i32
      %dma_wait3A_246 = tpu.memref_slice %arg3[%dma_wait3A_244, %dma_wait3A_245] : memref<1000000x64xf32, #tpu.memory_space<hbm>> -> memref<128x64xf32, #tpu.memory_space<hbm>>
      tpu.wait_dma2 semaphore(%arg21 : memref<!tpu.dma_semaphore, #tpu.memory_space<semaphore_mem>>) src(%dma_wait3A_246 : memref<128x64xf32, #tpu.memory_space<hbm>>) dst(%arg11 : memref<128x64xf32, #tpu.memory_space<vmem>>)
      %ge3A_247 = arith.constant 5 : i32
      %ge3A_248 = arith.cmpi sge, %add3A_231, %ge3A_247 : i32
      %convert_element_type3A_249 = arith.extui %ge3A_248 : i1 to i32
      %cond3A_250 = arith.constant 0 : i32
      %cond3A_251 = arith.cmpi ne, %convert_element_type3A_249, %cond3A_250 : i32
      scf.if %cond3A_251 {
        %dma_wait3A_304 = arith.constant 0 : i32
        %dma_wait3A_305 = arith.constant 0 : i32
        %dma_wait3A_306 = arith.constant 0 : i32
        %dma_wait3A_307 = arith.constant 0 : i32
        %dma_wait3A_308 = arith.constant 0 : i32
        %dma_wait3A_309 = tpu.memref_slice %arg5[%dma_wait3A_304, %dma_wait3A_306, %dma_wait3A_305, %dma_wait3A_307, %dma_wait3A_308] : memref<200x8x32x8x128xf32, #tpu.memory_space<hbm>> -> memref<1x8x1x8x128xf32, #tpu.memory_space<hbm>>
        %dma_wait3A_310 = tpu.memref_squeeze %dma_wait3A_309 : memref<1x8x1x8x128xf32, #tpu.memory_space<hbm>> -> memref<8x8x128xf32, #tpu.memory_space<hbm>>
        %dma_wait3A_311 = arith.constant 0 : i32
        %dma_wait3A_312 = arith.constant 0 : i32
        %dma_wait3A_313 = arith.constant 0 : i32
        %dma_wait3A_314 = tpu.memref_slice %arg5[%dma_wait3A_304, %dma_wait3A_311, %dma_wait3A_305, %dma_wait3A_312, %dma_wait3A_313] : memref<200x8x32x8x128xf32, #tpu.memory_space<hbm>> -> memref<1x8x1x8x128xf32, #tpu.memory_space<hbm>>
        %dma_wait3A_315 = tpu.memref_squeeze %dma_wait3A_314 : memref<1x8x1x8x128xf32, #tpu.memory_space<hbm>> -> memref<8x8x128xf32, #tpu.memory_space<hbm>>
        tpu.wait_dma2 semaphore(%arg26 : memref<!tpu.dma_semaphore, #tpu.memory_space<semaphore_mem>>) src(%arg16 : memref<8x8x128xf32, #tpu.memory_space<vmem>>) dst(%dma_wait3A_315 : memref<8x8x128xf32, #tpu.memory_space<hbm>>)
      } else {
      }
      %broadcast_in_dim3A_252 = vector.broadcast %add3A_231 : i32 to vector<16xi32>
      %parallel_loop3A_253 = arith.constant 0 : i32
      %parallel_loop3A_254 = arith.constant 64 : i32
      %parallel_loop3A_255 = arith.constant 1 : i32
      scf.for %parallel_loop3A_304 = %parallel_loop3A_253 to %parallel_loop3A_254 step %parallel_loop3A_255  : i32 {
        %parallel_loop3A_305 = vector.broadcast %parallel_loop3A_304 : i32 to vector<16xi32>
        %parallel_loop3A_306 = arith.addi %iota3A, %parallel_loop3A_305 : vector<16xi32>
        %parallel_loop3A_307 = arith.constant 63 : i32
        %parallel_loop3A_308 = vector.broadcast %parallel_loop3A_307 : i32 to vector<16xi32>
        %parallel_loop3A_309 = arith.andi %parallel_loop3A_306, %parallel_loop3A_308 : vector<16xi32>
        %parallel_loop3A_310 = tpu.vector_load_idx %arg7[%broadcast_in_dim3A_252, %parallel_loop3A_309] : memref<200x64xf32, #tpu.memory_space<vmem>>[vector<16xi32>, vector<16xi32>], vector<16xf32>,
        %parallel_loop3A_311 = arith.constant 3 : i32
        %parallel_loop3A_312 = vector.broadcast %parallel_loop3A_311 : i32 to vector<16xi32>
        %parallel_loop3A_313 = arith.shrui %parallel_loop3A_309, %parallel_loop3A_312 : vector<16xi32>
        %parallel_loop3A_314 = arith.constant 7 : i32
        %parallel_loop3A_315 = vector.broadcast %parallel_loop3A_314 : i32 to vector<16xi32>
        %parallel_loop3A_316 = arith.andi %parallel_loop3A_309, %parallel_loop3A_315 : vector<16xi32>
        %parallel_loop3A_317 = tpu.vector_load_idx %arg11[%add3A_2, %parallel_loop3A_309] : memref<128x64xf32, #tpu.memory_space<vmem>>[vector<16xi32>, vector<16xi32>], vector<16xf32>,
        %parallel_loop3A_318 = arith.addf %parallel_loop3A_317, %parallel_loop3A_310 : vector<16xf32>
        tpu.vector_store_idx %arg16[%parallel_loop3A_313, %parallel_loop3A_316, %add3A_2], %parallel_loop3A_318 : memref<8x8x128xf32, #tpu.memory_space<vmem>>[vector<16xi32>, vector<16xi32>, vector<16xi32>], vector<16xf32>,
        %parallel_loop3A_319 = tpu.vector_load_idx %arg11[%add3A_5, %parallel_loop3A_309] : memref<128x64xf32, #tpu.memory_space<vmem>>[vector<16xi32>, vector<16xi32>], vector<16xf32>,
        %parallel_loop3A_320 = arith.addf %parallel_loop3A_319, %parallel_loop3A_310 : vector<16xf32>
        tpu.vector_store_idx %arg16[%parallel_loop3A_313, %parallel_loop3A_316, %add3A_5], %parallel_loop3A_320 : memref<8x8x128xf32, #tpu.memory_space<vmem>>[vector<16xi32>, vector<16xi32>, vector<16xi32>], vector<16xf32>,
        %parallel_loop3A_321 = tpu.vector_load_idx %arg11[%add3A_8, %parallel_loop3A_309] : memref<128x64xf32, #tpu.memory_space<vmem>>[vector<16xi32>, vector<16xi32>], vector<16xf32>,
        %parallel_loop3A_322 = arith.addf %parallel_loop3A_321, %parallel_loop3A_310 : vector<16xf32>
        tpu.vector_store_idx %arg16[%parallel_loop3A_313, %parallel_loop3A_316, %add3A_8], %parallel_loop3A_322 : memref<8x8x128xf32, #tpu.memory_space<vmem>>[vector<16xi32>, vector<16xi32>, vector<16xi32>], vector<16xf32>,
        %parallel_loop3A_323 = tpu.vector_load_idx %arg11[%add3A_11, %parallel_loop3A_309] : memref<128x64xf32, #tpu.memory_space<vmem>>[vector<16xi32>, vector<16xi32>], vector<16xf32>,
        %parallel_loop3A_324 = arith.addf %parallel_loop3A_323, %parallel_loop3A_310 : vector<16xf32>
        tpu.vector_store_idx %arg16[%parallel_loop3A_313, %parallel_loop3A_316, %add3A_11], %parallel_loop3A_324 : memref<8x8x128xf32, #tpu.memory_space<vmem>>[vector<16xi32>, vector<16xi32>, vector<16xi32>], vector<16xf32>,
        %parallel_loop3A_325 = tpu.vector_load_idx %arg11[%add3A_14, %parallel_loop3A_309] : memref<128x64xf32, #tpu.memory_space<vmem>>[vector<16xi32>, vector<16xi32>], vector<16xf32>,
        %parallel_loop3A_326 = arith.addf %parallel_loop3A_325, %parallel_loop3A_310 : vector<16xf32>
        tpu.vector_store_idx %arg16[%parallel_loop3A_313, %parallel_loop3A_316, %add3A_14], %parallel_loop3A_326 : memref<8x8x128xf32, #tpu.memory_space<vmem>>[vector<16xi32>, vector<16xi32>, vector<16xi32>], vector<16xf32>,
        %parallel_loop3A_327 = tpu.vector_load_idx %arg11[%add3A_17, %parallel_loop3A_309] : memref<128x64xf32, #tpu.memory_space<vmem>>[vector<16xi32>, vector<16xi32>], vector<16xf32>,
        %parallel_loop3A_328 = arith.addf %parallel_loop3A_327, %parallel_loop3A_310 : vector<16xf32>
        tpu.vector_store_idx %arg16[%parallel_loop3A_313, %parallel_loop3A_316, %add3A_17], %parallel_loop3A_328 : memref<8x8x128xf32, #tpu.memory_space<vmem>>[vector<16xi32>, vector<16xi32>, vector<16xi32>], vector<16xf32>,
        %parallel_loop3A_329 = tpu.vector_load_idx %arg11[%add3A_20, %parallel_loop3A_309] : memref<128x64xf32, #tpu.memory_space<vmem>>[vector<16xi32>, vector<16xi32>], vector<16xf32>,
        %parallel_loop3A_330 = arith.addf %parallel_loop3A_329, %parallel_loop3A_310 : vector<16xf32>
        tpu.vector_store_idx %arg16[%parallel_loop3A_313, %parallel_loop3A_316, %add3A_20], %parallel_loop3A_330 : memref<8x8x128xf32, #tpu.memory_space<vmem>>[vector<16xi32>, vector<16xi32>, vector<16xi32>], vector<16xf32>,
        %parallel_loop3A_331 = tpu.vector_load_idx %arg11[%add3A_23, %parallel_loop3A_309] : memref<128x64xf32, #tpu.memory_space<vmem>>[vector<16xi32>, vector<16xi32>], vector<16xf32>,
        %parallel_loop3A_332 = arith.addf %parallel_loop3A_331, %parallel_loop3A_310 : vector<16xf32>
        tpu.vector_store_idx %arg16[%parallel_loop3A_313, %parallel_loop3A_316, %add3A_23], %parallel_loop3A_332 : memref<8x8x128xf32, #tpu.memory_space<vmem>>[vector<16xi32>, vector<16xi32>, vector<16xi32>], vector<16xf32>,
      } {sc.loop_unroll_factor = 8 : i64, sc.parallel_access}
      %dma_start3A_256 = arith.constant 0 : i32
      %dma_start3A_257 = arith.constant 0 : i32
      %dma_start3A_258 = arith.constant 0 : i32
      %dma_start3A_259 = tpu.memref_slice %arg5[%add3A_231, %dma_start3A_256, %add3A, %dma_start3A_257, %dma_start3A_258] : memref<200x8x32x8x128xf32, #tpu.memory_space<hbm>> -> memref<1x8x1x8x128xf32, #tpu.memory_space<hbm>>
      %dma_start3A_260 = tpu.memref_squeeze %dma_start3A_259 : memref<1x8x1x8x128xf32, #tpu.memory_space<hbm>> -> memref<8x8x128xf32, #tpu.memory_space<hbm>>
      %dma_start3A_261 = arith.constant 0 : i32
      %dma_start3A_262 = arith.constant 0 : i32
      %dma_start3A_263 = arith.constant 0 : i32
      %dma_start3A_264 = tpu.memref_slice %arg5[%add3A_231, %dma_start3A_261, %add3A, %dma_start3A_262, %dma_start3A_263] : memref<200x8x32x8x128xf32, #tpu.memory_space<hbm>> -> memref<1x8x1x8x128xf32, #tpu.memory_space<hbm>>
      %dma_start3A_265 = tpu.memref_squeeze %dma_start3A_264 : memref<1x8x1x8x128xf32, #tpu.memory_space<hbm>> -> memref<8x8x128xf32, #tpu.memory_space<hbm>>
      tpu.enqueue_dma source(%arg16 : memref<8x8x128xf32, #tpu.memory_space<vmem>>) target(%dma_start3A_265 : memref<8x8x128xf32, #tpu.memory_space<hbm>>) target_semaphore(%arg26 : memref<!tpu.dma_semaphore, #tpu.memory_space<semaphore_mem>>)
      %mul3A_266 = arith.constant 5 : i32
      %mul3A_267 = arith.muli %scan3A_119, %mul3A_266 : i32
      %add3A_268 = arith.constant 4 : i32
      %add3A_269 = arith.addi %mul3A_267, %add3A_268 : i32
      %add3A_270 = arith.constant 5 : i32
      %add3A_271 = arith.addi %add3A_269, %add3A_270 : i32
      %sub3A_272 = arith.constant 1 : i32
      %sub3A_273 = arith.subi %add3A_271, %sub3A_272 : i32
      %lt3A_274 = arith.constant 200 : i32
      %lt3A_275 = arith.cmpi slt, %sub3A_273, %lt3A_274 : i32
      %convert_element_type3A_276 = arith.extui %lt3A_275 : i1 to i32
      %cond3A_277 = arith.constant 0 : i32
      %cond3A_278 = arith.cmpi ne, %convert_element_type3A_276, %cond3A_277 : i32
      scf.if %cond3A_278 {
        %add3A_304 = arith.constant 5 : i32
        %add3A_305 = arith.addi %add3A_269, %add3A_304 : i32
        %sub3A_306 = arith.constant 1 : i32
        %sub3A_307 = arith.subi %add3A_305, %sub3A_306 : i32
        %jit3A = arith.constant 8 : i32
        %div3A = arith.divsi %sub3A_307, %jit3A : i32
        %sign3A = arith.constant 0 : i32
        %sign3A_308 = arith.cmpi sgt, %sub3A_307, %sign3A : i32
        %sign3A_309 = arith.extui %sign3A_308 : i1 to i32
        %sign3A_310 = arith.constant 0 : i32
        %sign3A_311 = arith.cmpi slt, %sub3A_307, %sign3A_310 : i32
        %sign3A_312 = arith.extui %sign3A_311 : i1 to i32
        %sign3A_313 = arith.subi %sign3A_309, %sign3A_312 : i32
        %sign3A_314 = arith.constant 0 : i32
        %sign3A_315 = arith.cmpi sgt, %jit3A, %sign3A_314 : i32
        %sign3A_316 = arith.extui %sign3A_315 : i1 to i32
        %sign3A_317 = arith.constant 0 : i32
        %sign3A_318 = arith.cmpi slt, %jit3A, %sign3A_317 : i32
        %sign3A_319 = arith.extui %sign3A_318 : i1 to i32
        %sign3A_320 = arith.subi %sign3A_316, %sign3A_319 : i32
        %ne3A = arith.cmpi ne, %sign3A_313, %sign3A_320 : i32
        %rem3A = arith.remsi %sub3A_307, %jit3A : i32
        %ne3A_321 = arith.constant 0 : i32
        %ne3A_322 = arith.cmpi ne, %rem3A, %ne3A_321 : i32
        %and3A = arith.andi %ne3A, %ne3A_322 : i1
        %sub3A_323 = arith.constant 1 : i32
        %sub3A_324 = arith.subi %div3A, %sub3A_323 : i32
        %select_n3A = arith.select %and3A, %sub3A_324, %div3A : i32
        %jit3A_325 = arith.constant 8 : i32
        %eq3A = arith.constant 0 : i32
        %eq3A_326 = arith.cmpi eq, %jit3A_325, %eq3A : i32
        %jit3A_327 = arith.constant 1 : i32
        %select_n3A_328 = arith.select %eq3A_326, %jit3A_327, %jit3A_325 : i32
        %rem3A_329 = arith.remsi %sub3A_307, %select_n3A_328 : i32
        %ne3A_330 = arith.constant 0 : i32
        %ne3A_331 = arith.cmpi ne, %rem3A_329, %ne3A_330 : i32
        %lt3A_332 = arith.constant 0 : i32
        %lt3A_333 = arith.cmpi slt, %rem3A_329, %lt3A_332 : i32
        %lt3A_334 = arith.constant 0 : i32
        %lt3A_335 = arith.cmpi slt, %select_n3A_328, %lt3A_334 : i32
        %ne3A_336 = arith.xori %lt3A_333, %lt3A_335 : i1
        %and3A_337 = arith.andi %ne3A_336, %ne3A_331 : i1
        %add3A_338 = arith.addi %rem3A_329, %select_n3A_328 : i32
        %select_n3A_339 = arith.select %and3A_337, %add3A_338, %rem3A_329 : i32
        %dma_start3A_340 = arith.constant 0 : i32
        %dma_start3A_341 = tpu.memref_slice %arg6[%select_n3A, %select_n3A_339, %dma_start3A_340] : memref<25x8x128xi32, #tpu.memory_space<vmem>> -> memref<1x1x128xi32, #tpu.memory_space<vmem>>
        %dma_start3A_342 = tpu.memref_squeeze %dma_start3A_341 : memref<1x1x128xi32, #tpu.memory_space<vmem>> -> memref<128xi32, #tpu.memory_space<vmem>>
        %dma_start3A_343 = arith.constant 0 : i32
        %dma_start3A_344 = arith.constant 0 : i32
        %dma_start3A_345 = tpu.memref_slice %arg3[%dma_start3A_343, %dma_start3A_344] : memref<1000000x64xf32, #tpu.memory_space<hbm>> -> memref<1000000x64xf32, #tpu.memory_space<hbm>>
        tpu.enqueue_indirect_dma source(%dma_start3A_345 : memref<1000000x64xf32, #tpu.memory_space<hbm>>) target(%arg11 : memref<128x64xf32, #tpu.memory_space<vmem>>) offsets(%dma_start3A_342 : memref<128xi32, #tpu.memory_space<vmem>>) semaphore(%arg21 : memref<!tpu.dma_semaphore, #tpu.memory_space<semaphore_mem>>)
      } else {
      }
      %dma_wait3A_279 = arith.constant 0 : i32
      %dma_wait3A_280 = arith.constant 0 : i32
      %dma_wait3A_281 = tpu.memref_slice %arg3[%dma_wait3A_279, %dma_wait3A_280] : memref<1000000x64xf32, #tpu.memory_space<hbm>> -> memref<128x64xf32, #tpu.memory_space<hbm>>
      %dma_wait3A_282 = arith.constant 0 : i32
      %dma_wait3A_283 = arith.constant 0 : i32
      %dma_wait3A_284 = tpu.memref_slice %arg3[%dma_wait3A_282, %dma_wait3A_283] : memref<1000000x64xf32, #tpu.memory_space<hbm>> -> memref<128x64xf32, #tpu.memory_space<hbm>>
      tpu.wait_dma2 semaphore(%arg22 : memref<!tpu.dma_semaphore, #tpu.memory_space<semaphore_mem>>) src(%dma_wait3A_284 : memref<128x64xf32, #tpu.memory_space<hbm>>) dst(%arg12 : memref<128x64xf32, #tpu.memory_space<vmem>>)
      %ge3A_285 = arith.constant 5 : i32
      %ge3A_286 = arith.cmpi sge, %add3A_269, %ge3A_285 : i32
      %convert_element_type3A_287 = arith.extui %ge3A_286 : i1 to i32
      %cond3A_288 = arith.constant 0 : i32
      %cond3A_289 = arith.cmpi ne, %convert_element_type3A_287, %cond3A_288 : i32
      scf.if %cond3A_289 {
        %dma_wait3A_304 = arith.constant 0 : i32
        %dma_wait3A_305 = arith.constant 0 : i32
        %dma_wait3A_306 = arith.constant 0 : i32
        %dma_wait3A_307 = arith.constant 0 : i32
        %dma_wait3A_308 = arith.constant 0 : i32
        %dma_wait3A_309 = tpu.memref_slice %arg5[%dma_wait3A_304, %dma_wait3A_306, %dma_wait3A_305, %dma_wait3A_307, %dma_wait3A_308] : memref<200x8x32x8x128xf32, #tpu.memory_space<hbm>> -> memref<1x8x1x8x128xf32, #tpu.memory_space<hbm>>
        %dma_wait3A_310 = tpu.memref_squeeze %dma_wait3A_309 : memref<1x8x1x8x128xf32, #tpu.memory_space<hbm>> -> memref<8x8x128xf32, #tpu.memory_space<hbm>>
        %dma_wait3A_311 = arith.constant 0 : i32
        %dma_wait3A_312 = arith.constant 0 : i32
        %dma_wait3A_313 = arith.constant 0 : i32
        %dma_wait3A_314 = tpu.memref_slice %arg5[%dma_wait3A_304, %dma_wait3A_311, %dma_wait3A_305, %dma_wait3A_312, %dma_wait3A_313] : memref<200x8x32x8x128xf32, #tpu.memory_space<hbm>> -> memref<1x8x1x8x128xf32, #tpu.memory_space<hbm>>
        %dma_wait3A_315 = tpu.memref_squeeze %dma_wait3A_314 : memref<1x8x1x8x128xf32, #tpu.memory_space<hbm>> -> memref<8x8x128xf32, #tpu.memory_space<hbm>>
        tpu.wait_dma2 semaphore(%arg27 : memref<!tpu.dma_semaphore, #tpu.memory_space<semaphore_mem>>) src(%arg17 : memref<8x8x128xf32, #tpu.memory_space<vmem>>) dst(%dma_wait3A_315 : memref<8x8x128xf32, #tpu.memory_space<hbm>>)
      } else {
      }
      %broadcast_in_dim3A_290 = vector.broadcast %add3A_269 : i32 to vector<16xi32>
      %parallel_loop3A_291 = arith.constant 0 : i32
      %parallel_loop3A_292 = arith.constant 64 : i32
      %parallel_loop3A_293 = arith.constant 1 : i32
      scf.for %parallel_loop3A_304 = %parallel_loop3A_291 to %parallel_loop3A_292 step %parallel_loop3A_293  : i32 {
        %parallel_loop3A_305 = vector.broadcast %parallel_loop3A_304 : i32 to vector<16xi32>
        %parallel_loop3A_306 = arith.addi %iota3A, %parallel_loop3A_305 : vector<16xi32>
        %parallel_loop3A_307 = arith.constant 63 : i32
        %parallel_loop3A_308 = vector.broadcast %parallel_loop3A_307 : i32 to vector<16xi32>
        %parallel_loop3A_309 = arith.andi %parallel_loop3A_306, %parallel_loop3A_308 : vector<16xi32>
        %parallel_loop3A_310 = tpu.vector_load_idx %arg7[%broadcast_in_dim3A_290, %parallel_loop3A_309] : memref<200x64xf32, #tpu.memory_space<vmem>>[vector<16xi32>, vector<16xi32>], vector<16xf32>,
        %parallel_loop3A_311 = arith.constant 3 : i32
        %parallel_loop3A_312 = vector.broadcast %parallel_loop3A_311 : i32 to vector<16xi32>
        %parallel_loop3A_313 = arith.shrui %parallel_loop3A_309, %parallel_loop3A_312 : vector<16xi32>
        %parallel_loop3A_314 = arith.constant 7 : i32
        %parallel_loop3A_315 = vector.broadcast %parallel_loop3A_314 : i32 to vector<16xi32>
        %parallel_loop3A_316 = arith.andi %parallel_loop3A_309, %parallel_loop3A_315 : vector<16xi32>
        %parallel_loop3A_317 = tpu.vector_load_idx %arg12[%add3A_2, %parallel_loop3A_309] : memref<128x64xf32, #tpu.memory_space<vmem>>[vector<16xi32>, vector<16xi32>], vector<16xf32>,
        %parallel_loop3A_318 = arith.addf %parallel_loop3A_317, %parallel_loop3A_310 : vector<16xf32>
        tpu.vector_store_idx %arg17[%parallel_loop3A_313, %parallel_loop3A_316, %add3A_2], %parallel_loop3A_318 : memref<8x8x128xf32, #tpu.memory_space<vmem>>[vector<16xi32>, vector<16xi32>, vector<16xi32>], vector<16xf32>,
        %parallel_loop3A_319 = tpu.vector_load_idx %arg12[%add3A_5, %parallel_loop3A_309] : memref<128x64xf32, #tpu.memory_space<vmem>>[vector<16xi32>, vector<16xi32>], vector<16xf32>,
        %parallel_loop3A_320 = arith.addf %parallel_loop3A_319, %parallel_loop3A_310 : vector<16xf32>
        tpu.vector_store_idx %arg17[%parallel_loop3A_313, %parallel_loop3A_316, %add3A_5], %parallel_loop3A_320 : memref<8x8x128xf32, #tpu.memory_space<vmem>>[vector<16xi32>, vector<16xi32>, vector<16xi32>], vector<16xf32>,
        %parallel_loop3A_321 = tpu.vector_load_idx %arg12[%add3A_8, %parallel_loop3A_309] : memref<128x64xf32, #tpu.memory_space<vmem>>[vector<16xi32>, vector<16xi32>], vector<16xf32>,
        %parallel_loop3A_322 = arith.addf %parallel_loop3A_321, %parallel_loop3A_310 : vector<16xf32>
        tpu.vector_store_idx %arg17[%parallel_loop3A_313, %parallel_loop3A_316, %add3A_8], %parallel_loop3A_322 : memref<8x8x128xf32, #tpu.memory_space<vmem>>[vector<16xi32>, vector<16xi32>, vector<16xi32>], vector<16xf32>,
        %parallel_loop3A_323 = tpu.vector_load_idx %arg12[%add3A_11, %parallel_loop3A_309] : memref<128x64xf32, #tpu.memory_space<vmem>>[vector<16xi32>, vector<16xi32>], vector<16xf32>,
        %parallel_loop3A_324 = arith.addf %parallel_loop3A_323, %parallel_loop3A_310 : vector<16xf32>
        tpu.vector_store_idx %arg17[%parallel_loop3A_313, %parallel_loop3A_316, %add3A_11], %parallel_loop3A_324 : memref<8x8x128xf32, #tpu.memory_space<vmem>>[vector<16xi32>, vector<16xi32>, vector<16xi32>], vector<16xf32>,
        %parallel_loop3A_325 = tpu.vector_load_idx %arg12[%add3A_14, %parallel_loop3A_309] : memref<128x64xf32, #tpu.memory_space<vmem>>[vector<16xi32>, vector<16xi32>], vector<16xf32>,
        %parallel_loop3A_326 = arith.addf %parallel_loop3A_325, %parallel_loop3A_310 : vector<16xf32>
        tpu.vector_store_idx %arg17[%parallel_loop3A_313, %parallel_loop3A_316, %add3A_14], %parallel_loop3A_326 : memref<8x8x128xf32, #tpu.memory_space<vmem>>[vector<16xi32>, vector<16xi32>, vector<16xi32>], vector<16xf32>,
        %parallel_loop3A_327 = tpu.vector_load_idx %arg12[%add3A_17, %parallel_loop3A_309] : memref<128x64xf32, #tpu.memory_space<vmem>>[vector<16xi32>, vector<16xi32>], vector<16xf32>,
        %parallel_loop3A_328 = arith.addf %parallel_loop3A_327, %parallel_loop3A_310 : vector<16xf32>
        tpu.vector_store_idx %arg17[%parallel_loop3A_313, %parallel_loop3A_316, %add3A_17], %parallel_loop3A_328 : memref<8x8x128xf32, #tpu.memory_space<vmem>>[vector<16xi32>, vector<16xi32>, vector<16xi32>], vector<16xf32>,
        %parallel_loop3A_329 = tpu.vector_load_idx %arg12[%add3A_20, %parallel_loop3A_309] : memref<128x64xf32, #tpu.memory_space<vmem>>[vector<16xi32>, vector<16xi32>], vector<16xf32>,
        %parallel_loop3A_330 = arith.addf %parallel_loop3A_329, %parallel_loop3A_310 : vector<16xf32>
        tpu.vector_store_idx %arg17[%parallel_loop3A_313, %parallel_loop3A_316, %add3A_20], %parallel_loop3A_330 : memref<8x8x128xf32, #tpu.memory_space<vmem>>[vector<16xi32>, vector<16xi32>, vector<16xi32>], vector<16xf32>,
        %parallel_loop3A_331 = tpu.vector_load_idx %arg12[%add3A_23, %parallel_loop3A_309] : memref<128x64xf32, #tpu.memory_space<vmem>>[vector<16xi32>, vector<16xi32>], vector<16xf32>,
        %parallel_loop3A_332 = arith.addf %parallel_loop3A_331, %parallel_loop3A_310 : vector<16xf32>
        tpu.vector_store_idx %arg17[%parallel_loop3A_313, %parallel_loop3A_316, %add3A_23], %parallel_loop3A_332 : memref<8x8x128xf32, #tpu.memory_space<vmem>>[vector<16xi32>, vector<16xi32>, vector<16xi32>], vector<16xf32>,
      } {sc.loop_unroll_factor = 8 : i64, sc.parallel_access}
      %dma_start3A_294 = arith.constant 0 : i32
      %dma_start3A_295 = arith.constant 0 : i32
      %dma_start3A_296 = arith.constant 0 : i32
      %dma_start3A_297 = tpu.memref_slice %arg5[%add3A_269, %dma_start3A_294, %add3A, %dma_start3A_295, %dma_start3A_296] : memref<200x8x32x8x128xf32, #tpu.memory_space<hbm>> -> memref<1x8x1x8x128xf32, #tpu.memory_space<hbm>>
      %dma_start3A_298 = tpu.memref_squeeze %dma_start3A_297 : memref<1x8x1x8x128xf32, #tpu.memory_space<hbm>> -> memref<8x8x128xf32, #tpu.memory_space<hbm>>
      %dma_start3A_299 = arith.constant 0 : i32
      %dma_start3A_300 = arith.constant 0 : i32
      %dma_start3A_301 = arith.constant 0 : i32
      %dma_start3A_302 = tpu.memref_slice %arg5[%add3A_269, %dma_start3A_299, %add3A, %dma_start3A_300, %dma_start3A_301] : memref<200x8x32x8x128xf32, #tpu.memory_space<hbm>> -> memref<1x8x1x8x128xf32, #tpu.memory_space<hbm>>
      %dma_start3A_303 = tpu.memref_squeeze %dma_start3A_302 : memref<1x8x1x8x128xf32, #tpu.memory_space<hbm>> -> memref<8x8x128xf32, #tpu.memory_space<hbm>>
      tpu.enqueue_dma source(%arg17 : memref<8x8x128xf32, #tpu.memory_space<vmem>>) target(%dma_start3A_303 : memref<8x8x128xf32, #tpu.memory_space<hbm>>) target_semaphore(%arg27 : memref<!tpu.dma_semaphore, #tpu.memory_space<semaphore_mem>>)
    }
    %scan3A_59 = arith.constant 40 : i32
    %dma_wait3A = arith.constant 0 : i32
    %dma_wait3A_60 = arith.constant 0 : i32
    %dma_wait3A_61 = arith.constant 0 : i32
    %dma_wait3A_62 = arith.constant 0 : i32
    %dma_wait3A_63 = arith.constant 0 : i32
    %dma_wait3A_64 = tpu.memref_slice %arg5[%dma_wait3A, %dma_wait3A_61, %dma_wait3A_60, %dma_wait3A_62, %dma_wait3A_63] : memref<200x8x32x8x128xf32, #tpu.memory_space<hbm>> -> memref<1x8x1x8x128xf32, #tpu.memory_space<hbm>>
    %dma_wait3A_65 = tpu.memref_squeeze %dma_wait3A_64 : memref<1x8x1x8x128xf32, #tpu.memory_space<hbm>> -> memref<8x8x128xf32, #tpu.memory_space<hbm>>
    %dma_wait3A_66 = arith.constant 0 : i32
    %dma_wait3A_67 = arith.constant 0 : i32
    %dma_wait3A_68 = arith.constant 0 : i32
    %dma_wait3A_69 = tpu.memref_slice %arg5[%dma_wait3A, %dma_wait3A_66, %dma_wait3A_60, %dma_wait3A_67, %dma_wait3A_68] : memref<200x8x32x8x128xf32, #tpu.memory_space<hbm>> -> memref<1x8x1x8x128xf32, #tpu.memory_space<hbm>>
    %dma_wait3A_70 = tpu.memref_squeeze %dma_wait3A_69 : memref<1x8x1x8x128xf32, #tpu.memory_space<hbm>> -> memref<8x8x128xf32, #tpu.memory_space<hbm>>
    tpu.wait_dma2 semaphore(%arg23 : memref<!tpu.dma_semaphore, #tpu.memory_space<semaphore_mem>>) src(%arg13 : memref<8x8x128xf32, #tpu.memory_space<vmem>>) dst(%dma_wait3A_70 : memref<8x8x128xf32, #tpu.memory_space<hbm>>)
    %dma_wait3A_71 = arith.constant 0 : i32
    %dma_wait3A_72 = arith.constant 0 : i32
    %dma_wait3A_73 = arith.constant 0 : i32
    %dma_wait3A_74 = arith.constant 0 : i32
    %dma_wait3A_75 = arith.constant 0 : i32
    %dma_wait3A_76 = tpu.memref_slice %arg5[%dma_wait3A_71, %dma_wait3A_73, %dma_wait3A_72, %dma_wait3A_74, %dma_wait3A_75] : memref<200x8x32x8x128xf32, #tpu.memory_space<hbm>> -> memref<1x8x1x8x128xf32, #tpu.memory_space<hbm>>
    %dma_wait3A_77 = tpu.memref_squeeze %dma_wait3A_76 : memref<1x8x1x8x128xf32, #tpu.memory_space<hbm>> -> memref<8x8x128xf32, #tpu.memory_space<hbm>>
    %dma_wait3A_78 = arith.constant 0 : i32
    %dma_wait3A_79 = arith.constant 0 : i32
    %dma_wait3A_80 = arith.constant 0 : i32
    %dma_wait3A_81 = tpu.memref_slice %arg5[%dma_wait3A_71, %dma_wait3A_78, %dma_wait3A_72, %dma_wait3A_79, %dma_wait3A_80] : memref<200x8x32x8x128xf32, #tpu.memory_space<hbm>> -> memref<1x8x1x8x128xf32, #tpu.memory_space<hbm>>
    %dma_wait3A_82 = tpu.memref_squeeze %dma_wait3A_81 : memref<1x8x1x8x128xf32, #tpu.memory_space<hbm>> -> memref<8x8x128xf32, #tpu.memory_space<hbm>>
    tpu.wait_dma2 semaphore(%arg24 : memref<!tpu.dma_semaphore, #tpu.memory_space<semaphore_mem>>) src(%arg14 : memref<8x8x128xf32, #tpu.memory_space<vmem>>) dst(%dma_wait3A_82 : memref<8x8x128xf32, #tpu.memory_space<hbm>>)
    %dma_wait3A_83 = arith.constant 0 : i32
    %dma_wait3A_84 = arith.constant 0 : i32
    %dma_wait3A_85 = arith.constant 0 : i32
    %dma_wait3A_86 = arith.constant 0 : i32
    %dma_wait3A_87 = arith.constant 0 : i32
    %dma_wait3A_88 = tpu.memref_slice %arg5[%dma_wait3A_83, %dma_wait3A_85, %dma_wait3A_84, %dma_wait3A_86, %dma_wait3A_87] : memref<200x8x32x8x128xf32, #tpu.memory_space<hbm>> -> memref<1x8x1x8x128xf32, #tpu.memory_space<hbm>>
    %dma_wait3A_89 = tpu.memref_squeeze %dma_wait3A_88 : memref<1x8x1x8x128xf32, #tpu.memory_space<hbm>> -> memref<8x8x128xf32, #tpu.memory_space<hbm>>
    %dma_wait3A_90 = arith.constant 0 : i32
    %dma_wait3A_91 = arith.constant 0 : i32
    %dma_wait3A_92 = arith.constant 0 : i32
    %dma_wait3A_93 = tpu.memref_slice %arg5[%dma_wait3A_83, %dma_wait3A_90, %dma_wait3A_84, %dma_wait3A_91, %dma_wait3A_92] : memref<200x8x32x8x128xf32, #tpu.memory_space<hbm>> -> memref<1x8x1x8x128xf32, #tpu.memory_space<hbm>>
    %dma_wait3A_94 = tpu.memref_squeeze %dma_wait3A_93 : memref<1x8x1x8x128xf32, #tpu.memory_space<hbm>> -> memref<8x8x128xf32, #tpu.memory_space<hbm>>
    tpu.wait_dma2 semaphore(%arg25 : memref<!tpu.dma_semaphore, #tpu.memory_space<semaphore_mem>>) src(%arg15 : memref<8x8x128xf32, #tpu.memory_space<vmem>>) dst(%dma_wait3A_94 : memref<8x8x128xf32, #tpu.memory_space<hbm>>)
    %dma_wait3A_95 = arith.constant 0 : i32
    %dma_wait3A_96 = arith.constant 0 : i32
    %dma_wait3A_97 = arith.constant 0 : i32
    %dma_wait3A_98 = arith.constant 0 : i32
    %dma_wait3A_99 = arith.constant 0 : i32
    %dma_wait3A_100 = tpu.memref_slice %arg5[%dma_wait3A_95, %dma_wait3A_97, %dma_wait3A_96, %dma_wait3A_98, %dma_wait3A_99] : memref<200x8x32x8x128xf32, #tpu.memory_space<hbm>> -> memref<1x8x1x8x128xf32, #tpu.memory_space<hbm>>
    %dma_wait3A_101 = tpu.memref_squeeze %dma_wait3A_100 : memref<1x8x1x8x128xf32, #tpu.memory_space<hbm>> -> memref<8x8x128xf32, #tpu.memory_space<hbm>>
    %dma_wait3A_102 = arith.constant 0 : i32
    %dma_wait3A_103 = arith.constant 0 : i32
    %dma_wait3A_104 = arith.constant 0 : i32
    %dma_wait3A_105 = tpu.memref_slice %arg5[%dma_wait3A_95, %dma_wait3A_102, %dma_wait3A_96, %dma_wait3A_103, %dma_wait3A_104] : memref<200x8x32x8x128xf32, #tpu.memory_space<hbm>> -> memref<1x8x1x8x128xf32, #tpu.memory_space<hbm>>
    %dma_wait3A_106 = tpu.memref_squeeze %dma_wait3A_105 : memref<1x8x1x8x128xf32, #tpu.memory_space<hbm>> -> memref<8x8x128xf32, #tpu.memory_space<hbm>>
    tpu.wait_dma2 semaphore(%arg26 : memref<!tpu.dma_semaphore, #tpu.memory_space<semaphore_mem>>) src(%arg16 : memref<8x8x128xf32, #tpu.memory_space<vmem>>) dst(%dma_wait3A_106 : memref<8x8x128xf32, #tpu.memory_space<hbm>>)
    %dma_wait3A_107 = arith.constant 0 : i32
    %dma_wait3A_108 = arith.constant 0 : i32
    %dma_wait3A_109 = arith.constant 0 : i32
    %dma_wait3A_110 = arith.constant 0 : i32
    %dma_wait3A_111 = arith.constant 0 : i32
    %dma_wait3A_112 = tpu.memref_slice %arg5[%dma_wait3A_107, %dma_wait3A_109, %dma_wait3A_108, %dma_wait3A_110, %dma_wait3A_111] : memref<200x8x32x8x128xf32, #tpu.memory_space<hbm>> -> memref<1x8x1x8x128xf32, #tpu.memory_space<hbm>>
    %dma_wait3A_113 = tpu.memref_squeeze %dma_wait3A_112 : memref<1x8x1x8x128xf32, #tpu.memory_space<hbm>> -> memref<8x8x128xf32, #tpu.memory_space<hbm>>
    %dma_wait3A_114 = arith.constant 0 : i32
    %dma_wait3A_115 = arith.constant 0 : i32
    %dma_wait3A_116 = arith.constant 0 : i32
    %dma_wait3A_117 = tpu.memref_slice %arg5[%dma_wait3A_107, %dma_wait3A_114, %dma_wait3A_108, %dma_wait3A_115, %dma_wait3A_116] : memref<200x8x32x8x128xf32, #tpu.memory_space<hbm>> -> memref<1x8x1x8x128xf32, #tpu.memory_space<hbm>>
    %dma_wait3A_118 = tpu.memref_squeeze %dma_wait3A_117 : memref<1x8x1x8x128xf32, #tpu.memory_space<hbm>> -> memref<8x8x128xf32, #tpu.memory_space<hbm>>
    tpu.wait_dma2 semaphore(%arg27 : memref<!tpu.dma_semaphore, #tpu.memory_space<semaphore_mem>>) src(%arg17 : memref<8x8x128xf32, #tpu.memory_space<vmem>>) dst(%dma_wait3A_118 : memref<8x8x128xf32, #tpu.memory_space<hbm>>)
    return
  }
}

</mosaic_0001>

<sc_bundles>
// kernel: kernel.3.cloned.1.call-start
scs
__scs_entry_jumppad:
0x0: {  	(pc) =	sbr.rel $0x88, $3  }
0x1: {  	(tag) =	ssettag $0x0;
	lr =	simm.s32 $0x1  }
0x2: {  	[smem:$0x3F9E] =	sst lr;
	_ =	strace $0xD0000000  }
0x3: {  	_ = 	snop  }
0x4: {  	_ = 	snop  }
0x5: {  	_ = 	snop  }
0x6: {  	_ = 	snop  }
0x7: {  	_ = 	snop  }
__scs_overlays_trampoline_lowered:
0x8: {  	[smem:$0x3FAD] =	sst s0  }
0x9: {  	[smem:$0x3FAE] =	sst s1  }
0xa: {  	[smem:$0x3FAF] =	sst s2  }
0xb: {  	[smem:$0x3FB0] =	sst s3  }
0xc: {  	[smem:$0x3FB1] =	sst s4  }
0xd: {  	[smem:$0x3FB2] =	sst s5  }
0xe: {  	[smem:$0x3FB3] =	sst s6  }
0xf: {  	[smem:$0x3FB4] =	sst s7  }
0x10: {  	[smem:$0x3FB5] =	sst s8  }
0x11: {  	[smem:$0x3FB6] =	sst s9;
	s0 =	simm.s32 @!p0 $0x0  }
0x12: {  	s1 =	sld [smem:$0x3F9C];
	s0 =	simm.s32 @p0 $0x1  }
0x13: {  	[smem:$0x3FB7] =	sst s0;
	s0 =	simm.s32 @!p1 $0x0  }
0x14: {  	s2 =	sld [smem:$0x3F9B];
	s0 =	simm.s32 @p1 $0x1  }
0x15: {  	[smem:$0x3FB8] =	sst s0;
	s0 =	simm.s32 @!p2 $0x0  }
0x16: {  	s3 =	sld [smem:$0x3FDB];
	s0 =	simm.s32 @p2 $0x1  }
0x17: {  	s4 =	simm.s32 $0x1BF5;
	[smem:$0x3FBA] =	sst s0  }
0x18: {  	s0 =	sld [smem:$0x3F9D];
	_ =	swait.ge [sflag:s4], $0x0  }
0x19: {  	s7 =	sld [smem:$0x3F9E]  }
0x1a: {  	s8 =	sadd.s32 $0xFFFFE003, lr  }
0x1b: {  	s9 =	sadd.s32 $0xFFFFFEF7, lr;
	s5 =	simm.s32 $0xFFFFFFFF;
	p2 =	slt.u32 s8, $0xFFFFF086  }
0x1c: {  	p1 =	slt.u32 s9, $0xF7A;
	s5 =	simm.s32 @!p2 $0x0  }
0x1d: {  	s5 =	simm.s32 @p1 $0x1;
	p0 =	seq.s32 s7, s2  }
0x1e: {  	s7 =	smul.u32 @!p0 $0xF7A, s2;
	p2 =	seq.s32 @!p0 s5, $0x0  }
0x1f: {  	s9 =	smul.u32 $0xF7A, s1;
	s8 =	simm.s32 @!p0 $0x1BF5;
	p2 =	por !p2, p0  }
0x20: {  	[sflag:s8] =	ssyncset.s32 @!p0 $0xFFFFF086;
	s6 =	sadd.s32 @!p0 s3, s7;
	s7 =	simm.s32 @!p0 $0x108  }
0x21: {  	s3 =	sadd.s32 s3, s9;
	s6 =	sadd.s32 @!p0 $0x88, s6;
	s7 =	simm.s32 @p2 $0x1082  }
0x22: {  	[simem:s7], [sflag:s8] =	dma.local @!p0 [hbm:s6], $0xF7A  }
0x23: {  	s9 =	sor.u32 $0xD0000000, s2;
	s6 =	simm.s32 $0x108;
	_ =	swait.ge @!p0 [sflag:s8], $0x0  }
0x24: {  	s3 =	sadd.s32 $0x88, s3;
	s6 =	simm.s32 @!p1 $0x1082;
	[sflag:s4] =	ssyncset.s32 $0xFFFFF086  }
0x25: {  	[simem:s6], [sflag:s4] =	dma.local [hbm:s3], $0xF7A  }
0x26: {  	[smem:$0x3F9E] =	sst s1;
	(tag) =	ssettag s2;
	_ =	strace s9  }
0x27: {  	s1 =	sld [smem:$0x3FAE]  }
0x28: {  	s2 =	sld [smem:$0x3FAF]  }
0x29: {  	s4 =	sld [smem:$0x3FB1]  }
0x2a: {  	p0 =	seq.s32 s5, $0x0;
	s5 =	sld [smem:$0x3FB2]  }
0x2b: {  	s6 =	sld [smem:$0x3FB3]  }
0x2c: {  	s7 =	sld [smem:$0x3FB4]  }
0x2d: {  	s3 =	simm.s32 $0x108;
	s8 =	sld [smem:$0x3FB5]  }
0x2e: {  	s3 =	simm.s32 @!p0 $0x1082;
	s9 =	sld [smem:$0x3FB6]  }
0x2f: {  	lr =	sadd.s32 s0, s3;
	s0 =	sld [smem:$0x3FAD]  }
0x30: {  	s3 =	sld [smem:$0x3FB0]  }
0x31: {  	[smem:$0x3FB9] =	sst s10  }
0x32: {  	s10 =	sld [smem:$0x3FB7];
	_ =	sdelay $0x3  }
0x33: {  	p0 =	seq.s32 s10, $0x1;
	s10 =	sld [smem:$0x3FB9];
	_ =	sdelay $0x3  }
0x34: {  	[smem:$0x3FB9] =	sst s10  }
0x35: {  	s10 =	sld [smem:$0x3FB8];
	_ =	sdelay $0x3  }
0x36: {  	p1 =	seq.s32 s10, $0x1;
	s10 =	sld [smem:$0x3FB9];
	_ =	sdelay $0x3  }
0x37: {  	[smem:$0x3FB9] =	sst s10  }
0x38: {  	s10 =	sld [smem:$0x3FBA]  }
0x39: {  	_ = 	snop;
	(pc) =	sbr.ind lr, $3  }
0x3a: {  	_ = 	snop  }
0x3b: {  	_ = 	snop  }
0x3c: {  	p2 =	seq.s32 s10, $0x1;
	s10 =	sld [smem:$0x3FB9]  }
0x3d: {  	_ =	shalt  }
0x3e: {  	_ =	shalt  }
0x3f: {  	_ =	shalt  }
0x40: {  	_ =	shalt  }
0x41: {  	_ =	shalt  }
0x42: {  	_ =	shalt  }
0x43: {  	_ =	shalt  }
0x44: {  	_ =	shalt  }
0x45: {  	_ =	shalt  }
0x46: {  	_ =	shalt  }
0x47: {  	_ =	shalt  }
0x48: {  	_ =	shalt  }
0x49: {  	_ =	shalt  }
0x4a: {  	_ =	shalt  }
0x4b: {  	_ =	shalt  }
0x4c: {  	_ =	shalt  }
0x4d: {  	_ =	shalt  }
0x4e: {  	_ =	shalt  }
0x4f: {  	_ =	shalt  }
0x50: {  	_ =	shalt  }
0x51: {  	_ =	shalt  }
0x52: {  	_ =	shalt  }
0x53: {  	_ =	shalt  }
0x54: {  	_ =	shalt  }
0x55: {  	_ =	shalt  }
0x56: {  	_ =	shalt  }
0x57: {  	_ =	shalt  }
0x58: {  	_ =	shalt  }
0x59: {  	_ =	shalt  }
0x5a: {  	_ =	shalt  }
0x5b: {  	_ =	shalt  }
0x5c: {  	_ =	shalt  }
0x5d: {  	_ =	shalt  }
0x5e: {  	_ =	shalt  }
0x5f: {  	_ =	shalt  }
0x60: {  	_ =	shalt  }
0x61: {  	_ =	shalt  }
0x62: {  	_ =	shalt  }
0x63: {  	_ =	shalt  }
0x64: {  	_ =	shalt  }
0x65: {  	_ =	shalt  }
0x66: {  	_ =	shalt  }
0x67: {  	_ =	shalt  }
0x68: {  	_ =	shalt  }
0x69: {  	_ =	shalt  }
0x6a: {  	_ =	shalt  }
0x6b: {  	_ =	shalt  }
0x6c: {  	_ =	shalt  }
0x6d: {  	_ =	shalt  }
0x6e: {  	_ =	shalt  }
0x6f: {  	_ =	shalt  }
0x70: {  	_ =	shalt  }
0x71: {  	_ =	shalt  }
0x72: {  	_ =	shalt  }
0x73: {  	_ =	shalt  }
0x74: {  	_ =	shalt  }
0x75: {  	_ =	shalt  }
0x76: {  	_ =	shalt  }
0x77: {  	_ =	shalt  }
0x78: {  	_ =	shalt  }
0x79: {  	_ =	shalt  }
0x7a: {  	_ =	shalt  }
0x7b: {  	_ =	shalt  }
0x7c: {  	_ =	shalt  }
0x7d: {  	_ =	shalt  }
0x7e: {  	_ =	shalt  }
0x7f: {  	_ =	shalt  }
0x80: {  	_ =	shalt  }
0x81: {  	_ =	shalt  }
0x82: {  	_ =	shalt  }
0x83: {  	_ =	shalt  }
0x84: {  	_ =	shalt  }
0x85: {  	_ =	shalt  }
0x86: {  	_ =	shalt  }
0x87: {  	_ =	shalt  }
.Lfunc_end0:
.L_simem_size_0:
called_computation_lowered:
.L_overlay_start_0:
0x88: {  	s2 =	sld [smem:$0x3FD9]  }
0x89: {  	s3 =	sld [smem:$0x3FFE];
	_ =	sdelay $0x1  }
0x8a: {  	s1 =	srdreg.scid  }
0x8b: {  	s0 =	sand.u32 $0x1, s1  }
0x8c: {  	s17 =	sshll.u32 s0, $0xA;
	s2 =	sadd.s32 s3, s2  }
0x8d: {  	s2 =	sadd.s32 s2, s17  }
0x8e: {  	[smem:$0x3FC5] =	sst s2  }
0x8f: {  	_ = 	snop  }
0x90: {  	s2 =	sld [smem:$0x3FC9]  }
0x91: {  	s18 =	sld [smem:$0x3FD0];
	(tm) =	ssettm $0x1  }
0x92: {  	s4 =	sld [smem:$0x3FFB];
	_ =	sdelay $0x3  }
0x93: {  	_ =	strace s4  }
0x94: {  	s4 =	sld [smem:$0x3FFC];
	_ =	sdelay $0x3  }
0x95: {  	_ =	strace s4  }
0x96: {  	s4 =	sld [smem:$0x3FFD];
	_ =	sdelay $0x3  }
0x97: {  	_ =	strace s4  }
0x98: {  	_ =	strace $0x8FFFFFFF  }
0x99: {  	s19 =	sld [smem:$0x3FDB];
	_ =	sdelay $0x1  }
0x9a: {  	s5 =	simm.s32 $_scs_section_size  }
0x9b: {  	s6 =	simm.s32 $_size__tile_overlayer_lowered;
	s7 =	simm.s32 $_tile_overlayer_lowered  }
0x9c: {  	s22 =	simm.s32 $0x1BFF;
	s21 =	sshll.u32 s7, $0x1;
	s4 =	sadd.s32 s5, s19  }
0x9d: {  	s8 =	simm.s32 $0x0;
	s20 =	sshll.u32 s6, $0x1;
	s6 =	sadd.s32 s21, s4  }
0x9e: {  	[timem:s8], [sflag:s22] =	dma.local [hbm:s6], s20  }
0x9f: {  	_ =	swait.ge [sflag:s22], s20  }
0xa0: {  	s5 =	ssub.s32 $0x0, s20;
	[sflag:s22] =	ssyncset.done $0x0  }
0xa1: {  	[sflag:s22] =	ssyncadd.s32 s5;
	_ =	sdelay $0x1  }
0xa2: {  	s23 =	simm.s32 $0x1B8B  }
0xa3: {  	_ =	swait.ge [sflag:s23], $0x1  }
0xa4: {  	[sflag:s23] =	ssyncset.done $0x0  }
0xa5: {  	s25 =	simm.s32 $0x1B8E;
	s24 =	sld [smem:$0x3FFE];
	[sflag:s23] =	ssyncadd.s32 $0xFFFFFFFF  }
0xa6: {  	s26 =	simm.s32 $execute0_lowered;
	[smem:$0x3FD2] =	sst s25  }
0xa7: {  	s6 =	sshll.u32 s26, $0x1;
	_ =	strace $0x80000046;
	[dreg:$0x1] =	wrdreg $0xFFFFFFFF  }
0xa8: {  	s28 =	simm.s32 $_size_execute0_lowered;
	s4 =	sadd.s32 s4, s6;
	[dreg:$0x0] =	wrdreg $0x0  }
0xa9: {  	s6 =	sshll.u32 s28, $0x1;
	[dreg:$0x2] =	wrdreg s4  }
0xaa: {  	[dreg:$0x3] =	wrdreg s6  }
0xab: {  	[dreg:$0x4] =	wrdreg $0xC0  }
0xac: {  	_ =	task [dreg:s8], $0x5FFFF  }
0xad: {  	[dreg:$0x1] =	wrdreg $0xFFFFFFFF  }
0xae: {  	[dreg:$0x0] =	wrdreg $0x60  }
0xaf: {  	[dreg:$0x2] =	wrdreg s2  }
0xb0: {  	[dreg:$0x3] =	wrdreg s24  }
0xb1: {  	[dreg:$0x4] =	wrdreg s18  }
0xb2: {  	[dreg:$0x5] =	wrdreg $0x9  }
0xb3: {  	_ =	task.clear_ibuf [dreg:s8], $0x6FFFF;
	_ =	strace $0x90000046  }
0xb4: {  	s29 =	simm.s32 $0x9;
	_ =	strace $0x80000048  }
0xb5: {  	_ =	swait.ge [sflag:s29], $0x1  }
0xb6: {  	[sflag:s29] =	ssyncadd.s32 $0xFFFFFFFF  }
0xb7: {  	_ =	strace $0x90000048  }
0xb8: {  	_ =	sfence  }
0xb9: {  	s30 =	sld [smem:$0x0];
	_ =	sdelay $0x2  }
0xba: {  	s31 =	sshll.u32 s1, $0xD;
	s1 =	sshrl.u32 s1, $0x2  }
0xbb: {  	s3 =	sand.u32 $0x4000, s31;
	s1 =	sadd.s32 s1, s30  }
0xbc: {  	s0 =	sor.u32 s3, s0;
	s1 =	sshll.u32 s1, $0x11  }
0xbd: {  	s0 =	sor.u32 s1, s0  }
0xbe: {  	s0 =	sadd.s32 $0x8F2B, s0  }
0xbf: {  	[sflag:s0] =	ssyncadd.remote.s32 $0x1  }
0xc0: {  	_ =	sfence.sel $0xFFFF  }
0xc1: {  	[dreg:$0x0] =	wrdreg $0xFFFFFFFF;
	(pc) =	sbr.abs _section_cstart, $3  }
0xc2: {  	[dreg:$0x1] =	wrdreg $0xFFFFFFFF  }
0xc3: {  	_ =	task.clear_ibuf [dreg:s8], $0x2FFFF;
	_ =	strace $0x9FFFFFFF  }
0xc4: {  	(tm) =	ssettm $0x7FFFFFFF  }
0xc5: {  	_ =	shalt  }
tec
execute0_lowered:
.L_overlay_start_1:
0x0: {  	(tag) =	ssettag $0x1  }
0x1: {  	v0 =	vimm.s32 $0xC3824100;
	vm0 =	vcmask $0xF00  }
0x2: {  	vm10 =	vcmask $0x1310;
	vm9 =	vcmask $0x1714;
	v0 =	vunpack.c.0.s8.s32 v0  }
0x3: {  	vm8 =	vcmask $0x1B18;
	vm7 =	vcmask $0x1F1C;
	vm6 =	vcmask $0x2320  }
0x4: {  	vm5 =	vcmask $0x2724;
	vm4 =	vcmask $0x2B28;
	v0 =	vand.u32 $0xFF, v0  }
0x5: {  	vm3 =	vcmask $0x2F2C;
	vm2 =	vcmask $0x3330;
	v0 =	vnsel vm0, $0x3C7, v0  }
0x6: {  	v16 =	vlaneseq.u32;
	vm1 =	vcmask $0x3B38;
	v0 =	vsel vm10, $0x104, v0  }
0x7: {  	vm14 =	vcmask $0x300;
	vm13 =	vcmask $0x704;
	v0 =	vsel vm9, $0x145, v0  }
0x8: {  	vm11 =	vcmask $0xB08;
	v3 =	vimm.s32 $0x39F;
	v0 =	vsel vm8, $0x186, v0  }
0x9: {  	vm12 =	vcmask $0xF0C;
	v2 =	vand.u32 $0x7, v16;
	v0 =	vsel vm7, $0x1C7, v0  }
0xa: {  	v3 =	vsel vm14, $0x10, v3;
	v4 =	vmul.u32 $0x40, v16;
	v0 =	vsel vm6, $0x200, v0  }
0xb: {  	v31 =	vor.u32 $0x10, v16;
	v20 =	vor.u32 $0x20, v16;
	v0 =	vsel vm5, $0x241, v0  }
0xc: {  	v21 =	vor.u32 $0x30, v16;
	v6 =	vor.u32 $0x40, v16;
	v0 =	vsel vm4, $0x282, v0  }
0xd: {  	v33 =	vor.u32 $0x50, v16;
	[tilespmem:$0x1FE00] =	vst v2;
	v2 =	vimm.s32 $0x38F;
	v1 =	vsel vm3, $0x2C3, v0  }
0xe: {  	v3 =	vsel vm13, $0x91, v3;
	vm0 =	vcmask $0x3734;
	v1 =	vsel vm2, $0x304, v1  }
0xf: {  	v3 =	vsel vm11, $0x112, v3;
	v18 =	vor.u32 $0x800, v4;
	v1 =	vsel vm0, $0x345, v1  }
0x10: {  	v22 =	vsel vm1, $0x386, v1;
	v1 =	vsel vm14, $0x0, v2;
	v2 =	vimm.s32 $0x7C7  }
0x11: {  	v19 =	vor.u32 $0xC00, v4;
	v1 =	vsel vm13, $0x81, v1;
	v2 =	vsel vm14, $0x400, v2  }
0x12: {  	v15 =	vor.u32 $0x1000, v4;
	v1 =	vsel vm11, $0x102, v1;
	v2 =	vsel vm13, $0x441, v2  }
0x13: {  	v51 =	vor.u32 $0x1800, v4;
	v1 =	vsel vm12, $0x183, v1;
	v2 =	vsel vm11, $0x482, v2  }
0x14: {  	v32 =	vor.u32 $0x1C00, v4;
	v1 =	vsel vm10, $0x204, v1;
	v2 =	vsel vm12, $0x4C3, v2  }
0x15: {  	v3 =	vsel vm12, $0x193, v3;
	v1 =	vsel vm9, $0x285, v1;
	v2 =	vsel vm10, $0x504, v2  }
0x16: {  	v3 =	vsel vm10, $0x214, v3;
	v1 =	vsel vm8, $0x306, v1;
	v2 =	vsel vm9, $0x545, v2  }
0x17: {  	v3 =	vsel vm9, $0x295, v3;
	v1 =	vsel vm7, $0x387, v1;
	v2 =	vsel vm8, $0x586, v2  }
0x18: {  	v3 =	vsel vm8, $0x316, v3;
	v1 =	vsel vm6, $0x8, v1;
	v2 =	vsel vm7, $0x5C7, v2  }
0x19: {  	v3 =	vsel vm7, $0x397, v3;
	v1 =	vsel vm5, $0x89, v1;
	v2 =	vsel vm6, $0x600, v2  }
0x1a: {  	v3 =	vsel vm6, $0x18, v3;
	v1 =	vsel vm4, $0x10A, v1;
	v2 =	vsel vm5, $0x641, v2  }
0x1b: {  	v3 =	vsel vm5, $0x99, v3;
	v1 =	vsel vm3, $0x18B, v1;
	v2 =	vsel vm4, $0x682, v2  }
0x1c: {  	v3 =	vsel vm4, $0x11A, v3;
	v1 =	vsel vm2, $0x20C, v1;
	v2 =	vsel vm3, $0x6C3, v2  }
0x1d: {  	v3 =	vsel vm3, $0x19B, v3;
	v1 =	vsel vm0, $0x28D, v1;
	v2 =	vsel vm2, $0x704, v2  }
0x1e: {  	v23 =	vsel vm1, $0x30E, v1;
	v1 =	vsel vm0, $0x745, v2;
	v2 =	vsel vm2, $0x21C, v3  }
0x1f: {  	v24 =	vsel vm1, $0x786, v1;
	v1 =	vsel vm0, $0x29D, v2;
	v2 =	vimm.s32 $0xBC7  }
0x20: {  	v25 =	vsel vm1, $0x31E, v1;
	v1 =	vsel vm14, $0x800, v2;
	v2 =	vimm.s32 $0x3AF  }
0x21: {  	v3 =	vimm.s32 $0xFC7;
	v1 =	vsel vm13, $0x841, v1;
	v2 =	vsel vm14, $0x20, v2  }
0x22: {  	v3 =	vsel vm14, $0xC00, v3;
	v1 =	vsel vm11, $0x882, v1;
	v2 =	vsel vm13, $0xA1, v2  }
0x23: {  	v3 =	vsel vm13, $0xC41, v3;
	v1 =	vsel vm12, $0x8C3, v1;
	v2 =	vsel vm11, $0x122, v2  }
0x24: {  	v3 =	vsel vm11, $0xC82, v3;
	v1 =	vsel vm10, $0x904, v1;
	v2 =	vsel vm12, $0x1A3, v2  }
0x25: {  	v3 =	vsel vm12, $0xCC3, v3;
	v1 =	vsel vm9, $0x945, v1;
	v2 =	vsel vm10, $0x224, v2  }
0x26: {  	v3 =	vsel vm10, $0xD04, v3;
	v1 =	vsel vm8, $0x986, v1;
	v2 =	vsel vm9, $0x2A5, v2  }
0x27: {  	v3 =	vsel vm9, $0xD45, v3;
	v1 =	vsel vm7, $0x9C7, v1;
	v2 =	vsel vm8, $0x326, v2  }
0x28: {  	v3 =	vsel vm8, $0xD86, v3;
	v1 =	vsel vm6, $0xA00, v1;
	v2 =	vsel vm7, $0x3A7, v2  }
0x29: {  	v3 =	vsel vm7, $0xDC7, v3;
	v1 =	vsel vm5, $0xA41, v1;
	v2 =	vsel vm6, $0x28, v2  }
0x2a: {  	v3 =	vsel vm6, $0xE00, v3;
	v1 =	vsel vm4, $0xA82, v1;
	v2 =	vsel vm5, $0xA9, v2  }
0x2b: {  	v3 =	vsel vm5, $0xE41, v3;
	v1 =	vsel vm3, $0xAC3, v1;
	v2 =	vsel vm4, $0x12A, v2  }
0x2c: {  	v3 =	vsel vm4, $0xE82, v3;
	v1 =	vsel vm2, $0xB04, v1;
	v2 =	vsel vm3, $0x1AB, v2  }
0x2d: {  	v3 =	vsel vm3, $0xEC3, v3;
	v1 =	vsel vm0, $0xB45, v1;
	v2 =	vsel vm2, $0x22C, v2  }
0x2e: {  	v26 =	vsel vm1, $0xB86, v1;
	v1 =	vsel vm0, $0x2AD, v2;
	v2 =	vsel vm2, $0xF04, v3  }
0x2f: {  	v27 =	vsel vm1, $0x32E, v1;
	v1 =	vsel vm0, $0xF45, v2;
	v2 =	vimm.s32 $0x3BF  }
0x30: {  	v48 =	vsel vm1, $0xF86, v1;
	v1 =	vsel vm14, $0x30, v2;
	v2 =	vimm.s32 $0x13C7  }
0x31: {  	v3 =	vimm.s32 $0x3CF;
	v1 =	vsel vm13, $0xB1, v1;
	v2 =	vsel vm14, $0x1000, v2  }
0x32: {  	v3 =	vsel vm14, $0x40, v3;
	v1 =	vsel vm11, $0x132, v1;
	v2 =	vsel vm13, $0x1041, v2  }
0x33: {  	v3 =	vsel vm13, $0xC1, v3;
	v1 =	vsel vm12, $0x1B3, v1;
	v2 =	vsel vm11, $0x1082, v2  }
0x34: {  	v3 =	vsel vm11, $0x142, v3;
	v1 =	vsel vm10, $0x234, v1;
	v2 =	vsel vm12, $0x10C3, v2  }
0x35: {  	v3 =	vsel vm12, $0x1C3, v3;
	v1 =	vsel vm9, $0x2B5, v1;
	v2 =	vsel vm10, $0x1104, v2  }
0x36: {  	v3 =	vsel vm10, $0x244, v3;
	v1 =	vsel vm8, $0x336, v1;
	v2 =	vsel vm9, $0x1145, v2  }
0x37: {  	v3 =	vsel vm9, $0x2C5, v3;
	v1 =	vsel vm7, $0x3B7, v1;
	v2 =	vsel vm8, $0x1186, v2  }
0x38: {  	v3 =	vsel vm8, $0x346, v3;
	v1 =	vsel vm6, $0x38, v1;
	v2 =	vsel vm7, $0x11C7, v2  }
0x39: {  	v3 =	vsel vm7, $0x3C7, v3;
	v1 =	vsel vm5, $0xB9, v1;
	v2 =	vsel vm6, $0x1200, v2  }
0x3a: {  	v3 =	vsel vm6, $0x48, v3;
	v1 =	vsel vm4, $0x13A, v1;
	v2 =	vsel vm5, $0x1241, v2  }
0x3b: {  	v3 =	vsel vm5, $0xC9, v3;
	v1 =	vsel vm3, $0x1BB, v1;
	v2 =	vsel vm4, $0x1282, v2  }
0x3c: {  	v3 =	vsel vm4, $0x14A, v3;
	v1 =	vsel vm2, $0x23C, v1;
	v2 =	vsel vm3, $0x12C3, v2  }
0x3d: {  	v3 =	vsel vm3, $0x1CB, v3;
	v1 =	vsel vm0, $0x2BD, v1;
	v2 =	vsel vm2, $0x1304, v2  }
0x3e: {  	v5 =	vsel vm1, $0x33E, v1;
	v1 =	vsel vm0, $0x1345, v2;
	v2 =	vsel vm2, $0x24C, v3  }
0x3f: {  	v0 =	vsel vm1, $0x1386, v1;
	v1 =	vsel vm0, $0x2CD, v2;
	v2 =	vimm.s32 $0x17C7  }
0x40: {  	v29 =	vsel vm1, $0x34E, v1;
	v1 =	vsel vm14, $0x1400, v2;
	v2 =	vimm.s32 $0x3DF  }
0x41: {  	v3 =	vimm.s32 $0x1BC7;
	v1 =	vsel vm13, $0x1441, v1;
	v2 =	vsel vm14, $0x50, v2  }
0x42: {  	v3 =	vsel vm14, $0x1800, v3;
	v1 =	vsel vm11, $0x1482, v1;
	v2 =	vsel vm13, $0xD1, v2  }
0x43: {  	v3 =	vsel vm13, $0x1841, v3;
	v1 =	vsel vm12, $0x14C3, v1;
	v2 =	vsel vm11, $0x152, v2  }
0x44: {  	s0 =	rddreg [dreg:$0x0];
	v3 =	vsel vm11, $0x1882, v3;
	v1 =	vsel vm10, $0x1504, v1;
	v2 =	vsel vm12, $0x1D3, v2  }
0x45: {  	s2 =	rddreg [dreg:$0x1];
	s3 =	simm.s32 $0x0;
	v3 =	vsel vm12, $0x18C3, v3;
	v1 =	vsel vm9, $0x1545, v1;
	v2 =	vsel vm10, $0x254, v2  }
0x46: {  	[smem:$0x7FF] =	sst s3;
	[tilespmem:$0x1FE10] =	vst v0;
	v3 =	vsel vm10, $0x1904, v3;
	v1 =	vsel vm8, $0x1586, v1;
	v2 =	vsel vm9, $0x2D5, v2  }
0x47: {  	s1 =	rddreg [dreg:$0x2];
	_ =	strace $0x80000047;
	[tilespmem:$0x1FE50] =	vst v4;
	v3 =	vsel vm9, $0x1945, v3;
	v1 =	vsel vm7, $0x15C7, v1;
	v2 =	vsel vm8, $0x356, v2  }
0x48: {  	[tilespmem:$0x1FE70] =	vst v22;
	v3 =	vsel vm8, $0x1986, v3;
	v1 =	vsel vm6, $0x1600, v1;
	v2 =	vsel vm7, $0x3D7, v2  }
0x49: {  	[tilespmem:$0x1FE80] =	vst v23;
	v3 =	vsel vm7, $0x19C7, v3;
	v1 =	vsel vm5, $0x1641, v1;
	v2 =	vsel vm6, $0x58, v2  }
0x4a: {  	[tilespmem:$0x1FE90] =	vst v24;
	v3 =	vsel vm6, $0x1A00, v3;
	v1 =	vsel vm4, $0x1682, v1;
	v2 =	vsel vm5, $0xD9, v2  }
0x4b: {  	[tilespmem:$0x1FEA0] =	vst v25;
	v3 =	vsel vm5, $0x1A41, v3;
	v1 =	vsel vm3, $0x16C3, v1;
	v2 =	vsel vm4, $0x15A, v2  }
0x4c: {  	[tilespmem:$0x1FEB0] =	vst v26;
	v3 =	vsel vm4, $0x1A82, v3;
	v1 =	vsel vm2, $0x1704, v1;
	v2 =	vsel vm3, $0x1DB, v2  }
0x4d: {  	[tilespmem:$0x1FEC0] =	vst v27;
	v3 =	vsel vm3, $0x1AC3, v3;
	v1 =	vsel vm0, $0x1745, v1;
	v2 =	vsel vm2, $0x25C, v2  }
0x4e: {  	[tilespmem:$0x1FED0] =	vst v48;
	v28 =	vsel vm1, $0x1786, v1;
	v1 =	vsel vm0, $0x2DD, v2;
	v2 =	vsel vm2, $0x1B04, v3  }
0x4f: {  	[tilespmem:$0x1FEE0] =	vst v5;
	v30 =	vsel vm1, $0x35E, v1;
	v1 =	vsel vm0, $0x1B45, v2;
	v2 =	vimm.s32 $0x3EF  }
0x50: {  	[tilespmem:$0x1FEF0] =	vst v29;
	v34 =	vsel vm1, $0x1B86, v1;
	v1 =	vsel vm14, $0x60, v2;
	v2 =	vimm.s32 $0x1FC7  }
0x51: {  	v0 =	vor.u32 $0x1400, v4;
	[tilespmem:$0x1FF50] =	vst v31;
	v1 =	vsel vm13, $0xE1, v1;
	v2 =	vsel vm14, $0x1C00, v2  }
0x52: {  	[tilespmem:$0x1FF60] =	vst v18;
	v3 =	vimm.s32 $0x3FF;
	v1 =	vsel vm11, $0x162, v1;
	v2 =	vsel vm13, $0x1C41, v2  }
0x53: {  	[tilespmem:$0x1FF70] =	vst v20;
	v3 =	vsel vm14, $0x70, v3;
	v1 =	vsel vm12, $0x1E3, v1;
	v2 =	vsel vm11, $0x1C82, v2  }
0x54: {  	[tilespmem:$0x1FF80] =	vst v19;
	v3 =	vsel vm13, $0xF1, v3;
	v1 =	vsel vm10, $0x264, v1;
	v2 =	vsel vm12, $0x1CC3, v2  }
0x55: {  	[tilespmem:$0x1FF90] =	vst v21;
	v3 =	vsel vm11, $0x172, v3;
	v1 =	vsel vm9, $0x2E5, v1;
	v2 =	vsel vm10, $0x1D04, v2  }
0x56: {  	[tilespmem:$0x1FFA0] =	vst v15;
	v3 =	vsel vm12, $0x1F3, v3;
	v1 =	vsel vm8, $0x366, v1;
	v2 =	vsel vm9, $0x1D45, v2  }
0x57: {  	[tilespmem:$0x1FFB0] =	vst v6;
	v3 =	vsel vm10, $0x274, v3;
	v1 =	vsel vm7, $0x3E7, v1;
	v2 =	vsel vm8, $0x1D86, v2  }
0x58: {  	s9 =	simm.s32 $0x400;
	[tilespmem:$0x1FFC0] =	vst v0;
	v3 =	vsel vm9, $0x2F5, v3;
	v1 =	vsel vm6, $0x68, v1;
	v2 =	vsel vm7, $0x1DC7, v2  }
0x59: {  	s10 =	simm.s32 $0x8000;
	s12 =	simm.s32 $0x6400;
	[tilespmem:$0x1FFD0] =	vst v33;
	v3 =	vsel vm8, $0x376, v3;
	v1 =	vsel vm5, $0xE9, v1;
	v2 =	vsel vm6, $0x1E00, v2  }
0x5a: {  	s14 =	simm.s32 $0x9600;
	s15 =	simm.s32 $0xB600;
	[tilespmem:$0x1FFE0] =	vst v51;
	v3 =	vsel vm7, $0x3F7, v3;
	v1 =	vsel vm4, $0x16A, v1;
	v2 =	vsel vm5, $0x1E41, v2  }
0x5b: {  	s26 =	srdreg.scid;
	s17 =	simm.s32 $0xD600;
	s19 =	simm.s32 $0xF600;
	[tilespmem:$0x1FFF0] =	vst v32;
	v3 =	vsel vm6, $0x78, v3;
	v1 =	vsel vm3, $0x1EB, v1;
	v2 =	vsel vm4, $0x1E82, v2  }
0x5c: {  	s4 =	stileid.u32;
	s20 =	simm.s32 $0x11600;
	s22 =	simm.s32 $0x13600;
	[tilespmem:$0x1FF00] =	vst v28;
	v3 =	vsel vm5, $0xF9, v3;
	v1 =	vsel vm2, $0x26C, v1;
	v2 =	vsel vm3, $0x1EC3, v2  }
0x5d: {  	s13 =	simm.s32 $0x80;
	s25 =	simm.s32 $0x15600;
	s29 =	simm.s32 $0x17600;
	[tilespmem:$0x1FF10] =	vst v30;
	v3 =	vsel vm4, $0x17A, v3;
	v1 =	vsel vm0, $0x2ED, v1;
	v2 =	vsel vm2, $0x1F04, v2  }
0x5e: {  	s30 =	simm.s32 $0x4;
	s18 =	simm.s32 $0x1B600;
	s3 =	sand.u32 $0x1, s26;
	[tilespmem:$0x1FF20] =	vst v34;
	v3 =	vsel vm3, $0x1FB, v3;
	v2 =	vsel vm0, $0x1F45, v2;
	v1 =	vsel vm1, $0x36E, v1  }
0x5f: {  	s5 =	sshll.u32 s4, $0xB;
	s6 =	ssub.s32 $0x2, s3;
	s3 =	sshll.u32 s3, $0xA;
	v3 =	vsel vm2, $0x27C, v3;
	[tilespmem:$0x1FE20] =	vst v1;
	v14 =	vsel vm1, $0x1F86, v2;
	v2 =	vor.u32 $0x70, v16  }
0x60: {  	s4 =	sadd.s32 $0xF42A00, s2;
	s2 =	sadd.s32 $0x600, s2;
	s5 =	sor.u32 s3, s5;
	v1 =	vsel vm0, $0x2FD, v3;
	[tilespmem:$0x1FE60] =	vst v2  }
0x61: {  	s26 =	simm.s32 $0x3;
	s7 =	sshrl.u32 s6, $0x1;
	s3 =	sshrl.u32 s5, $0x3;
	v3 =	vsel vm1, $0x37E, v1;
	v1 =	vor.u32 $0x400, v4;
	[tilespmem:$0x1FF30] =	vst v14  }
0x62: {  	s28 =	ssub.s32 s6, s7;
	s0 =	sadd.s32 s0, s3;
	[dreg:$0x4] =	wrdreg s2;
	[tilespmem:$0x1FE30] =	vst v1  }
0x63: {  	s7 =	simm.s32 $0x0;
	s31 =	smax.u32 s28, $0x1;
	[dreg:$0x5] =	wrdreg s0;
	v1 =	vor.u32 $0x60, v16;
	[tilespmem:$0x1FF40] =	vst v3  }
0x64: {  	s3 =	simm.s32 $0x5;
	[dreg:$0x6] =	wrdreg s31;
	s0 =	simm.s32 $0x19600;
	[tilespmem:$0x1FE40] =	vst v1  }
.LBB2_1:
0x65: {  	[dreg:$0x7] =	wrdreg s7  }
0x66: {  	s2 =	simm.s32 $0x0;
	s6 =	rddreg [dreg:$0x5];
	s23 =	simm.s32 $0xB  }
0x67: {  	[tilespmem:s2], [sflag:$0xB] =	stream.strided.gather [hbm4b:s6+s9], $0x6400, s10, s9, $0x38;
	[tilespmem:$0x1D600] =	vst v63  }
0x68: {  	_ =	swait.ge [sflag:s23], $0x6400  }
0x69: {  	[sflag:s23] =	ssyncset.done $0x0  }
0x6a: {  	s24 =	rddreg [dreg:$0x4];
	[sflag:s23] =	ssyncadd.s32 $0xFFFF9C00  }
0x6b: {  	[tilespmem:s12], [sflag:$0xB] =	stream.linear.gather [hbm4b:s24+s2], $0x3200, $0x38;
	[tilespmem:$0x1D600] =	vst v63  }
0x6c: {  	_ =	swait.ge [sflag:s23], $0x3200  }
0x6d: {  	[sflag:s23] =	ssyncset.done $0x0  }
0x6e: {  	[sflag:s23] =	ssyncadd.s32 $0xFFFFCE00  }
0x6f: {  	[tilespmem:s14], [sflag:$0x1] =	stream.indirect.gather [hbm4b:s4+s13], $0x40, s2, s13, $0xb8;
	[tilespmem:$0x1D600] =	vst v63  }
0x70: {  	_ = 	snop  }
0x71: {  	[tilespmem:s15], [sflag:$0x2] =	stream.indirect.gather [hbm4b:s4+s13], $0x40, s13, s13, $0xb8;
	[tilespmem:$0x1D600] =	vst v63  }
0x72: {  	s28 =	simm.s32 $0x100  }
0x73: {  	[tilespmem:s17], [sflag:$0x3] =	stream.indirect.gather [hbm4b:s4+s13], $0x40, s28, s13, $0xb8;
	[tilespmem:$0x1D600] =	vst v63  }
0x74: {  	s31 =	simm.s32 $0x180;
	s8 =	simm.s32 $0x0  }
0x75: {  	[tilespmem:s19], [sflag:$0x4] =	stream.indirect.gather [hbm4b:s4+s13], $0x40, s31, s13, $0xb8;
	[tilespmem:$0x1D600] =	vst v63  }
.LBB2_2:
0x76: {  	s6 =	smul.u32 $0x5, s8;
	_ =	sdelay $0x1  }
0x77: {  	v2 =	vld [tilespmem:$0x1FE00];
	s2 =	sadd.s32 $0x4, s6  }
0x78: {  	s7 =	sshll.u32 s2, $0x7  }
0x79: {  	s11 =	simm.s32 $0x0;
	s16 =	simm.s32 $0x1;
	s7 =	sand.u32 $0x1FF80, s7  }
0x7a: {  	[tilespmem:s20], [sflag:$0x5] =	stream.indirect.gather [hbm4b:s4+s13], $0x40, s7, s13, $0xb8;
	[tilespmem:$0x1D600] =	vst v63  }
0x7b: {  	s28 =	simm.s32 $0x4;
	s23 =	sshll.u32 s6, $0x6;
	_ =	swait.ge [sflag:s16], $0x2000  }
0x7c: {  	s31 =	simm.s32 $0x1;
	p0 =	seq.s32 s8, $0x0;
	v1 =	vadd.s32 s11, v16;
	v4 =	vadd.s32 s28, v16;
	v6 =	vor.u32 s23, v2;
	[sflag:s16] =	ssyncset.done $0x0  }
0x7d: {  	s21 =	simm.s32 $0x5;
	v5 =	vadd.s32 s31, v16;
	s11 =	simm.s32 @!p0 $0x6;
	v3 =	vshll.u32 v1, $0x7;
	v49 =	vand.u32 $0x38, v1;
	[tilespmem:$0x1FDA0] =	vst v6;
	[sflag:s16] =	ssyncadd.s32 $0xFFFFE000  }
0x7e: {  	v1 =	vadd.s32 s21, v16;
	v47 =	vand.u32 $0x3F, v5;
	v43 =	vand.u32 $0x3F, v4;
	_ =	swait.ge @!p0 [sflag:s11], $0x2000  }
0x7f: {  	v5 =	vshll.u32 v5, $0x7;
	v53 =	vmov s23;
	s23 =	simm.s32 $0x2;
	v6 =	vor.u32 v49, v6;
	v52 =	vld [tilespmem:$0x1FE50]  }
0x80: {  	v17 =	vand.u32 $0x1C00, v3;
	v7 =	vor.u32 v53, v47;
	v3 =	vadd.s32 s23, v16  }
0x81: {  	v46 =	vand.u32 $0x3F, v1;
	v38 =	vor.u32 v53, v43;
	v42 =	vand.u32 $0x3F, v3  }
0x82: {  	v41 =	vand.u32 $0x1F80, v5;
	v5 =	vor.u32 v53, v46;
	v9 =	vor.u32 v51, v42;
	[sflag:s11] =	ssyncset.done @!p0 $0x0  }
0x83: {  	s28 =	simm.s32 $0x3;
	s31 =	simm.s32 $0x6;
	[tilespmem:$0x1FDB0] =	vst v9;
	v9 =	vor.u32 v53, v42;
	v58 =	vld [tilespmem:$0x1FE30];
	[sflag:s11] =	ssyncadd.s32 @!p0 $0xFFFFE000  }
0x84: {  	v12 =	vadd.s32 s28, v16;
	v13 =	vadd.s32 s31, v16;
	v35 =	vld.idx.msk [tilespmem:v6+s12+$0x0], $0xffff;
	v8 =	vor.u32 v52, v47  }
0x85: {  	s24 =	simm.s32 $0x7;
	v1 =	vshll.u32 v1, $0x7;
	v61 =	vand.u32 $0x3F, v12;
	v39 =	vld.idx.msk [tilespmem:v7+s12+$0x0], $0xffff;
	v10 =	vor.u32 v52, v46  }
0x86: {  	v59 =	vand.u32 $0x3F, v13;
	v2 =	vadd.s32 s24, v16;
	v7 =	vor.u32 v22, v49;
	v38 =	vld.idx.msk [tilespmem:v38+s12+$0x0], $0xffff  }
0x87: {  	v36 =	vand.u32 $0x1F80, v1;
	v55 =	vand.u32 $0x3F, v2;
	v44 =	vld.idx.msk [tilespmem:v5+s12+$0x0], $0xffff;
	v11 =	vor.u32 v52, v42  }
0x88: {  	v1 =	vshll.u32 v3, $0x7;
	v54 =	vor.u32 v53, v55;
	v40 =	vld.idx.msk [tilespmem:v9+s12+$0x0], $0xffff;
	v9 =	vor.u32 v52, v55  }
0x89: {  	v3 =	vor.u32 v32, v61;
	v45 =	vand.u32 $0x1F80, v1;
	v1 =	vor.u32 v53, v59;
	v6 =	vld.idx.msk [tilespmem:v8+s14+$0x0], $0xffff  }
0x8a: {  	v4 =	vshll.u32 v4, $0x7;
	v50 =	vor.u32 v52, v61;
	v5 =	vor.u32 v52, v59;
	v8 =	vld.idx.msk [tilespmem:v10+s14+$0x0], $0xffff;
	[tilespmem:$0x1FDC0] =	vst v53  }
0x8b: {  	v37 =	vand.u32 $0x1F80, v4;
	v4 =	vor.u32 v52, v43;
	v52 =	vor.u32 v16, v41;
	v7 =	vld.idx.msk [tilespmem:v7+s14+$0x0], $0xffff;
	[tilespmem:$0x1FDD0] =	vst v3  }
0x8c: {  	v13 =	vshll.u32 v13, $0x7;
	v60 =	vor.u32 v53, v61;
	v3 =	vor.u32 v51, v43;
	v11 =	vld.idx.msk [tilespmem:v11+s14+$0x0], $0xffff  }
0x8d: {  	v56 =	vand.u32 $0x1F80, v13;
	v2 =	vshll.u32 v2, $0x7;
	v10 =	vor.u32 v23, v17;
	v9 =	vld.idx.msk [tilespmem:v9+s14+$0x0], $0xffff;
	[tilespmem:$0x1FDE0] =	vst v3  }
0x8e: {  	v3 =	vor.u32 v24, v49;
	v57 =	vld.idx.msk [tilespmem:v1+s12+$0x0], $0xffff;
	v1 =	vor.u32 v34, v49;
	v6 =	vadd.f32 v6, v39  }
0x8f: {  	v63 =	vor.u32 v16, v36;
	v62 =	vor.u32 v58, v47;
	v53 =	vand.u32 $0x1F80, v2;
	v5 =	vld.idx.msk [tilespmem:v5+s14+$0x0], $0xffff;
	[tilespmem:$0x1FDF0] =	vst v1  }
0x90: {  	v2 =	vor.u32 v16, v45;
	[tilespmem:v52+s22+$0x0] =	vst.idx.msk $0xffff, v6;
	v52 =	vld.idx.msk [tilespmem:v54+s12+$0x0], $0xffff;
	v6 =	vadd.f32 v7, v35  }
0x91: {  	v7 =	vadd.f32 v8, v44;
	v8 =	vadd.f32 v11, v40;
	v11 =	vor.u32 v16, v56  }
0x92: {  	v12 =	vshll.u32 v12, $0x7;
	v4 =	vld.idx.msk [tilespmem:v4+s14+$0x0], $0xffff;
	[tilespmem:v10+s22+$0x0] =	vst.idx.msk $0xffff, v6;
	v6 =	vor.u32 v16, v53  }
0x93: {  	v1 =	vor.u32 v16, v37;
	v54 =	vor.u32 v58, v55;
	v10 =	vor.u32 v58, v59;
	v3 =	vld.idx.msk [tilespmem:v3+s14+$0x0], $0xffff  }
0x94: {  	v13 =	vld.idx.msk [tilespmem:v50+s14+$0x0], $0xffff;
	v5 =	vadd.f32 v5, v57;
	[tilespmem:v63+s22+$0x0] =	vst.idx.msk $0xffff, v7;
	v7 =	vor.u32 v58, v46  }
0x95: {  	v62 =	vld.idx.msk [tilespmem:v62+s14+$0x0], $0xffff;
	[tilespmem:v2+s22+$0x0] =	vst.idx.msk $0xffff, v8;
	v2 =	vor.u32 v25, v17;
	v9 =	vadd.f32 v9, v52  }
0x96: {  	v50 =	vld.idx.msk [tilespmem:v60+s12+$0x0], $0xffff;
	v8 =	vor.u32 v31, v41;
	[tilespmem:v11+s22+$0x0] =	vst.idx.msk $0xffff, v5;
	v5 =	vor.u32 v26, v49  }
0x97: {  	v32 =	vand.u32 $0x1F80, v12;
	v4 =	vadd.f32 v4, v38;
	[tilespmem:v6+s22+$0x0] =	vst.idx.msk $0xffff, v9;
	v6 =	vor.u32 v58, v42  }
0x98: {  	v11 =	vor.u32 v16, v32;
	v9 =	vld.idx.msk [tilespmem:v10+s14+$0x0], $0xffff;
	v3 =	vadd.f32 v3, v35  }
0x99: {  	[tilespmem:v1+s22+$0x0] =	vst.idx.msk $0xffff, v4;
	v1 =	vor.u32 v58, v61;
	v10 =	vor.u32 v58, v43;
	v7 =	vld.idx.msk [tilespmem:v7+s14+$0x0], $0xffff  }
0x9a: {  	v4 =	vadd.f32 v62, v39;
	v58 =	vor.u32 v31, v56;
	v12 =	vld.idx.msk [tilespmem:v54+s14+$0x0], $0xffff;
	[tilespmem:v2+s22+$0x0] =	vst.idx.msk $0xffff, v3  }
0x9b: {  	v2 =	vor.u32 v31, v36;
	v3 =	vadd.f32 v13, v50;
	v13 =	vor.u32 v18, v47;
	v5 =	vld.idx.msk [tilespmem:v5+s14+$0x0], $0xffff  }
0x9c: {  	[tilespmem:v8+s22+$0x0] =	vst.idx.msk $0xffff, v4;
	v4 =	vor.u32 v31, v53;
	v8 =	vor.u32 v18, v59;
	v6 =	vld.idx.msk [tilespmem:v6+s14+$0x0], $0xffff  }
0x9d: {  	[tilespmem:v11+s22+$0x0] =	vst.idx.msk $0xffff, v3;
	v3 =	vadd.f32 v9, v57;
	v9 =	vor.u32 v27, v17  }
0x9e: {  	v11 =	vor.u32 v31, v45;
	v7 =	vadd.f32 v7, v44;
	v10 =	vld.idx.msk [tilespmem:v10+s14+$0x0], $0xffff  }
0x9f: {  	v16 =	vor.u32 v31, v37;
	v12 =	vadd.f32 v12, v52;
	v1 =	vld.idx.msk [tilespmem:v1+s14+$0x0], $0xffff;
	[tilespmem:v58+s22+$0x0] =	vst.idx.msk $0xffff, v3  }
0xa0: {  	v3 =	vor.u32 v18, v46;
	[tilespmem:v2+s22+$0x0] =	vst.idx.msk $0xffff, v7;
	v7 =	vld.idx.msk [tilespmem:v13+s14+$0x0], $0xffff;
	v5 =	vadd.f32 v5, v35  }
0xa1: {  	[tilespmem:v4+s22+$0x0] =	vst.idx.msk $0xffff, v12;
	v4 =	vor.u32 v31, v32;
	v8 =	vld.idx.msk [tilespmem:v8+s14+$0x0], $0xffff;
	v6 =	vadd.f32 v6, v40  }
0xa2: {  	v2 =	vor.u32 v48, v49;
	v12 =	vor.u32 v20, v41;
	[tilespmem:v9+s22+$0x0] =	vst.idx.msk $0xffff, v5  }
0xa3: {  	v9 =	vadd.f32 v10, v38;
	[tilespmem:v11+s22+$0x0] =	vst.idx.msk $0xffff, v6;
	v6 =	vor.u32 v20, v56  }
0xa4: {  	v1 =	vadd.f32 v1, v50  }
0xa5: {  	v13 =	vor.u32 v18, v42;
	[tilespmem:v16+s22+$0x0] =	vst.idx.msk $0xffff, v9;
	v7 =	vadd.f32 v7, v39  }
0xa6: {  	v9 =	vld [tilespmem:$0x1FEE0];
	[tilespmem:v4+s22+$0x0] =	vst.idx.msk $0xffff, v1;
	v4 =	vadd.f32 v8, v57  }
0xa7: {  	v5 =	vor.u32 v18, v43;
	v3 =	vld.idx.msk [tilespmem:v3+s14+$0x0], $0xffff;
	[tilespmem:v12+s22+$0x0] =	vst.idx.msk $0xffff, v7  }
0xa8: {  	v10 =	vor.u32 v18, v55;
	v2 =	vld.idx.msk [tilespmem:v2+s14+$0x0], $0xffff;
	[tilespmem:v6+s22+$0x0] =	vst.idx.msk $0xffff, v4  }
0xa9: {  	v11 =	vor.u32 v18, v61;
	v4 =	vld [tilespmem:$0x1FE10]  }
0xaa: {  	v48 =	vor.u32 v20, v36;
	v13 =	vld.idx.msk [tilespmem:v13+s14+$0x0], $0xffff  }
0xab: {  	v1 =	vor.u32 v19, v47;
	v9 =	vor.u32 v9, v17  }
0xac: {  	v8 =	vor.u32 v19, v59;
	v7 =	vor.u32 v20, v45;
	v5 =	vld.idx.msk [tilespmem:v5+s14+$0x0], $0xffff  }
0xad: {  	v12 =	vor.u32 v19, v46;
	v10 =	vld.idx.msk [tilespmem:v10+s14+$0x0], $0xffff;
	v3 =	vadd.f32 v3, v44  }
0xae: {  	v6 =	vor.u32 v20, v37;
	v11 =	vld.idx.msk [tilespmem:v11+s14+$0x0], $0xffff;
	v2 =	vadd.f32 v2, v35;
	v4 =	vor.u32 v4, v49  }
0xaf: {  	v13 =	vadd.f32 v13, v40;
	[tilespmem:v48+s22+$0x0] =	vst.idx.msk $0xffff, v3;
	v3 =	vor.u32 v20, v53  }
0xb0: {  	v1 =	vld.idx.msk [tilespmem:v1+s14+$0x0], $0xffff;
	[tilespmem:v9+s22+$0x0] =	vst.idx.msk $0xffff, v2;
	v2 =	vor.u32 v20, v32  }
0xb1: {  	v54 =	vor.u32 v19, v42;
	v8 =	vld.idx.msk [tilespmem:v8+s14+$0x0], $0xffff;
	[tilespmem:v7+s22+$0x0] =	vst.idx.msk $0xffff, v13;
	v5 =	vadd.f32 v5, v38  }
0xb2: {  	v7 =	vor.u32 v19, v55;
	v13 =	vor.u32 v21, v41;
	v12 =	vld.idx.msk [tilespmem:v12+s14+$0x0], $0xffff;
	v10 =	vadd.f32 v10, v52  }
0xb3: {  	v11 =	vadd.f32 v11, v50;
	[tilespmem:v6+s22+$0x0] =	vst.idx.msk $0xffff, v5;
	v5 =	vor.u32 v21, v56;
	v4 =	vld.idx.msk [tilespmem:v4+s14+$0x0], $0xffff  }
0xb4: {  	v9 =	vor.u32 v19, v43;
	[tilespmem:v3+s22+$0x0] =	vst.idx.msk $0xffff, v10;
	v3 =	vor.u32 v21, v36  }
0xb5: {  	v1 =	vadd.f32 v1, v39;
	[tilespmem:v2+s22+$0x0] =	vst.idx.msk $0xffff, v11;
	v2 =	vor.u32 v29, v17  }
0xb6: {  	v8 =	vadd.f32 v8, v57  }
0xb7: {  	v12 =	vadd.f32 v12, v44;
	[tilespmem:v13+s22+$0x0] =	vst.idx.msk $0xffff, v1  }
0xb8: {  	v60 =	vld.idx.msk [tilespmem:v54+s14+$0x0], $0xffff;
	v6 =	vor.u32 v19, v61;
	[tilespmem:v5+s22+$0x0] =	vst.idx.msk $0xffff, v8;
	v4 =	vadd.f32 v4, v35  }
0xb9: {  	v10 =	vor.u32 v15, v47;
	v7 =	vld.idx.msk [tilespmem:v7+s14+$0x0], $0xffff;
	[tilespmem:v3+s22+$0x0] =	vst.idx.msk $0xffff, v12  }
0xba: {  	v1 =	vor.u32 v21, v45;
	v11 =	vor.u32 v15, v59;
	v9 =	vld.idx.msk [tilespmem:v9+s14+$0x0], $0xffff;
	[tilespmem:v2+s22+$0x0] =	vst.idx.msk $0xffff, v4  }
0xbb: {  	v13 =	vor.u32 v15, v46;
	v58 =	vld [tilespmem:$0x1FFB0]  }
0xbc: {  	v5 =	vor.u32 v21, v37;
	v8 =	vor.u32 v28, v49  }
0xbd: {  	v60 =	vadd.f32 v60, v40;
	v12 =	vor.u32 v21, v53;
	v6 =	vld.idx.msk [tilespmem:v6+s14+$0x0], $0xffff  }
0xbe: {  	v3 =	vor.u32 v15, v42;
	v10 =	vld.idx.msk [tilespmem:v10+s14+$0x0], $0xffff;
	v2 =	vor.u32 v21, v32  }
0xbf: {  	v11 =	vld.idx.msk [tilespmem:v11+s14+$0x0], $0xffff;
	v4 =	vadd.f32 v9, v38;
	[tilespmem:v1+s22+$0x0] =	vst.idx.msk $0xffff, v60;
	v1 =	vor.u32 v15, v43  }
0xc0: {  	v48 =	vor.u32 v15, v55;
	v7 =	vadd.f32 v7, v52;
	v13 =	vld.idx.msk [tilespmem:v13+s14+$0x0], $0xffff;
	v9 =	vor.u32 v58, v41  }
0xc1: {  	[tilespmem:v5+s22+$0x0] =	vst.idx.msk $0xffff, v4;
	v5 =	vld.idx.msk [tilespmem:v8+s14+$0x0], $0xffff;
	v8 =	vor.u32 v58, v56  }
0xc2: {  	v6 =	vadd.f32 v6, v50;
	[tilespmem:v12+s22+$0x0] =	vst.idx.msk $0xffff, v7;
	v7 =	vor.u32 v58, v36  }
0xc3: {  	v10 =	vadd.f32 v10, v39;
	v3 =	vld.idx.msk [tilespmem:v3+s14+$0x0], $0xffff  }
0xc4: {  	v11 =	vadd.f32 v11, v57;
	[tilespmem:v2+s22+$0x0] =	vst.idx.msk $0xffff, v6;
	v2 =	vor.u32 v30, v17;
	v1 =	vld.idx.msk [tilespmem:v1+s14+$0x0], $0xffff  }
0xc5: {  	v13 =	vadd.f32 v13, v44;
	v54 =	vor.u32 v58, v45;
	[tilespmem:v9+s22+$0x0] =	vst.idx.msk $0xffff, v10;
	v10 =	vld.idx.msk [tilespmem:v48+s14+$0x0], $0xffff  }
0xc6: {  	v4 =	vor.u32 v15, v61;
	[tilespmem:v8+s22+$0x0] =	vst.idx.msk $0xffff, v11;
	v8 =	vor.u32 v58, v37  }
0xc7: {  	v5 =	vadd.f32 v5, v35;
	[tilespmem:v7+s22+$0x0] =	vst.idx.msk $0xffff, v13;
	v7 =	vor.u32 v58, v53  }
0xc8: {  	v3 =	vadd.f32 v3, v40  }
0xc9: {  	v6 =	vor.u32 v0, v47;
	[tilespmem:v2+s22+$0x0] =	vst.idx.msk $0xffff, v5;
	v1 =	vadd.f32 v1, v38  }
0xca: {  	[tilespmem:v54+s22+$0x0] =	vst.idx.msk $0xffff, v3;
	v3 =	vadd.f32 v10, v52  }
0xcb: {  	v16 =	vor.u32 v0, v61;
	v9 =	vor.u32 v0, v59;
	[tilespmem:v8+s22+$0x0] =	vst.idx.msk $0xffff, v1  }
0xcc: {  	v12 =	vor.u32 v0, v46;
	v4 =	vld.idx.msk [tilespmem:v4+s14+$0x0], $0xffff;
	v2 =	vor.u32 v58, v32;
	[tilespmem:v7+s22+$0x0] =	vst.idx.msk $0xffff, v3  }
0xcd: {  	v11 =	vor.u32 v0, v42;
	v58 =	vor.u32 v0, v43;
	v10 =	vor.u32 v0, v55;
	v0 =	vld [tilespmem:$0x1FDF0]  }
0xce: {  	v6 =	vld.idx.msk [tilespmem:v6+s14+$0x0], $0xffff  }
0xcf: {  	v3 =	vld [tilespmem:$0x1FE20]  }
0xd0: {  	v9 =	vld.idx.msk [tilespmem:v9+s14+$0x0], $0xffff  }
0xd1: {  	v12 =	vld.idx.msk [tilespmem:v12+s14+$0x0], $0xffff;
	v8 =	vor.u32 v33, v41;
	v1 =	vadd.f32 v4, v50  }
0xd2: {  	v48 =	vor.u32 v33, v56  }
0xd3: {  	v13 =	vor.u32 v33, v36;
	[tilespmem:v2+s22+$0x0] =	vst.idx.msk $0xffff, v1;
	v2 =	vor.u32 v51, v59;
	v63 =	vld.idx.msk [tilespmem:v10+s14+$0x0], $0xffff  }
0xd4: {  	v7 =	vadd.f32 v6, v39;
	v5 =	vor.u32 v3, v17;
	v3 =	vor.u32 v51, v61;
	v61 =	vld.idx.msk [tilespmem:v58+s14+$0x0], $0xffff  }
0xd5: {  	v58 =	vadd.f32 v9, v57;
	v4 =	vld.idx.msk [tilespmem:v0+s14+$0x0], $0xffff  }
0xd6: {  	v10 =	vadd.f32 v12, v44;
	v0 =	vld [tilespmem:$0x1FF40];
	[tilespmem:v8+s22+$0x0] =	vst.idx.msk $0xffff, v7  }
0xd7: {  	v54 =	vld.idx.msk [tilespmem:v11+s14+$0x0], $0xffff;
	[tilespmem:v48+s22+$0x0] =	vst.idx.msk $0xffff, v58  }
0xd8: {  	[tilespmem:v13+s22+$0x0] =	vst.idx.msk $0xffff, v10;
	v10 =	vld.idx.msk [tilespmem:v2+s14+$0x0], $0xffff  }
0xd9: {  	v15 =	vor.u32 v51, v47;
	v2 =	vld [tilespmem:$0x1FE40];
	_ =	sdelay $0x1  }
0xda: {  	v11 =	vor.u32 v33, v45  }
0xdb: {  	v62 =	vor.u32 v51, v46;
	v60 =	vor.u32 v33, v37;
	v6 =	vor.u32 v33, v32  }
0xdc: {  	v12 =	vor.u32 v33, v53;
	v9 =	vld.idx.msk [tilespmem:v16+s14+$0x0], $0xffff;
	v7 =	vor.u32 v51, v55;
	v13 =	vadd.f32 v54, v40  }
0xdd: {  	s11 =	simm.s32 $0x8;
	v8 =	vld.idx.msk [tilespmem:v15+s14+$0x0], $0xffff;
	v1 =	vor.u32 v0, v17;
	v4 =	vadd.f32 v4, v35;
	v2 =	vor.u32 v2, v32  }
.LBB2_3:
0xde: {  	_ = 	snop  }
0xdf: {  	[tilespmem:v11+s22+$0x0] =	vst.idx.msk $0xffff, v13;
	v13 =	vadd.f32 v63, v52  }
0xe0: {  	v15 =	vld [tilespmem:$0x1FDB0]  }
0xe1: {  	[tilespmem:v12+s22+$0x0] =	vst.idx.msk $0xffff, v13;
	v13 =	vld [tilespmem:$0x1FDE0]  }
0xe2: {  	v0 =	vld [tilespmem:$0x1FE40]  }
0xe3: {  	v17 =	vld [tilespmem:$0x1FFF0];
	_ =	sdelay $0x2  }
0xe4: {  	v62 =	vld.idx.msk [tilespmem:v62+s14+$0x0], $0xffff;
	v11 =	vadd.f32 v61, v38  }
0xe5: {  	v49 =	vor.u32 v14, v49;
	v9 =	vadd.f32 v9, v50;
	v14 =	vor.u32 v0, v56;
	v7 =	vld.idx.msk [tilespmem:v7+s14+$0x0], $0xffff  }
0xe6: {  	[tilespmem:v60+s22+$0x0] =	vst.idx.msk $0xffff, v11;
	v59 =	vor.u32 v17, v59;
	v51 =	vld.idx.msk [tilespmem:v15+s14+$0x0], $0xffff  }
0xe7: {  	v58 =	vor.u32 v0, v36;
	[tilespmem:v6+s22+$0x0] =	vst.idx.msk $0xffff, v9;
	v13 =	vld.idx.msk [tilespmem:v13+s14+$0x0], $0xffff  }
0xe8: {  	v54 =	vor.u32 v0, v41;
	v6 =	vadd.f32 v10, v57;
	v3 =	vld.idx.msk [tilespmem:v3+s14+$0x0], $0xffff  }
0xe9: {  	[tilespmem:v5+s22+$0x0] =	vst.idx.msk $0xffff, v4;
	v47 =	vor.u32 v17, v47;
	v10 =	vor.u32 v0, v45;
	v15 =	vld [tilespmem:$0x1FE60]  }
0xea: {  	v4 =	vadd.f32 v62, v44;
	v9 =	vor.u32 v0, v53;
	[tilespmem:v14+s22+$0x0] =	vst.idx.msk $0xffff, v6  }
0xeb: {  	v8 =	vadd.f32 v8, v39;
	v11 =	vor.u32 v17, v55;
	v12 =	vor.u32 v17, v42;
	v14 =	vld.idx.msk [tilespmem:v59+s14+$0x0], $0xffff  }
0xec: {  	[tilespmem:v58+s22+$0x0] =	vst.idx.msk $0xffff, v4;
	v61 =	vadd.f32 v51, v40;
	v4 =	vadd.f32 v13, v38;
	v13 =	vld [tilespmem:$0x1FDD0]  }
0xed: {  	[tilespmem:v54+s22+$0x0] =	vst.idx.msk $0xffff, v8;
	v8 =	vor.u32 v17, v46;
	v7 =	vadd.f32 v7, v52  }
0xee: {  	v5 =	vld.idx.msk [tilespmem:v49+s14+$0x0], $0xffff;
	v3 =	vadd.f32 v3, v50;
	[tilespmem:v10+s22+$0x0] =	vst.idx.msk $0xffff, v61;
	v10 =	vor.u32 v15, v56  }
0xef: {  	v6 =	vor.u32 v0, v37;
	v60 =	vld.idx.msk [tilespmem:v47+s14+$0x0], $0xffff;
	[tilespmem:v9+s22+$0x0] =	vst.idx.msk $0xffff, v7  }
0xf0: {  	v43 =	vor.u32 v17, v43;
	[tilespmem:v2+s22+$0x0] =	vst.idx.msk $0xffff, v3;
	v3 =	vld.idx.msk [tilespmem:v11+s14+$0x0], $0xffff  }
0xf1: {  	v62 =	vor.u32 v15, v41;
	v12 =	vld.idx.msk [tilespmem:v12+s14+$0x0], $0xffff;
	v2 =	vadd.f32 v14, v57  }
0xf2: {  	v7 =	vor.u32 v15, v53;
	v8 =	vld.idx.msk [tilespmem:v8+s14+$0x0], $0xffff  }
0xf3: {  	v18 =	vld [tilespmem:$0x1FE50];
	v11 =	vor.u32 v15, v45;
	[tilespmem:v10+s22+$0x0] =	vst.idx.msk $0xffff, v2;
	v2 =	vadd.f32 v5, v35  }
0xf4: {  	s7 =	smov.u32 s11;
	v9 =	vadd.f32 v60, v39;
	v5 =	vor.u32 v15, v37;
	[tilespmem:v6+s22+$0x0] =	vst.idx.msk $0xffff, v4;
	v13 =	vld.idx.msk [tilespmem:v13+s14+$0x0], $0xffff  }
0xf5: {  	v21 =	vlaneseq.u32;
	s16 =	sadd.s32 $0x6, s7;
	v6 =	vor.u32 v15, v36;
	v4 =	vld.idx.msk [tilespmem:v43+s14+$0x0], $0xffff;
	[tilespmem:v1+s22+$0x0] =	vst.idx.msk $0xffff, v2;
	v2 =	vadd.f32 v3, v52  }
0xf6: {  	[tilespmem:v62+s22+$0x0] =	vst.idx.msk $0xffff, v9;
	v10 =	vor.u32 v15, v32;
	v9 =	vadd.f32 v12, v40;
	v12 =	vadd.s32 s16, v21  }
0xf7: {  	s24 =	sadd.s32 $0x7, s7;
	s28 =	sadd.s32 $0x4, s7;
	s31 =	sadd.s32 $0x5, s7;
	v1 =	vadd.f32 v8, v44;
	v59 =	vand.u32 $0x3F, v12;
	[tilespmem:v7+s22+$0x0] =	vst.idx.msk $0xffff, v2;
	v2 =	vadd.s32 s7, v21  }
0xf8: {  	v33 =	vld [tilespmem:$0x1FFE0];
	s23 =	sadd.s32 $0x1, s7;
	s21 =	sadd.s32 $0x2, s7;
	v41 =	vor.u32 v18, v59;
	s7 =	sadd.s32 $0x3, s7;
	v7 =	vadd.s32 s31, v21;
	v49 =	vand.u32 $0x38, v2  }
0xf9: {  	v15 =	vld [tilespmem:$0x1FDC0];
	[tilespmem:v11+s22+$0x0] =	vst.idx.msk $0xffff, v9;
	v11 =	vadd.s32 s7, v21;
	v46 =	vand.u32 $0x3F, v7;
	v3 =	vadd.f32 v13, v50  }
0xfa: {  	v7 =	vshll.u32 v7, $0x7;
	[tilespmem:v6+s22+$0x0] =	vst.idx.msk $0xffff, v1;
	v6 =	vadd.s32 s28, v21;
	v1 =	vadd.f32 v4, v38  }
0xfb: {  	v61 =	vand.u32 $0x3F, v11;
	v14 =	vor.u32 v22, v49;
	[tilespmem:v10+s22+$0x0] =	vst.idx.msk $0xffff, v3;
	v3 =	vshll.u32 v2, $0x7  }
0xfc: {  	[tilespmem:v5+s22+$0x0] =	vst.idx.msk $0xffff, v1;
	v1 =	vadd.s32 s23, v21;
	v60 =	vand.u32 $0x1C00, v3;
	v3 =	vadd.s32 s21, v21  }
0xfd: {  	v30 =	vld [tilespmem:$0x1FF60];
	v43 =	vand.u32 $0x3F, v6;
	v47 =	vand.u32 $0x3F, v1;
	v42 =	vand.u32 $0x3F, v3  }
0xfe: {  	v29 =	vld [tilespmem:$0x1FF50];
	v6 =	vshll.u32 v6, $0x7;
	v2 =	vor.u32 v15, v47;
	v8 =	vor.u32 v33, v42  }
0xff: {  	v38 =	vand.u32 $0x1F80, v7;
	v37 =	vand.u32 $0x1F80, v6;
	v6 =	vor.u32 v18, v43;
	[tilespmem:$0x1FDB0] =	vst v8;
	v8 =	vld [tilespmem:$0x1FDA0]  }
0x100: {  	v54 =	vld [tilespmem:$0x1FFC0];
	v7 =	vor.u32 v18, v61;
	v17 =	vor.u32 v17, v61;
	v1 =	vshll.u32 v1, $0x7  }
0x101: {  	[tilespmem:$0x1FDD0] =	vst v17;
	v17 =	vld.idx.msk [tilespmem:v41+s14+$0x0], $0xffff;
	v44 =	vand.u32 $0x1F80, v1;
	v1 =	vor.u32 v18, v46  }
0x102: {  	v5 =	vor.u32 v18, v47;
	v14 =	vld.idx.msk [tilespmem:v14+s14+$0x0], $0xffff  }
0x103: {  	v39 =	vld.idx.msk [tilespmem:v2+s12+$0x0], $0xffff;
	v2 =	vor.u32 v15, v46  }
0x104: {  	v6 =	vld.idx.msk [tilespmem:v6+s14+$0x0], $0xffff;
	v8 =	vor.u32 v49, v8  }
0x105: {  	v7 =	vld.idx.msk [tilespmem:v7+s14+$0x0], $0xffff  }
0x106: {  	v13 =	vor.u32 v15, v43;
	v3 =	vshll.u32 v3, $0x7;
	v1 =	vld.idx.msk [tilespmem:v1+s14+$0x0], $0xffff  }
0x107: {  	v4 =	vadd.s32 s24, v21;
	v9 =	vor.u32 v15, v42;
	v31 =	vand.u32 $0x1F80, v3;
	v3 =	vld.idx.msk [tilespmem:v5+s14+$0x0], $0xffff  }
0x108: {  	v11 =	vshll.u32 v11, $0x7;
	v55 =	vand.u32 $0x3F, v4;
	v5 =	vor.u32 v15, v61;
	v45 =	vld.idx.msk [tilespmem:v2+s12+$0x0], $0xffff  }
0x109: {  	v0 =	vand.u32 $0x1F80, v11;
	v4 =	vshll.u32 v4, $0x7;
	v63 =	vor.u32 v18, v55;
	v36 =	vld.idx.msk [tilespmem:v8+s12+$0x0], $0xffff  }
0x10a: {  	v2 =	vshll.u32 v12, $0x7;
	v12 =	vor.u32 v33, v43;
	v8 =	vor.u32 v23, v60;
	v23 =	vld [tilespmem:$0x1FE30]  }
0x10b: {  	v53 =	vand.u32 $0x1F80, v4;
	v11 =	vor.u32 v21, v44;
	v40 =	vld.idx.msk [tilespmem:v13+s12+$0x0], $0xffff;
	[tilespmem:$0x1FDE0] =	vst v12;
	v12 =	vor.u32 v15, v59  }
0x10c: {  	v4 =	vor.u32 v24, v49;
	v10 =	vor.u32 v18, v42;
	v13 =	vor.u32 v21, v38;
	v62 =	vld.idx.msk [tilespmem:v9+s12+$0x0], $0xffff  }
0x10d: {  	v19 =	vor.u32 v29, v44;
	v51 =	vor.u32 v25, v60;
	v9 =	vor.u32 v15, v55;
	v50 =	vld.idx.msk [tilespmem:v5+s12+$0x0], $0xffff  }
0x10e: {  	v48 =	vld.idx.msk [tilespmem:v63+s14+$0x0], $0xffff;
	v3 =	vadd.f32 v3, v39;
	v56 =	vand.u32 $0x1F80, v2;
	v2 =	vor.u32 v34, v49  }
0x10f: {  	v32 =	vld [tilespmem:$0x1FF70];
	v25 =	vor.u32 v29, v0;
	[tilespmem:$0x1FD80] =	vst v2;
	v1 =	vadd.f32 v1, v45;
	v5 =	vor.u32 v23, v46  }
0x110: {  	[tilespmem:v11+s22+$0x0] =	vst.idx.msk $0xffff, v3;
	v57 =	vld.idx.msk [tilespmem:v12+s12+$0x0], $0xffff;
	v16 =	vor.u32 v23, v47;
	v12 =	vadd.f32 v14, v36  }
0x111: {  	v18 =	vor.u32 v21, v37;
	v10 =	vld.idx.msk [tilespmem:v10+s14+$0x0], $0xffff;
	v34 =	vor.u32 v21, v0;
	[tilespmem:v13+s22+$0x0] =	vst.idx.msk $0xffff, v1  }
0x112: {  	v11 =	vor.u32 v21, v31;
	v2 =	vld.idx.msk [tilespmem:v9+s12+$0x0], $0xffff;
	v24 =	vadd.f32 v7, v50;
	[tilespmem:v8+s22+$0x0] =	vst.idx.msk $0xffff, v12  }
0x113: {  	v13 =	vor.u32 v21, v53;
	v20 =	vor.u32 v23, v43;
	v12 =	vor.u32 v21, v56;
	v4 =	vld.idx.msk [tilespmem:v4+s14+$0x0], $0xffff  }
0x114: {  	v58 =	vor.u32 v23, v42;
	v63 =	vor.u32 v23, v61;
	v22 =	vld.idx.msk [tilespmem:v5+s14+$0x0], $0xffff;
	v5 =	vor.u32 v23, v59  }
0x115: {  	v21 =	vor.u32 v27, v60;
	v27 =	vadd.f32 v6, v40;
	v16 =	vld.idx.msk [tilespmem:v16+s14+$0x0], $0xffff;
	v23 =	vor.u32 v23, v55  }
0x116: {  	[tilespmem:v34+s22+$0x0] =	vst.idx.msk $0xffff, v24;
	v17 =	vadd.f32 v17, v57;
	v6 =	vor.u32 v28, v49;
	v28 =	vld [tilespmem:$0x1FEE0]  }
0x117: {  	v41 =	vld [tilespmem:$0x1FFA0];
	v15 =	vor.u32 v30, v47;
	v7 =	vadd.f32 v48, v2;
	[tilespmem:v18+s22+$0x0] =	vst.idx.msk $0xffff, v27  }
0x118: {  	v10 =	vadd.f32 v10, v62;
	v8 =	vor.u32 v26, v49;
	v20 =	vld.idx.msk [tilespmem:v20+s14+$0x0], $0xffff;
	[tilespmem:v12+s22+$0x0] =	vst.idx.msk $0xffff, v17  }
0x119: {  	v24 =	vor.u32 v30, v46;
	[tilespmem:v13+s22+$0x0] =	vst.idx.msk $0xffff, v7;
	v4 =	vadd.f32 v4, v36;
	v12 =	vld.idx.msk [tilespmem:v5+s14+$0x0], $0xffff  }
0x11a: {  	v34 =	vor.u32 v29, v53;
	[tilespmem:v11+s22+$0x0] =	vst.idx.msk $0xffff, v10;
	v16 =	vadd.f32 v16, v39;
	v17 =	vld.idx.msk [tilespmem:v23+s14+$0x0], $0xffff  }
0x11b: {  	v14 =	vor.u32 v29, v38;
	[tilespmem:v51+s22+$0x0] =	vst.idx.msk $0xffff, v4;
	v51 =	vor.u32 v28, v60;
	v28 =	vld [tilespmem:$0x1FED0]  }
0x11c: {  	v13 =	vadd.f32 v22, v45;
	v22 =	vld.idx.msk [tilespmem:v58+s14+$0x0], $0xffff;
	[tilespmem:v19+s22+$0x0] =	vst.idx.msk $0xffff, v16;
	v16 =	vor.u32 v29, v56  }
0x11d: {  	v10 =	vor.u32 v29, v31;
	v11 =	vor.u32 v29, v37;
	v48 =	vor.u32 v32, v44;
	v8 =	vld.idx.msk [tilespmem:v8+s14+$0x0], $0xffff  }
0x11e: {  	v35 =	vld [tilespmem:$0x1FF80];
	v26 =	vor.u32 v30, v61;
	v7 =	vor.u32 v41, v46;
	v23 =	vor.u32 v30, v59  }
0x11f: {  	v27 =	vor.u32 v30, v55;
	v63 =	vld.idx.msk [tilespmem:v63+s14+$0x0], $0xffff;
	v29 =	vor.u32 v30, v42;
	v12 =	vadd.f32 v12, v57  }
0x120: {  	[tilespmem:v14+s22+$0x0] =	vst.idx.msk $0xffff, v13;
	v15 =	vld.idx.msk [tilespmem:v15+s14+$0x0], $0xffff;
	v28 =	vor.u32 v28, v49;
	v17 =	vadd.f32 v17, v2  }
0x121: {  	v58 =	vld [tilespmem:$0x1FE10];
	v30 =	vor.u32 v30, v43;
	v22 =	vadd.f32 v22, v62;
	[tilespmem:v16+s22+$0x0] =	vst.idx.msk $0xffff, v12  }
0x122: {  	v8 =	vadd.f32 v8, v36;
	v16 =	vadd.f32 v20, v40;
	v20 =	vld.idx.msk [tilespmem:v24+s14+$0x0], $0xffff;
	[tilespmem:v34+s22+$0x0] =	vst.idx.msk $0xffff, v17  }
0x123: {  	v18 =	vor.u32 v41, v47;
	v14 =	vor.u32 v35, v61;
	[tilespmem:v10+s22+$0x0] =	vst.idx.msk $0xffff, v22;
	v13 =	vld.idx.msk [tilespmem:v23+s14+$0x0], $0xffff  }
0x124: {  	v12 =	vor.u32 v32, v0;
	v10 =	vadd.f32 v63, v50;
	[tilespmem:v21+s22+$0x0] =	vst.idx.msk $0xffff, v8;
	v23 =	vld.idx.msk [tilespmem:v29+s14+$0x0], $0xffff  }
0x125: {  	v8 =	vadd.f32 v15, v39;
	[tilespmem:v11+s22+$0x0] =	vst.idx.msk $0xffff, v16;
	v11 =	vor.u32 v32, v38;
	v21 =	vld.idx.msk [tilespmem:v28+s14+$0x0], $0xffff  }
0x126: {  	v22 =	vor.u32 v32, v56;
	v15 =	vor.u32 v35, v47;
	[tilespmem:v25+s22+$0x0] =	vst.idx.msk $0xffff, v10;
	v10 =	vld.idx.msk [tilespmem:v30+s14+$0x0], $0xffff  }
0x127: {  	v24 =	vor.u32 v32, v37;
	v16 =	vor.u32 v35, v59;
	[tilespmem:v48+s22+$0x0] =	vst.idx.msk $0xffff, v8;
	v8 =	vld.idx.msk [tilespmem:v26+s14+$0x0], $0xffff  }
0x128: {  	v63 =	vor.u32 v32, v53;
	v26 =	vor.u32 v32, v31;
	v32 =	vmovc v0;
	v0 =	vld [tilespmem:$0x1FF90];
	v20 =	vadd.f32 v20, v45  }
0x129: {  	v19 =	vor.u32 v58, v49;
	v17 =	vld.idx.msk [tilespmem:v27+s14+$0x0], $0xffff;
	v25 =	vor.u32 v35, v46;
	v13 =	vadd.f32 v13, v57  }
0x12a: {  	v52 =	vld [tilespmem:$0x1FFB0];
	v58 =	vor.u32 v35, v42;
	v28 =	vor.u32 v35, v55;
	[tilespmem:v11+s22+$0x0] =	vst.idx.msk $0xffff, v20  }
0x12b: {  	v15 =	vld.idx.msk [tilespmem:v15+s14+$0x0], $0xffff;
	v20 =	vadd.f32 v23, v62;
	[tilespmem:v22+s22+$0x0] =	vst.idx.msk $0xffff, v13;
	v22 =	vor.u32 v35, v43  }
0x12c: {  	v21 =	vadd.f32 v21, v36;
	v35 =	vmovc v36;
	v36 =	vmov v38;
	v38 =	vmov v40;
	v11 =	vld.idx.msk [tilespmem:v16+s14+$0x0], $0xffff  }
0x12d: {  	v34 =	vld [tilespmem:$0x1FF20];
	v48 =	vor.u32 v0, v44;
	v10 =	vadd.f32 v10, v38;
	[tilespmem:v26+s22+$0x0] =	vst.idx.msk $0xffff, v20  }
0x12e: {  	v13 =	vadd.f32 v17, v2;
	v25 =	vld.idx.msk [tilespmem:v25+s14+$0x0], $0xffff;
	v20 =	vor.u32 v0, v56;
	[tilespmem:v51+s22+$0x0] =	vst.idx.msk $0xffff, v21  }
0x12f: {  	v27 =	vld [tilespmem:$0x1FEF0];
	v23 =	vor.u32 v0, v32;
	v8 =	vadd.f32 v8, v50;
	[tilespmem:v24+s22+$0x0] =	vst.idx.msk $0xffff, v10  }
0x130: {  	v29 =	vor.u32 v0, v36;
	[tilespmem:v63+s22+$0x0] =	vst.idx.msk $0xffff, v13;
	v15 =	vadd.f32 v15, v39;
	v22 =	vld.idx.msk [tilespmem:v22+s14+$0x0], $0xffff  }
0x131: {  	v30 =	vld [tilespmem:$0x1FF10];
	[tilespmem:v12+s22+$0x0] =	vst.idx.msk $0xffff, v8;
	v12 =	vor.u32 v0, v53;
	v8 =	vadd.f32 v11, v57  }
0x132: {  	v26 =	vld.idx.msk [tilespmem:v58+s14+$0x0], $0xffff;
	v13 =	vor.u32 v0, v31;
	v63 =	vor.u32 v0, v37;
	[tilespmem:v48+s22+$0x0] =	vst.idx.msk $0xffff, v15  }
0x133: {  	v0 =	vld [tilespmem:$0x1FFD0];
	v48 =	vadd.f32 v25, v45;
	[tilespmem:v20+s22+$0x0] =	vst.idx.msk $0xffff, v8;
	v20 =	vor.u32 v41, v43  }
0x134: {  	v19 =	vld.idx.msk [tilespmem:v19+s14+$0x0], $0xffff  }
0x135: {  	v11 =	vld.idx.msk [tilespmem:v28+s14+$0x0], $0xffff;
	[tilespmem:v29+s22+$0x0] =	vst.idx.msk $0xffff, v48;
	v58 =	vadd.f32 v22, v38  }
0x136: {  	v10 =	vor.u32 v41, v59;
	v7 =	vld.idx.msk [tilespmem:v7+s14+$0x0], $0xffff  }
0x137: {  	v27 =	vor.u32 v27, v60;
	v16 =	vld.idx.msk [tilespmem:v18+s14+$0x0], $0xffff;
	[tilespmem:v63+s22+$0x0] =	vst.idx.msk $0xffff, v58  }
0x138: {  	v9 =	vor.u32 v54, v46;
	v5 =	vor.u32 v41, v42;
	v18 =	vld.idx.msk [tilespmem:v20+s14+$0x0], $0xffff;
	v20 =	vor.u32 v52, v36  }
0x139: {  	v21 =	vor.u32 v41, v61;
	v51 =	vor.u32 v52, v44;
	v14 =	vld.idx.msk [tilespmem:v14+s14+$0x0], $0xffff;
	v25 =	vadd.f32 v26, v62  }
0x13a: {  	v15 =	vor.u32 v41, v55;
	v28 =	vld [tilespmem:$0x1FF00];
	v8 =	vadd.f32 v19, v35;
	v41 =	vmovc v44;
	v44 =	vmov v45  }
0x13b: {  	v1 =	vor.u32 v52, v53;
	v10 =	vld.idx.msk [tilespmem:v10+s14+$0x0], $0xffff;
	[tilespmem:v13+s22+$0x0] =	vst.idx.msk $0xffff, v25;
	v7 =	vadd.f32 v7, v44  }
0x13c: {  	v26 =	vor.u32 v52, v32;
	v25 =	vld [tilespmem:$0x1FEA0];
	[tilespmem:v27+s22+$0x0] =	vst.idx.msk $0xffff, v8;
	v11 =	vadd.f32 v11, v2  }
0x13d: {  	v48 =	vor.u32 v52, v37;
	v13 =	vor.u32 v52, v56;
	v6 =	vld.idx.msk [tilespmem:v6+s14+$0x0], $0xffff;
	[tilespmem:v20+s22+$0x0] =	vst.idx.msk $0xffff, v7  }
0x13e: {  	[tilespmem:v12+s22+$0x0] =	vst.idx.msk $0xffff, v11;
	v12 =	vor.u32 v52, v31;
	v52 =	vmov v2;
	v2 =	vld.idx.msk [tilespmem:v9+s14+$0x0], $0xffff  }
0x13f: {  	v9 =	vld [tilespmem:$0x1FD80]  }
0x140: {  	v3 =	vor.u32 v54, v42;
	v27 =	vld [tilespmem:$0x1FEC0]  }
0x141: {  	v24 =	vor.u32 v30, v60;
	v14 =	vadd.f32 v14, v50;
	v22 =	vld.idx.msk [tilespmem:v5+s14+$0x0], $0xffff;
	v63 =	vor.u32 v54, v59  }
0x142: {  	[tilespmem:$0x1FD90] =	vst v3;
	v5 =	vld [tilespmem:$0x1FE20];
	v10 =	vadd.f32 v10, v57  }
0x143: {  	[tilespmem:v23+s22+$0x0] =	vst.idx.msk $0xffff, v14;
	v11 =	vld.idx.msk [tilespmem:v15+s14+$0x0], $0xffff  }
0x144: {  	v3 =	vor.u32 v54, v47;
	v23 =	vld [tilespmem:$0x1FE80];
	[tilespmem:v13+s22+$0x0] =	vst.idx.msk $0xffff, v10;
	v10 =	vadd.f32 v6, v35  }
0x145: {  	v14 =	vld.idx.msk [tilespmem:v21+s14+$0x0], $0xffff  }
0x146: {  	v8 =	vor.u32 v54, v61;
	v16 =	vadd.f32 v16, v39;
	v17 =	vld.idx.msk [tilespmem:v63+s14+$0x0], $0xffff;
	[tilespmem:v24+s22+$0x0] =	vst.idx.msk $0xffff, v10  }
0x147: {  	v15 =	vor.u32 v54, v55;
	v21 =	vadd.f32 v22, v62;
	v13 =	vor.u32 v54, v43;
	v54 =	vld.idx.msk [tilespmem:v9+s14+$0x0], $0xffff  }
0x148: {  	[tilespmem:v51+s22+$0x0] =	vst.idx.msk $0xffff, v16;
	v11 =	vadd.f32 v11, v52;
	v9 =	vld [tilespmem:$0x1FD90]  }
0x149: {  	v16 =	vld.idx.msk [tilespmem:v3+s14+$0x0], $0xffff;
	v10 =	vadd.f32 v18, v38;
	[tilespmem:v12+s22+$0x0] =	vst.idx.msk $0xffff, v21;
	v12 =	vor.u32 v0, v56  }
0x14a: {  	[tilespmem:v1+s22+$0x0] =	vst.idx.msk $0xffff, v11;
	v1 =	vld [tilespmem:$0x1FF40]  }
0x14b: {  	v4 =	vor.u32 v33, v47;
	v22 =	vld [tilespmem:$0x1FE70];
	[tilespmem:v48+s22+$0x0] =	vst.idx.msk $0xffff, v10  }
0x14c: {  	v3 =	vor.u32 v33, v61;
	v10 =	vor.u32 v33, v59;
	v61 =	vld.idx.msk [tilespmem:v13+s14+$0x0], $0xffff;
	v13 =	vadd.f32 v17, v57  }
0x14d: {  	v58 =	vor.u32 v0, v36;
	v5 =	vor.u32 v5, v60;
	v6 =	vor.u32 v0, v32;
	v24 =	vld [tilespmem:$0x1FE90]  }
0x14e: {  	v7 =	vor.u32 v0, v41;
	v11 =	vor.u32 v0, v31;
	v63 =	vld.idx.msk [tilespmem:v15+s14+$0x0], $0xffff;
	[tilespmem:v12+s22+$0x0] =	vst.idx.msk $0xffff, v13  }
0x14f: {  	v12 =	vor.u32 v0, v53;
	v1 =	vor.u32 v1, v60;
	v60 =	vor.u32 v0, v37;
	v0 =	vld [tilespmem:$0x1FE40]  }
0x150: {  	p1 =	slt.u32 s11, $0x38;
	v20 =	vld.idx.msk [tilespmem:v9+s14+$0x0], $0xffff;
	v9 =	vadd.f32 v14, v50  }
.Ltmp0:
0x151: {  	v10 =	vld.idx.msk [tilespmem:v10+s14+$0x0], $0xffff;
	v14 =	vadd.f32 v16, v39;
	(pc) =	sbr.rel @p1 .LBB2_3-.Ltmp0, $4  }
0x152: {  	[tilespmem:v26+s22+$0x0] =	vst.idx.msk $0xffff, v9;
	v26 =	vld [tilespmem:$0x1FEB0]  }
0x153: {  	v40 =	vmov v62;
	[tilespmem:v7+s22+$0x0] =	vst.idx.msk $0xffff, v14;
	v14 =	vadd.f32 v2, v44;
	v9 =	vld.idx.msk [tilespmem:v8+s14+$0x0], $0xffff  }
0x154: {  	v62 =	vor.u32 v33, v46;
	v7 =	vor.u32 v33, v55;
	v2 =	vor.u32 v0, v32;
	v8 =	vld.idx.msk [tilespmem:v4+s14+$0x0], $0xffff  }
0x155: {  	s11 =	sadd.s32 $0x8, s11;
	v45 =	vmov v31;
	v4 =	vadd.f32 v54, v35;
	[tilespmem:v58+s22+$0x0] =	vst.idx.msk $0xffff, v14;
	v14 =	vld [tilespmem:$0x1FF30];
	v13 =	vadd.f32 v20, v40  }
0x156: {  	_ =	sdelay $0x3  }
0x157: {  	v0 =	vld [tilespmem:$0x1FE40];
	[tilespmem:v11+s22+$0x0] =	vst.idx.msk $0xffff, v13  }
0x158: {  	v17 =	vld [tilespmem:$0x1FDB0];
	_ =	sdelay $0x3  }
0x159: {  	v29 =	vld [tilespmem:$0x1FFF0];
	_ =	sdelay $0x1  }
0x15a: {  	v16 =	vadd.f32 v63, v52  }
0x15b: {  	v48 =	vadd.f32 v61, v38  }
0x15c: {  	v9 =	vadd.f32 v9, v50;
	[tilespmem:v12+s22+$0x0] =	vst.idx.msk $0xffff, v16;
	v15 =	vor.u32 v0, v56;
	v17 =	vld.idx.msk [tilespmem:v17+s14+$0x0], $0xffff  }
0x15d: {  	v54 =	vld.idx.msk [tilespmem:v62+s14+$0x0], $0xffff;
	v14 =	vor.u32 v14, v49;
	v49 =	vor.u32 v0, v41;
	v18 =	vor.u32 v29, v59  }
0x15e: {  	v7 =	vld.idx.msk [tilespmem:v7+s14+$0x0], $0xffff;
	[tilespmem:v6+s22+$0x0] =	vst.idx.msk $0xffff, v9;
	v61 =	vor.u32 v0, v45  }
0x15f: {  	v58 =	vadd.f32 v10, v57;
	[tilespmem:v60+s22+$0x0] =	vst.idx.msk $0xffff, v48;
	v3 =	vld.idx.msk [tilespmem:v3+s14+$0x0], $0xffff;
	v19 =	vor.u32 v0, v36  }
0x160: {  	v8 =	vadd.f32 v8, v39;
	v21 =	vld [tilespmem:$0x1FDE0];
	[tilespmem:v5+s22+$0x0] =	vst.idx.msk $0xffff, v4;
	v59 =	vor.u32 v0, v53  }
0x161: {  	v63 =	vor.u32 v29, v46;
	[tilespmem:v15+s22+$0x0] =	vst.idx.msk $0xffff, v58;
	v46 =	vadd.f32 v17, v40  }
0x162: {  	v48 =	vadd.f32 v54, v44;
	v62 =	vor.u32 v29, v42;
	[tilespmem:v49+s22+$0x0] =	vst.idx.msk $0xffff, v8;
	v42 =	vld.idx.msk [tilespmem:v18+s14+$0x0], $0xffff  }
0x163: {  	v7 =	vadd.f32 v7, v52;
	[tilespmem:v61+s22+$0x0] =	vst.idx.msk $0xffff, v46  }
0x164: {  	v33 =	vor.u32 v0, v37;
	v3 =	vadd.f32 v3, v50;
	v0 =	vld [tilespmem:$0x1FE60];
	[tilespmem:v19+s22+$0x0] =	vst.idx.msk $0xffff, v48  }
0x165: {  	v51 =	vor.u32 v29, v47;
	[tilespmem:v59+s22+$0x0] =	vst.idx.msk $0xffff, v7  }
0x166: {  	[tilespmem:v2+s22+$0x0] =	vst.idx.msk $0xffff, v3  }
0x167: {  	v2 =	vadd.f32 v42, v57;
	v57 =	vld [tilespmem:$0x1FDD0]  }
0x168: {  	v21 =	vld.idx.msk [tilespmem:v21+s14+$0x0], $0xffff  }
0x169: {  	v20 =	vor.u32 v29, v55  }
0x16a: {  	v12 =	vld.idx.msk [tilespmem:v51+s14+$0x0], $0xffff  }
0x16b: {  	v47 =	vor.u32 v29, v43;
	v5 =	vld.idx.msk [tilespmem:v14+s14+$0x0], $0xffff;
	v49 =	vor.u32 v0, v56  }
0x16c: {  	v11 =	vld.idx.msk [tilespmem:v62+s14+$0x0], $0xffff;
	v51 =	vor.u32 v0, v41  }
0x16d: {  	v54 =	vadd.f32 v21, v38;
	v6 =	vld.idx.msk [tilespmem:v63+s14+$0x0], $0xffff  }
0x16e: {  	v3 =	vld.idx.msk [tilespmem:v20+s14+$0x0], $0xffff;
	v55 =	vor.u32 v0, v45  }
0x16f: {  	[tilespmem:v33+s22+$0x0] =	vst.idx.msk $0xffff, v54;
	v56 =	vadd.f32 v12, v39;
	v58 =	vor.u32 v0, v36;
	v12 =	vld.idx.msk [tilespmem:v57+s14+$0x0], $0xffff  }
0x170: {  	v60 =	vld.idx.msk [tilespmem:v47+s14+$0x0], $0xffff;
	v59 =	vor.u32 v0, v53;
	[tilespmem:v49+s22+$0x0] =	vst.idx.msk $0xffff, v2;
	v2 =	vadd.f32 v5, v35  }
0x171: {  	v61 =	vadd.f32 v11, v40;
	v62 =	vor.u32 v0, v32;
	[tilespmem:v51+s22+$0x0] =	vst.idx.msk $0xffff, v56  }
0x172: {  	v63 =	vor.u32 v0, v37;
	[tilespmem:v1+s22+$0x0] =	vst.idx.msk $0xffff, v2;
	v1 =	vadd.f32 v6, v44  }
0x173: {  	s7 =	smul.u32 $0x140000, s8;
	p1 =	sne.s32 s8, $0x27;
	[tilespmem:v55+s22+$0x0] =	vst.idx.msk $0xffff, v61;
	v2 =	vadd.f32 v3, v52  }
.Ltmp1:
0x174: {  	v3 =	vadd.f32 v12, v50;
	[tilespmem:v58+s22+$0x0] =	vst.idx.msk $0xffff, v1;
	(pc) =	sbr.rel @p1 .LBB2_6-.Ltmp1, $4  }
0x175: {  	s7 =	sor.u32 s5, s7;
	v1 =	vadd.f32 v60, v38;
	[tilespmem:v59+s22+$0x0] =	vst.idx.msk $0xffff, v2  }
0x176: {  	s7 =	sshrl.u32 s7, $0x3;
	[tilespmem:v62+s22+$0x0] =	vst.idx.msk $0xffff, v3  }
0x177: {  	s7 =	sadd.s32 s1, s7;
	[tilespmem:v63+s22+$0x0] =	vst.idx.msk $0xffff, v1  }
0x178: {  	v0 =	vmov v29;
	[hbm4b:s7+s9] =	stream.strided.scatter [tilespmem:s22], [sflag:$0x6], $0x2000, s10, s9, $0x38;
	[tilespmem:$0x1D600] =	vst v63  }
.Ltmp2:
0x179: {  	s7 =	simm.s32 $0x2;
	(pc) =	sbr.rel .LBB2_7-.Ltmp2, $4  }
0x17a: {  	_ =	swait.ge [sflag:s7], $0x2000  }
0x17b: {  	v20 =	vld [tilespmem:$0x1FED0]  }
0x17c: {  	[sflag:s7] =	ssyncset.done $0x0;
	v21 =	vld [tilespmem:$0x1FEF0]  }
0x17d: {  	v48 =	vld [tilespmem:$0x1FE30];
	[sflag:s7] =	ssyncadd.s32 $0xFFFFE000  }
.LBB2_6:
0x17e: {  	s7 =	sshll.u32 s6, $0x7  }
0x17f: {  	s7 =	sadd.s32 $0x280, s7  }
0x180: {  	s7 =	sand.u32 $0x1FF80, s7  }
0x181: {  	[tilespmem:s14], [sflag:$0x1] =	stream.indirect.gather [hbm4b:s4+s13], $0x40, s7, s13, $0xb8;
	[tilespmem:$0x1D600] =	vst v63  }
.Ltmp3:
0x182: {  	s31 =	simm.s32 $0x2;
	(pc) =	sbr.rel @p0 .LBB2_8-.Ltmp3, $4  }
0x183: {  	_ =	swait.ge [sflag:s31], $0x2000  }
0x184: {  	v20 =	vld [tilespmem:$0x1FED0]  }
0x185: {  	[sflag:s31] =	ssyncset.done $0x0;
	v21 =	vld [tilespmem:$0x1FEF0]  }
0x186: {  	v48 =	vld [tilespmem:$0x1FE30];
	[sflag:s31] =	ssyncadd.s32 $0xFFFFE000  }
.LBB2_7:
0x187: {  	s7 =	simm.s32 $0x7  }
0x188: {  	_ =	swait.ge [sflag:s7], $0x2000  }
0x189: {  	[sflag:s7] =	ssyncset.done $0x0  }
0x18a: {  	[sflag:s7] =	ssyncadd.s32 $0xFFFFE000  }
.LBB2_8:
0x18b: {  	v2 =	vld [tilespmem:$0x1FE00]  }
0x18c: {  	s11 =	sadd.s32 $0x1, s6;
	s16 =	simm.s32 $0x0;
	v29 =	vlaneseq.u32  }
0x18d: {  	v15 =	vld [tilespmem:$0x1FE50];
	s7 =	sshll.u32 s11, $0x6;
	v1 =	vadd.s32 s16, v29;
	s16 =	simm.s32 $0x4  }
0x18e: {  	s23 =	simm.s32 $0x5;
	v16 =	vmov s7;
	v3 =	vshll.u32 v1, $0x7;
	v4 =	vadd.s32 s16, v29  }
0x18f: {  	s21 =	simm.s32 $0x7;
	v50 =	vand.u32 $0x38, v1;
	v1 =	vadd.s32 s23, v29;
	v60 =	vand.u32 $0x1C00, v3  }
0x190: {  	v42 =	vand.u32 $0x3F, v4;
	v6 =	vor.u32 s7, v2;
	v2 =	vadd.s32 s21, v29;
	s21 =	simm.s32 $0x1  }
0x191: {  	s24 =	simm.s32 $0x2;
	v46 =	vand.u32 $0x3F, v1;
	v14 =	vor.u32 v16, v42;
	v5 =	vadd.s32 s21, v29  }
0x192: {  	v3 =	vadd.s32 s24, v29;
	v10 =	vor.u32 v15, v46;
	v47 =	vand.u32 $0x3F, v5  }
0x193: {  	v45 =	vand.u32 $0x3F, v3;
	v7 =	vor.u32 v16, v47  }
0x194: {  	v9 =	vor.u32 v16, v45  }
0x195: {  	v1 =	vshll.u32 v1, $0x7;
	[tilespmem:$0x1FD50] =	vst v6;
	v6 =	vor.u32 v50, v6  }
0x196: {  	v36 =	vand.u32 $0x1F80, v1;
	v5 =	vshll.u32 v5, $0x7;
	v8 =	vor.u32 v15, v47;
	v38 =	vld.idx.msk [tilespmem:v14+s12+$0x0], $0xffff  }
0x197: {  	s28 =	simm.s32 $0x3;
	s31 =	simm.s32 $0x6;
	v1 =	vshll.u32 v3, $0x7;
	v41 =	vand.u32 $0x1F80, v5;
	v5 =	vor.u32 v16, v46;
	v3 =	vld.idx.msk [tilespmem:v10+s15+$0x0], $0xffff  }
0x198: {  	v12 =	vadd.s32 s28, v29;
	v13 =	vadd.s32 s31, v29;
	v39 =	vld.idx.msk [tilespmem:v7+s12+$0x0], $0xffff;
	v7 =	vor.u32 v22, v50  }
0x199: {  	v61 =	vand.u32 $0x3F, v12;
	v59 =	vand.u32 $0x3F, v13;
	v11 =	vor.u32 v15, v45;
	v53 =	vld.idx.msk [tilespmem:v9+s12+$0x0], $0xffff  }
0x19a: {  	v4 =	vshll.u32 v4, $0x7;
	v18 =	vor.u32 v0, v61;
	v55 =	vand.u32 $0x3F, v2;
	v32 =	vld.idx.msk [tilespmem:v6+s12+$0x0], $0xffff  }
0x19b: {  	v44 =	vand.u32 $0x1F80, v1;
	v1 =	vor.u32 v16, v59;
	v9 =	vor.u32 v15, v55;
	v6 =	vld.idx.msk [tilespmem:v8+s15+$0x0], $0xffff  }
0x19c: {  	v37 =	vand.u32 $0x1F80, v4;
	v4 =	vor.u32 v15, v42;
	v8 =	vor.u32 v15, v61;
	v43 =	vld.idx.msk [tilespmem:v5+s12+$0x0], $0xffff;
	[tilespmem:$0x1FD60] =	vst v16  }
0x19d: {  	v5 =	vor.u32 v15, v59;
	v15 =	vor.u32 v29, v41;
	v7 =	vld.idx.msk [tilespmem:v7+s15+$0x0], $0xffff;
	[tilespmem:$0x1FD70] =	vst v18  }
0x19e: {  	v19 =	vor.u32 v24, v50;
	v62 =	vor.u32 v29, v36;
	v2 =	vshll.u32 v2, $0x7;
	v11 =	vld.idx.msk [tilespmem:v11+s15+$0x0], $0xffff  }
0x19f: {  	v31 =	vld [tilespmem:$0x1FFE0];
	v14 =	vor.u32 v16, v61;
	v10 =	vor.u32 v23, v60;
	v16 =	vor.u32 v16, v55  }
0x1a0: {  	v35 =	vand.u32 $0x1F80, v2;
	v2 =	vor.u32 v29, v44;
	v6 =	vadd.f32 v6, v39;
	v9 =	vld.idx.msk [tilespmem:v9+s15+$0x0], $0xffff  }
0x1a1: {  	v3 =	vadd.f32 v3, v43;
	v57 =	vld.idx.msk [tilespmem:v1+s12+$0x0], $0xffff  }
0x1a2: {  	v13 =	vshll.u32 v13, $0x7;
	v4 =	vld.idx.msk [tilespmem:v4+s15+$0x0], $0xffff;
	[tilespmem:v15+s25+$0x0] =	vst.idx.msk $0xffff, v6;
	v6 =	vadd.f32 v7, v32  }
0x1a3: {  	v56 =	vand.u32 $0x1F80, v13;
	v5 =	vld.idx.msk [tilespmem:v5+s15+$0x0], $0xffff;
	[tilespmem:v62+s25+$0x0] =	vst.idx.msk $0xffff, v3;
	v7 =	vadd.f32 v11, v53  }
0x1a4: {  	v13 =	vor.u32 v29, v37;
	v17 =	vor.u32 v48, v47;
	v52 =	vld.idx.msk [tilespmem:v16+s12+$0x0], $0xffff;
	[tilespmem:v10+s25+$0x0] =	vst.idx.msk $0xffff, v6  }
0x1a5: {  	v11 =	vor.u32 v29, v56;
	v15 =	vld.idx.msk [tilespmem:v19+s15+$0x0], $0xffff;
	[tilespmem:v2+s25+$0x0] =	vst.idx.msk $0xffff, v7  }
0x1a6: {  	v3 =	vor.u32 v48, v46;
	v18 =	vld [tilespmem:$0x1FF50]  }
0x1a7: {  	v4 =	vadd.f32 v4, v38;
	v6 =	vor.u32 v29, v35;
	v10 =	vor.u32 v48, v59  }
0x1a8: {  	v40 =	vor.u32 v48, v55;
	v8 =	vld.idx.msk [tilespmem:v8+s15+$0x0], $0xffff;
	v5 =	vadd.f32 v5, v57;
	v2 =	vor.u32 v25, v60  }
0x1a9: {  	v12 =	vshll.u32 v12, $0x7;
	v63 =	vld.idx.msk [tilespmem:v17+s15+$0x0], $0xffff;
	[tilespmem:v13+s25+$0x0] =	vst.idx.msk $0xffff, v4  }
0x1aa: {  	v49 =	vand.u32 $0x1F80, v12;
	v54 =	vld.idx.msk [tilespmem:v14+s12+$0x0], $0xffff;
	v9 =	vadd.f32 v9, v52;
	[tilespmem:v11+s25+$0x0] =	vst.idx.msk $0xffff, v5  }
0x1ab: {  	v3 =	vld.idx.msk [tilespmem:v3+s15+$0x0], $0xffff;
	v5 =	vor.u32 v26, v50;
	v12 =	vadd.f32 v15, v32;
	v7 =	vor.u32 v18, v41  }
0x1ac: {  	v11 =	vor.u32 v29, v49;
	[tilespmem:v6+s25+$0x0] =	vst.idx.msk $0xffff, v9;
	v6 =	vor.u32 v48, v45;
	v9 =	vld.idx.msk [tilespmem:v10+s15+$0x0], $0xffff  }
0x1ad: {  	v10 =	vor.u32 v48, v42;
	v14 =	vld.idx.msk [tilespmem:v40+s15+$0x0], $0xffff;
	[tilespmem:v2+s25+$0x0] =	vst.idx.msk $0xffff, v12  }
0x1ae: {  	v13 =	vadd.f32 v63, v39;
	v15 =	vor.u32 v18, v56;
	v62 =	vld [tilespmem:$0x1FF60]  }
0x1af: {  	v8 =	vadd.f32 v8, v54;
	v2 =	vor.u32 v18, v36  }
0x1b0: {  	v5 =	vld.idx.msk [tilespmem:v5+s15+$0x0], $0xffff;
	[tilespmem:v7+s25+$0x0] =	vst.idx.msk $0xffff, v13;
	v7 =	vor.u32 v18, v35  }
0x1b1: {  	v4 =	vor.u32 v48, v61;
	[tilespmem:v11+s25+$0x0] =	vst.idx.msk $0xffff, v8;
	v6 =	vld.idx.msk [tilespmem:v6+s15+$0x0], $0xffff;
	v8 =	vadd.f32 v9, v57  }
0x1b2: {  	v3 =	vadd.f32 v3, v43;
	v11 =	vor.u32 v18, v44;
	v9 =	vor.u32 v27, v60;
	v10 =	vld.idx.msk [tilespmem:v10+s15+$0x0], $0xffff  }
0x1b3: {  	v14 =	vadd.f32 v14, v52;
	[tilespmem:v15+s25+$0x0] =	vst.idx.msk $0xffff, v8;
	v12 =	vor.u32 v62, v47  }
0x1b4: {  	v15 =	vor.u32 v18, v37;
	[tilespmem:v2+s25+$0x0] =	vst.idx.msk $0xffff, v3;
	v13 =	vor.u32 v62, v59  }
0x1b5: {  	v5 =	vadd.f32 v5, v32;
	[tilespmem:v7+s25+$0x0] =	vst.idx.msk $0xffff, v14  }
0x1b6: {  	v6 =	vadd.f32 v6, v53;
	v63 =	vld [tilespmem:$0x1FF70]  }
0x1b7: {  	v4 =	vld.idx.msk [tilespmem:v4+s15+$0x0], $0xffff;
	v8 =	vor.u32 v62, v46;
	[tilespmem:v9+s25+$0x0] =	vst.idx.msk $0xffff, v5;
	v9 =	vadd.f32 v10, v38  }
0x1b8: {  	v2 =	vor.u32 v20, v50;
	[tilespmem:v11+s25+$0x0] =	vst.idx.msk $0xffff, v6;
	v3 =	vld.idx.msk [tilespmem:v12+s15+$0x0], $0xffff  }
0x1b9: {  	v7 =	vor.u32 v18, v49;
	v12 =	vor.u32 v62, v45;
	v13 =	vld.idx.msk [tilespmem:v13+s15+$0x0], $0xffff;
	[tilespmem:v15+s25+$0x0] =	vst.idx.msk $0xffff, v9  }
0x1ba: {  	v9 =	vld [tilespmem:$0x1FEE0]  }
0x1bb: {  	v14 =	vor.u32 v63, v41  }
0x1bc: {  	v4 =	vadd.f32 v4, v54;
	v8 =	vld.idx.msk [tilespmem:v8+s15+$0x0], $0xffff;
	v6 =	vor.u32 v63, v56  }
0x1bd: {  	v5 =	vor.u32 v62, v42;
	v2 =	vld.idx.msk [tilespmem:v2+s15+$0x0], $0xffff  }
0x1be: {  	[tilespmem:v7+s25+$0x0] =	vst.idx.msk $0xffff, v4;
	v15 =	vor.u32 v63, v36;
	v3 =	vadd.f32 v3, v39;
	v12 =	vld.idx.msk [tilespmem:v12+s15+$0x0], $0xffff  }
0x1bf: {  	v10 =	vor.u32 v62, v55;
	v40 =	vld [tilespmem:$0x1FF80];
	v7 =	vadd.f32 v13, v57;
	v9 =	vor.u32 v9, v60  }
0x1c0: {  	v11 =	vor.u32 v62, v61;
	[tilespmem:v14+s25+$0x0] =	vst.idx.msk $0xffff, v3;
	v3 =	vor.u32 v63, v44  }
0x1c1: {  	v8 =	vadd.f32 v8, v43;
	[tilespmem:v6+s25+$0x0] =	vst.idx.msk $0xffff, v7  }
0x1c2: {  	v2 =	vadd.f32 v2, v32;
	v6 =	vld [tilespmem:$0x1FE10]  }
0x1c3: {  	v5 =	vld.idx.msk [tilespmem:v5+s15+$0x0], $0xffff;
	[tilespmem:v15+s25+$0x0] =	vst.idx.msk $0xffff, v8;
	v12 =	vadd.f32 v12, v53  }
0x1c4: {  	v10 =	vld.idx.msk [tilespmem:v10+s15+$0x0], $0xffff;
	v4 =	vor.u32 v40, v47;
	[tilespmem:v9+s25+$0x0] =	vst.idx.msk $0xffff, v2  }
0x1c5: {  	v11 =	vld.idx.msk [tilespmem:v11+s15+$0x0], $0xffff;
	v13 =	vor.u32 v40, v59;
	[tilespmem:v3+s25+$0x0] =	vst.idx.msk $0xffff, v12  }
0x1c6: {  	v14 =	vor.u32 v40, v46;
	v7 =	vor.u32 v63, v37;
	v48 =	vld [tilespmem:$0x1FF90]  }
0x1c7: {  	v8 =	vor.u32 v63, v35;
	v6 =	vor.u32 v6, v50;
	_ =	sdelay $0x1  }
0x1c8: {  	v5 =	vadd.f32 v5, v38;
	v2 =	vor.u32 v63, v49;
	v4 =	vld.idx.msk [tilespmem:v4+s15+$0x0], $0xffff  }
0x1c9: {  	v10 =	vadd.f32 v10, v52;
	v13 =	vld.idx.msk [tilespmem:v13+s15+$0x0], $0xffff  }
0x1ca: {  	v11 =	vadd.f32 v11, v54;
	v14 =	vld.idx.msk [tilespmem:v14+s15+$0x0], $0xffff;
	[tilespmem:v7+s25+$0x0] =	vst.idx.msk $0xffff, v5;
	v12 =	vor.u32 v48, v41  }
0x1cb: {  	v15 =	vor.u32 v40, v45;
	[tilespmem:v8+s25+$0x0] =	vst.idx.msk $0xffff, v10;
	v5 =	vor.u32 v48, v56;
	v6 =	vld.idx.msk [tilespmem:v6+s15+$0x0], $0xffff  }
0x1cc: {  	v9 =	vor.u32 v40, v42;
	v3 =	vor.u32 v40, v55;
	v51 =	vld [tilespmem:$0x1FFA0];
	v8 =	vor.u32 v48, v36  }
0x1cd: {  	[tilespmem:v2+s25+$0x0] =	vst.idx.msk $0xffff, v11;
	v2 =	vor.u32 v21, v60;
	v4 =	vadd.f32 v4, v39  }
0x1ce: {  	v13 =	vadd.f32 v13, v57  }
0x1cf: {  	v7 =	vor.u32 v40, v61;
	[tilespmem:v12+s25+$0x0] =	vst.idx.msk $0xffff, v4;
	v12 =	vadd.f32 v14, v43  }
0x1d0: {  	v15 =	vld.idx.msk [tilespmem:v15+s15+$0x0], $0xffff;
	[tilespmem:v5+s25+$0x0] =	vst.idx.msk $0xffff, v13;
	v6 =	vadd.f32 v6, v32  }
0x1d1: {  	v9 =	vld.idx.msk [tilespmem:v9+s15+$0x0], $0xffff;
	v10 =	vor.u32 v51, v47;
	[tilespmem:v8+s25+$0x0] =	vst.idx.msk $0xffff, v12  }
0x1d2: {  	v3 =	vld.idx.msk [tilespmem:v3+s15+$0x0], $0xffff;
	v11 =	vor.u32 v51, v59;
	v4 =	vor.u32 v48, v44;
	[tilespmem:v2+s25+$0x0] =	vst.idx.msk $0xffff, v6  }
0x1d3: {  	v14 =	vor.u32 v51, v46;
	v5 =	vor.u32 v48, v37;
	v62 =	vld [tilespmem:$0x1FFB0]  }
0x1d4: {  	v7 =	vld.idx.msk [tilespmem:v7+s15+$0x0], $0xffff;
	v13 =	vor.u32 v28, v50;
	v12 =	vor.u32 v48, v35  }
0x1d5: {  	v15 =	vadd.f32 v15, v53  }
0x1d6: {  	v10 =	vld.idx.msk [tilespmem:v10+s15+$0x0], $0xffff;
	v8 =	vor.u32 v51, v45;
	v2 =	vor.u32 v48, v49;
	v6 =	vadd.f32 v9, v38  }
0x1d7: {  	v3 =	vadd.f32 v3, v52;
	v11 =	vld.idx.msk [tilespmem:v11+s15+$0x0], $0xffff;
	[tilespmem:v4+s25+$0x0] =	vst.idx.msk $0xffff, v15;
	v4 =	vor.u32 v51, v42  }
0x1d8: {  	v15 =	vor.u32 v51, v55;
	v14 =	vld.idx.msk [tilespmem:v14+s15+$0x0], $0xffff;
	[tilespmem:v5+s25+$0x0] =	vst.idx.msk $0xffff, v6;
	v9 =	vor.u32 v62, v41  }
0x1d9: {  	v7 =	vadd.f32 v7, v54;
	v6 =	vld.idx.msk [tilespmem:v13+s15+$0x0], $0xffff;
	[tilespmem:v12+s25+$0x0] =	vst.idx.msk $0xffff, v3;
	v13 =	vor.u32 v62, v56  }
0x1da: {  	v63 =	vld [tilespmem:$0x1FFC0]  }
0x1db: {  	v10 =	vadd.f32 v10, v39;
	v3 =	vor.u32 v62, v36;
	[tilespmem:v2+s25+$0x0] =	vst.idx.msk $0xffff, v7;
	v7 =	vld.idx.msk [tilespmem:v8+s15+$0x0], $0xffff  }
0x1dc: {  	v11 =	vadd.f32 v11, v57;
	v2 =	vor.u32 v30, v60;
	v4 =	vld.idx.msk [tilespmem:v4+s15+$0x0], $0xffff  }
0x1dd: {  	[tilespmem:v9+s25+$0x0] =	vst.idx.msk $0xffff, v10;
	v10 =	vld.idx.msk [tilespmem:v15+s15+$0x0], $0xffff;
	v15 =	vor.u32 v62, v44  }
0x1de: {  	v14 =	vadd.f32 v14, v43;
	[tilespmem:v13+s25+$0x0] =	vst.idx.msk $0xffff, v11;
	v11 =	vor.u32 v62, v37  }
0x1df: {  	v6 =	vadd.f32 v6, v32  }
0x1e0: {  	v5 =	vor.u32 v51, v61;
	[tilespmem:v3+s25+$0x0] =	vst.idx.msk $0xffff, v14;
	v7 =	vadd.f32 v7, v53  }
0x1e1: {  	[tilespmem:v2+s25+$0x0] =	vst.idx.msk $0xffff, v6;
	v4 =	vadd.f32 v4, v38  }
0x1e2: {  	v8 =	vor.u32 v63, v47;
	[tilespmem:v15+s25+$0x0] =	vst.idx.msk $0xffff, v7  }
0x1e3: {  	v9 =	vor.u32 v63, v59;
	[tilespmem:v11+s25+$0x0] =	vst.idx.msk $0xffff, v4  }
0x1e4: {  	v12 =	vor.u32 v63, v46;
	v20 =	vld [tilespmem:$0x1FFD0]  }
0x1e5: {  	v5 =	vld.idx.msk [tilespmem:v5+s15+$0x0], $0xffff  }
0x1e6: {  	v1 =	vor.u32 v34, v50;
	v3 =	vor.u32 v62, v35  }
0x1e7: {  	v2 =	vor.u32 v62, v49;
	v6 =	vld.idx.msk [tilespmem:v8+s15+$0x0], $0xffff  }
0x1e8: {  	v8 =	vld.idx.msk [tilespmem:v9+s15+$0x0], $0xffff  }
0x1e9: {  	v9 =	vadd.f32 v10, v52;
	v10 =	vor.u32 v63, v55;
	v12 =	vld.idx.msk [tilespmem:v12+s15+$0x0], $0xffff;
	v4 =	vor.u32 v20, v41  }
0x1ea: {  	v11 =	vadd.f32 v5, v54;
	v15 =	vor.u32 v20, v56  }
0x1eb: {  	v13 =	vor.u32 v63, v45;
	v48 =	vld.idx.msk [tilespmem:v1+s15+$0x0], $0xffff;
	[tilespmem:v3+s25+$0x0] =	vst.idx.msk $0xffff, v9;
	v51 =	vor.u32 v20, v36  }
0x1ec: {  	v3 =	vld [tilespmem:$0x1FE20];
	[tilespmem:v2+s25+$0x0] =	vst.idx.msk $0xffff, v11;
	v9 =	vadd.f32 v6, v39  }
0x1ed: {  	v40 =	vor.u32 v63, v61;
	v7 =	vor.u32 v63, v42;
	v1 =	vld [tilespmem:$0x1FF40];
	v63 =	vadd.f32 v8, v57  }
0x1ee: {  	v8 =	vld.idx.msk [tilespmem:v10+s15+$0x0], $0xffff;
	v10 =	vadd.f32 v12, v43;
	[tilespmem:v4+s25+$0x0] =	vst.idx.msk $0xffff, v9  }
0x1ef: {  	[tilespmem:v15+s25+$0x0] =	vst.idx.msk $0xffff, v63  }
0x1f0: {  	v14 =	vor.u32 v31, v47;
	v13 =	vld.idx.msk [tilespmem:v13+s15+$0x0], $0xffff;
	[tilespmem:v51+s25+$0x0] =	vst.idx.msk $0xffff, v10  }
0x1f1: {  	v2 =	vor.u32 v31, v59;
	v0 =	vld [tilespmem:$0x1FE40]  }
0x1f2: {  	v58 =	vor.u32 v31, v45;
	v33 =	vor.u32 v31, v42  }
0x1f3: {  	v62 =	vor.u32 v31, v46;
	v5 =	vor.u32 v3, v60;
	v3 =	vor.u32 v31, v61;
	v61 =	vld.idx.msk [tilespmem:v7+s15+$0x0], $0xffff  }
0x1f4: {  	v6 =	vor.u32 v20, v49;
	v11 =	vor.u32 v20, v44;
	v12 =	vor.u32 v20, v35;
	v9 =	vld.idx.msk [tilespmem:v40+s15+$0x0], $0xffff  }
0x1f5: {  	v13 =	vadd.f32 v13, v53;
	v7 =	vor.u32 v31, v55;
	v1 =	vor.u32 v1, v60;
	v63 =	vld.idx.msk [tilespmem:v14+s15+$0x0], $0xffff  }
0x1f6: {  	s7 =	simm.s32 $0x8;
	v60 =	vor.u32 v20, v37;
	v4 =	vadd.f32 v48, v32;
	v10 =	vld.idx.msk [tilespmem:v2+s15+$0x0], $0xffff;
	v2 =	vor.u32 v0, v49  }
.LBB2_9:
0x1f7: {  	v0 =	vld [tilespmem:$0x1FF30]  }
0x1f8: {  	v28 =	vld [tilespmem:$0x1FE40];
	_ =	sdelay $0x3  }
0x1f9: {  	v14 =	vor.u32 v0, v50;
	v0 =	vld [tilespmem:$0x1FFF0]  }
0x1fa: {  	[tilespmem:v11+s25+$0x0] =	vst.idx.msk $0xffff, v13;
	v11 =	vadd.f32 v61, v38;
	v13 =	vor.u32 v28, v41;
	_ =	sdelay $0x1  }
0x1fb: {  	v20 =	vld.idx.msk [tilespmem:v62+s15+$0x0], $0xffff;
	v8 =	vadd.f32 v8, v52;
	[tilespmem:v60+s25+$0x0] =	vst.idx.msk $0xffff, v11  }
0x1fc: {  	v16 =	vld.idx.msk [tilespmem:v58+s15+$0x0], $0xffff;
	v9 =	vadd.f32 v9, v54;
	v18 =	vadd.f32 v63, v39;
	v15 =	vor.u32 v28, v56  }
0x1fd: {  	[tilespmem:v12+s25+$0x0] =	vst.idx.msk $0xffff, v8;
	v12 =	vld.idx.msk [tilespmem:v33+s15+$0x0], $0xffff;
	v21 =	vor.u32 v28, v36;
	v17 =	vor.u32 v0, v59  }
0x1fe: {  	v63 =	vld [tilespmem:$0x1FE60];
	[tilespmem:v13+s25+$0x0] =	vst.idx.msk $0xffff, v18;
	v13 =	vor.u32 v0, v46  }
0x1ff: {  	v7 =	vld.idx.msk [tilespmem:v7+s15+$0x0], $0xffff;
	[tilespmem:v6+s25+$0x0] =	vst.idx.msk $0xffff, v9;
	v6 =	vadd.f32 v10, v57;
	v9 =	vor.u32 v28, v44  }
0x200: {  	[tilespmem:v5+s25+$0x0] =	vst.idx.msk $0xffff, v4;
	v4 =	vadd.f32 v20, v43;
	v3 =	vld.idx.msk [tilespmem:v3+s15+$0x0], $0xffff;
	v19 =	vor.u32 v0, v47  }
0x201: {  	v8 =	vor.u32 v28, v35;
	v16 =	vadd.f32 v16, v53;
	[tilespmem:v15+s25+$0x0] =	vst.idx.msk $0xffff, v6;
	v5 =	vld.idx.msk [tilespmem:v14+s15+$0x0], $0xffff  }
0x202: {  	v10 =	vor.u32 v0, v55;
	v11 =	vor.u32 v0, v45;
	[tilespmem:v21+s25+$0x0] =	vst.idx.msk $0xffff, v4;
	v15 =	vld.idx.msk [tilespmem:v17+s15+$0x0], $0xffff  }
0x203: {  	v6 =	vor.u32 v28, v37;
	v62 =	vor.u32 v0, v42;
	v4 =	vadd.f32 v12, v38;
	v12 =	vld.idx.msk [tilespmem:v13+s15+$0x0], $0xffff  }
0x204: {  	v7 =	vadd.f32 v7, v52;
	[tilespmem:v9+s25+$0x0] =	vst.idx.msk $0xffff, v16;
	v9 =	vor.u32 v63, v56;
	v13 =	vld [tilespmem:$0x1FD70]  }
0x205: {  	v3 =	vadd.f32 v3, v54;
	v61 =	vld.idx.msk [tilespmem:v19+s15+$0x0], $0xffff  }
0x206: {  	[tilespmem:v8+s25+$0x0] =	vst.idx.msk $0xffff, v7  }
0x207: {  	v14 =	vor.u32 v63, v41;
	[tilespmem:v2+s25+$0x0] =	vst.idx.msk $0xffff, v3;
	v3 =	vld.idx.msk [tilespmem:v10+s15+$0x0], $0xffff;
	v2 =	vadd.f32 v15, v57  }
0x208: {  	v11 =	vld.idx.msk [tilespmem:v11+s15+$0x0], $0xffff;
	[tilespmem:v6+s25+$0x0] =	vst.idx.msk $0xffff, v4;
	v6 =	vor.u32 v63, v36  }
0x209: {  	v7 =	vor.u32 v63, v35;
	v4 =	vld.idx.msk [tilespmem:v62+s15+$0x0], $0xffff;
	[tilespmem:v9+s25+$0x0] =	vst.idx.msk $0xffff, v2;
	v2 =	vadd.f32 v5, v32  }
0x20a: {  	v33 =	vld [tilespmem:$0x1FD60];
	v8 =	vadd.f32 v61, v39  }
0x20b: {  	s24 =	smov.u32 s7;
	v35 =	vld [tilespmem:$0x1FE50];
	v10 =	vor.u32 v63, v44;
	[tilespmem:v1+s25+$0x0] =	vst.idx.msk $0xffff, v2;
	v1 =	vadd.f32 v12, v43  }
0x20c: {  	s31 =	sadd.s32 $0x6, s24;
	v28 =	vlaneseq.u32;
	[tilespmem:v14+s25+$0x0] =	vst.idx.msk $0xffff, v8;
	v5 =	vor.u32 v63, v37;
	v13 =	vld.idx.msk [tilespmem:v13+s15+$0x0], $0xffff;
	v2 =	vadd.f32 v3, v52  }
0x20d: {  	v8 =	vadd.f32 v11, v53;
	v9 =	vor.u32 v63, v49;
	v12 =	vadd.s32 s31, v28;
	[tilespmem:v6+s25+$0x0] =	vst.idx.msk $0xffff, v1  }
0x20e: {  	s16 =	sadd.s32 $0x7, s24;
	s21 =	sadd.s32 $0x4, s24;
	s28 =	sadd.s32 $0x5, s24;
	v59 =	vand.u32 $0x3F, v12;
	v1 =	vadd.f32 v4, v38;
	[tilespmem:v7+s25+$0x0] =	vst.idx.msk $0xffff, v2;
	v2 =	vadd.s32 s24, v28  }
0x20f: {  	v31 =	vld [tilespmem:$0x1FFE0];
	v4 =	vadd.s32 s16, v28;
	v6 =	vadd.s32 s21, v28;
	v7 =	vadd.s32 s28, v28  }
0x210: {  	s23 =	sadd.s32 $0x2, s24;
	[tilespmem:v10+s25+$0x0] =	vst.idx.msk $0xffff, v8;
	v8 =	vld [tilespmem:$0x1FD50];
	s16 =	sadd.s32 $0x1, s24;
	s24 =	sadd.s32 $0x3, s24;
	v17 =	vor.u32 v35, v59;
	v50 =	vand.u32 $0x38, v2;
	v42 =	vand.u32 $0x3F, v6  }
0x211: {  	v29 =	vld [tilespmem:$0x1FE30];
	v11 =	vadd.s32 s24, v28;
	v3 =	vadd.f32 v13, v54;
	v13 =	vor.u32 v33, v42  }
0x212: {  	v58 =	vld [tilespmem:$0x1FF60];
	v55 =	vand.u32 $0x3F, v4;
	v61 =	vand.u32 $0x3F, v11;
	v14 =	vor.u32 v22, v50  }
0x213: {  	v32 =	vld [tilespmem:$0x1FFC0];
	v6 =	vshll.u32 v6, $0x7;
	[tilespmem:v5+s25+$0x0] =	vst.idx.msk $0xffff, v1;
	v15 =	vor.u32 v35, v55;
	v48 =	vor.u32 v0, v61  }
0x214: {  	v1 =	vadd.s32 s16, v28;
	v37 =	vand.u32 $0x1F80, v6;
	v6 =	vor.u32 v35, v42;
	[tilespmem:$0x1FD70] =	vst v48;
	v48 =	vld [tilespmem:$0x1FF50]  }
0x215: {  	v46 =	vand.u32 $0x3F, v7;
	v47 =	vand.u32 $0x3F, v1;
	v8 =	vor.u32 v50, v8;
	v17 =	vld.idx.msk [tilespmem:v17+s15+$0x0], $0xffff  }
0x216: {  	v7 =	vshll.u32 v7, $0x7;
	[tilespmem:v9+s25+$0x0] =	vst.idx.msk $0xffff, v3;
	v3 =	vshll.u32 v2, $0x7;
	v2 =	vor.u32 v33, v47;
	v40 =	vld.idx.msk [tilespmem:v13+s12+$0x0], $0xffff  }
0x217: {  	v38 =	vand.u32 $0x1F80, v7;
	v1 =	vshll.u32 v1, $0x7;
	v7 =	vor.u32 v35, v61;
	v14 =	vld.idx.msk [tilespmem:v14+s15+$0x0], $0xffff  }
0x218: {  	v5 =	vor.u32 v35, v47;
	v60 =	vand.u32 $0x1C00, v3;
	v3 =	vadd.s32 s23, v28;
	v15 =	vld.idx.msk [tilespmem:v15+s15+$0x0], $0xffff  }
0x219: {  	v41 =	vand.u32 $0x1F80, v1;
	v1 =	vor.u32 v35, v46;
	v45 =	vand.u32 $0x3F, v3;
	v6 =	vld.idx.msk [tilespmem:v6+s15+$0x0], $0xffff  }
0x21a: {  	v9 =	vor.u32 v33, v45;
	v36 =	vld.idx.msk [tilespmem:v8+s12+$0x0], $0xffff  }
0x21b: {  	v39 =	vld.idx.msk [tilespmem:v2+s12+$0x0], $0xffff;
	v2 =	vor.u32 v33, v46  }
0x21c: {  	v3 =	vshll.u32 v3, $0x7;
	v10 =	vor.u32 v35, v45;
	v7 =	vld.idx.msk [tilespmem:v7+s15+$0x0], $0xffff  }
0x21d: {  	v11 =	vshll.u32 v11, $0x7;
	v44 =	vand.u32 $0x1F80, v3;
	v3 =	vld.idx.msk [tilespmem:v5+s15+$0x0], $0xffff;
	v5 =	vor.u32 v33, v61  }
0x21e: {  	v49 =	vand.u32 $0x1F80, v11;
	v0 =	vor.u32 v34, v50;
	v1 =	vld.idx.msk [tilespmem:v1+s15+$0x0], $0xffff  }
0x21f: {  	v18 =	vor.u32 v28, v37;
	v16 =	vor.u32 v29, v47;
	v11 =	vor.u32 v28, v41;
	v53 =	vld.idx.msk [tilespmem:v9+s12+$0x0], $0xffff  }
0x220: {  	[tilespmem:$0x1FD20] =	vst v0;
	v20 =	vor.u32 v25, v60;
	v0 =	vor.u32 v32, v45;
	v43 =	vld.idx.msk [tilespmem:v2+s12+$0x0], $0xffff  }
0x221: {  	v13 =	vor.u32 v28, v38;
	[tilespmem:$0x1FD30] =	vst v0;
	v10 =	vld.idx.msk [tilespmem:v10+s15+$0x0], $0xffff;
	v2 =	vshll.u32 v12, $0x7;
	v12 =	vor.u32 v33, v59  }
0x222: {  	v0 =	vor.u32 v32, v46;
	v9 =	vor.u32 v33, v55;
	v3 =	vadd.f32 v3, v39;
	v54 =	vld.idx.msk [tilespmem:v5+s12+$0x0], $0xffff  }
0x223: {  	v25 =	vor.u32 v27, v60;
	v8 =	vor.u32 v23, v60;
	[tilespmem:$0x1FD10] =	vst v0;
	v0 =	vor.u32 v32, v47;
	v33 =	vld [tilespmem:$0x1FF80]  }
0x224: {  	v4 =	vshll.u32 v4, $0x7;
	v51 =	vadd.f32 v6, v40;
	v5 =	vor.u32 v29, v46;
	[tilespmem:v11+s25+$0x0] =	vst.idx.msk $0xffff, v3;
	v3 =	vld [tilespmem:$0x1FFB0]  }
0x225: {  	v35 =	vand.u32 $0x1F80, v4;
	v4 =	vor.u32 v24, v50;
	[tilespmem:$0x1FD00] =	vst v0;
	v16 =	vld.idx.msk [tilespmem:v16+s15+$0x0], $0xffff;
	v1 =	vadd.f32 v1, v43  }
0x226: {  	v27 =	vor.u32 v29, v55;
	[tilespmem:v18+s25+$0x0] =	vst.idx.msk $0xffff, v51;
	v57 =	vld.idx.msk [tilespmem:v12+s12+$0x0], $0xffff;
	v12 =	vadd.f32 v14, v36  }
0x227: {  	v23 =	vor.u32 v48, v41;
	v56 =	vand.u32 $0x1F80, v2;
	v52 =	vld.idx.msk [tilespmem:v9+s12+$0x0], $0xffff;
	[tilespmem:v13+s25+$0x0] =	vst.idx.msk $0xffff, v1  }
0x228: {  	v24 =	vor.u32 v29, v42;
	v2 =	vld [tilespmem:$0x1FFA0];
	[tilespmem:v8+s25+$0x0] =	vst.idx.msk $0xffff, v12;
	v12 =	vor.u32 v28, v56  }
0x229: {  	v8 =	vor.u32 v26, v50;
	v13 =	vor.u32 v28, v35;
	v26 =	vld.idx.msk [tilespmem:v5+s15+$0x0], $0xffff;
	v5 =	vor.u32 v29, v59  }
0x22a: {  	v11 =	vor.u32 v28, v44;
	v0 =	vor.u32 v3, v35;
	v4 =	vld.idx.msk [tilespmem:v4+s15+$0x0], $0xffff;
	v16 =	vadd.f32 v16, v39  }
0x22b: {  	v22 =	vor.u32 v29, v61;
	v19 =	vor.u32 v28, v49;
	[tilespmem:$0x1FD40] =	vst v0;
	v0 =	vld [tilespmem:$0x1FF00];
	v17 =	vadd.f32 v17, v57  }
0x22c: {  	v28 =	vadd.f32 v7, v54;
	v1 =	vld [tilespmem:$0x1FF70];
	v7 =	vadd.f32 v15, v52;
	[tilespmem:v23+s25+$0x0] =	vst.idx.msk $0xffff, v16  }
0x22d: {  	v21 =	vor.u32 v29, v45;
	v10 =	vadd.f32 v10, v53;
	v23 =	vld.idx.msk [tilespmem:v24+s15+$0x0], $0xffff;
	[tilespmem:v12+s25+$0x0] =	vst.idx.msk $0xffff, v17  }
0x22e: {  	v9 =	vor.u32 v58, v47;
	v14 =	vor.u32 v48, v38;
	[tilespmem:v13+s25+$0x0] =	vst.idx.msk $0xffff, v7;
	v12 =	vld.idx.msk [tilespmem:v5+s15+$0x0], $0xffff  }
0x22f: {  	[tilespmem:v11+s25+$0x0] =	vst.idx.msk $0xffff, v10;
	v10 =	vor.u32 v48, v44;
	v11 =	vor.u32 v48, v37;
	v17 =	vld.idx.msk [tilespmem:v27+s15+$0x0], $0xffff  }
0x230: {  	v29 =	vor.u32 v48, v49;
	v4 =	vadd.f32 v4, v36;
	v6 =	vor.u32 v0, v50;
	v0 =	vld [tilespmem:$0x1FE10]  }
0x231: {  	[tilespmem:v19+s25+$0x0] =	vst.idx.msk $0xffff, v28;
	v16 =	vor.u32 v48, v56;
	v27 =	vor.u32 v48, v35;
	v48 =	vld [tilespmem:$0x1FED0]  }
0x232: {  	v19 =	vor.u32 v58, v46;
	[tilespmem:v20+s25+$0x0] =	vst.idx.msk $0xffff, v4;
	v20 =	vld.idx.msk [tilespmem:v21+s15+$0x0], $0xffff  }
0x233: {  	v62 =	vor.u32 v31, v42;
	v24 =	vor.u32 v58, v59;
	v22 =	vld.idx.msk [tilespmem:v22+s15+$0x0], $0xffff  }
0x234: {  	v30 =	vor.u32 v58, v61;
	v13 =	vadd.f32 v26, v43;
	v26 =	vor.u32 v58, v55;
	v8 =	vld.idx.msk [tilespmem:v8+s15+$0x0], $0xffff  }
0x235: {  	v51 =	vor.u32 v58, v45;
	v21 =	vor.u32 v0, v50;
	v0 =	vld [tilespmem:$0x1FEE0];
	v12 =	vadd.f32 v12, v57  }
0x236: {  	v9 =	vld.idx.msk [tilespmem:v9+s15+$0x0], $0xffff;
	v15 =	vor.u32 v1, v41;
	[tilespmem:v14+s25+$0x0] =	vst.idx.msk $0xffff, v13;
	v17 =	vadd.f32 v17, v52  }
0x237: {  	v19 =	vld.idx.msk [tilespmem:v19+s15+$0x0], $0xffff;
	v48 =	vor.u32 v48, v50;
	v20 =	vadd.f32 v20, v53;
	[tilespmem:v16+s25+$0x0] =	vst.idx.msk $0xffff, v12  }
0x238: {  	v58 =	vor.u32 v58, v42;
	v16 =	vadd.f32 v23, v40;
	[tilespmem:v27+s25+$0x0] =	vst.idx.msk $0xffff, v17;
	v13 =	vld.idx.msk [tilespmem:v24+s15+$0x0], $0xffff  }
0x239: {  	v8 =	vadd.f32 v8, v36;
	v17 =	vld.idx.msk [tilespmem:v26+s15+$0x0], $0xffff;
	[tilespmem:v10+s25+$0x0] =	vst.idx.msk $0xffff, v20;
	v10 =	vadd.f32 v22, v54  }
0x23a: {  	[tilespmem:v11+s25+$0x0] =	vst.idx.msk $0xffff, v16;
	v11 =	vor.u32 v1, v38;
	v28 =	vor.u32 v0, v60;
	v22 =	vld.idx.msk [tilespmem:v51+s15+$0x0], $0xffff  }
0x23b: {  	[tilespmem:v25+s25+$0x0] =	vst.idx.msk $0xffff, v8;
	v8 =	vadd.f32 v9, v39;
	v9 =	vor.u32 v33, v47;
	v0 =	vld [tilespmem:$0x1FF90]  }
0x23c: {  	v63 =	vor.u32 v31, v45;
	v20 =	vor.u32 v1, v56;
	v25 =	vor.u32 v33, v46;
	v23 =	vld.idx.msk [tilespmem:v48+s15+$0x0], $0xffff  }
0x23d: {  	v34 =	vor.u32 v33, v45;
	v16 =	vor.u32 v33, v59;
	[tilespmem:v29+s25+$0x0] =	vst.idx.msk $0xffff, v10;
	v29 =	vld [tilespmem:$0x1FEF0]  }
0x23e: {  	v14 =	vor.u32 v33, v61;
	v12 =	vor.u32 v1, v49;
	v19 =	vadd.f32 v19, v43;
	v10 =	vld.idx.msk [tilespmem:v58+s15+$0x0], $0xffff  }
0x23f: {  	[tilespmem:v15+s25+$0x0] =	vst.idx.msk $0xffff, v8;
	v8 =	vld.idx.msk [tilespmem:v30+s15+$0x0], $0xffff;
	v15 =	vor.u32 v1, v44;
	v13 =	vadd.f32 v13, v57  }
0x240: {  	v24 =	vor.u32 v1, v37;
	v51 =	vor.u32 v1, v35;
	[tilespmem:v11+s25+$0x0] =	vst.idx.msk $0xffff, v19;
	v9 =	vld.idx.msk [tilespmem:v9+s15+$0x0], $0xffff  }
0x241: {  	[tilespmem:v20+s25+$0x0] =	vst.idx.msk $0xffff, v13;
	v25 =	vld.idx.msk [tilespmem:v25+s15+$0x0], $0xffff;
	v20 =	vadd.f32 v23, v36;
	v23 =	vor.u32 v33, v42  }
0x242: {  	v27 =	vor.u32 v33, v55;
	v58 =	vmov v63;
	v63 =	vadd.f32 v22, v53;
	v11 =	vld.idx.msk [tilespmem:v16+s15+$0x0], $0xffff  }
0x243: {  	v33 =	vmov v62;
	v62 =	vor.u32 v0, v41;
	v10 =	vadd.f32 v10, v40;
	[tilespmem:v28+s25+$0x0] =	vst.idx.msk $0xffff, v20  }
0x244: {  	v13 =	vadd.f32 v17, v52;
	[tilespmem:v15+s25+$0x0] =	vst.idx.msk $0xffff, v63;
	v15 =	vor.u32 v0, v56;
	v21 =	vld.idx.msk [tilespmem:v21+s15+$0x0], $0xffff  }
0x245: {  	v8 =	vadd.f32 v8, v54;
	[tilespmem:v24+s25+$0x0] =	vst.idx.msk $0xffff, v10;
	v28 =	vor.u32 v0, v38  }
0x246: {  	v26 =	vor.u32 v29, v60;
	[tilespmem:v51+s25+$0x0] =	vst.idx.msk $0xffff, v13;
	v9 =	vadd.f32 v9, v39;
	v23 =	vld.idx.msk [tilespmem:v23+s15+$0x0], $0xffff  }
0x247: {  	v7 =	vor.u32 v2, v46;
	[tilespmem:v12+s25+$0x0] =	vst.idx.msk $0xffff, v8;
	v8 =	vadd.f32 v11, v57  }
0x248: {  	v51 =	vor.u32 v0, v37;
	[tilespmem:v62+s25+$0x0] =	vst.idx.msk $0xffff, v9;
	v62 =	vadd.f32 v25, v43  }
0x249: {  	[tilespmem:v15+s25+$0x0] =	vst.idx.msk $0xffff, v8;
	v8 =	vadd.f32 v21, v36;
	v21 =	vor.u32 v2, v42  }
0x24a: {  	[tilespmem:v28+s25+$0x0] =	vst.idx.msk $0xffff, v62  }
0x24b: {  	v1 =	vld [tilespmem:$0x1FD10];
	[tilespmem:v26+s25+$0x0] =	vst.idx.msk $0xffff, v8;
	v8 =	vadd.f32 v23, v40  }
0x24c: {  	v7 =	vld.idx.msk [tilespmem:v7+s15+$0x0], $0xffff  }
0x24d: {  	v19 =	vld.idx.msk [tilespmem:v34+s15+$0x0], $0xffff;
	v10 =	vor.u32 v2, v59;
	[tilespmem:v51+s25+$0x0] =	vst.idx.msk $0xffff, v8  }
0x24e: {  	v17 =	vld.idx.msk [tilespmem:v21+s15+$0x0], $0xffff;
	v21 =	vor.u32 v3, v38  }
0x24f: {  	v30 =	vld [tilespmem:$0x1FF10]  }
0x250: {  	v13 =	vld.idx.msk [tilespmem:v14+s15+$0x0], $0xffff;
	v9 =	vor.u32 v0, v44  }
0x251: {  	v11 =	vld.idx.msk [tilespmem:v27+s15+$0x0], $0xffff;
	v7 =	vadd.f32 v7, v43  }
0x252: {  	v10 =	vld.idx.msk [tilespmem:v10+s15+$0x0], $0xffff  }
0x253: {  	v18 =	vor.u32 v2, v47;
	v19 =	vadd.f32 v19, v53;
	v6 =	vld.idx.msk [tilespmem:v6+s15+$0x0], $0xffff;
	[tilespmem:v21+s25+$0x0] =	vst.idx.msk $0xffff, v7  }
0x254: {  	v5 =	vor.u32 v2, v45;
	v20 =	vor.u32 v2, v61;
	v14 =	vor.u32 v2, v55;
	v2 =	vld.idx.msk [tilespmem:v1+s15+$0x0], $0xffff  }
0x255: {  	[tilespmem:v9+s25+$0x0] =	vst.idx.msk $0xffff, v19;
	v9 =	vor.u32 v3, v56;
	v1 =	vld [tilespmem:$0x1FD20]  }
0x256: {  	v12 =	vor.u32 v0, v35  }
0x257: {  	v24 =	vor.u32 v30, v60  }
0x258: {  	v10 =	vadd.f32 v10, v57  }
0x259: {  	v22 =	vor.u32 v0, v49;
	v0 =	vld [tilespmem:$0x1FE20];
	v11 =	vadd.f32 v11, v52  }
0x25a: {  	v16 =	vld.idx.msk [tilespmem:v18+s15+$0x0], $0xffff;
	[tilespmem:v9+s25+$0x0] =	vst.idx.msk $0xffff, v10;
	v9 =	vadd.f32 v6, v36  }
0x25b: {  	v18 =	vor.u32 v32, v61;
	v19 =	vld.idx.msk [tilespmem:v5+s15+$0x0], $0xffff;
	v8 =	vor.u32 v32, v59;
	[tilespmem:v12+s25+$0x0] =	vst.idx.msk $0xffff, v11  }
0x25c: {  	v11 =	vld.idx.msk [tilespmem:v14+s15+$0x0], $0xffff;
	v14 =	vor.u32 v32, v55;
	v10 =	vor.u32 v32, v42;
	[tilespmem:v24+s25+$0x0] =	vst.idx.msk $0xffff, v9  }
0x25d: {  	v32 =	vmovc v36;
	v36 =	vmov v38;
	v38 =	vmov v40;
	v9 =	vadd.f32 v17, v40;
	v40 =	vld.idx.msk [tilespmem:v1+s15+$0x0], $0xffff  }
0x25e: {  	v1 =	vld [tilespmem:$0x1FD30];
	_ =	sdelay $0x1  }
0x25f: {  	v5 =	vor.u32 v0, v60;
	v12 =	vor.u32 v3, v44;
	v0 =	vld [tilespmem:$0x1FD00];
	_ =	sdelay $0x1  }
0x260: {  	v15 =	vor.u32 v3, v41  }
0x261: {  	v19 =	vadd.f32 v19, v53;
	_ =	sdelay $0x1  }
0x262: {  	v48 =	vld [tilespmem:$0x1FED0];
	v16 =	vadd.f32 v16, v39;
	[tilespmem:v12+s25+$0x0] =	vst.idx.msk $0xffff, v19  }
0x263: {  	v19 =	vld.idx.msk [tilespmem:v1+s15+$0x0], $0xffff  }
0x264: {  	[tilespmem:v15+s25+$0x0] =	vst.idx.msk $0xffff, v16;
	v1 =	vld [tilespmem:$0x1FD40]  }
0x265: {  	v15 =	vld.idx.msk [tilespmem:v0+s15+$0x0], $0xffff  }
0x266: {  	v0 =	vld [tilespmem:$0x1FFD0]  }
0x267: {  	v34 =	vld [tilespmem:$0x1FF20];
	v13 =	vadd.f32 v13, v54  }
0x268: {  	v63 =	vor.u32 v3, v37;
	v27 =	vld [tilespmem:$0x1FEC0]  }
0x269: {  	[tilespmem:v22+s25+$0x0] =	vst.idx.msk $0xffff, v13;
	v8 =	vld.idx.msk [tilespmem:v8+s15+$0x0], $0xffff  }
0x26a: {  	v13 =	vld.idx.msk [tilespmem:v20+s15+$0x0], $0xffff;
	v11 =	vadd.f32 v11, v52  }
0x26b: {  	v26 =	vld [tilespmem:$0x1FEB0];
	v12 =	vor.u32 v0, v56  }
0x26c: {  	v4 =	vor.u32 v31, v47;
	[tilespmem:v1+s25+$0x0] =	vst.idx.msk $0xffff, v11;
	v1 =	vld [tilespmem:$0x1FF40]  }
0x26d: {  	v25 =	vor.u32 v3, v49;
	v23 =	vld [tilespmem:$0x1FE80];
	v51 =	vor.u32 v31, v59;
	[tilespmem:v63+s25+$0x0] =	vst.idx.msk $0xffff, v9  }
0x26e: {  	v3 =	vor.u32 v31, v61;
	v61 =	vld.idx.msk [tilespmem:v10+s15+$0x0], $0xffff;
	v10 =	vadd.f32 v8, v57;
	v7 =	vor.u32 v0, v41  }
0x26f: {  	v22 =	vld [tilespmem:$0x1FE70];
	v13 =	vadd.f32 v13, v54;
	v6 =	vor.u32 v0, v49;
	v9 =	vadd.f32 v15, v39  }
0x270: {  	v24 =	vld [tilespmem:$0x1FE90];
	v15 =	vor.u32 v0, v36;
	[tilespmem:v12+s25+$0x0] =	vst.idx.msk $0xffff, v10;
	v12 =	vor.u32 v0, v35  }
0x271: {  	p2 =	slt.u32 s7, $0x38;
	v11 =	vor.u32 v0, v44;
	v1 =	vor.u32 v1, v60;
	v60 =	vor.u32 v0, v37;
	v0 =	vld [tilespmem:$0x1FE40]  }
.Ltmp4:
0x272: {  	[tilespmem:v25+s25+$0x0] =	vst.idx.msk $0xffff, v13;
	v25 =	vld [tilespmem:$0x1FEA0];
	(pc) =	sbr.rel @p2 .LBB2_9-.Ltmp4, $4  }
0x273: {  	[tilespmem:v7+s25+$0x0] =	vst.idx.msk $0xffff, v9;
	v9 =	vld.idx.msk [tilespmem:v18+s15+$0x0], $0xffff  }
0x274: {  	v8 =	vld.idx.msk [tilespmem:v14+s15+$0x0], $0xffff;
	v14 =	vadd.f32 v2, v43  }
0x275: {  	v62 =	vor.u32 v31, v46;
	v7 =	vor.u32 v31, v55;
	v63 =	vld.idx.msk [tilespmem:v4+s15+$0x0], $0xffff;
	v4 =	vadd.f32 v40, v32  }
0x276: {  	s7 =	sadd.s32 $0x8, s7;
	v10 =	vld.idx.msk [tilespmem:v51+s15+$0x0], $0xffff;
	v13 =	vadd.f32 v19, v53;
	[tilespmem:v15+s25+$0x0] =	vst.idx.msk $0xffff, v14;
	v2 =	vor.u32 v0, v49  }
0x277: {  	v0 =	vld [tilespmem:$0x1FF30];
	_ =	sdelay $0x4  }
0x278: {  	v14 =	vor.u32 v0, v50;
	v0 =	vld [tilespmem:$0x1FE40];
	[tilespmem:v11+s25+$0x0] =	vst.idx.msk $0xffff, v13  }
0x279: {  	v31 =	vld [tilespmem:$0x1FFF0];
	_ =	sdelay $0x2  }
0x27a: {  	v51 =	vadd.f32 v61, v38;
	v8 =	vadd.f32 v8, v52  }
0x27b: {  	v9 =	vadd.f32 v9, v54;
	v61 =	vadd.f32 v63, v39;
	v16 =	vld.idx.msk [tilespmem:v58+s15+$0x0], $0xffff;
	v13 =	vor.u32 v0, v41  }
0x27c: {  	v18 =	vld.idx.msk [tilespmem:v62+s15+$0x0], $0xffff;
	[tilespmem:v12+s25+$0x0] =	vst.idx.msk $0xffff, v8;
	v15 =	vor.u32 v0, v56;
	v63 =	vor.u32 v31, v47  }
0x27d: {  	[tilespmem:v6+s25+$0x0] =	vst.idx.msk $0xffff, v9;
	v7 =	vld.idx.msk [tilespmem:v7+s15+$0x0], $0xffff;
	v50 =	vor.u32 v0, v44  }
0x27e: {  	[tilespmem:v60+s25+$0x0] =	vst.idx.msk $0xffff, v51;
	v3 =	vld.idx.msk [tilespmem:v3+s15+$0x0], $0xffff;
	v19 =	vor.u32 v0, v36  }
0x27f: {  	v40 =	vadd.f32 v10, v57;
	[tilespmem:v5+s25+$0x0] =	vst.idx.msk $0xffff, v4;
	v47 =	vor.u32 v0, v35  }
0x280: {  	[tilespmem:v13+s25+$0x0] =	vst.idx.msk $0xffff, v61;
	v61 =	vadd.f32 v16, v53  }
0x281: {  	[tilespmem:v15+s25+$0x0] =	vst.idx.msk $0xffff, v40;
	v12 =	vld.idx.msk [tilespmem:v63+s15+$0x0], $0xffff;
	v63 =	vadd.f32 v18, v43  }
0x282: {  	v7 =	vadd.f32 v7, v52;
	[tilespmem:v50+s25+$0x0] =	vst.idx.msk $0xffff, v61  }
0x283: {  	v17 =	vor.u32 v31, v59;
	v3 =	vadd.f32 v3, v54;
	v15 =	vld [tilespmem:$0x1FE60];
	[tilespmem:v19+s25+$0x0] =	vst.idx.msk $0xffff, v63  }
0x284: {  	[tilespmem:v47+s25+$0x0] =	vst.idx.msk $0xffff, v7  }
0x285: {  	v21 =	vld.idx.msk [tilespmem:v33+s15+$0x0], $0xffff;
	v51 =	vor.u32 v31, v45;
	[tilespmem:v2+s25+$0x0] =	vst.idx.msk $0xffff, v3  }
0x286: {  	v58 =	vor.u32 v31, v46;
	v47 =	vld [tilespmem:$0x1FD70]  }
0x287: {  	v5 =	vld.idx.msk [tilespmem:v14+s15+$0x0], $0xffff;
	v20 =	vor.u32 v31, v55;
	v59 =	vor.u32 v0, v37  }
0x288: {  	v62 =	vor.u32 v31, v42;
	v60 =	vld.idx.msk [tilespmem:v17+s15+$0x0], $0xffff;
	_ =	sdelay $0x1  }
0x289: {  	v40 =	vadd.f32 v21, v38;
	v11 =	vld.idx.msk [tilespmem:v51+s15+$0x0], $0xffff;
	v18 =	vor.u32 v15, v56  }
0x28a: {  	v6 =	vld.idx.msk [tilespmem:v58+s15+$0x0], $0xffff;
	v33 =	vor.u32 v15, v41  }
0x28b: {  	v42 =	vld.idx.msk [tilespmem:v20+s15+$0x0], $0xffff;
	[tilespmem:v59+s25+$0x0] =	vst.idx.msk $0xffff, v40;
	v45 =	vor.u32 v15, v44;
	v56 =	vadd.f32 v5, v32  }
0x28c: {  	v55 =	vld.idx.msk [tilespmem:v62+s15+$0x0], $0xffff;
	v41 =	vadd.f32 v60, v57;
	v50 =	vor.u32 v15, v36  }
0x28d: {  	v46 =	vadd.f32 v12, v39;
	v51 =	vor.u32 v15, v35;
	[tilespmem:v1+s25+$0x0] =	vst.idx.msk $0xffff, v56;
	v12 =	vld.idx.msk [tilespmem:v47+s15+$0x0], $0xffff  }
0x28e: {  	v57 =	vadd.f32 v11, v53;
	v59 =	vor.u32 v15, v37;
	[tilespmem:v18+s25+$0x0] =	vst.idx.msk $0xffff, v41  }
0x28f: {  	v58 =	vor.u32 v15, v49;
	v60 =	vadd.f32 v6, v43;
	[tilespmem:v33+s25+$0x0] =	vst.idx.msk $0xffff, v46  }
0x290: {  	v61 =	vadd.f32 v42, v52;
	[tilespmem:v45+s25+$0x0] =	vst.idx.msk $0xffff, v57  }
.Ltmp5:
0x291: {  	s7 =	sshll.u32 s11, $0x12;
	v63 =	vadd.f32 v55, v38;
	[tilespmem:v50+s25+$0x0] =	vst.idx.msk $0xffff, v60;
	(pc) =	sbr.rel @p1 .LBB2_12-.Ltmp5, $4  }
0x292: {  	s7 =	sor.u32 s5, s7;
	[tilespmem:v51+s25+$0x0] =	vst.idx.msk $0xffff, v61;
	v62 =	vadd.f32 v12, v54  }
0x293: {  	s7 =	sshrl.u32 s7, $0x3;
	[tilespmem:v59+s25+$0x0] =	vst.idx.msk $0xffff, v63  }
0x294: {  	s7 =	sadd.s32 s1, s7;
	[tilespmem:v58+s25+$0x0] =	vst.idx.msk $0xffff, v62  }
0x295: {  	v33 =	vmov v0;
	[hbm4b:s7+s9] =	stream.strided.scatter [tilespmem:s25], [sflag:$0x7], $0x2000, s10, s9, $0x38;
	[tilespmem:$0x1D600] =	vst v63  }
.Ltmp6:
0x296: {  	(pc) =	sbr.rel .LBB2_13-.Ltmp6, $4  }
0x297: {  	_ =	swait.ge [sflag:s26], $0x2000  }
0x298: {  	v20 =	vld [tilespmem:$0x1FF00]  }
0x299: {  	[sflag:s26] =	ssyncset.done $0x0;
	v28 =	vld [tilespmem:$0x1FE50]  }
0x29a: {  	v21 =	vlaneseq.u32;
	v63 =	vld [tilespmem:$0x1FE20];
	[sflag:s26] =	ssyncadd.s32 $0xFFFFE000  }
.LBB2_12:
0x29b: {  	s7 =	sshll.u32 s6, $0x7  }
0x29c: {  	s7 =	sadd.s32 $0x300, s7  }
0x29d: {  	s7 =	sand.u32 $0x1FF80, s7  }
0x29e: {  	[tilespmem:s15], [sflag:$0x2] =	stream.indirect.gather [hbm4b:s4+s13], $0x40, s7, s13, $0xb8;
	[tilespmem:$0x1D600] =	vst v63  }
.Ltmp7:
0x29f: {  	_ = 	snop;
	(pc) =	sbr.rel @p0 .LBB2_14-.Ltmp7, $4  }
0x2a0: {  	_ =	swait.ge [sflag:s26], $0x2000  }
0x2a1: {  	v20 =	vld [tilespmem:$0x1FF00]  }
0x2a2: {  	[sflag:s26] =	ssyncset.done $0x0;
	v28 =	vld [tilespmem:$0x1FE50]  }
0x2a3: {  	v21 =	vlaneseq.u32;
	v63 =	vld [tilespmem:$0x1FE20];
	[sflag:s26] =	ssyncadd.s32 $0xFFFFE000  }
.LBB2_13:
0x2a4: {  	s7 =	simm.s32 $0x8  }
0x2a5: {  	_ =	swait.ge [sflag:s7], $0x2000  }
0x2a6: {  	[sflag:s7] =	ssyncset.done $0x0  }
0x2a7: {  	[sflag:s7] =	ssyncadd.s32 $0xFFFFE000  }
.LBB2_14:
0x2a8: {  	s11 =	sadd.s32 $0x2, s6;
	s16 =	simm.s32 $0x0;
	v2 =	vld [tilespmem:$0x1FE00]  }
0x2a9: {  	s7 =	sshll.u32 s11, $0x6;
	v1 =	vadd.s32 s16, v21;
	s16 =	simm.s32 $0x4  }
0x2aa: {  	s23 =	simm.s32 $0x5;
	v0 =	vmov s7;
	v3 =	vshll.u32 v1, $0x7;
	v4 =	vadd.s32 s16, v21  }
0x2ab: {  	s24 =	simm.s32 $0x2;
	v50 =	vand.u32 $0x38, v1;
	v1 =	vadd.s32 s23, v21;
	v60 =	vand.u32 $0x1C00, v3  }
0x2ac: {  	s21 =	simm.s32 $0x7;
	v3 =	vadd.s32 s24, v21;
	v46 =	vand.u32 $0x3F, v1;
	v42 =	vand.u32 $0x3F, v4  }
0x2ad: {  	v10 =	vor.u32 v28, v46;
	v6 =	vor.u32 s7, v2;
	v2 =	vadd.s32 s21, v21;
	s21 =	simm.s32 $0x1  }
0x2ae: {  	v45 =	vand.u32 $0x3F, v3;
	v14 =	vor.u32 v0, v42;
	v5 =	vadd.s32 s21, v21  }
0x2af: {  	v9 =	vor.u32 v0, v45;
	v47 =	vand.u32 $0x3F, v5  }
0x2b0: {  	v1 =	vshll.u32 v1, $0x7;
	v7 =	vor.u32 v0, v47  }
0x2b1: {  	v36 =	vand.u32 $0x1F80, v1;
	[tilespmem:$0x1FCD0] =	vst v6;
	v6 =	vor.u32 v50, v6  }
0x2b2: {  	v1 =	vshll.u32 v3, $0x7;
	v5 =	vshll.u32 v5, $0x7;
	v8 =	vor.u32 v28, v47;
	v3 =	vld.idx.msk [tilespmem:v10+s17+$0x0], $0xffff  }
0x2b3: {  	v41 =	vand.u32 $0x1F80, v5;
	v5 =	vor.u32 v0, v46;
	v38 =	vld.idx.msk [tilespmem:v14+s12+$0x0], $0xffff  }
0x2b4: {  	s28 =	simm.s32 $0x3;
	v40 =	vld.idx.msk [tilespmem:v9+s12+$0x0], $0xffff  }
0x2b5: {  	s31 =	simm.s32 $0x6;
	v12 =	vadd.s32 s28, v21;
	v39 =	vld.idx.msk [tilespmem:v7+s12+$0x0], $0xffff;
	v7 =	vor.u32 v22, v50  }
0x2b6: {  	v13 =	vadd.s32 s31, v21;
	v61 =	vand.u32 $0x3F, v12;
	v11 =	vor.u32 v28, v45;
	v35 =	vld.idx.msk [tilespmem:v6+s12+$0x0], $0xffff  }
0x2b7: {  	v59 =	vand.u32 $0x3F, v13;
	v4 =	vshll.u32 v4, $0x7;
	v55 =	vand.u32 $0x3F, v2;
	v6 =	vld.idx.msk [tilespmem:v8+s17+$0x0], $0xffff  }
0x2b8: {  	v18 =	vor.u32 v31, v61;
	v44 =	vand.u32 $0x1F80, v1;
	v9 =	vor.u32 v28, v55;
	v43 =	vld.idx.msk [tilespmem:v5+s12+$0x0], $0xffff  }
0x2b9: {  	v1 =	vor.u32 v0, v59;
	v16 =	vor.u32 v0, v55;
	v14 =	vor.u32 v0, v61;
	[tilespmem:$0x1FCE0] =	vst v0;
	v0 =	vld [tilespmem:$0x1FE30]  }
0x2ba: {  	v37 =	vand.u32 $0x1F80, v4;
	v4 =	vor.u32 v28, v42;
	v15 =	vor.u32 v21, v41;
	v7 =	vld.idx.msk [tilespmem:v7+s17+$0x0], $0xffff;
	[tilespmem:$0x1FCF0] =	vst v18  }
0x2bb: {  	v49 =	vor.u32 v21, v36;
	v5 =	vor.u32 v28, v59;
	v11 =	vld.idx.msk [tilespmem:v11+s17+$0x0], $0xffff  }
0x2bc: {  	v62 =	vld [tilespmem:$0x1FFE0];
	v19 =	vor.u32 v24, v50;
	v2 =	vshll.u32 v2, $0x7;
	v10 =	vor.u32 v23, v60  }
0x2bd: {  	v53 =	vand.u32 $0x1F80, v2;
	v2 =	vor.u32 v21, v44;
	v6 =	vadd.f32 v6, v39;
	v9 =	vld.idx.msk [tilespmem:v9+s17+$0x0], $0xffff  }
0x2be: {  	v13 =	vshll.u32 v13, $0x7;
	v3 =	vadd.f32 v3, v43;
	v57 =	vld.idx.msk [tilespmem:v1+s12+$0x0], $0xffff  }
0x2bf: {  	v56 =	vand.u32 $0x1F80, v13;
	v4 =	vld.idx.msk [tilespmem:v4+s17+$0x0], $0xffff;
	[tilespmem:v15+s29+$0x0] =	vst.idx.msk $0xffff, v6;
	v6 =	vadd.f32 v7, v35  }
0x2c0: {  	v17 =	vor.u32 v0, v47;
	v5 =	vld.idx.msk [tilespmem:v5+s17+$0x0], $0xffff;
	[tilespmem:v49+s29+$0x0] =	vst.idx.msk $0xffff, v3;
	v7 =	vadd.f32 v11, v40  }
0x2c1: {  	v13 =	vor.u32 v21, v37;
	v8 =	vor.u32 v28, v61;
	v52 =	vld.idx.msk [tilespmem:v16+s12+$0x0], $0xffff;
	[tilespmem:v10+s29+$0x0] =	vst.idx.msk $0xffff, v6  }
0x2c2: {  	v11 =	vor.u32 v21, v56;
	v15 =	vld.idx.msk [tilespmem:v19+s17+$0x0], $0xffff;
	[tilespmem:v2+s29+$0x0] =	vst.idx.msk $0xffff, v7  }
0x2c3: {  	v3 =	vor.u32 v0, v46;
	v18 =	vld [tilespmem:$0x1FF50]  }
0x2c4: {  	v4 =	vadd.f32 v4, v38;
	v6 =	vor.u32 v21, v53;
	v10 =	vor.u32 v0, v59  }
0x2c5: {  	v16 =	vld.idx.msk [tilespmem:v17+s17+$0x0], $0xffff;
	v17 =	vor.u32 v0, v55;
	v5 =	vadd.f32 v5, v57;
	v2 =	vor.u32 v25, v60  }
0x2c6: {  	v12 =	vshll.u32 v12, $0x7;
	v8 =	vld.idx.msk [tilespmem:v8+s17+$0x0], $0xffff;
	[tilespmem:v13+s29+$0x0] =	vst.idx.msk $0xffff, v4  }
0x2c7: {  	v54 =	vld.idx.msk [tilespmem:v14+s12+$0x0], $0xffff;
	v49 =	vand.u32 $0x1F80, v12;
	v9 =	vadd.f32 v9, v52;
	[tilespmem:v11+s29+$0x0] =	vst.idx.msk $0xffff, v5  }
0x2c8: {  	v3 =	vld.idx.msk [tilespmem:v3+s17+$0x0], $0xffff;
	v5 =	vor.u32 v26, v50;
	v12 =	vadd.f32 v15, v35;
	v7 =	vor.u32 v18, v41  }
0x2c9: {  	v11 =	vor.u32 v21, v49;
	[tilespmem:v6+s29+$0x0] =	vst.idx.msk $0xffff, v9;
	v6 =	vor.u32 v0, v45;
	v9 =	vld.idx.msk [tilespmem:v10+s17+$0x0], $0xffff  }
0x2ca: {  	v10 =	vor.u32 v0, v42;
	v14 =	vld.idx.msk [tilespmem:v17+s17+$0x0], $0xffff;
	[tilespmem:v2+s29+$0x0] =	vst.idx.msk $0xffff, v12  }
0x2cb: {  	v4 =	vor.u32 v0, v61;
	v13 =	vadd.f32 v16, v39;
	v15 =	vor.u32 v18, v56;
	v0 =	vld [tilespmem:$0x1FF60]  }
0x2cc: {  	v8 =	vadd.f32 v8, v54;
	v2 =	vor.u32 v18, v36  }
0x2cd: {  	v5 =	vld.idx.msk [tilespmem:v5+s17+$0x0], $0xffff;
	[tilespmem:v7+s29+$0x0] =	vst.idx.msk $0xffff, v13;
	v7 =	vor.u32 v18, v53  }
0x2ce: {  	[tilespmem:v11+s29+$0x0] =	vst.idx.msk $0xffff, v8;
	v6 =	vld.idx.msk [tilespmem:v6+s17+$0x0], $0xffff;
	v8 =	vadd.f32 v9, v57  }
0x2cf: {  	v3 =	vadd.f32 v3, v43;
	v11 =	vor.u32 v18, v44;
	v9 =	vor.u32 v27, v60;
	v10 =	vld.idx.msk [tilespmem:v10+s17+$0x0], $0xffff  }
0x2d0: {  	v14 =	vadd.f32 v14, v52;
	[tilespmem:v15+s29+$0x0] =	vst.idx.msk $0xffff, v8;
	v12 =	vor.u32 v0, v47  }
0x2d1: {  	v15 =	vor.u32 v18, v37;
	[tilespmem:v2+s29+$0x0] =	vst.idx.msk $0xffff, v3;
	v13 =	vor.u32 v0, v59  }
0x2d2: {  	v5 =	vadd.f32 v5, v35;
	[tilespmem:v7+s29+$0x0] =	vst.idx.msk $0xffff, v14  }
0x2d3: {  	v8 =	vor.u32 v0, v46;
	v6 =	vadd.f32 v6, v40;
	v51 =	vld [tilespmem:$0x1FF70]  }
0x2d4: {  	v4 =	vld.idx.msk [tilespmem:v4+s17+$0x0], $0xffff;
	v2 =	vor.u32 v48, v50;
	[tilespmem:v9+s29+$0x0] =	vst.idx.msk $0xffff, v5;
	v9 =	vadd.f32 v10, v38  }
0x2d5: {  	v5 =	vor.u32 v0, v42;
	[tilespmem:v11+s29+$0x0] =	vst.idx.msk $0xffff, v6;
	v3 =	vld.idx.msk [tilespmem:v12+s17+$0x0], $0xffff  }
0x2d6: {  	v7 =	vor.u32 v18, v49;
	v12 =	vor.u32 v0, v45;
	v13 =	vld.idx.msk [tilespmem:v13+s17+$0x0], $0xffff;
	[tilespmem:v15+s29+$0x0] =	vst.idx.msk $0xffff, v9  }
0x2d7: {  	v10 =	vor.u32 v0, v55;
	v11 =	vor.u32 v0, v61;
	v0 =	vld [tilespmem:$0x1FEE0]  }
0x2d8: {  	v8 =	vld.idx.msk [tilespmem:v8+s17+$0x0], $0xffff;
	v14 =	vor.u32 v51, v41  }
0x2d9: {  	v4 =	vadd.f32 v4, v54;
	v2 =	vld.idx.msk [tilespmem:v2+s17+$0x0], $0xffff;
	v6 =	vor.u32 v51, v56  }
0x2da: {  	v15 =	vor.u32 v51, v36;
	v5 =	vld.idx.msk [tilespmem:v5+s17+$0x0], $0xffff  }
0x2db: {  	[tilespmem:v7+s29+$0x0] =	vst.idx.msk $0xffff, v4;
	v3 =	vadd.f32 v3, v39;
	v12 =	vld.idx.msk [tilespmem:v12+s17+$0x0], $0xffff  }
0x2dc: {  	v7 =	vadd.f32 v13, v57;
	v9 =	vor.u32 v0, v60;
	v0 =	vld [tilespmem:$0x1FF80]  }
0x2dd: {  	v10 =	vld.idx.msk [tilespmem:v10+s17+$0x0], $0xffff;
	v8 =	vadd.f32 v8, v43;
	[tilespmem:v14+s29+$0x0] =	vst.idx.msk $0xffff, v3;
	v3 =	vor.u32 v51, v44  }
0x2de: {  	[tilespmem:v6+s29+$0x0] =	vst.idx.msk $0xffff, v7;
	v7 =	vor.u32 v51, v37  }
0x2df: {  	v2 =	vadd.f32 v2, v35;
	v6 =	vld [tilespmem:$0x1FE10];
	[tilespmem:v15+s29+$0x0] =	vst.idx.msk $0xffff, v8;
	v8 =	vor.u32 v51, v53  }
0x2e0: {  	v12 =	vadd.f32 v12, v40  }
0x2e1: {  	v5 =	vadd.f32 v5, v38;
	v4 =	vor.u32 v0, v47;
	[tilespmem:v9+s29+$0x0] =	vst.idx.msk $0xffff, v2  }
0x2e2: {  	v10 =	vadd.f32 v10, v52;
	v13 =	vor.u32 v0, v59;
	[tilespmem:v3+s29+$0x0] =	vst.idx.msk $0xffff, v12  }
0x2e3: {  	v14 =	vor.u32 v0, v46;
	v48 =	vld [tilespmem:$0x1FF90];
	[tilespmem:v7+s29+$0x0] =	vst.idx.msk $0xffff, v5  }
0x2e4: {  	v11 =	vld.idx.msk [tilespmem:v11+s17+$0x0], $0xffff;
	v15 =	vor.u32 v0, v45;
	v6 =	vor.u32 v6, v50;
	[tilespmem:v8+s29+$0x0] =	vst.idx.msk $0xffff, v10  }
0x2e5: {  	v9 =	vor.u32 v0, v42;
	v3 =	vor.u32 v0, v55;
	v7 =	vor.u32 v0, v61;
	v0 =	vld [tilespmem:$0x1FFA0]  }
0x2e6: {  	v2 =	vor.u32 v51, v49;
	v4 =	vld.idx.msk [tilespmem:v4+s17+$0x0], $0xffff  }
0x2e7: {  	v13 =	vld.idx.msk [tilespmem:v13+s17+$0x0], $0xffff  }
0x2e8: {  	v14 =	vld.idx.msk [tilespmem:v14+s17+$0x0], $0xffff;
	v12 =	vor.u32 v48, v41  }
0x2e9: {  	v11 =	vadd.f32 v11, v54;
	v5 =	vor.u32 v48, v56;
	v6 =	vld.idx.msk [tilespmem:v6+s17+$0x0], $0xffff  }
0x2ea: {  	v8 =	vor.u32 v48, v36  }
0x2eb: {  	[tilespmem:v2+s29+$0x0] =	vst.idx.msk $0xffff, v11;
	v2 =	vor.u32 v29, v60;
	v4 =	vadd.f32 v4, v39  }
0x2ec: {  	v15 =	vld.idx.msk [tilespmem:v15+s17+$0x0], $0xffff;
	v13 =	vadd.f32 v13, v57  }
0x2ed: {  	v9 =	vld.idx.msk [tilespmem:v9+s17+$0x0], $0xffff;
	v10 =	vor.u32 v0, v47;
	[tilespmem:v12+s29+$0x0] =	vst.idx.msk $0xffff, v4;
	v12 =	vadd.f32 v14, v43  }
0x2ee: {  	v3 =	vld.idx.msk [tilespmem:v3+s17+$0x0], $0xffff;
	v4 =	vor.u32 v48, v44;
	[tilespmem:v5+s29+$0x0] =	vst.idx.msk $0xffff, v13;
	v6 =	vadd.f32 v6, v35  }
0x2ef: {  	v11 =	vor.u32 v0, v59;
	v5 =	vor.u32 v48, v37;
	[tilespmem:v8+s29+$0x0] =	vst.idx.msk $0xffff, v12  }
0x2f0: {  	v14 =	vor.u32 v0, v46;
	v12 =	vor.u32 v48, v53;
	[tilespmem:v2+s29+$0x0] =	vst.idx.msk $0xffff, v6  }
0x2f1: {  	v15 =	vadd.f32 v15, v40;
	v51 =	vld [tilespmem:$0x1FFB0]  }
0x2f2: {  	v7 =	vld.idx.msk [tilespmem:v7+s17+$0x0], $0xffff;
	v13 =	vor.u32 v20, v50;
	v6 =	vadd.f32 v9, v38  }
0x2f3: {  	v3 =	vadd.f32 v3, v52;
	v10 =	vld.idx.msk [tilespmem:v10+s17+$0x0], $0xffff;
	[tilespmem:v4+s29+$0x0] =	vst.idx.msk $0xffff, v15  }
0x2f4: {  	v11 =	vld.idx.msk [tilespmem:v11+s17+$0x0], $0xffff;
	v8 =	vor.u32 v0, v45;
	v2 =	vor.u32 v48, v49;
	[tilespmem:v5+s29+$0x0] =	vst.idx.msk $0xffff, v6  }
0x2f5: {  	v4 =	vor.u32 v0, v42;
	v14 =	vld.idx.msk [tilespmem:v14+s17+$0x0], $0xffff;
	[tilespmem:v12+s29+$0x0] =	vst.idx.msk $0xffff, v3  }
0x2f6: {  	v15 =	vor.u32 v0, v55;
	v5 =	vor.u32 v0, v61;
	v9 =	vor.u32 v51, v41;
	v0 =	vld [tilespmem:$0x1FFC0]  }
0x2f7: {  	v7 =	vadd.f32 v7, v54;
	v6 =	vld.idx.msk [tilespmem:v13+s17+$0x0], $0xffff;
	v13 =	vor.u32 v51, v56;
	_ =	sdelay $0x1  }
0x2f8: {  	v10 =	vadd.f32 v10, v39;
	v3 =	vor.u32 v51, v36;
	[tilespmem:v2+s29+$0x0] =	vst.idx.msk $0xffff, v7;
	v7 =	vld.idx.msk [tilespmem:v8+s17+$0x0], $0xffff  }
0x2f9: {  	v11 =	vadd.f32 v11, v57;
	v2 =	vor.u32 v30, v60;
	v4 =	vld.idx.msk [tilespmem:v4+s17+$0x0], $0xffff;
	v14 =	vadd.f32 v14, v43  }
0x2fa: {  	v8 =	vor.u32 v0, v47;
	[tilespmem:v9+s29+$0x0] =	vst.idx.msk $0xffff, v10;
	v10 =	vld.idx.msk [tilespmem:v15+s17+$0x0], $0xffff;
	v15 =	vor.u32 v51, v44  }
0x2fb: {  	v9 =	vor.u32 v0, v59;
	[tilespmem:v13+s29+$0x0] =	vst.idx.msk $0xffff, v11;
	v11 =	vor.u32 v51, v37  }
0x2fc: {  	v6 =	vadd.f32 v6, v35  }
0x2fd: {  	v1 =	vor.u32 v34, v50;
	[tilespmem:v3+s29+$0x0] =	vst.idx.msk $0xffff, v14;
	v7 =	vadd.f32 v7, v40  }
0x2fe: {  	v5 =	vld.idx.msk [tilespmem:v5+s17+$0x0], $0xffff;
	v12 =	vor.u32 v0, v46;
	[tilespmem:v2+s29+$0x0] =	vst.idx.msk $0xffff, v6;
	v4 =	vadd.f32 v4, v38  }
0x2ff: {  	v13 =	vor.u32 v0, v45;
	v3 =	vor.u32 v51, v53;
	v6 =	vld.idx.msk [tilespmem:v8+s17+$0x0], $0xffff;
	[tilespmem:v15+s29+$0x0] =	vst.idx.msk $0xffff, v7  }
0x300: {  	v2 =	vor.u32 v51, v49;
	v16 =	vor.u32 v0, v61;
	v8 =	vld.idx.msk [tilespmem:v9+s17+$0x0], $0xffff;
	[tilespmem:v11+s29+$0x0] =	vst.idx.msk $0xffff, v4  }
0x301: {  	v7 =	vor.u32 v0, v42;
	v9 =	vadd.f32 v10, v52;
	v10 =	vor.u32 v0, v55;
	v0 =	vld [tilespmem:$0x1FFD0];
	_ =	sdelay $0x2  }
0x302: {  	v12 =	vld.idx.msk [tilespmem:v12+s17+$0x0], $0xffff;
	v11 =	vadd.f32 v5, v54  }
0x303: {  	v58 =	vor.u32 v62, v45;
	v32 =	vor.u32 v62, v42;
	v48 =	vld.idx.msk [tilespmem:v1+s17+$0x0], $0xffff;
	[tilespmem:v3+s29+$0x0] =	vst.idx.msk $0xffff, v9  }
0x304: {  	v14 =	vor.u32 v62, v47;
	v13 =	vld.idx.msk [tilespmem:v13+s17+$0x0], $0xffff;
	[tilespmem:v2+s29+$0x0] =	vst.idx.msk $0xffff, v11;
	v4 =	vor.u32 v0, v41  }
0x305: {  	v5 =	vor.u32 v63, v60;
	v3 =	vor.u32 v62, v61;
	v1 =	vld [tilespmem:$0x1FF40];
	v15 =	vor.u32 v0, v56  }
0x306: {  	v2 =	vor.u32 v62, v59;
	v9 =	vadd.f32 v6, v39;
	v61 =	vld.idx.msk [tilespmem:v7+s17+$0x0], $0xffff;
	v51 =	vor.u32 v0, v36  }
0x307: {  	v63 =	vadd.f32 v8, v57;
	v8 =	vld.idx.msk [tilespmem:v10+s17+$0x0], $0xffff;
	v10 =	vadd.f32 v12, v43;
	v7 =	vor.u32 v62, v55  }
0x308: {  	v62 =	vor.u32 v62, v46;
	v6 =	vor.u32 v0, v49;
	v11 =	vor.u32 v0, v44  }
0x309: {  	v12 =	vor.u32 v0, v53;
	v13 =	vadd.f32 v13, v40;
	[tilespmem:v4+s29+$0x0] =	vst.idx.msk $0xffff, v9;
	v9 =	vld.idx.msk [tilespmem:v16+s17+$0x0], $0xffff  }
0x30a: {  	v1 =	vor.u32 v1, v60;
	v60 =	vor.u32 v0, v37;
	[tilespmem:v15+s29+$0x0] =	vst.idx.msk $0xffff, v63;
	v63 =	vld.idx.msk [tilespmem:v14+s17+$0x0], $0xffff  }
0x30b: {  	s7 =	simm.s32 $0x8;
	v4 =	vadd.f32 v48, v35;
	[tilespmem:v51+s29+$0x0] =	vst.idx.msk $0xffff, v10;
	v10 =	vld.idx.msk [tilespmem:v2+s17+$0x0], $0xffff;
	v2 =	vor.u32 v33, v49  }
.LBB2_15:
0x30c: {  	v0 =	vld [tilespmem:$0x1FF30];
	_ =	sdelay $0x4  }
0x30d: {  	v14 =	vor.u32 v0, v50;
	v0 =	vld [tilespmem:$0x1FE40];
	_ =	sdelay $0x1  }
0x30e: {  	v30 =	vld [tilespmem:$0x1FFF0];
	v9 =	vadd.f32 v9, v54  }
0x30f: {  	[tilespmem:v11+s29+$0x0] =	vst.idx.msk $0xffff, v13  }
0x310: {  	v20 =	vld.idx.msk [tilespmem:v62+s17+$0x0], $0xffff;
	v11 =	vadd.f32 v61, v38;
	[tilespmem:v6+s29+$0x0] =	vst.idx.msk $0xffff, v9  }
0x311: {  	v8 =	vadd.f32 v8, v52;
	v3 =	vld.idx.msk [tilespmem:v3+s17+$0x0], $0xffff;
	v15 =	vor.u32 v0, v56  }
0x312: {  	[tilespmem:v60+s29+$0x0] =	vst.idx.msk $0xffff, v11;
	v16 =	vld.idx.msk [tilespmem:v58+s17+$0x0], $0xffff;
	v13 =	vor.u32 v0, v41  }
0x313: {  	[tilespmem:v12+s29+$0x0] =	vst.idx.msk $0xffff, v8;
	v12 =	vld.idx.msk [tilespmem:v32+s17+$0x0], $0xffff;
	v17 =	vor.u32 v30, v59  }
0x314: {  	v18 =	vadd.f32 v63, v39;
	v32 =	vld [tilespmem:$0x1FE60];
	v19 =	vor.u32 v30, v47;
	v6 =	vadd.f32 v10, v57  }
0x315: {  	v7 =	vld.idx.msk [tilespmem:v7+s17+$0x0], $0xffff;
	v11 =	vor.u32 v30, v45;
	v8 =	vor.u32 v0, v53;
	v9 =	vor.u32 v0, v44  }
0x316: {  	v21 =	vor.u32 v0, v36;
	v3 =	vadd.f32 v3, v54;
	[tilespmem:v15+s29+$0x0] =	vst.idx.msk $0xffff, v6  }
0x317: {  	[tilespmem:v13+s29+$0x0] =	vst.idx.msk $0xffff, v18;
	v6 =	vor.u32 v0, v37;
	v13 =	vor.u32 v30, v46;
	v0 =	vld [tilespmem:$0x1FCF0]  }
0x318: {  	[tilespmem:v5+s29+$0x0] =	vst.idx.msk $0xffff, v4;
	v10 =	vor.u32 v30, v55;
	v16 =	vadd.f32 v16, v40;
	v15 =	vld.idx.msk [tilespmem:v17+s17+$0x0], $0xffff  }
0x319: {  	v63 =	vor.u32 v30, v42;
	v4 =	vadd.f32 v20, v43;
	[tilespmem:v2+s29+$0x0] =	vst.idx.msk $0xffff, v3;
	v62 =	vld.idx.msk [tilespmem:v19+s17+$0x0], $0xffff  }
0x31a: {  	v5 =	vld.idx.msk [tilespmem:v14+s17+$0x0], $0xffff;
	v7 =	vadd.f32 v7, v52;
	[tilespmem:v9+s29+$0x0] =	vst.idx.msk $0xffff, v16;
	v9 =	vor.u32 v32, v56  }
0x31b: {  	v14 =	vor.u32 v32, v41;
	[tilespmem:v21+s29+$0x0] =	vst.idx.msk $0xffff, v4;
	v4 =	vadd.f32 v12, v38;
	v11 =	vld.idx.msk [tilespmem:v11+s17+$0x0], $0xffff  }
0x31c: {  	[tilespmem:v8+s29+$0x0] =	vst.idx.msk $0xffff, v7;
	v12 =	vld.idx.msk [tilespmem:v13+s17+$0x0], $0xffff  }
0x31d: {  	v3 =	vld.idx.msk [tilespmem:v10+s17+$0x0], $0xffff;
	[tilespmem:v6+s29+$0x0] =	vst.idx.msk $0xffff, v4;
	v2 =	vadd.f32 v15, v57  }
0x31e: {  	v6 =	vor.u32 v32, v36;
	v8 =	vadd.f32 v62, v39;
	v4 =	vld.idx.msk [tilespmem:v63+s17+$0x0], $0xffff  }
0x31f: {  	v7 =	vor.u32 v32, v53;
	v17 =	vld [tilespmem:$0x1FCE0];
	[tilespmem:v9+s29+$0x0] =	vst.idx.msk $0xffff, v2;
	v2 =	vadd.f32 v5, v35  }
0x320: {  	v10 =	vor.u32 v32, v44;
	v13 =	vld.idx.msk [tilespmem:v0+s17+$0x0], $0xffff;
	[tilespmem:v14+s29+$0x0] =	vst.idx.msk $0xffff, v8;
	v5 =	vor.u32 v32, v37  }
0x321: {  	s24 =	smov.u32 s7;
	v8 =	vadd.f32 v11, v40;
	[tilespmem:v1+s29+$0x0] =	vst.idx.msk $0xffff, v2;
	v1 =	vadd.f32 v12, v43  }
0x322: {  	s21 =	sadd.s32 $0x4, s24;
	s28 =	sadd.s32 $0x6, s24;
	v9 =	vor.u32 v32, v49;
	v32 =	vlaneseq.u32;
	v2 =	vadd.f32 v3, v52  }
0x323: {  	s16 =	sadd.s32 $0x7, s24;
	v12 =	vadd.s32 s28, v32;
	[tilespmem:v6+s29+$0x0] =	vst.idx.msk $0xffff, v1;
	v1 =	vadd.f32 v4, v38;
	v6 =	vadd.s32 s21, v32  }
0x324: {  	[tilespmem:v7+s29+$0x0] =	vst.idx.msk $0xffff, v2;
	v2 =	vadd.s32 s24, v32;
	v4 =	vadd.s32 s16, v32;
	v42 =	vand.u32 $0x3F, v6  }
0x325: {  	[tilespmem:v10+s29+$0x0] =	vst.idx.msk $0xffff, v8;
	v8 =	vld [tilespmem:$0x1FCD0];
	s16 =	sadd.s32 $0x1, s24;
	v3 =	vadd.f32 v13, v54;
	v50 =	vand.u32 $0x38, v2;
	v13 =	vor.u32 v17, v42  }
0x326: {  	v31 =	vld [tilespmem:$0x1FFE0];
	s23 =	sadd.s32 $0x5, s24;
	s31 =	sadd.s32 $0x2, s24;
	s24 =	sadd.s32 $0x3, s24;
	v55 =	vand.u32 $0x3F, v4;
	[tilespmem:v5+s29+$0x0] =	vst.idx.msk $0xffff, v1;
	v1 =	vadd.s32 s16, v32;
	v14 =	vor.u32 v22, v50  }
0x327: {  	v29 =	vld [tilespmem:$0x1FE30];
	v11 =	vadd.s32 s24, v32;
	v15 =	vor.u32 v28, v55;
	v47 =	vand.u32 $0x3F, v1  }
0x328: {  	v48 =	vld [tilespmem:$0x1FF50];
	v6 =	vshll.u32 v6, $0x7;
	[tilespmem:v9+s29+$0x0] =	vst.idx.msk $0xffff, v3;
	v3 =	vshll.u32 v2, $0x7;
	v2 =	vor.u32 v17, v47  }
0x329: {  	v58 =	vld [tilespmem:$0x1FF60];
	v61 =	vand.u32 $0x3F, v11;
	v37 =	vand.u32 $0x1F80, v6;
	v6 =	vor.u32 v28, v42  }
0x32a: {  	v7 =	vadd.s32 s23, v32;
	v8 =	vor.u32 v50, v8;
	v35 =	vor.u32 v30, v61;
	v30 =	vld.idx.msk [tilespmem:v13+s12+$0x0], $0xffff  }
0x32b: {  	v46 =	vand.u32 $0x3F, v7;
	v1 =	vshll.u32 v1, $0x7;
	v5 =	vor.u32 v28, v47;
	v14 =	vld.idx.msk [tilespmem:v14+s17+$0x0], $0xffff  }
0x32c: {  	v7 =	vshll.u32 v7, $0x7;
	v41 =	vand.u32 $0x1F80, v1;
	v1 =	vor.u32 v28, v46;
	v15 =	vld.idx.msk [tilespmem:v15+s17+$0x0], $0xffff  }
0x32d: {  	v60 =	vand.u32 $0x1C00, v3;
	v3 =	vadd.s32 s31, v32;
	v39 =	vld.idx.msk [tilespmem:v2+s12+$0x0], $0xffff;
	v2 =	vor.u32 v17, v46  }
0x32e: {  	v38 =	vand.u32 $0x1F80, v7;
	v7 =	vor.u32 v28, v61;
	v45 =	vand.u32 $0x3F, v3;
	v6 =	vld.idx.msk [tilespmem:v6+s17+$0x0], $0xffff  }
0x32f: {  	v59 =	vand.u32 $0x3F, v12;
	v3 =	vshll.u32 v3, $0x7;
	v9 =	vor.u32 v17, v45;
	v36 =	vld.idx.msk [tilespmem:v8+s12+$0x0], $0xffff  }
0x330: {  	v40 =	vor.u32 v28, v59;
	v10 =	vor.u32 v28, v45;
	v44 =	vand.u32 $0x1F80, v3;
	v3 =	vld.idx.msk [tilespmem:v5+s17+$0x0], $0xffff  }
0x331: {  	v4 =	vshll.u32 v4, $0x7;
	v11 =	vshll.u32 v11, $0x7;
	v5 =	vor.u32 v17, v61;
	v1 =	vld.idx.msk [tilespmem:v1+s17+$0x0], $0xffff  }
0x332: {  	v53 =	vand.u32 $0x1F80, v4;
	v4 =	vor.u32 v24, v50;
	v49 =	vand.u32 $0x1F80, v11;
	v43 =	vld.idx.msk [tilespmem:v2+s12+$0x0], $0xffff  }
0x333: {  	v11 =	vor.u32 v32, v41;
	v7 =	vld.idx.msk [tilespmem:v7+s17+$0x0], $0xffff;
	v2 =	vshll.u32 v12, $0x7;
	v12 =	vor.u32 v17, v59  }
0x334: {  	v24 =	vor.u32 v29, v42;
	v13 =	vor.u32 v32, v38;
	v62 =	vld.idx.msk [tilespmem:v9+s12+$0x0], $0xffff;
	v9 =	vor.u32 v17, v55  }
0x335: {  	v18 =	vor.u32 v32, v37;
	v33 =	vor.u32 v29, v47;
	v8 =	vor.u32 v23, v60;
	v10 =	vld.idx.msk [tilespmem:v10+s17+$0x0], $0xffff  }
0x336: {  	v22 =	vor.u32 v29, v61;
	v3 =	vadd.f32 v3, v39;
	v54 =	vld.idx.msk [tilespmem:v5+s12+$0x0], $0xffff;
	v5 =	vor.u32 v29, v46  }
0x337: {  	[tilespmem:$0x1FCF0] =	vst v35;
	v19 =	vor.u32 v32, v49;
	v17 =	vld.idx.msk [tilespmem:v40+s17+$0x0], $0xffff;
	v1 =	vadd.f32 v1, v43  }
0x338: {  	v20 =	vor.u32 v25, v60;
	[tilespmem:v11+s29+$0x0] =	vst.idx.msk $0xffff, v3;
	v57 =	vld.idx.msk [tilespmem:v12+s12+$0x0], $0xffff;
	v12 =	vadd.f32 v14, v36  }
0x339: {  	v56 =	vand.u32 $0x1F80, v2;
	v11 =	vor.u32 v32, v44;
	v52 =	vld.idx.msk [tilespmem:v9+s12+$0x0], $0xffff;
	[tilespmem:v13+s29+$0x0] =	vst.idx.msk $0xffff, v1  }
0x33a: {  	v51 =	vadd.f32 v6, v30;
	v16 =	vld.idx.msk [tilespmem:v33+s17+$0x0], $0xffff;
	[tilespmem:v8+s29+$0x0] =	vst.idx.msk $0xffff, v12;
	v12 =	vor.u32 v32, v56  }
0x33b: {  	v8 =	vor.u32 v26, v50;
	v13 =	vor.u32 v32, v53;
	v26 =	vld.idx.msk [tilespmem:v5+s17+$0x0], $0xffff;
	v5 =	vor.u32 v29, v59  }
0x33c: {  	v25 =	vor.u32 v27, v60;
	v27 =	vor.u32 v29, v55;
	v10 =	vadd.f32 v10, v62;
	v4 =	vld.idx.msk [tilespmem:v4+s17+$0x0], $0xffff  }
0x33d: {  	v35 =	vld [tilespmem:$0x1FFA0];
	v23 =	vor.u32 v48, v41;
	[tilespmem:v18+s29+$0x0] =	vst.idx.msk $0xffff, v51;
	v17 =	vadd.f32 v17, v57  }
0x33e: {  	v40 =	vld [tilespmem:$0x1FFB0];
	v28 =	vadd.f32 v7, v54;
	v7 =	vadd.f32 v15, v52;
	[tilespmem:v11+s29+$0x0] =	vst.idx.msk $0xffff, v10  }
0x33f: {  	v21 =	vor.u32 v29, v45;
	v33 =	vld [tilespmem:$0x1FF70];
	v14 =	vor.u32 v48, v38;
	[tilespmem:v12+s29+$0x0] =	vst.idx.msk $0xffff, v17  }
0x340: {  	v10 =	vor.u32 v48, v44;
	v16 =	vadd.f32 v16, v39;
	[tilespmem:v13+s29+$0x0] =	vst.idx.msk $0xffff, v7;
	v12 =	vld.idx.msk [tilespmem:v5+s17+$0x0], $0xffff  }
0x341: {  	v11 =	vor.u32 v48, v37;
	v29 =	vor.u32 v48, v49;
	v4 =	vadd.f32 v4, v36;
	v17 =	vld.idx.msk [tilespmem:v27+s17+$0x0], $0xffff  }
0x342: {  	[tilespmem:v23+s29+$0x0] =	vst.idx.msk $0xffff, v16;
	v16 =	vor.u32 v48, v56;
	v27 =	vor.u32 v48, v53;
	v48 =	vld [tilespmem:$0x1FED0]  }
0x343: {  	v23 =	vld.idx.msk [tilespmem:v24+s17+$0x0], $0xffff;
	[tilespmem:v20+s29+$0x0] =	vst.idx.msk $0xffff, v4  }
0x344: {  	v0 =	vor.u32 v31, v45;
	v9 =	vor.u32 v58, v47;
	v8 =	vld.idx.msk [tilespmem:v8+s17+$0x0], $0xffff  }
0x345: {  	[tilespmem:$0x1FC90] =	vst v0;
	v0 =	vor.u32 v34, v50;
	v24 =	vor.u32 v58, v59;
	v20 =	vld.idx.msk [tilespmem:v21+s17+$0x0], $0xffff  }
0x346: {  	v51 =	vor.u32 v58, v45;
	v1 =	vor.u32 v40, v53;
	[tilespmem:v19+s29+$0x0] =	vst.idx.msk $0xffff, v28;
	v32 =	vld [tilespmem:$0x1FF80]  }
0x347: {  	v6 =	vld [tilespmem:$0x1FF00];
	v19 =	vor.u32 v58, v46;
	v12 =	vadd.f32 v12, v57;
	v48 =	vor.u32 v48, v50  }
0x348: {  	[tilespmem:$0x1FCC0] =	vst v1;
	v15 =	vor.u32 v33, v41;
	v22 =	vld.idx.msk [tilespmem:v22+s17+$0x0], $0xffff;
	v13 =	vadd.f32 v26, v43  }
0x349: {  	v1 =	vor.u32 v58, v61;
	v9 =	vld.idx.msk [tilespmem:v9+s17+$0x0], $0xffff;
	[tilespmem:v16+s29+$0x0] =	vst.idx.msk $0xffff, v12;
	v8 =	vadd.f32 v8, v36  }
0x34a: {  	v26 =	vor.u32 v58, v55;
	[tilespmem:v14+s29+$0x0] =	vst.idx.msk $0xffff, v13;
	v20 =	vadd.f32 v20, v62;
	v13 =	vld.idx.msk [tilespmem:v24+s17+$0x0], $0xffff  }
0x34b: {  	v28 =	vld [tilespmem:$0x1FEE0];
	v34 =	vor.u32 v32, v45;
	v17 =	vadd.f32 v17, v52;
	[tilespmem:v25+s29+$0x0] =	vst.idx.msk $0xffff, v8  }
0x34c: {  	v16 =	vadd.f32 v23, v30;
	[tilespmem:v10+s29+$0x0] =	vst.idx.msk $0xffff, v20;
	v20 =	vor.u32 v33, v56;
	v23 =	vld.idx.msk [tilespmem:v48+s17+$0x0], $0xffff  }
0x34d: {  	v58 =	vor.u32 v58, v42;
	v21 =	vld [tilespmem:$0x1FE10];
	v14 =	vor.u32 v32, v61;
	[tilespmem:v27+s29+$0x0] =	vst.idx.msk $0xffff, v17  }
0x34e: {  	v19 =	vld.idx.msk [tilespmem:v19+s17+$0x0], $0xffff;
	v27 =	vor.u32 v32, v55;
	v10 =	vadd.f32 v22, v54;
	[tilespmem:v11+s29+$0x0] =	vst.idx.msk $0xffff, v16  }
0x34f: {  	v17 =	vld.idx.msk [tilespmem:v26+s17+$0x0], $0xffff;
	v8 =	vadd.f32 v9, v39;
	v9 =	vor.u32 v32, v47;
	v13 =	vadd.f32 v13, v57  }
0x350: {  	v11 =	vor.u32 v33, v38;
	v16 =	vor.u32 v32, v59;
	v22 =	vld.idx.msk [tilespmem:v51+s17+$0x0], $0xffff;
	v25 =	vor.u32 v32, v46  }
0x351: {  	[tilespmem:v20+s29+$0x0] =	vst.idx.msk $0xffff, v13;
	v20 =	vadd.f32 v23, v36;
	v23 =	vor.u32 v32, v42;
	v32 =	vld [tilespmem:$0x1FF90]  }
0x352: {  	v28 =	vor.u32 v28, v60;
	v21 =	vor.u32 v21, v50;
	[tilespmem:v29+s29+$0x0] =	vst.idx.msk $0xffff, v10;
	v10 =	vld.idx.msk [tilespmem:v58+s17+$0x0], $0xffff  }
0x353: {  	v19 =	vadd.f32 v19, v43;
	[tilespmem:v15+s29+$0x0] =	vst.idx.msk $0xffff, v8;
	v8 =	vld.idx.msk [tilespmem:v1+s17+$0x0], $0xffff;
	v15 =	vor.u32 v33, v44  }
0x354: {  	v24 =	vor.u32 v33, v37;
	v9 =	vld.idx.msk [tilespmem:v9+s17+$0x0], $0xffff  }
0x355: {  	v12 =	vor.u32 v33, v49;
	v29 =	vld [tilespmem:$0x1FEF0];
	[tilespmem:v11+s29+$0x0] =	vst.idx.msk $0xffff, v19;
	v13 =	vadd.f32 v17, v52  }
0x356: {  	v17 =	vor.u32 v33, v53;
	v33 =	vadd.f32 v22, v62;
	v11 =	vld.idx.msk [tilespmem:v16+s17+$0x0], $0xffff;
	v16 =	vor.u32 v32, v41  }
0x357: {  	v10 =	vadd.f32 v10, v30;
	[tilespmem:v28+s29+$0x0] =	vst.idx.msk $0xffff, v20  }
0x358: {  	[tilespmem:v15+s29+$0x0] =	vst.idx.msk $0xffff, v33;
	v8 =	vadd.f32 v8, v54;
	v21 =	vld.idx.msk [tilespmem:v21+s17+$0x0], $0xffff;
	v15 =	vor.u32 v32, v56  }
0x359: {  	v6 =	vor.u32 v6, v50;
	v19 =	vld.idx.msk [tilespmem:v34+s17+$0x0], $0xffff;
	[tilespmem:v24+s29+$0x0] =	vst.idx.msk $0xffff, v10;
	v9 =	vadd.f32 v9, v39  }
0x35a: {  	v26 =	vor.u32 v29, v60;
	v10 =	vor.u32 v35, v59;
	[tilespmem:v12+s29+$0x0] =	vst.idx.msk $0xffff, v8  }
0x35b: {  	v8 =	vadd.f32 v11, v57;
	[tilespmem:v16+s29+$0x0] =	vst.idx.msk $0xffff, v9;
	v9 =	vor.u32 v32, v44  }
0x35c: {  	v5 =	vor.u32 v35, v45;
	v1 =	vld [tilespmem:$0x1FE20]  }
0x35d: {  	v23 =	vld.idx.msk [tilespmem:v23+s17+$0x0], $0xffff;
	[tilespmem:v15+s29+$0x0] =	vst.idx.msk $0xffff, v8;
	v8 =	vadd.f32 v21, v36  }
0x35e: {  	v51 =	vld [tilespmem:$0x1FF10];
	[tilespmem:v17+s29+$0x0] =	vst.idx.msk $0xffff, v13;
	v19 =	vadd.f32 v19, v62  }
0x35f: {  	v17 =	vor.u32 v32, v37;
	v10 =	vld.idx.msk [tilespmem:v10+s17+$0x0], $0xffff;
	[tilespmem:v26+s29+$0x0] =	vst.idx.msk $0xffff, v8  }
0x360: {  	v21 =	vor.u32 v35, v42;
	v6 =	vld.idx.msk [tilespmem:v6+s17+$0x0], $0xffff;
	[tilespmem:v9+s29+$0x0] =	vst.idx.msk $0xffff, v19  }
0x361: {  	[tilespmem:$0x1FCA0] =	vst v0;
	v19 =	vld.idx.msk [tilespmem:v5+s17+$0x0], $0xffff  }
0x362: {  	v8 =	vadd.f32 v23, v30;
	v9 =	vor.u32 v40, v56;
	v5 =	vor.u32 v1, v60;
	v1 =	vld [tilespmem:$0x1FCA0]  }
0x363: {  	v0 =	vld [tilespmem:$0x1FFC0]  }
0x364: {  	v24 =	vor.u32 v51, v60;
	v13 =	vld.idx.msk [tilespmem:v14+s17+$0x0], $0xffff;
	[tilespmem:v17+s29+$0x0] =	vst.idx.msk $0xffff, v8  }
0x365: {  	v18 =	vor.u32 v35, v47;
	v7 =	vor.u32 v35, v46;
	v17 =	vld.idx.msk [tilespmem:v21+s17+$0x0], $0xffff;
	v10 =	vadd.f32 v10, v57  }
0x366: {  	v20 =	vor.u32 v35, v61;
	v14 =	vor.u32 v35, v55;
	v11 =	vld.idx.msk [tilespmem:v27+s17+$0x0], $0xffff;
	v35 =	vmov v36  }
0x367: {  	[tilespmem:v9+s29+$0x0] =	vst.idx.msk $0xffff, v10;
	v9 =	vadd.f32 v6, v35  }
0x368: {  	v12 =	vor.u32 v32, v53  }
0x369: {  	v2 =	vor.u32 v0, v45;
	v25 =	vld.idx.msk [tilespmem:v25+s17+$0x0], $0xffff;
	[tilespmem:v24+s29+$0x0] =	vst.idx.msk $0xffff, v9  }
0x36a: {  	[tilespmem:$0x1FCB0] =	vst v2;
	v9 =	vadd.f32 v17, v30;
	v17 =	vld.idx.msk [tilespmem:v1+s17+$0x0], $0xffff  }
0x36b: {  	v22 =	vor.u32 v32, v49;
	v11 =	vadd.f32 v11, v52;
	v1 =	vld [tilespmem:$0x1FCB0]  }
0x36c: {  	v48 =	vld [tilespmem:$0x1FED0];
	v28 =	vor.u32 v32, v38  }
0x36d: {  	v58 =	vld [tilespmem:$0x1FC90];
	[tilespmem:v12+s29+$0x0] =	vst.idx.msk $0xffff, v11;
	v12 =	vor.u32 v40, v44  }
0x36e: {  	v63 =	vor.u32 v31, v42;
	v34 =	vld [tilespmem:$0x1FF20];
	v13 =	vadd.f32 v13, v54  }
0x36f: {  	v27 =	vld [tilespmem:$0x1FEC0];
	v32 =	vmov v63;
	v63 =	vadd.f32 v25, v43  }
0x370: {  	v16 =	vld.idx.msk [tilespmem:v18+s17+$0x0], $0xffff;
	[tilespmem:v22+s29+$0x0] =	vst.idx.msk $0xffff, v13;
	v19 =	vadd.f32 v19, v62  }
0x371: {  	v22 =	vld [tilespmem:$0x1FE70];
	[tilespmem:v28+s29+$0x0] =	vst.idx.msk $0xffff, v63  }
0x372: {  	v28 =	vld [tilespmem:$0x1FE50];
	[tilespmem:v12+s29+$0x0] =	vst.idx.msk $0xffff, v19  }
0x373: {  	v19 =	vld.idx.msk [tilespmem:v1+s17+$0x0], $0xffff  }
0x374: {  	v15 =	vor.u32 v40, v41;
	v8 =	vor.u32 v0, v59;
	v1 =	vld [tilespmem:$0x1FCC0]  }
0x375: {  	v2 =	vor.u32 v0, v46;
	v3 =	vor.u32 v0, v47;
	v11 =	vld.idx.msk [tilespmem:v14+s17+$0x0], $0xffff  }
0x376: {  	v18 =	vor.u32 v0, v61;
	v14 =	vor.u32 v0, v55;
	v10 =	vor.u32 v0, v42;
	v0 =	vld [tilespmem:$0x1FFD0]  }
0x377: {  	v7 =	vld.idx.msk [tilespmem:v7+s17+$0x0], $0xffff;
	v16 =	vadd.f32 v16, v39  }
0x378: {  	v36 =	vmov v38;
	v13 =	vld.idx.msk [tilespmem:v20+s17+$0x0], $0xffff;
	v63 =	vor.u32 v40, v37  }
0x379: {  	v21 =	vor.u32 v40, v36;
	[tilespmem:v15+s29+$0x0] =	vst.idx.msk $0xffff, v16;
	v8 =	vld.idx.msk [tilespmem:v8+s17+$0x0], $0xffff  }
0x37a: {  	v25 =	vor.u32 v40, v49;
	v11 =	vadd.f32 v11, v52;
	v15 =	vld.idx.msk [tilespmem:v3+s17+$0x0], $0xffff  }
0x37b: {  	v4 =	vor.u32 v31, v47;
	v26 =	vld [tilespmem:$0x1FEB0];
	v12 =	vor.u32 v0, v56  }
0x37c: {  	v33 =	vor.u32 v31, v59;
	v7 =	vadd.f32 v7, v43;
	[tilespmem:v1+s29+$0x0] =	vst.idx.msk $0xffff, v11;
	v1 =	vld [tilespmem:$0x1FF40]  }
0x37d: {  	v23 =	vld [tilespmem:$0x1FE80];
	v13 =	vadd.f32 v13, v54;
	v3 =	vor.u32 v31, v61;
	[tilespmem:v63+s29+$0x0] =	vst.idx.msk $0xffff, v9  }
0x37e: {  	[tilespmem:v21+s29+$0x0] =	vst.idx.msk $0xffff, v7;
	v7 =	vor.u32 v0, v41;
	v61 =	vld.idx.msk [tilespmem:v10+s17+$0x0], $0xffff;
	v10 =	vadd.f32 v8, v57  }
0x37f: {  	[tilespmem:v25+s29+$0x0] =	vst.idx.msk $0xffff, v13;
	v2 =	vld.idx.msk [tilespmem:v2+s17+$0x0], $0xffff;
	v9 =	vadd.f32 v15, v39;
	v6 =	vor.u32 v0, v49  }
0x380: {  	v25 =	vld [tilespmem:$0x1FEA0];
	v15 =	vor.u32 v0, v36;
	[tilespmem:v12+s29+$0x0] =	vst.idx.msk $0xffff, v10;
	v12 =	vor.u32 v0, v53  }
0x381: {  	p2 =	slt.u32 s7, $0x38;
	v11 =	vor.u32 v0, v44;
	v1 =	vor.u32 v1, v60;
	v60 =	vor.u32 v0, v37;
	v0 =	vld [tilespmem:$0x1FE40]  }
.Ltmp8:
0x382: {  	v24 =	vld [tilespmem:$0x1FE90];
	(pc) =	sbr.rel @p2 .LBB2_15-.Ltmp8, $4  }
0x383: {  	[tilespmem:v7+s29+$0x0] =	vst.idx.msk $0xffff, v9;
	v9 =	vld.idx.msk [tilespmem:v18+s17+$0x0], $0xffff  }
0x384: {  	v38 =	vmov v30;
	v40 =	vmov v62;
	v8 =	vld.idx.msk [tilespmem:v14+s17+$0x0], $0xffff;
	v14 =	vadd.f32 v2, v43  }
0x385: {  	v62 =	vor.u32 v31, v46;
	v7 =	vor.u32 v31, v55;
	v63 =	vld.idx.msk [tilespmem:v4+s17+$0x0], $0xffff;
	v4 =	vadd.f32 v17, v35  }
0x386: {  	s7 =	sadd.s32 $0x8, s7;
	v10 =	vld.idx.msk [tilespmem:v33+s17+$0x0], $0xffff;
	v13 =	vadd.f32 v19, v40;
	[tilespmem:v15+s29+$0x0] =	vst.idx.msk $0xffff, v14;
	v2 =	vor.u32 v0, v49  }
0x387: {  	_ =	sdelay $0x2  }
0x388: {  	v33 =	vld [tilespmem:$0x1FE40]  }
0x389: {  	v0 =	vld [tilespmem:$0x1FF30];
	[tilespmem:v11+s29+$0x0] =	vst.idx.msk $0xffff, v13  }
0x38a: {  	v31 =	vld [tilespmem:$0x1FFF0]  }
0x38b: {  	v9 =	vadd.f32 v9, v54  }
0x38c: {  	v8 =	vadd.f32 v8, v52  }
0x38d: {  	v16 =	vld.idx.msk [tilespmem:v58+s17+$0x0], $0xffff;
	[tilespmem:v6+s29+$0x0] =	vst.idx.msk $0xffff, v9;
	v13 =	vor.u32 v33, v41  }
0x38e: {  	v18 =	vld.idx.msk [tilespmem:v62+s17+$0x0], $0xffff;
	[tilespmem:v12+s29+$0x0] =	vst.idx.msk $0xffff, v8;
	v14 =	vor.u32 v0, v50;
	v15 =	vor.u32 v33, v56  }
0x38f: {  	v50 =	vadd.f32 v61, v38;
	v7 =	vld.idx.msk [tilespmem:v7+s17+$0x0], $0xffff;
	v12 =	vor.u32 v31, v47;
	v47 =	vor.u32 v33, v44  }
0x390: {  	[tilespmem:v5+s29+$0x0] =	vst.idx.msk $0xffff, v4;
	v3 =	vld.idx.msk [tilespmem:v3+s17+$0x0], $0xffff;
	v61 =	vadd.f32 v63, v39;
	v19 =	vor.u32 v33, v36  }
0x391: {  	v63 =	vadd.f32 v10, v57;
	v9 =	vor.u32 v33, v53;
	[tilespmem:v60+s29+$0x0] =	vst.idx.msk $0xffff, v50  }
0x392: {  	[tilespmem:v13+s29+$0x0] =	vst.idx.msk $0xffff, v61;
	v61 =	vadd.f32 v16, v40  }
0x393: {  	[tilespmem:v15+s29+$0x0] =	vst.idx.msk $0xffff, v63;
	v63 =	vadd.f32 v18, v43  }
0x394: {  	v7 =	vadd.f32 v7, v52;
	[tilespmem:v47+s29+$0x0] =	vst.idx.msk $0xffff, v61  }
0x395: {  	v17 =	vor.u32 v31, v59;
	v3 =	vadd.f32 v3, v54;
	v15 =	vld [tilespmem:$0x1FE60];
	[tilespmem:v19+s29+$0x0] =	vst.idx.msk $0xffff, v63  }
0x396: {  	[tilespmem:v9+s29+$0x0] =	vst.idx.msk $0xffff, v7  }
0x397: {  	v50 =	vor.u32 v31, v45;
	v21 =	vld.idx.msk [tilespmem:v32+s17+$0x0], $0xffff;
	[tilespmem:v2+s29+$0x0] =	vst.idx.msk $0xffff, v3  }
0x398: {  	v58 =	vor.u32 v31, v46;
	v46 =	vld [tilespmem:$0x1FCF0]  }
0x399: {  	v20 =	vor.u32 v31, v55;
	v59 =	vor.u32 v33, v37;
	v5 =	vld.idx.msk [tilespmem:v14+s17+$0x0], $0xffff  }
0x39a: {  	v62 =	vor.u32 v31, v42;
	v60 =	vld.idx.msk [tilespmem:v17+s17+$0x0], $0xffff  }
0x39b: {  	v12 =	vld.idx.msk [tilespmem:v12+s17+$0x0], $0xffff  }
0x39c: {  	v11 =	vld.idx.msk [tilespmem:v50+s17+$0x0], $0xffff;
	v32 =	vadd.f32 v21, v38;
	v17 =	vor.u32 v15, v56  }
0x39d: {  	v6 =	vld.idx.msk [tilespmem:v58+s17+$0x0], $0xffff;
	v18 =	vor.u32 v15, v41  }
0x39e: {  	v42 =	vld.idx.msk [tilespmem:v20+s17+$0x0], $0xffff;
	[tilespmem:v59+s29+$0x0] =	vst.idx.msk $0xffff, v32;
	v44 =	vor.u32 v15, v44;
	v56 =	vadd.f32 v5, v35  }
0x39f: {  	v55 =	vld.idx.msk [tilespmem:v62+s17+$0x0], $0xffff;
	v41 =	vadd.f32 v60, v57;
	v50 =	vor.u32 v15, v36  }
0x3a0: {  	v45 =	vadd.f32 v12, v39;
	v53 =	vor.u32 v15, v53;
	[tilespmem:v1+s29+$0x0] =	vst.idx.msk $0xffff, v56;
	v47 =	vld.idx.msk [tilespmem:v46+s17+$0x0], $0xffff  }
0x3a1: {  	v57 =	vadd.f32 v11, v40;
	v59 =	vor.u32 v15, v37;
	[tilespmem:v17+s29+$0x0] =	vst.idx.msk $0xffff, v41  }
0x3a2: {  	v58 =	vor.u32 v15, v49;
	v60 =	vadd.f32 v6, v43;
	[tilespmem:v18+s29+$0x0] =	vst.idx.msk $0xffff, v45  }
0x3a3: {  	v61 =	vadd.f32 v42, v52;
	[tilespmem:v44+s29+$0x0] =	vst.idx.msk $0xffff, v57  }
.Ltmp9:
0x3a4: {  	s7 =	sshll.u32 s11, $0x12;
	v63 =	vadd.f32 v55, v38;
	[tilespmem:v50+s29+$0x0] =	vst.idx.msk $0xffff, v60;
	(pc) =	sbr.rel @p1 .LBB2_18-.Ltmp9, $4  }
0x3a5: {  	s7 =	sor.u32 s5, s7;
	[tilespmem:v53+s29+$0x0] =	vst.idx.msk $0xffff, v61;
	v62 =	vadd.f32 v47, v54  }
0x3a6: {  	s7 =	sshrl.u32 s7, $0x3;
	[tilespmem:v59+s29+$0x0] =	vst.idx.msk $0xffff, v63  }
0x3a7: {  	s7 =	sadd.s32 s1, s7;
	[tilespmem:v58+s29+$0x0] =	vst.idx.msk $0xffff, v62  }
0x3a8: {  	[hbm4b:s7+s9] =	stream.strided.scatter [tilespmem:s29], [sflag:$0x8], $0x2000, s10, s9, $0x38;
	[tilespmem:$0x1D600] =	vst v63  }
.Ltmp10:
0x3a9: {  	(pc) =	sbr.rel .LBB2_19-.Ltmp10, $4  }
0x3aa: {  	_ = 	snop  }
0x3ab: {  	_ =	swait.ge [sflag:s30], $0x2000  }
0x3ac: {  	[sflag:s30] =	ssyncset.done $0x0;
	v20 =	vld [tilespmem:$0x1FF00]  }
0x3ad: {  	v21 =	vlaneseq.u32;
	v30 =	vld [tilespmem:$0x1FE20];
	[sflag:s30] =	ssyncadd.s32 $0xFFFFE000  }
.LBB2_18:
0x3ae: {  	s7 =	sshll.u32 s6, $0x7  }
0x3af: {  	s7 =	sadd.s32 $0x380, s7  }
.Ltmp11:
0x3b0: {  	s7 =	sand.u32 $0x1FF80, s7;
	(pc) =	sbr.rel @p0 .LBB2_20-.Ltmp11, $4  }
0x3b1: {  	[tilespmem:s17], [sflag:$0x3] =	stream.indirect.gather [hbm4b:s4+s13], $0x40, s7, s13, $0xb8;
	[tilespmem:$0x1D600] =	vst v63  }
0x3b2: {  	_ =	swait.ge [sflag:s30], $0x2000  }
0x3b3: {  	[sflag:s30] =	ssyncset.done $0x0;
	v20 =	vld [tilespmem:$0x1FF00]  }
0x3b4: {  	v21 =	vlaneseq.u32;
	v30 =	vld [tilespmem:$0x1FE20];
	[sflag:s30] =	ssyncadd.s32 $0xFFFFE000  }
.LBB2_19:
0x3b5: {  	s7 =	simm.s32 $0x9  }
0x3b6: {  	_ =	swait.ge [sflag:s7], $0x2000  }
0x3b7: {  	[sflag:s7] =	ssyncset.done $0x0  }
0x3b8: {  	[sflag:s7] =	ssyncadd.s32 $0xFFFFE000  }
.LBB2_20:
0x3b9: {  	s6 =	sadd.s32 $0x3, s6;
	s11 =	simm.s32 $0x0  }
0x3ba: {  	s21 =	simm.s32 $0x1;
	s7 =	sshll.u32 s6, $0x6;
	v1 =	vadd.s32 s11, v21  }
0x3bb: {  	v2 =	vld [tilespmem:$0x1FE00];
	s23 =	simm.s32 $0x5;
	v5 =	vadd.s32 s21, v21;
	v0 =	vmov s7;
	v3 =	vshll.u32 v1, $0x7  }
0x3bc: {  	s11 =	simm.s32 $0x4;
	v50 =	vand.u32 $0x38, v1;
	v1 =	vadd.s32 s23, v21;
	v47 =	vand.u32 $0x3F, v5  }
0x3bd: {  	v4 =	vadd.s32 s11, v21;
	v7 =	vor.u32 v0, v47;
	v46 =	vand.u32 $0x3F, v1  }
0x3be: {  	v42 =	vand.u32 $0x3F, v4;
	v10 =	vor.u32 v28, v46  }
0x3bf: {  	v5 =	vshll.u32 v5, $0x7;
	v14 =	vor.u32 v0, v42  }
0x3c0: {  	s24 =	simm.s32 $0x2;
	v41 =	vand.u32 $0x1F80, v5;
	v5 =	vor.u32 v0, v46;
	v6 =	vor.u32 s7, v2  }
0x3c1: {  	v62 =	vld [tilespmem:$0x1FFE0];
	v60 =	vand.u32 $0x1C00, v3;
	v3 =	vadd.s32 s24, v21;
	[tilespmem:$0x1FC60] =	vst v6;
	v6 =	vor.u32 v50, v6  }
0x3c2: {  	v8 =	vor.u32 v28, v47;
	v1 =	vshll.u32 v1, $0x7;
	v45 =	vand.u32 $0x3F, v3;
	v39 =	vld.idx.msk [tilespmem:v7+s12+$0x0], $0xffff  }
0x3c3: {  	s28 =	simm.s32 $0x3;
	v36 =	vand.u32 $0x1F80, v1;
	v1 =	vshll.u32 v3, $0x7;
	v9 =	vor.u32 v0, v45;
	v3 =	vld.idx.msk [tilespmem:v10+s19+$0x0], $0xffff  }
0x3c4: {  	s31 =	simm.s32 $0x6;
	v12 =	vadd.s32 s28, v21;
	v7 =	vor.u32 v22, v50;
	v38 =	vld.idx.msk [tilespmem:v14+s12+$0x0], $0xffff  }
0x3c5: {  	v13 =	vadd.s32 s31, v21;
	v61 =	vand.u32 $0x3F, v12;
	v11 =	vor.u32 v28, v45;
	v43 =	vld.idx.msk [tilespmem:v5+s12+$0x0], $0xffff  }
0x3c6: {  	v59 =	vand.u32 $0x3F, v13;
	v4 =	vshll.u32 v4, $0x7;
	v18 =	vor.u32 v31, v61;
	v35 =	vld.idx.msk [tilespmem:v6+s12+$0x0], $0xffff  }
0x3c7: {  	s16 =	simm.s32 $0x7;
	v19 =	vor.u32 v24, v50;
	v44 =	vand.u32 $0x1F80, v1;
	v1 =	vor.u32 v0, v59;
	v6 =	vld.idx.msk [tilespmem:v8+s19+$0x0], $0xffff  }
0x3c8: {  	v37 =	vand.u32 $0x1F80, v4;
	v2 =	vadd.s32 s16, v21;
	v5 =	vor.u32 v28, v59;
	v40 =	vld.idx.msk [tilespmem:v9+s12+$0x0], $0xffff;
	[tilespmem:$0x1FC70] =	vst v0  }
0x3c9: {  	v4 =	vor.u32 v28, v42;
	v15 =	vor.u32 v21, v41;
	v55 =	vand.u32 $0x3F, v2;
	v7 =	vld.idx.msk [tilespmem:v7+s19+$0x0], $0xffff;
	[tilespmem:$0x1FC80] =	vst v18  }
0x3ca: {  	v49 =	vor.u32 v21, v36;
	v2 =	vshll.u32 v2, $0x7;
	v16 =	vor.u32 v0, v55;
	v11 =	vld.idx.msk [tilespmem:v11+s19+$0x0], $0xffff  }
0x3cb: {  	v10 =	vor.u32 v23, v60;
	v14 =	vor.u32 v0, v61;
	v9 =	vor.u32 v28, v55;
	v0 =	vld [tilespmem:$0x1FE30]  }
0x3cc: {  	v53 =	vand.u32 $0x1F80, v2;
	v2 =	vor.u32 v21, v44;
	v57 =	vld.idx.msk [tilespmem:v1+s12+$0x0], $0xffff;
	v6 =	vadd.f32 v6, v39  }
0x3cd: {  	v5 =	vld.idx.msk [tilespmem:v5+s19+$0x0], $0xffff;
	v3 =	vadd.f32 v3, v43  }
0x3ce: {  	v13 =	vshll.u32 v13, $0x7;
	v4 =	vld.idx.msk [tilespmem:v4+s19+$0x0], $0xffff;
	[tilespmem:v15+s0+$0x0] =	vst.idx.msk $0xffff, v6;
	v6 =	vadd.f32 v7, v35  }
0x3cf: {  	v56 =	vand.u32 $0x1F80, v13;
	v52 =	vld.idx.msk [tilespmem:v16+s12+$0x0], $0xffff;
	[tilespmem:v49+s0+$0x0] =	vst.idx.msk $0xffff, v3;
	v7 =	vadd.f32 v11, v40  }
0x3d0: {  	v13 =	vor.u32 v21, v37;
	v9 =	vld.idx.msk [tilespmem:v9+s19+$0x0], $0xffff;
	v17 =	vor.u32 v0, v47;
	[tilespmem:v10+s0+$0x0] =	vst.idx.msk $0xffff, v6  }
0x3d1: {  	v8 =	vor.u32 v28, v61;
	v11 =	vor.u32 v21, v56;
	v15 =	vld.idx.msk [tilespmem:v19+s19+$0x0], $0xffff;
	[tilespmem:v2+s0+$0x0] =	vst.idx.msk $0xffff, v7  }
0x3d2: {  	v3 =	vor.u32 v0, v46;
	v18 =	vld [tilespmem:$0x1FF50]  }
0x3d3: {  	v4 =	vadd.f32 v4, v38;
	v6 =	vor.u32 v21, v53;
	v10 =	vor.u32 v0, v59  }
0x3d4: {  	v54 =	vld.idx.msk [tilespmem:v14+s12+$0x0], $0xffff;
	v63 =	vor.u32 v0, v55;
	v5 =	vadd.f32 v5, v57;
	v2 =	vor.u32 v25, v60  }
0x3d5: {  	v12 =	vshll.u32 v12, $0x7;
	v16 =	vld.idx.msk [tilespmem:v17+s19+$0x0], $0xffff;
	[tilespmem:v13+s0+$0x0] =	vst.idx.msk $0xffff, v4  }
0x3d6: {  	v8 =	vld.idx.msk [tilespmem:v8+s19+$0x0], $0xffff;
	v49 =	vand.u32 $0x1F80, v12;
	v9 =	vadd.f32 v9, v52;
	[tilespmem:v11+s0+$0x0] =	vst.idx.msk $0xffff, v5  }
0x3d7: {  	v3 =	vld.idx.msk [tilespmem:v3+s19+$0x0], $0xffff;
	v5 =	vor.u32 v26, v50;
	v12 =	vadd.f32 v15, v35;
	v7 =	vor.u32 v18, v41  }
0x3d8: {  	v11 =	vor.u32 v21, v49;
	[tilespmem:v6+s0+$0x0] =	vst.idx.msk $0xffff, v9;
	v6 =	vor.u32 v0, v45;
	v9 =	vld.idx.msk [tilespmem:v10+s19+$0x0], $0xffff  }
0x3d9: {  	v10 =	vor.u32 v0, v42;
	v14 =	vld.idx.msk [tilespmem:v63+s19+$0x0], $0xffff;
	[tilespmem:v2+s0+$0x0] =	vst.idx.msk $0xffff, v12  }
0x3da: {  	v4 =	vor.u32 v0, v61;
	v13 =	vadd.f32 v16, v39;
	v15 =	vor.u32 v18, v56;
	v0 =	vld [tilespmem:$0x1FF60]  }
0x3db: {  	v8 =	vadd.f32 v8, v54;
	v2 =	vor.u32 v18, v36  }
0x3dc: {  	v5 =	vld.idx.msk [tilespmem:v5+s19+$0x0], $0xffff;
	[tilespmem:v7+s0+$0x0] =	vst.idx.msk $0xffff, v13;
	v7 =	vor.u32 v18, v53  }
0x3dd: {  	[tilespmem:v11+s0+$0x0] =	vst.idx.msk $0xffff, v8;
	v6 =	vld.idx.msk [tilespmem:v6+s19+$0x0], $0xffff;
	v8 =	vadd.f32 v9, v57  }
0x3de: {  	v3 =	vadd.f32 v3, v43;
	v11 =	vor.u32 v18, v44;
	v9 =	vor.u32 v27, v60;
	v10 =	vld.idx.msk [tilespmem:v10+s19+$0x0], $0xffff  }
0x3df: {  	v14 =	vadd.f32 v14, v52;
	[tilespmem:v15+s0+$0x0] =	vst.idx.msk $0xffff, v8;
	v12 =	vor.u32 v0, v47  }
0x3e0: {  	v15 =	vor.u32 v18, v37;
	[tilespmem:v2+s0+$0x0] =	vst.idx.msk $0xffff, v3;
	v13 =	vor.u32 v0, v59  }
0x3e1: {  	v5 =	vadd.f32 v5, v35;
	[tilespmem:v7+s0+$0x0] =	vst.idx.msk $0xffff, v14  }
0x3e2: {  	v8 =	vor.u32 v0, v46;
	v6 =	vadd.f32 v6, v40;
	v63 =	vld [tilespmem:$0x1FF70]  }
0x3e3: {  	v4 =	vld.idx.msk [tilespmem:v4+s19+$0x0], $0xffff;
	v2 =	vor.u32 v48, v50;
	[tilespmem:v9+s0+$0x0] =	vst.idx.msk $0xffff, v5;
	v9 =	vadd.f32 v10, v38  }
0x3e4: {  	v5 =	vor.u32 v0, v42;
	[tilespmem:v11+s0+$0x0] =	vst.idx.msk $0xffff, v6;
	v3 =	vld.idx.msk [tilespmem:v12+s19+$0x0], $0xffff  }
0x3e5: {  	v7 =	vor.u32 v18, v49;
	v12 =	vor.u32 v0, v45;
	v13 =	vld.idx.msk [tilespmem:v13+s19+$0x0], $0xffff;
	[tilespmem:v15+s0+$0x0] =	vst.idx.msk $0xffff, v9  }
0x3e6: {  	v10 =	vor.u32 v0, v55;
	v11 =	vor.u32 v0, v61;
	v0 =	vld [tilespmem:$0x1FEE0]  }
0x3e7: {  	v8 =	vld.idx.msk [tilespmem:v8+s19+$0x0], $0xffff;
	v14 =	vor.u32 v63, v41  }
0x3e8: {  	v4 =	vadd.f32 v4, v54;
	v2 =	vld.idx.msk [tilespmem:v2+s19+$0x0], $0xffff;
	v6 =	vor.u32 v63, v56  }
0x3e9: {  	v15 =	vor.u32 v63, v36;
	v5 =	vld.idx.msk [tilespmem:v5+s19+$0x0], $0xffff  }
0x3ea: {  	[tilespmem:v7+s0+$0x0] =	vst.idx.msk $0xffff, v4;
	v3 =	vadd.f32 v3, v39;
	v12 =	vld.idx.msk [tilespmem:v12+s19+$0x0], $0xffff  }
0x3eb: {  	v7 =	vadd.f32 v13, v57;
	v9 =	vor.u32 v0, v60;
	v0 =	vld [tilespmem:$0x1FF80]  }
0x3ec: {  	v10 =	vld.idx.msk [tilespmem:v10+s19+$0x0], $0xffff;
	v8 =	vadd.f32 v8, v43;
	[tilespmem:v14+s0+$0x0] =	vst.idx.msk $0xffff, v3;
	v3 =	vor.u32 v63, v44  }
0x3ed: {  	[tilespmem:v6+s0+$0x0] =	vst.idx.msk $0xffff, v7;
	v7 =	vor.u32 v63, v37  }
0x3ee: {  	v2 =	vadd.f32 v2, v35;
	v6 =	vld [tilespmem:$0x1FE10];
	[tilespmem:v15+s0+$0x0] =	vst.idx.msk $0xffff, v8;
	v8 =	vor.u32 v63, v53  }
0x3ef: {  	v12 =	vadd.f32 v12, v40  }
0x3f0: {  	v5 =	vadd.f32 v5, v38;
	v4 =	vor.u32 v0, v47;
	[tilespmem:v9+s0+$0x0] =	vst.idx.msk $0xffff, v2  }
0x3f1: {  	v10 =	vadd.f32 v10, v52;
	v13 =	vor.u32 v0, v59;
	[tilespmem:v3+s0+$0x0] =	vst.idx.msk $0xffff, v12  }
0x3f2: {  	v14 =	vor.u32 v0, v46;
	v48 =	vld [tilespmem:$0x1FF90];
	[tilespmem:v7+s0+$0x0] =	vst.idx.msk $0xffff, v5  }
0x3f3: {  	v11 =	vld.idx.msk [tilespmem:v11+s19+$0x0], $0xffff;
	v15 =	vor.u32 v0, v45;
	v6 =	vor.u32 v6, v50;
	[tilespmem:v8+s0+$0x0] =	vst.idx.msk $0xffff, v10  }
0x3f4: {  	v9 =	vor.u32 v0, v42;
	v3 =	vor.u32 v0, v55;
	v7 =	vor.u32 v0, v61;
	v0 =	vld [tilespmem:$0x1FFA0]  }
0x3f5: {  	v2 =	vor.u32 v63, v49;
	v4 =	vld.idx.msk [tilespmem:v4+s19+$0x0], $0xffff  }
0x3f6: {  	v13 =	vld.idx.msk [tilespmem:v13+s19+$0x0], $0xffff  }
0x3f7: {  	v14 =	vld.idx.msk [tilespmem:v14+s19+$0x0], $0xffff;
	v12 =	vor.u32 v48, v41  }
0x3f8: {  	v11 =	vadd.f32 v11, v54;
	v5 =	vor.u32 v48, v56;
	v6 =	vld.idx.msk [tilespmem:v6+s19+$0x0], $0xffff  }
0x3f9: {  	v8 =	vor.u32 v48, v36  }
0x3fa: {  	[tilespmem:v2+s0+$0x0] =	vst.idx.msk $0xffff, v11;
	v2 =	vor.u32 v29, v60;
	v4 =	vadd.f32 v4, v39  }
0x3fb: {  	v15 =	vld.idx.msk [tilespmem:v15+s19+$0x0], $0xffff;
	v13 =	vadd.f32 v13, v57  }
0x3fc: {  	v9 =	vld.idx.msk [tilespmem:v9+s19+$0x0], $0xffff;
	v10 =	vor.u32 v0, v47;
	[tilespmem:v12+s0+$0x0] =	vst.idx.msk $0xffff, v4;
	v12 =	vadd.f32 v14, v43  }
0x3fd: {  	v3 =	vld.idx.msk [tilespmem:v3+s19+$0x0], $0xffff;
	v4 =	vor.u32 v48, v44;
	[tilespmem:v5+s0+$0x0] =	vst.idx.msk $0xffff, v13;
	v6 =	vadd.f32 v6, v35  }
0x3fe: {  	v11 =	vor.u32 v0, v59;
	v5 =	vor.u32 v48, v37;
	[tilespmem:v8+s0+$0x0] =	vst.idx.msk $0xffff, v12  }
0x3ff: {  	v14 =	vor.u32 v0, v46;
	v12 =	vor.u32 v48, v53;
	[tilespmem:v2+s0+$0x0] =	vst.idx.msk $0xffff, v6  }
0x400: {  	v15 =	vadd.f32 v15, v40;
	v63 =	vld [tilespmem:$0x1FFB0]  }
0x401: {  	v7 =	vld.idx.msk [tilespmem:v7+s19+$0x0], $0xffff;
	v13 =	vor.u32 v20, v50;
	v6 =	vadd.f32 v9, v38  }
0x402: {  	v3 =	vadd.f32 v3, v52;
	v10 =	vld.idx.msk [tilespmem:v10+s19+$0x0], $0xffff;
	[tilespmem:v4+s0+$0x0] =	vst.idx.msk $0xffff, v15  }
0x403: {  	v11 =	vld.idx.msk [tilespmem:v11+s19+$0x0], $0xffff;
	v8 =	vor.u32 v0, v45;
	v2 =	vor.u32 v48, v49;
	[tilespmem:v5+s0+$0x0] =	vst.idx.msk $0xffff, v6  }
0x404: {  	v4 =	vor.u32 v0, v42;
	v14 =	vld.idx.msk [tilespmem:v14+s19+$0x0], $0xffff;
	[tilespmem:v12+s0+$0x0] =	vst.idx.msk $0xffff, v3  }
0x405: {  	v15 =	vor.u32 v0, v55;
	v5 =	vor.u32 v0, v61;
	v9 =	vor.u32 v63, v41;
	v0 =	vld [tilespmem:$0x1FFC0]  }
0x406: {  	v7 =	vadd.f32 v7, v54;
	v6 =	vld.idx.msk [tilespmem:v13+s19+$0x0], $0xffff;
	v13 =	vor.u32 v63, v56;
	_ =	sdelay $0x1  }
0x407: {  	v10 =	vadd.f32 v10, v39;
	v3 =	vor.u32 v63, v36;
	[tilespmem:v2+s0+$0x0] =	vst.idx.msk $0xffff, v7;
	v7 =	vld.idx.msk [tilespmem:v8+s19+$0x0], $0xffff  }
0x408: {  	v11 =	vadd.f32 v11, v57;
	v2 =	vor.u32 v51, v60;
	v4 =	vld.idx.msk [tilespmem:v4+s19+$0x0], $0xffff;
	v14 =	vadd.f32 v14, v43  }
0x409: {  	v8 =	vor.u32 v0, v47;
	[tilespmem:v9+s0+$0x0] =	vst.idx.msk $0xffff, v10;
	v10 =	vld.idx.msk [tilespmem:v15+s19+$0x0], $0xffff;
	v15 =	vor.u32 v63, v44  }
0x40a: {  	v9 =	vor.u32 v0, v59;
	[tilespmem:v13+s0+$0x0] =	vst.idx.msk $0xffff, v11;
	v11 =	vor.u32 v63, v37  }
0x40b: {  	v6 =	vadd.f32 v6, v35  }
0x40c: {  	v1 =	vor.u32 v34, v50;
	[tilespmem:v3+s0+$0x0] =	vst.idx.msk $0xffff, v14;
	v7 =	vadd.f32 v7, v40  }
0x40d: {  	v5 =	vld.idx.msk [tilespmem:v5+s19+$0x0], $0xffff;
	v12 =	vor.u32 v0, v46;
	[tilespmem:v2+s0+$0x0] =	vst.idx.msk $0xffff, v6;
	v4 =	vadd.f32 v4, v38  }
0x40e: {  	v13 =	vor.u32 v0, v45;
	v3 =	vor.u32 v63, v53;
	v6 =	vld.idx.msk [tilespmem:v8+s19+$0x0], $0xffff;
	[tilespmem:v15+s0+$0x0] =	vst.idx.msk $0xffff, v7  }
0x40f: {  	v2 =	vor.u32 v63, v49;
	v16 =	vor.u32 v0, v61;
	v8 =	vld.idx.msk [tilespmem:v9+s19+$0x0], $0xffff;
	[tilespmem:v11+s0+$0x0] =	vst.idx.msk $0xffff, v4  }
0x410: {  	v7 =	vor.u32 v0, v42;
	v9 =	vadd.f32 v10, v52;
	v10 =	vor.u32 v0, v55;
	v0 =	vld [tilespmem:$0x1FFD0];
	_ =	sdelay $0x2  }
0x411: {  	v12 =	vld.idx.msk [tilespmem:v12+s19+$0x0], $0xffff;
	v11 =	vadd.f32 v5, v54  }
0x412: {  	v58 =	vor.u32 v62, v45;
	v32 =	vor.u32 v62, v42;
	v48 =	vld.idx.msk [tilespmem:v1+s19+$0x0], $0xffff;
	[tilespmem:v3+s0+$0x0] =	vst.idx.msk $0xffff, v9  }
0x413: {  	v14 =	vor.u32 v62, v47;
	v13 =	vld.idx.msk [tilespmem:v13+s19+$0x0], $0xffff;
	[tilespmem:v2+s0+$0x0] =	vst.idx.msk $0xffff, v11;
	v4 =	vor.u32 v0, v41  }
0x414: {  	v5 =	vor.u32 v30, v60;
	v3 =	vor.u32 v62, v61;
	v1 =	vld [tilespmem:$0x1FF40];
	v15 =	vor.u32 v0, v56  }
0x415: {  	v2 =	vor.u32 v62, v59;
	v9 =	vadd.f32 v6, v39;
	v61 =	vld.idx.msk [tilespmem:v7+s19+$0x0], $0xffff;
	v51 =	vor.u32 v0, v36  }
0x416: {  	v63 =	vadd.f32 v8, v57;
	v8 =	vld.idx.msk [tilespmem:v10+s19+$0x0], $0xffff;
	v10 =	vadd.f32 v12, v43;
	v7 =	vor.u32 v62, v55  }
0x417: {  	v62 =	vor.u32 v62, v46;
	v6 =	vor.u32 v0, v49;
	v11 =	vor.u32 v0, v44  }
0x418: {  	v12 =	vor.u32 v0, v53;
	v13 =	vadd.f32 v13, v40;
	[tilespmem:v4+s0+$0x0] =	vst.idx.msk $0xffff, v9;
	v9 =	vld.idx.msk [tilespmem:v16+s19+$0x0], $0xffff  }
0x419: {  	v1 =	vor.u32 v1, v60;
	v60 =	vor.u32 v0, v37;
	[tilespmem:v15+s0+$0x0] =	vst.idx.msk $0xffff, v63;
	v63 =	vld.idx.msk [tilespmem:v14+s19+$0x0], $0xffff  }
0x41a: {  	s7 =	simm.s32 $0x8;
	v4 =	vadd.f32 v48, v35;
	[tilespmem:v51+s0+$0x0] =	vst.idx.msk $0xffff, v10;
	v10 =	vld.idx.msk [tilespmem:v2+s19+$0x0], $0xffff;
	v2 =	vor.u32 v33, v49  }
.LBB2_21:
0x41b: {  	v0 =	vld [tilespmem:$0x1FF30];
	_ =	sdelay $0x4  }
0x41c: {  	v14 =	vor.u32 v0, v50;
	v0 =	vld [tilespmem:$0x1FE40];
	_ =	sdelay $0x1  }
0x41d: {  	v30 =	vld [tilespmem:$0x1FFF0];
	v9 =	vadd.f32 v9, v54  }
0x41e: {  	[tilespmem:v11+s0+$0x0] =	vst.idx.msk $0xffff, v13  }
0x41f: {  	v20 =	vld.idx.msk [tilespmem:v62+s19+$0x0], $0xffff;
	v11 =	vadd.f32 v61, v38;
	[tilespmem:v6+s0+$0x0] =	vst.idx.msk $0xffff, v9  }
0x420: {  	v8 =	vadd.f32 v8, v52;
	v3 =	vld.idx.msk [tilespmem:v3+s19+$0x0], $0xffff;
	v15 =	vor.u32 v0, v56  }
0x421: {  	[tilespmem:v60+s0+$0x0] =	vst.idx.msk $0xffff, v11;
	v16 =	vld.idx.msk [tilespmem:v58+s19+$0x0], $0xffff;
	v13 =	vor.u32 v0, v41  }
0x422: {  	[tilespmem:v12+s0+$0x0] =	vst.idx.msk $0xffff, v8;
	v12 =	vld.idx.msk [tilespmem:v32+s19+$0x0], $0xffff;
	v17 =	vor.u32 v30, v59  }
0x423: {  	v18 =	vadd.f32 v63, v39;
	v32 =	vld [tilespmem:$0x1FE60];
	v19 =	vor.u32 v30, v47;
	v6 =	vadd.f32 v10, v57  }
0x424: {  	v7 =	vld.idx.msk [tilespmem:v7+s19+$0x0], $0xffff;
	v11 =	vor.u32 v30, v45;
	v8 =	vor.u32 v0, v53;
	v9 =	vor.u32 v0, v44  }
0x425: {  	v21 =	vor.u32 v0, v36;
	v3 =	vadd.f32 v3, v54;
	[tilespmem:v15+s0+$0x0] =	vst.idx.msk $0xffff, v6  }
0x426: {  	[tilespmem:v13+s0+$0x0] =	vst.idx.msk $0xffff, v18;
	v6 =	vor.u32 v0, v37;
	v13 =	vor.u32 v30, v46;
	v0 =	vld [tilespmem:$0x1FC80]  }
0x427: {  	[tilespmem:v5+s0+$0x0] =	vst.idx.msk $0xffff, v4;
	v10 =	vor.u32 v30, v55;
	v16 =	vadd.f32 v16, v40;
	v15 =	vld.idx.msk [tilespmem:v17+s19+$0x0], $0xffff  }
0x428: {  	v63 =	vor.u32 v30, v42;
	v4 =	vadd.f32 v20, v43;
	[tilespmem:v2+s0+$0x0] =	vst.idx.msk $0xffff, v3;
	v62 =	vld.idx.msk [tilespmem:v19+s19+$0x0], $0xffff  }
0x429: {  	v5 =	vld.idx.msk [tilespmem:v14+s19+$0x0], $0xffff;
	v7 =	vadd.f32 v7, v52;
	[tilespmem:v9+s0+$0x0] =	vst.idx.msk $0xffff, v16;
	v9 =	vor.u32 v32, v56  }
0x42a: {  	v14 =	vor.u32 v32, v41;
	[tilespmem:v21+s0+$0x0] =	vst.idx.msk $0xffff, v4;
	v4 =	vadd.f32 v12, v38;
	v11 =	vld.idx.msk [tilespmem:v11+s19+$0x0], $0xffff  }
0x42b: {  	[tilespmem:v8+s0+$0x0] =	vst.idx.msk $0xffff, v7;
	v12 =	vld.idx.msk [tilespmem:v13+s19+$0x0], $0xffff  }
0x42c: {  	v3 =	vld.idx.msk [tilespmem:v10+s19+$0x0], $0xffff;
	[tilespmem:v6+s0+$0x0] =	vst.idx.msk $0xffff, v4;
	v2 =	vadd.f32 v15, v57  }
0x42d: {  	v6 =	vor.u32 v32, v36;
	v8 =	vadd.f32 v62, v39;
	v4 =	vld.idx.msk [tilespmem:v63+s19+$0x0], $0xffff  }
0x42e: {  	v7 =	vor.u32 v32, v53;
	v17 =	vld [tilespmem:$0x1FC70];
	[tilespmem:v9+s0+$0x0] =	vst.idx.msk $0xffff, v2;
	v2 =	vadd.f32 v5, v35  }
0x42f: {  	v10 =	vor.u32 v32, v44;
	v13 =	vld.idx.msk [tilespmem:v0+s19+$0x0], $0xffff;
	[tilespmem:v14+s0+$0x0] =	vst.idx.msk $0xffff, v8;
	v5 =	vor.u32 v32, v37  }
0x430: {  	s11 =	smov.u32 s7;
	v8 =	vadd.f32 v11, v40;
	[tilespmem:v1+s0+$0x0] =	vst.idx.msk $0xffff, v2;
	v1 =	vadd.f32 v12, v43  }
0x431: {  	s21 =	sadd.s32 $0x4, s11;
	s24 =	sadd.s32 $0x6, s11;
	v9 =	vor.u32 v32, v49;
	v32 =	vlaneseq.u32;
	v2 =	vadd.f32 v3, v52  }
0x432: {  	s16 =	sadd.s32 $0x7, s11;
	v12 =	vadd.s32 s24, v32;
	[tilespmem:v6+s0+$0x0] =	vst.idx.msk $0xffff, v1;
	v1 =	vadd.f32 v4, v38;
	v6 =	vadd.s32 s21, v32  }
0x433: {  	[tilespmem:v7+s0+$0x0] =	vst.idx.msk $0xffff, v2;
	v2 =	vadd.s32 s11, v32;
	v4 =	vadd.s32 s16, v32;
	v42 =	vand.u32 $0x3F, v6  }
0x434: {  	s31 =	sadd.s32 $0x1, s11;
	[tilespmem:v10+s0+$0x0] =	vst.idx.msk $0xffff, v8;
	v8 =	vld [tilespmem:$0x1FC60];
	v3 =	vadd.f32 v13, v54;
	v50 =	vand.u32 $0x38, v2;
	v13 =	vor.u32 v17, v42  }
0x435: {  	v31 =	vld [tilespmem:$0x1FFE0];
	s23 =	sadd.s32 $0x5, s11;
	s28 =	sadd.s32 $0x2, s11;
	s11 =	sadd.s32 $0x3, s11;
	v55 =	vand.u32 $0x3F, v4;
	[tilespmem:v5+s0+$0x0] =	vst.idx.msk $0xffff, v1;
	v1 =	vadd.s32 s31, v32;
	v14 =	vor.u32 v22, v50  }
0x436: {  	v29 =	vld [tilespmem:$0x1FE30];
	v11 =	vadd.s32 s11, v32;
	v15 =	vor.u32 v28, v55;
	v47 =	vand.u32 $0x3F, v1  }
0x437: {  	v48 =	vld [tilespmem:$0x1FF50];
	v6 =	vshll.u32 v6, $0x7;
	[tilespmem:v9+s0+$0x0] =	vst.idx.msk $0xffff, v3;
	v3 =	vshll.u32 v2, $0x7;
	v2 =	vor.u32 v17, v47  }
0x438: {  	v58 =	vld [tilespmem:$0x1FF60];
	v61 =	vand.u32 $0x3F, v11;
	v37 =	vand.u32 $0x1F80, v6;
	v6 =	vor.u32 v28, v42  }
0x439: {  	v7 =	vadd.s32 s23, v32;
	v8 =	vor.u32 v50, v8;
	v35 =	vor.u32 v30, v61;
	v30 =	vld.idx.msk [tilespmem:v13+s12+$0x0], $0xffff  }
0x43a: {  	v46 =	vand.u32 $0x3F, v7;
	v1 =	vshll.u32 v1, $0x7;
	v5 =	vor.u32 v28, v47;
	v14 =	vld.idx.msk [tilespmem:v14+s19+$0x0], $0xffff  }
0x43b: {  	v7 =	vshll.u32 v7, $0x7;
	v41 =	vand.u32 $0x1F80, v1;
	v1 =	vor.u32 v28, v46;
	v15 =	vld.idx.msk [tilespmem:v15+s19+$0x0], $0xffff  }
0x43c: {  	v60 =	vand.u32 $0x1C00, v3;
	v3 =	vadd.s32 s28, v32;
	v39 =	vld.idx.msk [tilespmem:v2+s12+$0x0], $0xffff;
	v2 =	vor.u32 v17, v46  }
0x43d: {  	v38 =	vand.u32 $0x1F80, v7;
	v7 =	vor.u32 v28, v61;
	v45 =	vand.u32 $0x3F, v3;
	v6 =	vld.idx.msk [tilespmem:v6+s19+$0x0], $0xffff  }
0x43e: {  	v59 =	vand.u32 $0x3F, v12;
	v3 =	vshll.u32 v3, $0x7;
	v9 =	vor.u32 v17, v45;
	v36 =	vld.idx.msk [tilespmem:v8+s12+$0x0], $0xffff  }
0x43f: {  	v40 =	vor.u32 v28, v59;
	v10 =	vor.u32 v28, v45;
	v44 =	vand.u32 $0x1F80, v3;
	v3 =	vld.idx.msk [tilespmem:v5+s19+$0x0], $0xffff  }
0x440: {  	v4 =	vshll.u32 v4, $0x7;
	v11 =	vshll.u32 v11, $0x7;
	v5 =	vor.u32 v17, v61;
	v1 =	vld.idx.msk [tilespmem:v1+s19+$0x0], $0xffff  }
0x441: {  	v53 =	vand.u32 $0x1F80, v4;
	v4 =	vor.u32 v24, v50;
	v49 =	vand.u32 $0x1F80, v11;
	v43 =	vld.idx.msk [tilespmem:v2+s12+$0x0], $0xffff  }
0x442: {  	v11 =	vor.u32 v32, v41;
	v7 =	vld.idx.msk [tilespmem:v7+s19+$0x0], $0xffff;
	v2 =	vshll.u32 v12, $0x7;
	v12 =	vor.u32 v17, v59  }
0x443: {  	v24 =	vor.u32 v29, v42;
	v13 =	vor.u32 v32, v38;
	v62 =	vld.idx.msk [tilespmem:v9+s12+$0x0], $0xffff;
	v9 =	vor.u32 v17, v55  }
0x444: {  	v18 =	vor.u32 v32, v37;
	v33 =	vor.u32 v29, v47;
	v8 =	vor.u32 v23, v60;
	v10 =	vld.idx.msk [tilespmem:v10+s19+$0x0], $0xffff  }
0x445: {  	v22 =	vor.u32 v29, v61;
	v3 =	vadd.f32 v3, v39;
	v54 =	vld.idx.msk [tilespmem:v5+s12+$0x0], $0xffff;
	v5 =	vor.u32 v29, v46  }
0x446: {  	[tilespmem:$0x1FC80] =	vst v35;
	v19 =	vor.u32 v32, v49;
	v17 =	vld.idx.msk [tilespmem:v40+s19+$0x0], $0xffff;
	v1 =	vadd.f32 v1, v43  }
0x447: {  	v20 =	vor.u32 v25, v60;
	[tilespmem:v11+s0+$0x0] =	vst.idx.msk $0xffff, v3;
	v57 =	vld.idx.msk [tilespmem:v12+s12+$0x0], $0xffff;
	v12 =	vadd.f32 v14, v36  }
0x448: {  	v56 =	vand.u32 $0x1F80, v2;
	v11 =	vor.u32 v32, v44;
	v52 =	vld.idx.msk [tilespmem:v9+s12+$0x0], $0xffff;
	[tilespmem:v13+s0+$0x0] =	vst.idx.msk $0xffff, v1  }
0x449: {  	v51 =	vadd.f32 v6, v30;
	v16 =	vld.idx.msk [tilespmem:v33+s19+$0x0], $0xffff;
	[tilespmem:v8+s0+$0x0] =	vst.idx.msk $0xffff, v12;
	v12 =	vor.u32 v32, v56  }
0x44a: {  	v8 =	vor.u32 v26, v50;
	v13 =	vor.u32 v32, v53;
	v26 =	vld.idx.msk [tilespmem:v5+s19+$0x0], $0xffff;
	v5 =	vor.u32 v29, v59  }
0x44b: {  	v25 =	vor.u32 v27, v60;
	v27 =	vor.u32 v29, v55;
	v10 =	vadd.f32 v10, v62;
	v4 =	vld.idx.msk [tilespmem:v4+s19+$0x0], $0xffff  }
0x44c: {  	v35 =	vld [tilespmem:$0x1FFA0];
	v23 =	vor.u32 v48, v41;
	[tilespmem:v18+s0+$0x0] =	vst.idx.msk $0xffff, v51;
	v17 =	vadd.f32 v17, v57  }
0x44d: {  	v40 =	vld [tilespmem:$0x1FFB0];
	v28 =	vadd.f32 v7, v54;
	v7 =	vadd.f32 v15, v52;
	[tilespmem:v11+s0+$0x0] =	vst.idx.msk $0xffff, v10  }
0x44e: {  	v21 =	vor.u32 v29, v45;
	v33 =	vld [tilespmem:$0x1FF70];
	v14 =	vor.u32 v48, v38;
	[tilespmem:v12+s0+$0x0] =	vst.idx.msk $0xffff, v17  }
0x44f: {  	v10 =	vor.u32 v48, v44;
	v16 =	vadd.f32 v16, v39;
	[tilespmem:v13+s0+$0x0] =	vst.idx.msk $0xffff, v7;
	v12 =	vld.idx.msk [tilespmem:v5+s19+$0x0], $0xffff  }
0x450: {  	v11 =	vor.u32 v48, v37;
	v29 =	vor.u32 v48, v49;
	v4 =	vadd.f32 v4, v36;
	v17 =	vld.idx.msk [tilespmem:v27+s19+$0x0], $0xffff  }
0x451: {  	[tilespmem:v23+s0+$0x0] =	vst.idx.msk $0xffff, v16;
	v16 =	vor.u32 v48, v56;
	v27 =	vor.u32 v48, v53;
	v48 =	vld [tilespmem:$0x1FED0]  }
0x452: {  	v23 =	vld.idx.msk [tilespmem:v24+s19+$0x0], $0xffff;
	[tilespmem:v20+s0+$0x0] =	vst.idx.msk $0xffff, v4  }
0x453: {  	v0 =	vor.u32 v31, v45;
	v9 =	vor.u32 v58, v47;
	v8 =	vld.idx.msk [tilespmem:v8+s19+$0x0], $0xffff  }
0x454: {  	[tilespmem:$0x1FC20] =	vst v0;
	v0 =	vor.u32 v34, v50;
	v24 =	vor.u32 v58, v59;
	v20 =	vld.idx.msk [tilespmem:v21+s19+$0x0], $0xffff  }
0x455: {  	v51 =	vor.u32 v58, v45;
	v1 =	vor.u32 v40, v53;
	[tilespmem:v19+s0+$0x0] =	vst.idx.msk $0xffff, v28;
	v32 =	vld [tilespmem:$0x1FF80]  }
0x456: {  	v6 =	vld [tilespmem:$0x1FF00];
	v19 =	vor.u32 v58, v46;
	v12 =	vadd.f32 v12, v57;
	v48 =	vor.u32 v48, v50  }
0x457: {  	[tilespmem:$0x1FC50] =	vst v1;
	v15 =	vor.u32 v33, v41;
	v22 =	vld.idx.msk [tilespmem:v22+s19+$0x0], $0xffff;
	v13 =	vadd.f32 v26, v43  }
0x458: {  	v1 =	vor.u32 v58, v61;
	v9 =	vld.idx.msk [tilespmem:v9+s19+$0x0], $0xffff;
	[tilespmem:v16+s0+$0x0] =	vst.idx.msk $0xffff, v12;
	v8 =	vadd.f32 v8, v36  }
0x459: {  	v26 =	vor.u32 v58, v55;
	[tilespmem:v14+s0+$0x0] =	vst.idx.msk $0xffff, v13;
	v20 =	vadd.f32 v20, v62;
	v13 =	vld.idx.msk [tilespmem:v24+s19+$0x0], $0xffff  }
0x45a: {  	v28 =	vld [tilespmem:$0x1FEE0];
	v34 =	vor.u32 v32, v45;
	v17 =	vadd.f32 v17, v52;
	[tilespmem:v25+s0+$0x0] =	vst.idx.msk $0xffff, v8  }
0x45b: {  	v16 =	vadd.f32 v23, v30;
	[tilespmem:v10+s0+$0x0] =	vst.idx.msk $0xffff, v20;
	v20 =	vor.u32 v33, v56;
	v23 =	vld.idx.msk [tilespmem:v48+s19+$0x0], $0xffff  }
0x45c: {  	v58 =	vor.u32 v58, v42;
	v21 =	vld [tilespmem:$0x1FE10];
	v14 =	vor.u32 v32, v61;
	[tilespmem:v27+s0+$0x0] =	vst.idx.msk $0xffff, v17  }
0x45d: {  	v19 =	vld.idx.msk [tilespmem:v19+s19+$0x0], $0xffff;
	v27 =	vor.u32 v32, v55;
	v10 =	vadd.f32 v22, v54;
	[tilespmem:v11+s0+$0x0] =	vst.idx.msk $0xffff, v16  }
0x45e: {  	v17 =	vld.idx.msk [tilespmem:v26+s19+$0x0], $0xffff;
	v8 =	vadd.f32 v9, v39;
	v9 =	vor.u32 v32, v47;
	v13 =	vadd.f32 v13, v57  }
0x45f: {  	v11 =	vor.u32 v33, v38;
	v16 =	vor.u32 v32, v59;
	v22 =	vld.idx.msk [tilespmem:v51+s19+$0x0], $0xffff;
	v25 =	vor.u32 v32, v46  }
0x460: {  	[tilespmem:v20+s0+$0x0] =	vst.idx.msk $0xffff, v13;
	v20 =	vadd.f32 v23, v36;
	v23 =	vor.u32 v32, v42;
	v32 =	vld [tilespmem:$0x1FF90]  }
0x461: {  	v28 =	vor.u32 v28, v60;
	v21 =	vor.u32 v21, v50;
	[tilespmem:v29+s0+$0x0] =	vst.idx.msk $0xffff, v10;
	v10 =	vld.idx.msk [tilespmem:v58+s19+$0x0], $0xffff  }
0x462: {  	v19 =	vadd.f32 v19, v43;
	[tilespmem:v15+s0+$0x0] =	vst.idx.msk $0xffff, v8;
	v8 =	vld.idx.msk [tilespmem:v1+s19+$0x0], $0xffff;
	v15 =	vor.u32 v33, v44  }
0x463: {  	v24 =	vor.u32 v33, v37;
	v9 =	vld.idx.msk [tilespmem:v9+s19+$0x0], $0xffff  }
0x464: {  	v12 =	vor.u32 v33, v49;
	v29 =	vld [tilespmem:$0x1FEF0];
	[tilespmem:v11+s0+$0x0] =	vst.idx.msk $0xffff, v19;
	v13 =	vadd.f32 v17, v52  }
0x465: {  	v17 =	vor.u32 v33, v53;
	v33 =	vadd.f32 v22, v62;
	v11 =	vld.idx.msk [tilespmem:v16+s19+$0x0], $0xffff;
	v16 =	vor.u32 v32, v41  }
0x466: {  	v10 =	vadd.f32 v10, v30;
	[tilespmem:v28+s0+$0x0] =	vst.idx.msk $0xffff, v20  }
0x467: {  	[tilespmem:v15+s0+$0x0] =	vst.idx.msk $0xffff, v33;
	v8 =	vadd.f32 v8, v54;
	v21 =	vld.idx.msk [tilespmem:v21+s19+$0x0], $0xffff;
	v15 =	vor.u32 v32, v56  }
0x468: {  	v6 =	vor.u32 v6, v50;
	v19 =	vld.idx.msk [tilespmem:v34+s19+$0x0], $0xffff;
	[tilespmem:v24+s0+$0x0] =	vst.idx.msk $0xffff, v10;
	v9 =	vadd.f32 v9, v39  }
0x469: {  	v26 =	vor.u32 v29, v60;
	v10 =	vor.u32 v35, v59;
	[tilespmem:v12+s0+$0x0] =	vst.idx.msk $0xffff, v8  }
0x46a: {  	v8 =	vadd.f32 v11, v57;
	[tilespmem:v16+s0+$0x0] =	vst.idx.msk $0xffff, v9;
	v9 =	vor.u32 v32, v44  }
0x46b: {  	v5 =	vor.u32 v35, v45;
	v1 =	vld [tilespmem:$0x1FE20]  }
0x46c: {  	v23 =	vld.idx.msk [tilespmem:v23+s19+$0x0], $0xffff;
	[tilespmem:v15+s0+$0x0] =	vst.idx.msk $0xffff, v8;
	v8 =	vadd.f32 v21, v36  }
0x46d: {  	v51 =	vld [tilespmem:$0x1FF10];
	[tilespmem:v17+s0+$0x0] =	vst.idx.msk $0xffff, v13;
	v19 =	vadd.f32 v19, v62  }
0x46e: {  	v17 =	vor.u32 v32, v37;
	v10 =	vld.idx.msk [tilespmem:v10+s19+$0x0], $0xffff;
	[tilespmem:v26+s0+$0x0] =	vst.idx.msk $0xffff, v8  }
0x46f: {  	v21 =	vor.u32 v35, v42;
	v6 =	vld.idx.msk [tilespmem:v6+s19+$0x0], $0xffff;
	[tilespmem:v9+s0+$0x0] =	vst.idx.msk $0xffff, v19  }
0x470: {  	[tilespmem:$0x1FC30] =	vst v0;
	v19 =	vld.idx.msk [tilespmem:v5+s19+$0x0], $0xffff  }
0x471: {  	v8 =	vadd.f32 v23, v30;
	v9 =	vor.u32 v40, v56;
	v5 =	vor.u32 v1, v60;
	v1 =	vld [tilespmem:$0x1FC30]  }
0x472: {  	v0 =	vld [tilespmem:$0x1FFC0]  }
0x473: {  	v24 =	vor.u32 v51, v60;
	v13 =	vld.idx.msk [tilespmem:v14+s19+$0x0], $0xffff;
	[tilespmem:v17+s0+$0x0] =	vst.idx.msk $0xffff, v8  }
0x474: {  	v18 =	vor.u32 v35, v47;
	v7 =	vor.u32 v35, v46;
	v17 =	vld.idx.msk [tilespmem:v21+s19+$0x0], $0xffff;
	v10 =	vadd.f32 v10, v57  }
0x475: {  	v20 =	vor.u32 v35, v61;
	v14 =	vor.u32 v35, v55;
	v11 =	vld.idx.msk [tilespmem:v27+s19+$0x0], $0xffff;
	v35 =	vmov v36  }
0x476: {  	[tilespmem:v9+s0+$0x0] =	vst.idx.msk $0xffff, v10;
	v9 =	vadd.f32 v6, v35  }
0x477: {  	v12 =	vor.u32 v32, v53  }
0x478: {  	v2 =	vor.u32 v0, v45;
	v25 =	vld.idx.msk [tilespmem:v25+s19+$0x0], $0xffff;
	[tilespmem:v24+s0+$0x0] =	vst.idx.msk $0xffff, v9  }
0x479: {  	[tilespmem:$0x1FC40] =	vst v2;
	v9 =	vadd.f32 v17, v30;
	v17 =	vld.idx.msk [tilespmem:v1+s19+$0x0], $0xffff  }
0x47a: {  	v22 =	vor.u32 v32, v49;
	v11 =	vadd.f32 v11, v52;
	v1 =	vld [tilespmem:$0x1FC40]  }
0x47b: {  	v48 =	vld [tilespmem:$0x1FED0];
	v28 =	vor.u32 v32, v38  }
0x47c: {  	v58 =	vld [tilespmem:$0x1FC20];
	[tilespmem:v12+s0+$0x0] =	vst.idx.msk $0xffff, v11;
	v12 =	vor.u32 v40, v44  }
0x47d: {  	v63 =	vor.u32 v31, v42;
	v34 =	vld [tilespmem:$0x1FF20];
	v13 =	vadd.f32 v13, v54  }
0x47e: {  	v27 =	vld [tilespmem:$0x1FEC0];
	v32 =	vmov v63;
	v63 =	vadd.f32 v25, v43  }
0x47f: {  	v16 =	vld.idx.msk [tilespmem:v18+s19+$0x0], $0xffff;
	[tilespmem:v22+s0+$0x0] =	vst.idx.msk $0xffff, v13;
	v19 =	vadd.f32 v19, v62  }
0x480: {  	v22 =	vld [tilespmem:$0x1FE70];
	[tilespmem:v28+s0+$0x0] =	vst.idx.msk $0xffff, v63  }
0x481: {  	v28 =	vld [tilespmem:$0x1FE50];
	[tilespmem:v12+s0+$0x0] =	vst.idx.msk $0xffff, v19  }
0x482: {  	v19 =	vld.idx.msk [tilespmem:v1+s19+$0x0], $0xffff  }
0x483: {  	v15 =	vor.u32 v40, v41;
	v8 =	vor.u32 v0, v59;
	v1 =	vld [tilespmem:$0x1FC50]  }
0x484: {  	v2 =	vor.u32 v0, v46;
	v3 =	vor.u32 v0, v47;
	v11 =	vld.idx.msk [tilespmem:v14+s19+$0x0], $0xffff  }
0x485: {  	v18 =	vor.u32 v0, v61;
	v14 =	vor.u32 v0, v55;
	v10 =	vor.u32 v0, v42;
	v0 =	vld [tilespmem:$0x1FFD0]  }
0x486: {  	v7 =	vld.idx.msk [tilespmem:v7+s19+$0x0], $0xffff;
	v16 =	vadd.f32 v16, v39  }
0x487: {  	v36 =	vmov v38;
	v13 =	vld.idx.msk [tilespmem:v20+s19+$0x0], $0xffff;
	v63 =	vor.u32 v40, v37  }
0x488: {  	v21 =	vor.u32 v40, v36;
	[tilespmem:v15+s0+$0x0] =	vst.idx.msk $0xffff, v16;
	v8 =	vld.idx.msk [tilespmem:v8+s19+$0x0], $0xffff  }
0x489: {  	v25 =	vor.u32 v40, v49;
	v11 =	vadd.f32 v11, v52;
	v15 =	vld.idx.msk [tilespmem:v3+s19+$0x0], $0xffff  }
0x48a: {  	v4 =	vor.u32 v31, v47;
	v26 =	vld [tilespmem:$0x1FEB0];
	v12 =	vor.u32 v0, v56  }
0x48b: {  	v33 =	vor.u32 v31, v59;
	v7 =	vadd.f32 v7, v43;
	[tilespmem:v1+s0+$0x0] =	vst.idx.msk $0xffff, v11;
	v1 =	vld [tilespmem:$0x1FF40]  }
0x48c: {  	v23 =	vld [tilespmem:$0x1FE80];
	v13 =	vadd.f32 v13, v54;
	v3 =	vor.u32 v31, v61;
	[tilespmem:v63+s0+$0x0] =	vst.idx.msk $0xffff, v9  }
0x48d: {  	[tilespmem:v21+s0+$0x0] =	vst.idx.msk $0xffff, v7;
	v7 =	vor.u32 v0, v41;
	v61 =	vld.idx.msk [tilespmem:v10+s19+$0x0], $0xffff;
	v10 =	vadd.f32 v8, v57  }
0x48e: {  	[tilespmem:v25+s0+$0x0] =	vst.idx.msk $0xffff, v13;
	v2 =	vld.idx.msk [tilespmem:v2+s19+$0x0], $0xffff;
	v9 =	vadd.f32 v15, v39;
	v6 =	vor.u32 v0, v49  }
0x48f: {  	v25 =	vld [tilespmem:$0x1FEA0];
	v15 =	vor.u32 v0, v36;
	[tilespmem:v12+s0+$0x0] =	vst.idx.msk $0xffff, v10;
	v12 =	vor.u32 v0, v53  }
0x490: {  	p2 =	slt.u32 s7, $0x38;
	v11 =	vor.u32 v0, v44;
	v1 =	vor.u32 v1, v60;
	v60 =	vor.u32 v0, v37;
	v0 =	vld [tilespmem:$0x1FE40]  }
.Ltmp12:
0x491: {  	v24 =	vld [tilespmem:$0x1FE90];
	(pc) =	sbr.rel @p2 .LBB2_21-.Ltmp12, $4  }
0x492: {  	[tilespmem:v7+s0+$0x0] =	vst.idx.msk $0xffff, v9;
	v9 =	vld.idx.msk [tilespmem:v18+s19+$0x0], $0xffff  }
0x493: {  	v38 =	vmov v30;
	v40 =	vmov v62;
	v8 =	vld.idx.msk [tilespmem:v14+s19+$0x0], $0xffff;
	v14 =	vadd.f32 v2, v43  }
0x494: {  	v62 =	vor.u32 v31, v46;
	v7 =	vor.u32 v31, v55;
	v63 =	vld.idx.msk [tilespmem:v4+s19+$0x0], $0xffff;
	v4 =	vadd.f32 v17, v35  }
0x495: {  	s7 =	sadd.s32 $0x8, s7;
	v10 =	vld.idx.msk [tilespmem:v33+s19+$0x0], $0xffff;
	v13 =	vadd.f32 v19, v40;
	[tilespmem:v15+s0+$0x0] =	vst.idx.msk $0xffff, v14;
	v2 =	vor.u32 v0, v49  }
0x496: {  	v0 =	vld [tilespmem:$0x1FF30];
	_ =	sdelay $0x4  }
0x497: {  	v14 =	vor.u32 v0, v50;
	v0 =	vld [tilespmem:$0x1FE40];
	[tilespmem:v11+s0+$0x0] =	vst.idx.msk $0xffff, v13  }
0x498: {  	v31 =	vld [tilespmem:$0x1FFF0];
	_ =	sdelay $0x2  }
0x499: {  	v9 =	vadd.f32 v9, v54;
	v8 =	vadd.f32 v8, v52  }
0x49a: {  	v50 =	vadd.f32 v61, v38;
	v61 =	vadd.f32 v63, v39;
	v16 =	vld.idx.msk [tilespmem:v58+s19+$0x0], $0xffff;
	v13 =	vor.u32 v0, v41  }
0x49b: {  	v18 =	vld.idx.msk [tilespmem:v62+s19+$0x0], $0xffff;
	[tilespmem:v12+s0+$0x0] =	vst.idx.msk $0xffff, v8;
	v15 =	vor.u32 v0, v56;
	v63 =	vor.u32 v31, v47  }
0x49c: {  	[tilespmem:v6+s0+$0x0] =	vst.idx.msk $0xffff, v9;
	v7 =	vld.idx.msk [tilespmem:v7+s19+$0x0], $0xffff;
	v47 =	vor.u32 v0, v44  }
0x49d: {  	[tilespmem:v5+s0+$0x0] =	vst.idx.msk $0xffff, v4;
	v3 =	vld.idx.msk [tilespmem:v3+s19+$0x0], $0xffff;
	v19 =	vor.u32 v0, v36  }
0x49e: {  	v33 =	vadd.f32 v10, v57;
	[tilespmem:v60+s0+$0x0] =	vst.idx.msk $0xffff, v50;
	v9 =	vor.u32 v0, v53  }
0x49f: {  	[tilespmem:v13+s0+$0x0] =	vst.idx.msk $0xffff, v61;
	v61 =	vadd.f32 v16, v40  }
0x4a0: {  	[tilespmem:v15+s0+$0x0] =	vst.idx.msk $0xffff, v33;
	v12 =	vld.idx.msk [tilespmem:v63+s19+$0x0], $0xffff;
	v63 =	vadd.f32 v18, v43  }
0x4a1: {  	v7 =	vadd.f32 v7, v52;
	[tilespmem:v47+s0+$0x0] =	vst.idx.msk $0xffff, v61  }
0x4a2: {  	v17 =	vor.u32 v31, v59;
	v3 =	vadd.f32 v3, v54;
	v15 =	vld [tilespmem:$0x1FE60];
	[tilespmem:v19+s0+$0x0] =	vst.idx.msk $0xffff, v63  }
0x4a3: {  	[tilespmem:v9+s0+$0x0] =	vst.idx.msk $0xffff, v7  }
0x4a4: {  	v21 =	vld.idx.msk [tilespmem:v32+s19+$0x0], $0xffff;
	v50 =	vor.u32 v31, v45;
	[tilespmem:v2+s0+$0x0] =	vst.idx.msk $0xffff, v3  }
0x4a5: {  	v58 =	vor.u32 v31, v46;
	v46 =	vld [tilespmem:$0x1FC80]  }
0x4a6: {  	v5 =	vld.idx.msk [tilespmem:v14+s19+$0x0], $0xffff;
	v20 =	vor.u32 v31, v55;
	v59 =	vor.u32 v0, v37  }
0x4a7: {  	v62 =	vor.u32 v31, v42;
	v60 =	vld.idx.msk [tilespmem:v17+s19+$0x0], $0xffff;
	_ =	sdelay $0x1  }
0x4a8: {  	v33 =	vadd.f32 v21, v38;
	v11 =	vld.idx.msk [tilespmem:v50+s19+$0x0], $0xffff;
	v18 =	vor.u32 v15, v56  }
0x4a9: {  	v6 =	vld.idx.msk [tilespmem:v58+s19+$0x0], $0xffff;
	v32 =	vor.u32 v15, v41  }
0x4aa: {  	v42 =	vld.idx.msk [tilespmem:v20+s19+$0x0], $0xffff;
	[tilespmem:v59+s0+$0x0] =	vst.idx.msk $0xffff, v33;
	v44 =	vor.u32 v15, v44;
	v56 =	vadd.f32 v5, v35  }
0x4ab: {  	v55 =	vld.idx.msk [tilespmem:v62+s19+$0x0], $0xffff;
	v41 =	vadd.f32 v60, v57;
	v50 =	vor.u32 v15, v36  }
0x4ac: {  	v45 =	vadd.f32 v12, v39;
	v53 =	vor.u32 v15, v53;
	[tilespmem:v1+s0+$0x0] =	vst.idx.msk $0xffff, v56;
	v47 =	vld.idx.msk [tilespmem:v46+s19+$0x0], $0xffff  }
0x4ad: {  	v57 =	vadd.f32 v11, v40;
	v59 =	vor.u32 v15, v37;
	[tilespmem:v18+s0+$0x0] =	vst.idx.msk $0xffff, v41  }
0x4ae: {  	v58 =	vor.u32 v15, v49;
	v60 =	vadd.f32 v6, v43;
	[tilespmem:v32+s0+$0x0] =	vst.idx.msk $0xffff, v45  }
0x4af: {  	v61 =	vadd.f32 v42, v52;
	[tilespmem:v44+s0+$0x0] =	vst.idx.msk $0xffff, v57  }
.Ltmp13:
0x4b0: {  	s6 =	sshll.u32 s6, $0x12;
	v63 =	vadd.f32 v55, v38;
	[tilespmem:v50+s0+$0x0] =	vst.idx.msk $0xffff, v60;
	(pc) =	sbr.rel @p1 .LBB2_24-.Ltmp13, $4  }
0x4b1: {  	s6 =	sor.u32 s5, s6;
	[tilespmem:v53+s0+$0x0] =	vst.idx.msk $0xffff, v61;
	v62 =	vadd.f32 v47, v54  }
0x4b2: {  	s6 =	sshrl.u32 s6, $0x3;
	[tilespmem:v59+s0+$0x0] =	vst.idx.msk $0xffff, v63  }
0x4b3: {  	s6 =	sadd.s32 s1, s6;
	[tilespmem:v58+s0+$0x0] =	vst.idx.msk $0xffff, v62  }
0x4b4: {  	v63 =	vmov v31;
	[hbm4b:s6+s9] =	stream.strided.scatter [tilespmem:s0], [sflag:$0x9], $0x2000, s10, s9, $0x38;
	[tilespmem:$0x1D600] =	vst v63  }
.Ltmp14:
0x4b5: {  	_ =	swait.ge [sflag:s3], $0x2000;
	(pc) =	sbr.rel .LBB2_25-.Ltmp14, $4  }
0x4b6: {  	v20 =	vld [tilespmem:$0x1FF00]  }
0x4b7: {  	v53 =	vld [tilespmem:$0x1FFB0]  }
0x4b8: {  	[sflag:s3] =	ssyncset.done $0x0;
	v31 =	vld [tilespmem:$0x1FFC0]  }
0x4b9: {  	v21 =	vlaneseq.u32;
	v33 =	vld [tilespmem:$0x1FFD0];
	[sflag:s3] =	ssyncadd.s32 $0xFFFFE000  }
.LBB2_24:
0x4ba: {  	s6 =	smul.u32 $0xA00, s8;
	_ =	sdelay $0x1  }
0x4bb: {  	s7 =	smul.u32 $0x280, s8;
	s6 =	sadd.s32 $0x1000, s6  }
0x4bc: {  	s6 =	sand.u32 $0x7F000, s6  }
0x4bd: {  	s7 =	sand.u32 $0x380, s7;
	s6 =	sshrl.u32 s6, $0x2  }
0x4be: {  	s6 =	sor.u32 s7, s6  }
0x4bf: {  	[tilespmem:s19], [sflag:$0x4] =	stream.indirect.gather [hbm4b:s4+s13], $0x40, s6, s13, $0xb8;
	[tilespmem:$0x1D600] =	vst v63  }
.Ltmp15:
0x4c0: {  	_ =	swait.ge [sflag:s3], $0x2000;
	(pc) =	sbr.rel @p0 .LBB2_26-.Ltmp15, $4  }
0x4c1: {  	v20 =	vld [tilespmem:$0x1FF00]  }
0x4c2: {  	v53 =	vld [tilespmem:$0x1FFB0]  }
0x4c3: {  	[sflag:s3] =	ssyncset.done $0x0;
	v31 =	vld [tilespmem:$0x1FFC0]  }
0x4c4: {  	v21 =	vlaneseq.u32;
	v33 =	vld [tilespmem:$0x1FFD0];
	[sflag:s3] =	ssyncadd.s32 $0xFFFFE000  }
.LBB2_25:
0x4c5: {  	s6 =	simm.s32 $0xA  }
0x4c6: {  	_ =	swait.ge [sflag:s6], $0x2000  }
0x4c7: {  	[sflag:s6] =	ssyncset.done $0x0  }
0x4c8: {  	[sflag:s6] =	ssyncadd.s32 $0xFFFFE000  }
.LBB2_26:
0x4c9: {  	s6 =	sshll.u32 s2, $0x6;
	s7 =	simm.s32 $0x0  }
0x4ca: {  	s16 =	simm.s32 $0x4;
	s21 =	simm.s32 $0x1;
	v16 =	vmov s6;
	v1 =	vadd.s32 s7, v21  }
0x4cb: {  	v2 =	vld [tilespmem:$0x1FE00];
	s23 =	simm.s32 $0x5;
	v4 =	vadd.s32 s16, v21;
	v5 =	vadd.s32 s21, v21;
	v3 =	vshll.u32 v1, $0x7  }
0x4cc: {  	v50 =	vand.u32 $0x38, v1;
	v1 =	vadd.s32 s23, v21;
	v47 =	vand.u32 $0x3F, v5  }
0x4cd: {  	s24 =	simm.s32 $0x2;
	v42 =	vand.u32 $0x3F, v4;
	v60 =	vand.u32 $0x1C00, v3;
	v7 =	vor.u32 v16, v47  }
0x4ce: {  	v3 =	vadd.s32 s24, v21;
	v46 =	vand.u32 $0x3F, v1;
	v14 =	vor.u32 v16, v42  }
0x4cf: {  	v45 =	vand.u32 $0x3F, v3;
	v10 =	vor.u32 v28, v46  }
0x4d0: {  	s28 =	simm.s32 $0x3;
	s31 =	simm.s32 $0x6;
	v6 =	vor.u32 s6, v2;
	v9 =	vor.u32 v16, v45  }
0x4d1: {  	v62 =	vld [tilespmem:$0x1FFE0];
	v12 =	vadd.s32 s28, v21;
	v13 =	vadd.s32 s31, v21;
	[tilespmem:$0x1FBE0] =	vst v6;
	v6 =	vor.u32 v50, v6  }
0x4d2: {  	v5 =	vshll.u32 v5, $0x7;
	v61 =	vand.u32 $0x3F, v12;
	v8 =	vor.u32 v28, v47;
	v39 =	vld.idx.msk [tilespmem:v7+s12+$0x0], $0xffff  }
0x4d3: {  	v41 =	vand.u32 $0x1F80, v5;
	v1 =	vshll.u32 v1, $0x7;
	v5 =	vor.u32 v16, v46;
	v38 =	vld.idx.msk [tilespmem:v14+s12+$0x0], $0xffff  }
0x4d4: {  	s11 =	simm.s32 $0x7;
	v36 =	vand.u32 $0x1F80, v1;
	v1 =	vshll.u32 v3, $0x7;
	v7 =	vor.u32 v22, v50;
	v3 =	vld.idx.msk [tilespmem:v10+s20+$0x0], $0xffff  }
0x4d5: {  	v4 =	vshll.u32 v4, $0x7;
	v2 =	vadd.s32 s11, v21;
	v11 =	vor.u32 v28, v45;
	v40 =	vld.idx.msk [tilespmem:v9+s12+$0x0], $0xffff  }
0x4d6: {  	v59 =	vand.u32 $0x3F, v13;
	v37 =	vand.u32 $0x1F80, v4;
	v55 =	vand.u32 $0x3F, v2;
	v35 =	vld.idx.msk [tilespmem:v6+s12+$0x0], $0xffff  }
0x4d7: {  	v4 =	vor.u32 v28, v42;
	v18 =	vor.u32 v63, v61;
	v9 =	vor.u32 v28, v55;
	v6 =	vld.idx.msk [tilespmem:v8+s20+$0x0], $0xffff  }
0x4d8: {  	v63 =	vor.u32 v24, v50;
	v44 =	vand.u32 $0x1F80, v1;
	v1 =	vor.u32 v16, v59;
	v43 =	vld.idx.msk [tilespmem:v5+s12+$0x0], $0xffff;
	[tilespmem:$0x1FBF0] =	vst v16  }
0x4d9: {  	v15 =	vor.u32 v21, v41;
	v49 =	vor.u32 v21, v36;
	v7 =	vld.idx.msk [tilespmem:v7+s20+$0x0], $0xffff;
	[tilespmem:$0x1FC00] =	vst v18  }
0x4da: {  	v19 =	vor.u32 v62, v42;
	v2 =	vshll.u32 v2, $0x7;
	v5 =	vor.u32 v28, v59;
	v11 =	vld.idx.msk [tilespmem:v11+s20+$0x0], $0xffff  }
0x4db: {  	v0 =	vld [tilespmem:$0x1FE30];
	v14 =	vor.u32 v16, v61;
	v10 =	vor.u32 v23, v60;
	v16 =	vor.u32 v16, v55  }
0x4dc: {  	v32 =	vand.u32 $0x1F80, v2;
	v2 =	vor.u32 v21, v44;
	v9 =	vld.idx.msk [tilespmem:v9+s20+$0x0], $0xffff;
	[tilespmem:$0x1FC10] =	vst v19;
	v6 =	vadd.f32 v6, v39  }
0x4dd: {  	v13 =	vshll.u32 v13, $0x7;
	v3 =	vadd.f32 v3, v43;
	v57 =	vld.idx.msk [tilespmem:v1+s12+$0x0], $0xffff  }
0x4de: {  	v56 =	vand.u32 $0x1F80, v13;
	v4 =	vld.idx.msk [tilespmem:v4+s20+$0x0], $0xffff;
	[tilespmem:v15+s18+$0x0] =	vst.idx.msk $0xffff, v6;
	v6 =	vadd.f32 v7, v35  }
0x4df: {  	v8 =	vor.u32 v28, v61;
	v5 =	vld.idx.msk [tilespmem:v5+s20+$0x0], $0xffff;
	[tilespmem:v49+s18+$0x0] =	vst.idx.msk $0xffff, v3;
	v7 =	vadd.f32 v11, v40  }
0x4e0: {  	v13 =	vor.u32 v21, v37;
	v17 =	vor.u32 v0, v47;
	v52 =	vld.idx.msk [tilespmem:v16+s12+$0x0], $0xffff;
	[tilespmem:v10+s18+$0x0] =	vst.idx.msk $0xffff, v6  }
0x4e1: {  	v11 =	vor.u32 v21, v56;
	v15 =	vld.idx.msk [tilespmem:v63+s20+$0x0], $0xffff;
	[tilespmem:v2+s18+$0x0] =	vst.idx.msk $0xffff, v7  }
0x4e2: {  	v3 =	vor.u32 v0, v46;
	v18 =	vld [tilespmem:$0x1FF50]  }
0x4e3: {  	v6 =	vor.u32 v21, v32;
	v10 =	vor.u32 v0, v59;
	v4 =	vadd.f32 v4, v38  }
0x4e4: {  	v8 =	vld.idx.msk [tilespmem:v8+s20+$0x0], $0xffff;
	v63 =	vor.u32 v0, v55;
	v5 =	vadd.f32 v5, v57;
	v2 =	vor.u32 v25, v60  }
0x4e5: {  	v12 =	vshll.u32 v12, $0x7;
	v30 =	vld.idx.msk [tilespmem:v17+s20+$0x0], $0xffff;
	[tilespmem:v13+s18+$0x0] =	vst.idx.msk $0xffff, v4  }
0x4e6: {  	v54 =	vld.idx.msk [tilespmem:v14+s12+$0x0], $0xffff;
	v49 =	vand.u32 $0x1F80, v12;
	v9 =	vadd.f32 v9, v52;
	[tilespmem:v11+s18+$0x0] =	vst.idx.msk $0xffff, v5  }
0x4e7: {  	v3 =	vld.idx.msk [tilespmem:v3+s20+$0x0], $0xffff;
	v5 =	vor.u32 v26, v50;
	v12 =	vadd.f32 v15, v35;
	v7 =	vor.u32 v18, v41  }
0x4e8: {  	v11 =	vor.u32 v21, v49;
	[tilespmem:v6+s18+$0x0] =	vst.idx.msk $0xffff, v9;
	v6 =	vor.u32 v0, v45;
	v9 =	vld.idx.msk [tilespmem:v10+s20+$0x0], $0xffff  }
0x4e9: {  	v10 =	vor.u32 v0, v42;
	v14 =	vld.idx.msk [tilespmem:v63+s20+$0x0], $0xffff;
	[tilespmem:v2+s18+$0x0] =	vst.idx.msk $0xffff, v12  }
0x4ea: {  	v13 =	vadd.f32 v30, v39;
	v15 =	vor.u32 v18, v56;
	v30 =	vld [tilespmem:$0x1FF60]  }
0x4eb: {  	v8 =	vadd.f32 v8, v54;
	v2 =	vor.u32 v18, v36  }
0x4ec: {  	v4 =	vor.u32 v0, v61;
	v5 =	vld.idx.msk [tilespmem:v5+s20+$0x0], $0xffff;
	[tilespmem:v7+s18+$0x0] =	vst.idx.msk $0xffff, v13;
	v7 =	vor.u32 v18, v32  }
0x4ed: {  	[tilespmem:v11+s18+$0x0] =	vst.idx.msk $0xffff, v8;
	v6 =	vld.idx.msk [tilespmem:v6+s20+$0x0], $0xffff;
	v8 =	vadd.f32 v9, v57  }
0x4ee: {  	v3 =	vadd.f32 v3, v43;
	v11 =	vor.u32 v18, v44;
	v9 =	vor.u32 v27, v60;
	v10 =	vld.idx.msk [tilespmem:v10+s20+$0x0], $0xffff  }
0x4ef: {  	v14 =	vadd.f32 v14, v52;
	[tilespmem:v15+s18+$0x0] =	vst.idx.msk $0xffff, v8;
	v12 =	vor.u32 v30, v47  }
0x4f0: {  	v15 =	vor.u32 v18, v37;
	[tilespmem:v2+s18+$0x0] =	vst.idx.msk $0xffff, v3;
	v13 =	vor.u32 v30, v59  }
0x4f1: {  	v4 =	vld.idx.msk [tilespmem:v4+s20+$0x0], $0xffff;
	v5 =	vadd.f32 v5, v35;
	[tilespmem:v7+s18+$0x0] =	vst.idx.msk $0xffff, v14  }
0x4f2: {  	v2 =	vor.u32 v48, v50;
	v8 =	vor.u32 v30, v46;
	v6 =	vadd.f32 v6, v40;
	v0 =	vld [tilespmem:$0x1FF70]  }
0x4f3: {  	v7 =	vor.u32 v18, v49;
	[tilespmem:v9+s18+$0x0] =	vst.idx.msk $0xffff, v5;
	v9 =	vadd.f32 v10, v38  }
0x4f4: {  	[tilespmem:v11+s18+$0x0] =	vst.idx.msk $0xffff, v6;
	v3 =	vld.idx.msk [tilespmem:v12+s20+$0x0], $0xffff  }
0x4f5: {  	v12 =	vor.u32 v30, v45;
	v13 =	vld.idx.msk [tilespmem:v13+s20+$0x0], $0xffff;
	[tilespmem:v15+s18+$0x0] =	vst.idx.msk $0xffff, v9  }
0x4f6: {  	v4 =	vadd.f32 v4, v54;
	v9 =	vld [tilespmem:$0x1FEE0]  }
0x4f7: {  	v5 =	vor.u32 v30, v42;
	v8 =	vld.idx.msk [tilespmem:v8+s20+$0x0], $0xffff;
	v14 =	vor.u32 v0, v41  }
0x4f8: {  	v10 =	vor.u32 v30, v55;
	v2 =	vld.idx.msk [tilespmem:v2+s20+$0x0], $0xffff;
	[tilespmem:v7+s18+$0x0] =	vst.idx.msk $0xffff, v4  }
0x4f9: {  	v6 =	vor.u32 v0, v56;
	v63 =	vld [tilespmem:$0x1FF80]  }
0x4fa: {  	v15 =	vor.u32 v0, v36;
	v3 =	vadd.f32 v3, v39;
	v12 =	vld.idx.msk [tilespmem:v12+s20+$0x0], $0xffff  }
0x4fb: {  	v11 =	vor.u32 v30, v61;
	v9 =	vor.u32 v9, v60  }
0x4fc: {  	v5 =	vld.idx.msk [tilespmem:v5+s20+$0x0], $0xffff;
	v7 =	vadd.f32 v13, v57;
	[tilespmem:v14+s18+$0x0] =	vst.idx.msk $0xffff, v3;
	v3 =	vor.u32 v0, v44  }
0x4fd: {  	v10 =	vld.idx.msk [tilespmem:v10+s20+$0x0], $0xffff;
	v8 =	vadd.f32 v8, v43;
	v2 =	vadd.f32 v2, v35  }
0x4fe: {  	v4 =	vor.u32 v63, v47;
	[tilespmem:v6+s18+$0x0] =	vst.idx.msk $0xffff, v7;
	v7 =	vor.u32 v0, v37  }
0x4ff: {  	v21 =	vld [tilespmem:$0x1FE10];
	[tilespmem:v15+s18+$0x0] =	vst.idx.msk $0xffff, v8;
	v8 =	vor.u32 v0, v32;
	v12 =	vadd.f32 v12, v40  }
0x500: {  	[tilespmem:v9+s18+$0x0] =	vst.idx.msk $0xffff, v2  }
0x501: {  	v11 =	vld.idx.msk [tilespmem:v11+s20+$0x0], $0xffff;
	v13 =	vor.u32 v63, v59;
	v5 =	vadd.f32 v5, v38;
	[tilespmem:v3+s18+$0x0] =	vst.idx.msk $0xffff, v12  }
0x502: {  	v10 =	vadd.f32 v10, v52;
	v15 =	vor.u32 v63, v45;
	v2 =	vor.u32 v0, v49;
	v0 =	vld [tilespmem:$0x1FF90]  }
0x503: {  	v14 =	vor.u32 v63, v46;
	[tilespmem:v7+s18+$0x0] =	vst.idx.msk $0xffff, v5  }
0x504: {  	v4 =	vld.idx.msk [tilespmem:v4+s20+$0x0], $0xffff;
	v6 =	vor.u32 v21, v50;
	[tilespmem:v8+s18+$0x0] =	vst.idx.msk $0xffff, v10  }
0x505: {  	v30 =	vld [tilespmem:$0x1FFA0]  }
0x506: {  	v9 =	vor.u32 v63, v42;
	v13 =	vld.idx.msk [tilespmem:v13+s20+$0x0], $0xffff  }
0x507: {  	v11 =	vadd.f32 v11, v54;
	v15 =	vld.idx.msk [tilespmem:v15+s20+$0x0], $0xffff;
	v12 =	vor.u32 v0, v41  }
0x508: {  	v3 =	vor.u32 v63, v55;
	v14 =	vld.idx.msk [tilespmem:v14+s20+$0x0], $0xffff;
	v5 =	vor.u32 v0, v56  }
0x509: {  	v7 =	vor.u32 v63, v61;
	[tilespmem:v2+s18+$0x0] =	vst.idx.msk $0xffff, v11;
	v6 =	vld.idx.msk [tilespmem:v6+s20+$0x0], $0xffff  }
0x50a: {  	v4 =	vadd.f32 v4, v39;
	v8 =	vor.u32 v0, v36;
	v10 =	vor.u32 v30, v47  }
0x50b: {  	v2 =	vor.u32 v29, v60;
	v9 =	vld.idx.msk [tilespmem:v9+s20+$0x0], $0xffff;
	v13 =	vadd.f32 v13, v57;
	v11 =	vor.u32 v30, v59  }
0x50c: {  	v15 =	vadd.f32 v15, v40;
	[tilespmem:v12+s18+$0x0] =	vst.idx.msk $0xffff, v4;
	v4 =	vor.u32 v0, v44  }
0x50d: {  	v3 =	vld.idx.msk [tilespmem:v3+s20+$0x0], $0xffff;
	v12 =	vadd.f32 v14, v43;
	v14 =	vor.u32 v30, v46;
	[tilespmem:v5+s18+$0x0] =	vst.idx.msk $0xffff, v13  }
0x50e: {  	v7 =	vld.idx.msk [tilespmem:v7+s20+$0x0], $0xffff;
	v5 =	vor.u32 v0, v37;
	v13 =	vor.u32 v20, v50;
	v6 =	vadd.f32 v6, v35  }
0x50f: {  	v10 =	vld.idx.msk [tilespmem:v10+s20+$0x0], $0xffff;
	[tilespmem:v8+s18+$0x0] =	vst.idx.msk $0xffff, v12;
	v8 =	vor.u32 v30, v45;
	v12 =	vor.u32 v0, v32  }
0x510: {  	v11 =	vld.idx.msk [tilespmem:v11+s20+$0x0], $0xffff;
	[tilespmem:v2+s18+$0x0] =	vst.idx.msk $0xffff, v6;
	v2 =	vor.u32 v0, v49;
	v6 =	vadd.f32 v9, v38  }
0x511: {  	v9 =	vor.u32 v53, v41;
	[tilespmem:v4+s18+$0x0] =	vst.idx.msk $0xffff, v15;
	v4 =	vor.u32 v30, v42  }
0x512: {  	v3 =	vadd.f32 v3, v52;
	v15 =	vor.u32 v30, v55;
	v14 =	vld.idx.msk [tilespmem:v14+s20+$0x0], $0xffff  }
0x513: {  	v7 =	vadd.f32 v7, v54;
	[tilespmem:v5+s18+$0x0] =	vst.idx.msk $0xffff, v6;
	v6 =	vld.idx.msk [tilespmem:v13+s20+$0x0], $0xffff;
	v13 =	vor.u32 v53, v56  }
0x514: {  	v10 =	vadd.f32 v10, v39;
	[tilespmem:v12+s18+$0x0] =	vst.idx.msk $0xffff, v3;
	v3 =	vor.u32 v53, v36  }
0x515: {  	v5 =	vor.u32 v30, v61;
	v11 =	vadd.f32 v11, v57;
	[tilespmem:v2+s18+$0x0] =	vst.idx.msk $0xffff, v7;
	v7 =	vld.idx.msk [tilespmem:v8+s20+$0x0], $0xffff  }
0x516: {  	v2 =	vor.u32 v51, v60;
	v8 =	vor.u32 v31, v47;
	[tilespmem:v9+s18+$0x0] =	vst.idx.msk $0xffff, v10;
	v4 =	vld.idx.msk [tilespmem:v4+s20+$0x0], $0xffff  }
0x517: {  	v9 =	vor.u32 v31, v59;
	v10 =	vld.idx.msk [tilespmem:v15+s20+$0x0], $0xffff;
	v15 =	vor.u32 v53, v44;
	v14 =	vadd.f32 v14, v43  }
0x518: {  	[tilespmem:v13+s18+$0x0] =	vst.idx.msk $0xffff, v11;
	v11 =	vor.u32 v53, v37  }
0x519: {  	v6 =	vadd.f32 v6, v35;
	[tilespmem:v3+s18+$0x0] =	vst.idx.msk $0xffff, v14;
	v3 =	vor.u32 v53, v32  }
0x51a: {  	v5 =	vld.idx.msk [tilespmem:v5+s20+$0x0], $0xffff;
	v7 =	vadd.f32 v7, v40  }
0x51b: {  	[tilespmem:v2+s18+$0x0] =	vst.idx.msk $0xffff, v6;
	v6 =	vld.idx.msk [tilespmem:v8+s20+$0x0], $0xffff;
	v4 =	vadd.f32 v4, v38  }
0x51c: {  	v12 =	vor.u32 v31, v46;
	v8 =	vld.idx.msk [tilespmem:v9+s20+$0x0], $0xffff;
	[tilespmem:v15+s18+$0x0] =	vst.idx.msk $0xffff, v7;
	v9 =	vadd.f32 v10, v52  }
0x51d: {  	[tilespmem:v11+s18+$0x0] =	vst.idx.msk $0xffff, v4  }
0x51e: {  	v2 =	vor.u32 v53, v49;
	[tilespmem:v3+s18+$0x0] =	vst.idx.msk $0xffff, v9  }
0x51f: {  	v0 =	vld [tilespmem:$0x1FE20];
	_ =	sdelay $0x1  }
0x520: {  	v12 =	vld.idx.msk [tilespmem:v12+s20+$0x0], $0xffff;
	v10 =	vor.u32 v31, v55;
	v4 =	vor.u32 v33, v41;
	v11 =	vadd.f32 v5, v54  }
0x521: {  	v1 =	vor.u32 v34, v50;
	v15 =	vor.u32 v33, v56  }
0x522: {  	v13 =	vor.u32 v31, v45;
	v53 =	vor.u32 v33, v36;
	[tilespmem:v2+s18+$0x0] =	vst.idx.msk $0xffff, v11  }
0x523: {  	v9 =	vadd.f32 v6, v39;
	v5 =	vor.u32 v0, v60;
	v0 =	vld [tilespmem:$0x1FF40]  }
0x524: {  	v63 =	vadd.f32 v8, v57  }
0x525: {  	v7 =	vor.u32 v31, v42;
	v8 =	vld.idx.msk [tilespmem:v10+s20+$0x0], $0xffff;
	v10 =	vadd.f32 v12, v43;
	[tilespmem:v4+s18+$0x0] =	vst.idx.msk $0xffff, v9  }
0x526: {  	v48 =	vor.u32 v31, v61;
	v51 =	vld.idx.msk [tilespmem:v1+s20+$0x0], $0xffff;
	[tilespmem:v15+s18+$0x0] =	vst.idx.msk $0xffff, v63  }
0x527: {  	v14 =	vor.u32 v62, v47;
	v13 =	vld.idx.msk [tilespmem:v13+s20+$0x0], $0xffff;
	[tilespmem:v53+s18+$0x0] =	vst.idx.msk $0xffff, v10  }
0x528: {  	v2 =	vor.u32 v62, v59;
	v1 =	vor.u32 v0, v60;
	v0 =	vld [tilespmem:$0x1FE40];
	_ =	sdelay $0x1  }
0x529: {  	v58 =	vor.u32 v62, v45;
	v3 =	vor.u32 v62, v61;
	v6 =	vor.u32 v33, v49;
	v61 =	vld.idx.msk [tilespmem:v7+s20+$0x0], $0xffff  }
0x52a: {  	v11 =	vor.u32 v33, v44;
	v7 =	vor.u32 v62, v55;
	v62 =	vor.u32 v62, v46;
	v9 =	vld.idx.msk [tilespmem:v48+s20+$0x0], $0xffff  }
0x52b: {  	v12 =	vor.u32 v33, v32;
	v13 =	vadd.f32 v13, v40;
	v4 =	vadd.f32 v51, v35;
	v63 =	vld.idx.msk [tilespmem:v14+s20+$0x0], $0xffff  }
0x52c: {  	s6 =	simm.s32 $0x8;
	v51 =	vmov v21;
	v10 =	vld.idx.msk [tilespmem:v2+s20+$0x0], $0xffff;
	v60 =	vor.u32 v33, v37;
	v2 =	vor.u32 v0, v49  }
.LBB2_27:
0x52d: {  	v0 =	vld [tilespmem:$0x1FF30]  }
0x52e: {  	v28 =	vld [tilespmem:$0x1FE40]  }
0x52f: {  	v29 =	vld [tilespmem:$0x1FFF0];
	_ =	sdelay $0x1  }
0x530: {  	[tilespmem:v11+s18+$0x0] =	vst.idx.msk $0xffff, v13  }
0x531: {  	v20 =	vld.idx.msk [tilespmem:v62+s20+$0x0], $0xffff;
	[tilespmem:v5+s18+$0x0] =	vst.idx.msk $0xffff, v4  }
0x532: {  	v8 =	vadd.f32 v8, v52;
	v14 =	vor.u32 v0, v50;
	v15 =	vor.u32 v28, v56;
	v0 =	vld [tilespmem:$0x1FC10]  }
0x533: {  	v16 =	vld.idx.msk [tilespmem:v58+s20+$0x0], $0xffff;
	v9 =	vadd.f32 v9, v54;
	v13 =	vor.u32 v28, v41;
	v17 =	vor.u32 v29, v59  }
0x534: {  	v11 =	vadd.f32 v61, v38;
	v61 =	vld [tilespmem:$0x1FE60];
	[tilespmem:v12+s18+$0x0] =	vst.idx.msk $0xffff, v8;
	v19 =	vor.u32 v29, v47  }
0x535: {  	v7 =	vld.idx.msk [tilespmem:v7+s20+$0x0], $0xffff;
	[tilespmem:v6+s18+$0x0] =	vst.idx.msk $0xffff, v9;
	v6 =	vadd.f32 v10, v57;
	v9 =	vor.u32 v28, v44  }
0x536: {  	[tilespmem:v60+s18+$0x0] =	vst.idx.msk $0xffff, v11;
	v18 =	vadd.f32 v63, v39;
	v11 =	vor.u32 v29, v45;
	v3 =	vld.idx.msk [tilespmem:v3+s20+$0x0], $0xffff  }
0x537: {  	v8 =	vor.u32 v28, v32;
	[tilespmem:v15+s18+$0x0] =	vst.idx.msk $0xffff, v6;
	v5 =	vld.idx.msk [tilespmem:v14+s20+$0x0], $0xffff  }
0x538: {  	v10 =	vor.u32 v29, v55;
	v16 =	vadd.f32 v16, v40;
	[tilespmem:v13+s18+$0x0] =	vst.idx.msk $0xffff, v18;
	v15 =	vld.idx.msk [tilespmem:v17+s20+$0x0], $0xffff  }
0x539: {  	v21 =	vor.u32 v28, v36;
	v59 =	vld.idx.msk [tilespmem:v19+s20+$0x0], $0xffff  }
0x53a: {  	v7 =	vadd.f32 v7, v52;
	[tilespmem:v9+s18+$0x0] =	vst.idx.msk $0xffff, v16;
	v9 =	vor.u32 v61, v56;
	v12 =	vld.idx.msk [tilespmem:v0+s20+$0x0], $0xffff  }
0x53b: {  	v13 =	vor.u32 v29, v46;
	v14 =	vor.u32 v61, v41;
	v11 =	vld.idx.msk [tilespmem:v11+s20+$0x0], $0xffff;
	v3 =	vadd.f32 v3, v54  }
0x53c: {  	v4 =	vadd.f32 v20, v43;
	v6 =	vor.u32 v28, v37;
	[tilespmem:v8+s18+$0x0] =	vst.idx.msk $0xffff, v7;
	v0 =	vld [tilespmem:$0x1FC00]  }
0x53d: {  	[tilespmem:v2+s18+$0x0] =	vst.idx.msk $0xffff, v3;
	v3 =	vld.idx.msk [tilespmem:v10+s20+$0x0], $0xffff;
	v10 =	vor.u32 v61, v44;
	v2 =	vadd.f32 v15, v57  }
0x53e: {  	v60 =	vor.u32 v29, v42;
	[tilespmem:v21+s18+$0x0] =	vst.idx.msk $0xffff, v4;
	v8 =	vadd.f32 v59, v39  }
0x53f: {  	v4 =	vadd.f32 v12, v38;
	[tilespmem:v9+s18+$0x0] =	vst.idx.msk $0xffff, v2  }
0x540: {  	v7 =	vor.u32 v61, v32;
	v12 =	vld.idx.msk [tilespmem:v13+s20+$0x0], $0xffff;
	[tilespmem:v14+s18+$0x0] =	vst.idx.msk $0xffff, v8;
	v8 =	vadd.f32 v11, v40  }
0x541: {  	v2 =	vadd.f32 v5, v35;
	[tilespmem:v6+s18+$0x0] =	vst.idx.msk $0xffff, v4  }
0x542: {  	s7 =	smov.u32 s6;
	[tilespmem:v10+s18+$0x0] =	vst.idx.msk $0xffff, v8;
	v8 =	vld [tilespmem:$0x1FBE0]  }
0x543: {  	s11 =	sadd.s32 $0x7, s7;
	v6 =	vor.u32 v61, v36;
	[tilespmem:v1+s18+$0x0] =	vst.idx.msk $0xffff, v2;
	v2 =	vadd.f32 v3, v52;
	v4 =	vld.idx.msk [tilespmem:v60+s20+$0x0], $0xffff  }
0x544: {  	v30 =	vlaneseq.u32;
	s16 =	sadd.s32 $0x4, s7;
	s21 =	sadd.s32 $0x5, s7;
	s23 =	sadd.s32 $0x6, s7;
	v5 =	vor.u32 v61, v37;
	v9 =	vor.u32 v61, v49;
	v13 =	vld.idx.msk [tilespmem:v0+s20+$0x0], $0xffff  }
0x545: {  	s31 =	sadd.s32 $0x1, s7;
	s24 =	sadd.s32 $0x2, s7;
	v18 =	vld [tilespmem:$0x1FE50];
	[tilespmem:v7+s18+$0x0] =	vst.idx.msk $0xffff, v2;
	v2 =	vadd.s32 s7, v30;
	s7 =	sadd.s32 $0x3, s7;
	v7 =	vadd.s32 s21, v30;
	v1 =	vadd.f32 v12, v43  }
0x546: {  	v17 =	vld [tilespmem:$0x1FBF0];
	v50 =	vand.u32 $0x38, v2;
	v11 =	vadd.s32 s7, v30;
	v12 =	vadd.s32 s23, v30  }
0x547: {  	v31 =	vld [tilespmem:$0x1FFE0];
	v46 =	vand.u32 $0x3F, v7;
	v7 =	vshll.u32 v7, $0x7;
	v61 =	vand.u32 $0x3F, v11  }
0x548: {  	v48 =	vld [tilespmem:$0x1FF50];
	v14 =	vor.u32 v22, v50;
	[tilespmem:v6+s18+$0x0] =	vst.idx.msk $0xffff, v1;
	v6 =	vadd.s32 s16, v30;
	v1 =	vadd.f32 v4, v38  }
0x549: {  	v58 =	vld [tilespmem:$0x1FF60];
	v8 =	vor.u32 v50, v8;
	v3 =	vadd.f32 v13, v54;
	v42 =	vand.u32 $0x3F, v6  }
0x54a: {  	v28 =	vld [tilespmem:$0x1FE30];
	v38 =	vand.u32 $0x1F80, v7;
	v7 =	vor.u32 v18, v61;
	[tilespmem:v5+s18+$0x0] =	vst.idx.msk $0xffff, v1;
	v1 =	vadd.s32 s31, v30  }
0x54b: {  	v40 =	vld [tilespmem:$0x1FFC0];
	v11 =	vshll.u32 v11, $0x7;
	v13 =	vor.u32 v17, v42;
	v47 =	vand.u32 $0x3F, v1  }
0x54c: {  	v35 =	vld [tilespmem:$0x1FF80];
	v59 =	vand.u32 $0x3F, v12;
	[tilespmem:v9+s18+$0x0] =	vst.idx.msk $0xffff, v3;
	v3 =	vshll.u32 v2, $0x7;
	v2 =	vor.u32 v17, v47  }
0x54d: {  	v4 =	vadd.s32 s11, v30;
	v6 =	vshll.u32 v6, $0x7;
	v14 =	vld.idx.msk [tilespmem:v14+s20+$0x0], $0xffff;
	v5 =	vor.u32 v18, v47  }
0x54e: {  	v37 =	vand.u32 $0x1F80, v6;
	v6 =	vor.u32 v18, v42;
	v55 =	vand.u32 $0x3F, v4;
	v36 =	vld.idx.msk [tilespmem:v8+s12+$0x0], $0xffff  }
0x54f: {  	v15 =	vor.u32 v18, v55;
	v60 =	vand.u32 $0x1C00, v3;
	v1 =	vshll.u32 v1, $0x7;
	v7 =	vld.idx.msk [tilespmem:v7+s20+$0x0], $0xffff  }
0x550: {  	v3 =	vadd.s32 s24, v30;
	v41 =	vand.u32 $0x1F80, v1;
	v1 =	vor.u32 v18, v46;
	v33 =	vld.idx.msk [tilespmem:v13+s12+$0x0], $0xffff  }
0x551: {  	v45 =	vand.u32 $0x3F, v3;
	v3 =	vshll.u32 v3, $0x7;
	v39 =	vld.idx.msk [tilespmem:v2+s12+$0x0], $0xffff;
	v2 =	vor.u32 v17, v46  }
0x552: {  	v49 =	vand.u32 $0x1F80, v11;
	v9 =	vor.u32 v17, v45;
	v44 =	vand.u32 $0x1F80, v3;
	v3 =	vld.idx.msk [tilespmem:v5+s20+$0x0], $0xffff  }
0x553: {  	v0 =	vor.u32 v29, v61;
	v22 =	vor.u32 v28, v61;
	v6 =	vld.idx.msk [tilespmem:v6+s20+$0x0], $0xffff;
	v5 =	vor.u32 v17, v61  }
0x554: {  	[tilespmem:$0x1FC00] =	vst v0;
	v4 =	vshll.u32 v4, $0x7;
	v0 =	vor.u32 v31, v42;
	v11 =	vor.u32 v30, v41;
	v15 =	vld.idx.msk [tilespmem:v15+s20+$0x0], $0xffff  }
0x555: {  	v32 =	vand.u32 $0x1F80, v4;
	v4 =	vor.u32 v24, v50;
	v16 =	vor.u32 v28, v47;
	v1 =	vld.idx.msk [tilespmem:v1+s20+$0x0], $0xffff  }
0x556: {  	[tilespmem:$0x1FC10] =	vst v0;
	v0 =	vor.u32 v34, v50;
	v43 =	vld.idx.msk [tilespmem:v2+s12+$0x0], $0xffff;
	v2 =	vshll.u32 v12, $0x7;
	v12 =	vor.u32 v17, v59  }
0x557: {  	v53 =	vld.idx.msk [tilespmem:v9+s12+$0x0], $0xffff;
	v9 =	vor.u32 v17, v55;
	v17 =	vor.u32 v18, v59;
	v3 =	vadd.f32 v3, v39  }
0x558: {  	v24 =	vor.u32 v28, v42;
	[tilespmem:$0x1FBB0] =	vst v0;
	v13 =	vor.u32 v30, v38;
	v54 =	vld.idx.msk [tilespmem:v5+s12+$0x0], $0xffff  }
0x559: {  	v8 =	vor.u32 v23, v60;
	v10 =	vor.u32 v18, v45;
	v56 =	vand.u32 $0x1F80, v2;
	v2 =	vld [tilespmem:$0x1FFB0];
	[tilespmem:v11+s18+$0x0] =	vst.idx.msk $0xffff, v3  }
0x55a: {  	v20 =	vor.u32 v25, v60;
	v25 =	vor.u32 v27, v60;
	v5 =	vor.u32 v28, v46;
	v16 =	vld.idx.msk [tilespmem:v16+s20+$0x0], $0xffff  }
0x55b: {  	v0 =	vor.u32 v40, v45;
	v18 =	vor.u32 v30, v37;
	v1 =	vadd.f32 v1, v43;
	v57 =	vld.idx.msk [tilespmem:v12+s12+$0x0], $0xffff  }
0x55c: {  	v27 =	vor.u32 v28, v55;
	[tilespmem:$0x1FBC0] =	vst v0;
	v12 =	vadd.f32 v14, v36;
	v17 =	vld.idx.msk [tilespmem:v17+s20+$0x0], $0xffff  }
0x55d: {  	v23 =	vor.u32 v48, v41;
	v34 =	vadd.f32 v6, v33;
	v52 =	vld.idx.msk [tilespmem:v9+s12+$0x0], $0xffff;
	[tilespmem:v13+s18+$0x0] =	vst.idx.msk $0xffff, v1  }
0x55e: {  	v10 =	vld.idx.msk [tilespmem:v10+s20+$0x0], $0xffff;
	v11 =	vor.u32 v30, v44;
	[tilespmem:v8+s18+$0x0] =	vst.idx.msk $0xffff, v12;
	v12 =	vor.u32 v30, v56  }
0x55f: {  	v8 =	vor.u32 v26, v50;
	v13 =	vor.u32 v30, v32;
	v26 =	vld.idx.msk [tilespmem:v5+s20+$0x0], $0xffff;
	v5 =	vor.u32 v28, v59  }
0x560: {  	[tilespmem:v18+s18+$0x0] =	vst.idx.msk $0xffff, v34;
	v0 =	vor.u32 v2, v32;
	v4 =	vld.idx.msk [tilespmem:v4+s20+$0x0], $0xffff;
	v16 =	vadd.f32 v16, v39  }
0x561: {  	v19 =	vor.u32 v30, v49;
	v21 =	vor.u32 v28, v45;
	[tilespmem:$0x1FBD0] =	vst v0;
	v0 =	vld [tilespmem:$0x1FF70];
	v17 =	vadd.f32 v17, v57  }
0x562: {  	v1 =	vld [tilespmem:$0x1FF00];
	v28 =	vadd.f32 v7, v54;
	v7 =	vadd.f32 v15, v52;
	[tilespmem:v23+s18+$0x0] =	vst.idx.msk $0xffff, v16  }
0x563: {  	v29 =	vor.u32 v48, v49;
	v10 =	vadd.f32 v10, v53;
	v23 =	vld.idx.msk [tilespmem:v24+s20+$0x0], $0xffff;
	[tilespmem:v12+s18+$0x0] =	vst.idx.msk $0xffff, v17  }
0x564: {  	v9 =	vor.u32 v58, v47;
	v14 =	vor.u32 v48, v38;
	[tilespmem:v13+s18+$0x0] =	vst.idx.msk $0xffff, v7;
	v12 =	vld.idx.msk [tilespmem:v5+s20+$0x0], $0xffff  }
0x565: {  	[tilespmem:v11+s18+$0x0] =	vst.idx.msk $0xffff, v10;
	v10 =	vor.u32 v48, v44;
	v4 =	vadd.f32 v4, v36;
	v17 =	vld.idx.msk [tilespmem:v27+s20+$0x0], $0xffff  }
0x566: {  	v11 =	vor.u32 v48, v37;
	v16 =	vor.u32 v48, v56;
	v27 =	vor.u32 v48, v32;
	v48 =	vld [tilespmem:$0x1FED0]  }
0x567: {  	v30 =	vor.u32 v58, v61;
	v24 =	vor.u32 v58, v59;
	[tilespmem:v20+s18+$0x0] =	vst.idx.msk $0xffff, v4;
	v20 =	vld.idx.msk [tilespmem:v21+s20+$0x0], $0xffff  }
0x568: {  	[tilespmem:v19+s18+$0x0] =	vst.idx.msk $0xffff, v28;
	v19 =	vor.u32 v58, v46;
	v28 =	vld [tilespmem:$0x1FEE0];
	v15 =	vor.u32 v0, v41  }
0x569: {  	v13 =	vadd.f32 v26, v43;
	v26 =	vor.u32 v58, v55;
	v8 =	vld.idx.msk [tilespmem:v8+s20+$0x0], $0xffff;
	v12 =	vadd.f32 v12, v57  }
0x56a: {  	v22 =	vld.idx.msk [tilespmem:v22+s20+$0x0], $0xffff;
	v6 =	vor.u32 v1, v50;
	v21 =	vor.u32 v51, v50;
	v51 =	vor.u32 v58, v45  }
0x56b: {  	v9 =	vld.idx.msk [tilespmem:v9+s20+$0x0], $0xffff;
	v58 =	vor.u32 v58, v42;
	v17 =	vadd.f32 v17, v52;
	[tilespmem:v16+s18+$0x0] =	vst.idx.msk $0xffff, v12  }
0x56c: {  	[tilespmem:v14+s18+$0x0] =	vst.idx.msk $0xffff, v13;
	v48 =	vor.u32 v48, v50;
	v20 =	vadd.f32 v20, v53;
	v13 =	vld.idx.msk [tilespmem:v24+s20+$0x0], $0xffff  }
0x56d: {  	v1 =	vld [tilespmem:$0x1FFA0];
	v12 =	vor.u32 v0, v49;
	v16 =	vadd.f32 v23, v33;
	[tilespmem:v27+s18+$0x0] =	vst.idx.msk $0xffff, v17  }
0x56e: {  	v8 =	vadd.f32 v8, v36;
	v17 =	vld.idx.msk [tilespmem:v26+s20+$0x0], $0xffff;
	[tilespmem:v10+s18+$0x0] =	vst.idx.msk $0xffff, v20;
	v20 =	vor.u32 v0, v56  }
0x56f: {  	v19 =	vld.idx.msk [tilespmem:v19+s20+$0x0], $0xffff;
	v24 =	vor.u32 v0, v37;
	v10 =	vadd.f32 v22, v54;
	[tilespmem:v11+s18+$0x0] =	vst.idx.msk $0xffff, v16  }
0x570: {  	v11 =	vor.u32 v0, v38;
	[tilespmem:v25+s18+$0x0] =	vst.idx.msk $0xffff, v8;
	v8 =	vadd.f32 v9, v39;
	v22 =	vld.idx.msk [tilespmem:v51+s20+$0x0], $0xffff  }
0x571: {  	v9 =	vor.u32 v35, v47;
	v23 =	vld.idx.msk [tilespmem:v48+s20+$0x0], $0xffff;
	[tilespmem:v29+s18+$0x0] =	vst.idx.msk $0xffff, v10;
	v13 =	vadd.f32 v13, v57  }
0x572: {  	v16 =	vor.u32 v35, v59;
	v29 =	vld [tilespmem:$0x1FEF0];
	[tilespmem:v15+s18+$0x0] =	vst.idx.msk $0xffff, v8;
	v15 =	vor.u32 v0, v44  }
0x573: {  	[tilespmem:v20+s18+$0x0] =	vst.idx.msk $0xffff, v13;
	v13 =	vadd.f32 v17, v52;
	v17 =	vor.u32 v0, v32;
	v0 =	vld [tilespmem:$0x1FF90]  }
0x574: {  	v28 =	vor.u32 v28, v60;
	v10 =	vld.idx.msk [tilespmem:v58+s20+$0x0], $0xffff  }
0x575: {  	v62 =	vor.u32 v31, v45;
	v34 =	vor.u32 v35, v45;
	v8 =	vld.idx.msk [tilespmem:v30+s20+$0x0], $0xffff  }
0x576: {  	v14 =	vor.u32 v35, v61;
	v5 =	vor.u32 v1, v45;
	v19 =	vadd.f32 v19, v43;
	v9 =	vld.idx.msk [tilespmem:v9+s20+$0x0], $0xffff  }
0x577: {  	v27 =	vor.u32 v35, v55;
	v25 =	vor.u32 v35, v46;
	v58 =	vmovc v62;
	v20 =	vadd.f32 v23, v36  }
0x578: {  	[tilespmem:v11+s18+$0x0] =	vst.idx.msk $0xffff, v19;
	v62 =	vadd.f32 v22, v53;
	v11 =	vld.idx.msk [tilespmem:v16+s20+$0x0], $0xffff;
	v16 =	vor.u32 v0, v41  }
0x579: {  	v23 =	vor.u32 v35, v42;
	v10 =	vadd.f32 v10, v33;
	[tilespmem:v28+s18+$0x0] =	vst.idx.msk $0xffff, v20  }
0x57a: {  	[tilespmem:v15+s18+$0x0] =	vst.idx.msk $0xffff, v62;
	v8 =	vadd.f32 v8, v54;
	v21 =	vld.idx.msk [tilespmem:v21+s20+$0x0], $0xffff;
	v15 =	vor.u32 v0, v56  }
0x57b: {  	v26 =	vor.u32 v29, v60;
	v19 =	vld.idx.msk [tilespmem:v34+s20+$0x0], $0xffff;
	[tilespmem:v24+s18+$0x0] =	vst.idx.msk $0xffff, v10;
	v9 =	vadd.f32 v9, v39  }
0x57c: {  	v35 =	vmov v36;
	v10 =	vor.u32 v1, v59;
	[tilespmem:v12+s18+$0x0] =	vst.idx.msk $0xffff, v8;
	v22 =	vor.u32 v0, v49  }
0x57d: {  	v36 =	vmov v38;
	v8 =	vadd.f32 v11, v57;
	[tilespmem:v16+s18+$0x0] =	vst.idx.msk $0xffff, v9;
	v9 =	vor.u32 v0, v44  }
0x57e: {  	v28 =	vor.u32 v0, v36;
	[tilespmem:v17+s18+$0x0] =	vst.idx.msk $0xffff, v13;
	v12 =	vor.u32 v0, v32;
	v23 =	vld.idx.msk [tilespmem:v23+s20+$0x0], $0xffff  }
0x57f: {  	v17 =	vor.u32 v0, v37;
	[tilespmem:v15+s18+$0x0] =	vst.idx.msk $0xffff, v8;
	v8 =	vadd.f32 v21, v35;
	v0 =	vld [tilespmem:$0x1FE20]  }
0x580: {  	v30 =	vld [tilespmem:$0x1FF10];
	v19 =	vadd.f32 v19, v53  }
0x581: {  	v10 =	vld.idx.msk [tilespmem:v10+s20+$0x0], $0xffff;
	[tilespmem:v26+s18+$0x0] =	vst.idx.msk $0xffff, v8  }
0x582: {  	v21 =	vor.u32 v1, v42;
	v6 =	vld.idx.msk [tilespmem:v6+s20+$0x0], $0xffff;
	[tilespmem:v9+s18+$0x0] =	vst.idx.msk $0xffff, v19  }
0x583: {  	v19 =	vld.idx.msk [tilespmem:v5+s20+$0x0], $0xffff  }
0x584: {  	v8 =	vadd.f32 v23, v33;
	v9 =	vor.u32 v2, v56;
	v5 =	vor.u32 v0, v60;
	v0 =	vld [tilespmem:$0x1FBB0];
	_ =	sdelay $0x1  }
0x585: {  	v24 =	vor.u32 v30, v60;
	[tilespmem:v17+s18+$0x0] =	vst.idx.msk $0xffff, v8  }
0x586: {  	v17 =	vld.idx.msk [tilespmem:v21+s20+$0x0], $0xffff;
	v10 =	vadd.f32 v10, v57  }
0x587: {  	v11 =	vld.idx.msk [tilespmem:v27+s20+$0x0], $0xffff  }
0x588: {  	[tilespmem:v9+s18+$0x0] =	vst.idx.msk $0xffff, v10;
	v9 =	vadd.f32 v6, v35;
	_ =	sdelay $0x1  }
0x589: {  	v25 =	vld.idx.msk [tilespmem:v25+s20+$0x0], $0xffff;
	[tilespmem:v24+s18+$0x0] =	vst.idx.msk $0xffff, v9  }
0x58a: {  	v9 =	vadd.f32 v17, v33;
	v17 =	vld.idx.msk [tilespmem:v0+s20+$0x0], $0xffff  }
0x58b: {  	v11 =	vadd.f32 v11, v52;
	v0 =	vld [tilespmem:$0x1FBC0]  }
0x58c: {  	v18 =	vor.u32 v1, v47;
	v51 =	vld [tilespmem:$0x1FE10]  }
0x58d: {  	v7 =	vor.u32 v1, v46;
	v48 =	vld [tilespmem:$0x1FED0];
	[tilespmem:v12+s18+$0x0] =	vst.idx.msk $0xffff, v11;
	v12 =	vor.u32 v2, v44  }
0x58e: {  	v34 =	vld [tilespmem:$0x1FF20]  }
0x58f: {  	v13 =	vld.idx.msk [tilespmem:v14+s20+$0x0], $0xffff;
	v62 =	vadd.f32 v25, v43  }
0x590: {  	v14 =	vor.u32 v1, v55;
	v27 =	vld [tilespmem:$0x1FEC0];
	v19 =	vadd.f32 v19, v53  }
0x591: {  	[tilespmem:v28+s18+$0x0] =	vst.idx.msk $0xffff, v62;
	v16 =	vld.idx.msk [tilespmem:v18+s20+$0x0], $0xffff  }
0x592: {  	v20 =	vor.u32 v1, v61;
	v7 =	vld.idx.msk [tilespmem:v7+s20+$0x0], $0xffff;
	[tilespmem:v12+s18+$0x0] =	vst.idx.msk $0xffff, v19  }
0x593: {  	v19 =	vld.idx.msk [tilespmem:v0+s20+$0x0], $0xffff  }
0x594: {  	v13 =	vadd.f32 v13, v54;
	v0 =	vld [tilespmem:$0x1FBD0]  }
0x595: {  	v15 =	vor.u32 v2, v41;
	v11 =	vld.idx.msk [tilespmem:v14+s20+$0x0], $0xffff  }
0x596: {  	v3 =	vor.u32 v40, v47;
	v26 =	vld [tilespmem:$0x1FEB0];
	[tilespmem:v22+s18+$0x0] =	vst.idx.msk $0xffff, v13  }
0x597: {  	v13 =	vld.idx.msk [tilespmem:v20+s20+$0x0], $0xffff  }
0x598: {  	v23 =	vld [tilespmem:$0x1FE80];
	v8 =	vor.u32 v40, v59;
	v21 =	vor.u32 v2, v36;
	v16 =	vadd.f32 v16, v39  }
0x599: {  	v25 =	vor.u32 v2, v49;
	v20 =	vld [tilespmem:$0x1FFD0]  }
0x59a: {  	v63 =	vor.u32 v40, v46;
	v22 =	vld [tilespmem:$0x1FE70];
	[tilespmem:v15+s18+$0x0] =	vst.idx.msk $0xffff, v16;
	v11 =	vadd.f32 v11, v52  }
0x59b: {  	v62 =	vor.u32 v2, v37;
	v7 =	vadd.f32 v7, v43;
	v15 =	vld.idx.msk [tilespmem:v3+s20+$0x0], $0xffff  }
0x59c: {  	v13 =	vadd.f32 v13, v54;
	[tilespmem:v0+s18+$0x0] =	vst.idx.msk $0xffff, v11;
	v0 =	vld [tilespmem:$0x1FF40]  }
0x59d: {  	v10 =	vor.u32 v40, v42;
	[tilespmem:v21+s18+$0x0] =	vst.idx.msk $0xffff, v7;
	v8 =	vld.idx.msk [tilespmem:v8+s20+$0x0], $0xffff  }
0x59e: {  	v18 =	vor.u32 v40, v61;
	v7 =	vor.u32 v20, v41;
	[tilespmem:v25+s18+$0x0] =	vst.idx.msk $0xffff, v13;
	v25 =	vld [tilespmem:$0x1FEA0]  }
0x59f: {  	v4 =	vor.u32 v31, v47;
	v14 =	vor.u32 v40, v55;
	v2 =	vld.idx.msk [tilespmem:v63+s20+$0x0], $0xffff;
	v12 =	vor.u32 v20, v56  }
0x5a0: {  	v38 =	vmov v33;
	v3 =	vor.u32 v31, v61;
	v24 =	vld [tilespmem:$0x1FE90];
	v33 =	vor.u32 v31, v59;
	[tilespmem:v62+s18+$0x0] =	vst.idx.msk $0xffff, v9  }
0x5a1: {  	p0 =	slt.u32 s6, $0x38;
	v9 =	vadd.f32 v15, v39;
	v15 =	vor.u32 v20, v36;
	v1 =	vor.u32 v0, v60;
	v0 =	vld [tilespmem:$0x1FE40]  }
.Ltmp16:
0x5a2: {  	v40 =	vmov v53;
	v6 =	vor.u32 v20, v49;
	v61 =	vld.idx.msk [tilespmem:v10+s20+$0x0], $0xffff;
	v10 =	vadd.f32 v8, v57;
	(pc) =	sbr.rel @p0 .LBB2_27-.Ltmp16, $4  }
0x5a3: {  	v62 =	vor.u32 v31, v46;
	[tilespmem:v7+s18+$0x0] =	vst.idx.msk $0xffff, v9;
	v9 =	vld.idx.msk [tilespmem:v18+s20+$0x0], $0xffff;
	v7 =	vor.u32 v31, v55  }
0x5a4: {  	[tilespmem:v12+s18+$0x0] =	vst.idx.msk $0xffff, v10;
	v12 =	vor.u32 v20, v32;
	v8 =	vld.idx.msk [tilespmem:v14+s20+$0x0], $0xffff;
	v14 =	vadd.f32 v2, v43  }
0x5a5: {  	v63 =	vld.idx.msk [tilespmem:v4+s20+$0x0], $0xffff;
	v4 =	vadd.f32 v17, v35;
	v13 =	vadd.f32 v19, v53;
	v11 =	vor.u32 v20, v44  }
0x5a6: {  	s6 =	sadd.s32 $0x8, s6;
	v10 =	vld.idx.msk [tilespmem:v33+s20+$0x0], $0xffff;
	[tilespmem:v15+s18+$0x0] =	vst.idx.msk $0xffff, v14;
	v60 =	vor.u32 v20, v37;
	v2 =	vor.u32 v0, v49  }
0x5a7: {  	v31 =	vld [tilespmem:$0x1FF30]  }
0x5a8: {  	v28 =	vld [tilespmem:$0x1FE40];
	_ =	sdelay $0x1  }
0x5a9: {  	v8 =	vadd.f32 v8, v52  }
0x5aa: {  	[tilespmem:v11+s18+$0x0] =	vst.idx.msk $0xffff, v13;
	v18 =	vld.idx.msk [tilespmem:v62+s20+$0x0], $0xffff;
	v9 =	vadd.f32 v9, v54  }
0x5ab: {  	v53 =	vadd.f32 v61, v38;
	v14 =	vor.u32 v31, v50;
	v50 =	vld [tilespmem:$0x1FFF0];
	[tilespmem:v12+s18+$0x0] =	vst.idx.msk $0xffff, v8  }
0x5ac: {  	v16 =	vld.idx.msk [tilespmem:v58+s20+$0x0], $0xffff;
	v15 =	vor.u32 v28, v56;
	[tilespmem:v6+s18+$0x0] =	vst.idx.msk $0xffff, v9  }
0x5ad: {  	v13 =	vor.u32 v28, v41;
	[tilespmem:v60+s18+$0x0] =	vst.idx.msk $0xffff, v53;
	v7 =	vld.idx.msk [tilespmem:v7+s20+$0x0], $0xffff  }
0x5ae: {  	v33 =	vor.u32 v28, v44;
	v0 =	vld [tilespmem:$0x1FC10]  }
0x5af: {  	v62 =	vadd.f32 v10, v57;
	v19 =	vor.u32 v28, v36;
	v3 =	vld.idx.msk [tilespmem:v3+s20+$0x0], $0xffff  }
0x5b0: {  	v61 =	vadd.f32 v63, v39;
	v63 =	vor.u32 v28, v32;
	[tilespmem:v5+s18+$0x0] =	vst.idx.msk $0xffff, v4  }
0x5b1: {  	[tilespmem:v15+s18+$0x0] =	vst.idx.msk $0xffff, v62;
	v15 =	vadd.f32 v16, v40  }
0x5b2: {  	v51 =	vadd.f32 v18, v43;
	[tilespmem:v13+s18+$0x0] =	vst.idx.msk $0xffff, v61  }
0x5b3: {  	v7 =	vadd.f32 v7, v52;
	[tilespmem:v33+s18+$0x0] =	vst.idx.msk $0xffff, v15  }
0x5b4: {  	v17 =	vor.u32 v50, v59;
	v3 =	vadd.f32 v3, v54;
	v53 =	vld [tilespmem:$0x1FE60];
	[tilespmem:v19+s18+$0x0] =	vst.idx.msk $0xffff, v51  }
0x5b5: {  	v12 =	vor.u32 v50, v47;
	[tilespmem:v63+s18+$0x0] =	vst.idx.msk $0xffff, v7  }
0x5b6: {  	[tilespmem:v2+s18+$0x0] =	vst.idx.msk $0xffff, v3;
	v21 =	vld.idx.msk [tilespmem:v0+s20+$0x0], $0xffff  }
0x5b7: {  	v45 =	vor.u32 v50, v45;
	v0 =	vld [tilespmem:$0x1FC00]  }
0x5b8: {  	v46 =	vor.u32 v50, v46  }
0x5b9: {  	v20 =	vor.u32 v50, v55;
	v13 =	vld.idx.msk [tilespmem:v17+s20+$0x0], $0xffff  }
0x5ba: {  	v47 =	vor.u32 v28, v37;
	v12 =	vld.idx.msk [tilespmem:v12+s20+$0x0], $0xffff  }
0x5bb: {  	v16 =	vor.u32 v50, v42;
	v5 =	vld.idx.msk [tilespmem:v14+s20+$0x0], $0xffff;
	v55 =	vor.u32 v53, v56  }
0x5bc: {  	v11 =	vld.idx.msk [tilespmem:v45+s20+$0x0], $0xffff;
	v14 =	vor.u32 v53, v41  }
0x5bd: {  	v6 =	vld.idx.msk [tilespmem:v46+s20+$0x0], $0xffff;
	v56 =	vadd.f32 v21, v38  }
0x5be: {  	v3 =	vld.idx.msk [tilespmem:v20+s20+$0x0], $0xffff;
	v2 =	vadd.f32 v13, v57;
	v57 =	vor.u32 v53, v44  }
0x5bf: {  	v59 =	vor.u32 v53, v36;
	v58 =	vadd.f32 v12, v39;
	[tilespmem:v47+s18+$0x0] =	vst.idx.msk $0xffff, v56;
	v12 =	vld.idx.msk [tilespmem:v0+s20+$0x0], $0xffff  }
0x5c0: {  	v60 =	vor.u32 v53, v32;
	v13 =	vld.idx.msk [tilespmem:v16+s20+$0x0], $0xffff;
	[tilespmem:v55+s18+$0x0] =	vst.idx.msk $0xffff, v2;
	v2 =	vadd.f32 v5, v35  }
0x5c1: {  	v62 =	vor.u32 v53, v49;
	v61 =	vadd.f32 v11, v40;
	[tilespmem:v14+s18+$0x0] =	vst.idx.msk $0xffff, v58  }
0x5c2: {  	v63 =	vor.u32 v53, v37;
	[tilespmem:v1+s18+$0x0] =	vst.idx.msk $0xffff, v2;
	v1 =	vadd.f32 v6, v43  }
0x5c3: {  	[tilespmem:v57+s18+$0x0] =	vst.idx.msk $0xffff, v61;
	v2 =	vadd.f32 v3, v52  }
0x5c4: {  	v3 =	vadd.f32 v12, v54;
	[tilespmem:v59+s18+$0x0] =	vst.idx.msk $0xffff, v1  }
0x5c5: {  	v1 =	vadd.f32 v13, v38;
	[tilespmem:v60+s18+$0x0] =	vst.idx.msk $0xffff, v2  }
0x5c6: {  	[tilespmem:v62+s18+$0x0] =	vst.idx.msk $0xffff, v3  }
0x5c7: {  	[tilespmem:v63+s18+$0x0] =	vst.idx.msk $0xffff, v1  }
0x5c8: {  	v28 =	vld [tilespmem:$0x1FF00]  }
0x5c9: {  	v14 =	vmov v31;
	v31 =	vld [tilespmem:$0x1FF50]  }
0x5ca: {  	v18 =	vld [tilespmem:$0x1FF60]  }
0x5cb: {  	s8 =	sadd.s32 $0x1, s8;
	v20 =	vld [tilespmem:$0x1FF70]  }
0x5cc: {  	p0 =	sne.s32 s8, $0x28;
	v19 =	vld [tilespmem:$0x1FF80]  }
.Ltmp17:
0x5cd: {  	s2 =	sshll.u32 s2, $0x12;
	v21 =	vld [tilespmem:$0x1FF90];
	(pc) =	sbr.rel @p0 .LBB2_2-.Ltmp17, $4  }
0x5ce: {  	s2 =	sor.u32 s5, s2;
	v15 =	vld [tilespmem:$0x1FFA0]  }
0x5cf: {  	s2 =	sshrl.u32 s2, $0x3;
	v0 =	vld [tilespmem:$0x1FFC0]  }
0x5d0: {  	s2 =	sadd.s32 s1, s2;
	v33 =	vld [tilespmem:$0x1FFD0]  }
0x5d1: {  	v32 =	vmov v50;
	v16 =	vlaneseq.u32;
	[hbm4b:s2+s9] =	stream.strided.scatter [tilespmem:s18], [sflag:$0xA], $0x2000, s10, s9, $0x38;
	v51 =	vld [tilespmem:$0x1FFE0]  }
0x5d2: {  	s2 =	simm.s32 $0x6  }
0x5d3: {  	_ =	swait.ge [sflag:s2], $0x2000  }
0x5d4: {  	[sflag:s2] =	ssyncset.done $0x0  }
0x5d5: {  	s23 =	simm.s32 $0x7;
	[sflag:s2] =	ssyncadd.s32 $0xFFFFE000  }
0x5d6: {  	_ =	swait.ge [sflag:s23], $0x2000  }
0x5d7: {  	[sflag:s23] =	ssyncset.done $0x0  }
0x5d8: {  	s24 =	simm.s32 $0x8;
	[sflag:s23] =	ssyncadd.s32 $0xFFFFE000  }
0x5d9: {  	_ =	swait.ge [sflag:s24], $0x2000  }
0x5da: {  	[sflag:s24] =	ssyncset.done $0x0  }
0x5db: {  	s28 =	simm.s32 $0x9;
	[sflag:s24] =	ssyncadd.s32 $0xFFFFE000  }
0x5dc: {  	_ =	swait.ge [sflag:s28], $0x2000  }
0x5dd: {  	[sflag:s28] =	ssyncset.done $0x0  }
0x5de: {  	s6 =	simm.s32 $0xA;
	[sflag:s28] =	ssyncadd.s32 $0xFFFFE000  }
0x5df: {  	_ =	swait.ge [sflag:s6], $0x2000  }
0x5e0: {  	s7 =	rddreg [dreg:$0x7]  }
0x5e1: {  	s31 =	rddreg [dreg:$0x6];
	s7 =	sadd.s32 $0x1, s7  }
0x5e2: {  	p0 =	sne.s32 s7, s31  }
.Ltmp18:
0x5e3: {  	_ = 	snop;
	(pc) =	sbr.rel @p0 .LBB2_1-.Ltmp18, $3  }
0x5e4: {  	_ =	sdelay $0x1  }
0x5e5: {  	[sflag:s6] =	ssyncset.done $0x0  }
0x5e6: {  	[sflag:s6] =	ssyncadd.s32 $0xFFFFE000  }
0x5e7: {  	_ =	sfence.sel $0x180000  }
0x5e8: {  	[bflag:$0x0] =	sbarrier.arrive $0xFFFF  }
0x5e9: {  	_ =	strace $0x90000047  }
0x5ea: {  	s0 =	stileid.u32;
	[bflag:$0x2] =	sbarrier.arrive $0xFFFF  }
0x5eb: {  	p0 =	sne.s32 s0, $0x0;
	s0 =	rddreg [dreg:$0x3]  }
0x5ec: {  	s0 =	sadd.s32 @!p0 $0x100000, s0  }
0x5ed: {  	[sflag:s0] =	ssyncadd.tile.s32 @!p0 $0x1;
	_ =	shalt  }
.Lfunc_end2:
_tile_overlayer_lowered:
.L_overlay_start_2:
0x5ee: {  	(tag) =	ssettag $0x2  }
0x5ef: {  	s0 =	rddreg [dreg:$0x0];
	s2 =	stileid.u32  }
0x5f0: {  	s1 =	rddreg [dreg:$0x1];
	p0 =	sne.s32 s2, $0x0  }
0x5f1: {  	s3 =	rddreg [dreg:$0x2];
	[bflag:$0x3] =	sbarrier.arrive $0xFFFF;
	s2 =	simm.s32 @!p0 $0x1C0B  }
0x5f2: {  	[timem:s3], [sflag:s2] =	dma.local @!p0 [hbm:s0], s1  }
0x5f3: {  	s0 =	simm.s32 @!p0 $0xB  }
0x5f4: {  	_ =	swait.ge @!p0 [sflag:s0], s1  }
0x5f5: {  	s1 =	ssub.s32 @!p0 $0x0, s1;
	[sflag:s0] =	ssyncset.done @!p0 $0x0  }
0x5f6: {  	[sflag:s0] =	ssyncadd.s32 @!p0 s1  }
0x5f7: {  	[bflag:$0x3] =	sbarrier.arrive $0xFFFF  }
0x5f8: {  	_ =	shalt  }

</sc_bundles>
